<compile_context>
chip_gen: v7x
topology: tpu7x:2x2x1
jax: 0.10.2.dev20260603
libtpu: 0.0.44.dev20260713+nightly
codegen_flags: <defaults>
</compile_context>

<pallas_src>
import functools

import jax
import jax.numpy as jnp
from jax import lax
from jax.experimental import pallas as pl
from jax.experimental.pallas import tpu as pltpu
from jax.experimental.pallas import tpu_sc as plsc

EMBED_DIM = 64
CHUNK = 128


@jax.jit
def _embed(idx3, weight):
    info = plsc.get_sparse_core_info()
    nw = info.num_cores * info.num_subcores
    n_chunks = idx3.shape[1]
    per_w = n_chunks * CHUNK
    n = nw * per_w

    mesh = plsc.VectorSubcoreMesh(core_axis_name="c", subcore_axis_name="s")

    @functools.partial(
        pl.kernel,
        mesh=mesh,
        compiler_params=pltpu.CompilerParams(use_tc_tiling_on_sc=False),
        out_type=jax.ShapeDtypeStruct((n, EMBED_DIM), jnp.float32),
        scratch_types=[
            pltpu.VMEM((n_chunks, CHUNK), jnp.int32),
            pltpu.VMEM((2, CHUNK, EMBED_DIM), jnp.float32),
            pltpu.SemaphoreType.DMA,
            pltpu.SemaphoreType.DMA,
        ],
    )
    def emb(idx_hbm, table_hbm, out_hbm, idx_v, rows_v, g0, g1):
        wid = lax.axis_index("c") * info.num_subcores + lax.axis_index("s")
        base = wid * per_w
        pltpu.sync_copy(idx_hbm.at[wid], idx_v)

        gsem = (g0, g1)

        def gath(j):
            return pltpu.make_async_copy(
                table_hbm.at[idx_v.at[j]],
                rows_v.at[j % 2],
                gsem[j % 2],
            )

        gath(0).start()
        for j in range(n_chunks):
            if j + 1 < n_chunks:
                gath(j + 1).start()
            gath(j).wait()
            pltpu.sync_copy(
                rows_v.at[j % 2],
                out_hbm.at[pl.ds(base + j * CHUNK, CHUNK)],
            )

    return emb(idx3, weight)


def kernel(input, weight):
    b, h = input.shape
    n = b * h
    info = plsc.get_sparse_core_info()
    nw = info.num_cores * info.num_subcores
    idx3 = input.reshape(nw, n // (nw * CHUNK), CHUNK).astype(jnp.int32)
    out = _embed(idx3, weight)
    return out.reshape(b, h, weight.shape[1])

# --- scband reference (transcript-rebuilt; emitter-appended) ---
"""Pipeline reference for scband-embedding-16312285790662 (READ-ONLY COPY).

The authoritative reference and input builder live on the scoring server;
editing this copy changes nothing except your own understanding.
"""

import jax, jax.numpy as jnp
import numpy as np

NUM_EMBEDDINGS = 1000000
EMBEDDING_DIM = 64
BATCH = 4096
HIST = 50

def setup_inputs(seed: int = 0) -> dict:
    key = jax.random.key(seed)
    k_idx, k_w = jax.random.split(key)
    input_ids = jax.random.randint(k_idx, (BATCH, HIST), 0, NUM_EMBEDDINGS, dtype=jnp.int64 if jax.config.jax_enable_x64 else jnp.int32)
    scale = np.sqrt(3.0 / EMBEDDING_DIM)
    weight = jax.random.uniform(k_w, (NUM_EMBEDDINGS, EMBEDDING_DIM), dtype=jnp.float32, minval=-scale, maxval=scale)
    return {"input": input_ids, "weight": weight}

def reference(input, weight):
    # Faithful to module forward: padding_idx=None -> passes -1 to F.embedding,
    # which does NOT alter forward outputs (only gradients). max_norm=None,
    # scale_grad_by_freq=False, sparse=False -> forward is a pure gather.
    input_size = input.shape
    if input.ndim > 2:
        num_inputs = int(np.prod(input_size[:-1]))
        input = input.reshape(num_inputs, input_size[-1])
    out = jnp.take(weight, input, axis=0)
    return out.reshape(input_size + (weight.shape[1],))

if __name__ == "__main__":
    import jax
    _d = setup_inputs()
    print(jax.jit(kernel)(*tuple(_d.values())))

</pallas_src>

<mosaic_0001>
#map = affine_map<(d0, d1) -> (0, 0, 0)>
#map1 = affine_map<(d0, d1) -> (0, 0)>
module attributes {stable_mosaic.version = 14 : i64} {
  func.func @emb(%arg0: i32, %arg1: i32, %arg2: memref<32x50x128xi32, #tpu.memory_space<hbm>>, %arg3: memref<1000000x64xf32, #tpu.memory_space<hbm>>, %arg4: memref<204800x64xf32, #tpu.memory_space<hbm>>, %arg5: memref<50x128xi32, #tpu.memory_space<vmem>>, %arg6: memref<2x128x64xf32, #tpu.memory_space<vmem>>, %arg7: memref<!tpu.dma_semaphore, #tpu.memory_space<semaphore_mem>>, %arg8: memref<!tpu.dma_semaphore, #tpu.memory_space<semaphore_mem>>) attributes {dimension_semantics = [#tpu.dimension_semantics<core_parallel>, #tpu.dimension_semantics<subcore_parallel>], iteration_bounds = array<i64: 2, 16>, scalar_prefetch = 0 : i64, scratch_operands = 4 : i64, tpu.core_type = #tpu.core_type<sc_vector_subcore>, window_params = [{transform_indices = #map}, {transform_indices = #map1}, {transform_indices = #map1}]} {
    %mul3A = arith.constant 16 : i32
    %mul3A_0 = arith.muli %arg0, %mul3A : i32
    %add3A = arith.addi %mul3A_0, %arg1 : i32
    %mul3A_1 = arith.constant 6400 : i32
    %mul3A_2 = arith.muli %add3A, %mul3A_1 : i32
    "tpu.region"() ({
      %run_scoped3A_1350 = tpu.sem_alloc : memref<!tpu.dma_semaphore, #tpu.memory_space<semaphore_mem>>
      %dma_start3A_1351 = arith.constant 0 : i32
      %dma_start3A_1352 = arith.constant 0 : i32
      %dma_start3A_1353 = tpu.memref_slice %arg2[%add3A, %dma_start3A_1351, %dma_start3A_1352] : memref<32x50x128xi32, #tpu.memory_space<hbm>> -> memref<1x50x128xi32, #tpu.memory_space<hbm>>
      %dma_start3A_1354 = tpu.memref_squeeze %dma_start3A_1353 : memref<1x50x128xi32, #tpu.memory_space<hbm>> -> memref<50x128xi32, #tpu.memory_space<hbm>>
      %dma_start3A_1355 = arith.constant 0 : i32
      %dma_start3A_1356 = arith.constant 0 : i32
      %dma_start3A_1357 = tpu.memref_slice %arg2[%add3A, %dma_start3A_1355, %dma_start3A_1356] : memref<32x50x128xi32, #tpu.memory_space<hbm>> -> memref<1x50x128xi32, #tpu.memory_space<hbm>>
      %dma_start3A_1358 = tpu.memref_squeeze %dma_start3A_1357 : memref<1x50x128xi32, #tpu.memory_space<hbm>> -> memref<50x128xi32, #tpu.memory_space<hbm>>
      tpu.enqueue_dma source(%dma_start3A_1358 : memref<50x128xi32, #tpu.memory_space<hbm>>) target(%arg5 : memref<50x128xi32, #tpu.memory_space<vmem>>) target_semaphore(%run_scoped3A_1350 : memref<!tpu.dma_semaphore, #tpu.memory_space<semaphore_mem>>)
      %dma_wait3A_1359 = arith.constant 0 : i32
      %dma_wait3A_1360 = arith.constant 0 : i32
      %dma_wait3A_1361 = tpu.memref_slice %arg2[%add3A, %dma_wait3A_1359, %dma_wait3A_1360] : memref<32x50x128xi32, #tpu.memory_space<hbm>> -> memref<1x50x128xi32, #tpu.memory_space<hbm>>
      %dma_wait3A_1362 = tpu.memref_squeeze %dma_wait3A_1361 : memref<1x50x128xi32, #tpu.memory_space<hbm>> -> memref<50x128xi32, #tpu.memory_space<hbm>>
      %dma_wait3A_1363 = arith.constant 0 : i32
      %dma_wait3A_1364 = arith.constant 0 : i32
      %dma_wait3A_1365 = tpu.memref_slice %arg2[%add3A, %dma_wait3A_1363, %dma_wait3A_1364] : memref<32x50x128xi32, #tpu.memory_space<hbm>> -> memref<1x50x128xi32, #tpu.memory_space<hbm>>
      %dma_wait3A_1366 = tpu.memref_squeeze %dma_wait3A_1365 : memref<1x50x128xi32, #tpu.memory_space<hbm>> -> memref<50x128xi32, #tpu.memory_space<hbm>>
      tpu.wait_dma2 semaphore(%run_scoped3A_1350 : memref<!tpu.dma_semaphore, #tpu.memory_space<semaphore_mem>>) src(%dma_wait3A_1366 : memref<50x128xi32, #tpu.memory_space<hbm>>) dst(%arg5 : memref<50x128xi32, #tpu.memory_space<vmem>>)
      tpu.yield
    }) : () -> ()
    %dma_start3A = arith.constant 0 : i32
    %dma_start3A_3 = arith.constant 0 : i32
    %dma_start3A_4 = arith.constant 0 : i32
    %dma_start3A_5 = arith.constant 0 : i32
    %dma_start3A_6 = tpu.memref_slice %arg6[%dma_start3A_3, %dma_start3A_4, %dma_start3A_5] : memref<2x128x64xf32, #tpu.memory_space<vmem>> -> memref<1x128x64xf32, #tpu.memory_space<vmem>>
    %dma_start3A_7 = tpu.memref_squeeze %dma_start3A_6 : memref<1x128x64xf32, #tpu.memory_space<vmem>> -> memref<128x64xf32, #tpu.memory_space<vmem>>
    %dma_start3A_8 = arith.constant 0 : i32
    %dma_start3A_9 = tpu.memref_slice %arg5[%dma_start3A, %dma_start3A_8] : memref<50x128xi32, #tpu.memory_space<vmem>> -> memref<1x128xi32, #tpu.memory_space<vmem>>
    %dma_start3A_10 = tpu.memref_squeeze %dma_start3A_9 : memref<1x128xi32, #tpu.memory_space<vmem>> -> memref<128xi32, #tpu.memory_space<vmem>>
    %dma_start3A_11 = arith.constant 0 : i32
    %dma_start3A_12 = arith.constant 0 : i32
    %dma_start3A_13 = tpu.memref_slice %arg3[%dma_start3A_11, %dma_start3A_12] : memref<1000000x64xf32, #tpu.memory_space<hbm>> -> memref<1000000x64xf32, #tpu.memory_space<hbm>>
    tpu.enqueue_indirect_dma source(%dma_start3A_13 : memref<1000000x64xf32, #tpu.memory_space<hbm>>) target(%dma_start3A_7 : memref<128x64xf32, #tpu.memory_space<vmem>>) offsets(%dma_start3A_10 : memref<128xi32, #tpu.memory_space<vmem>>) semaphore(%arg7 : memref<!tpu.dma_semaphore, #tpu.memory_space<semaphore_mem>>)
    %dma_start3A_14 = arith.constant 1 : i32
    %dma_start3A_15 = arith.constant 1 : i32
    %dma_start3A_16 = arith.constant 0 : i32
    %dma_start3A_17 = arith.constant 0 : i32
    %dma_start3A_18 = tpu.memref_slice %arg6[%dma_start3A_15, %dma_start3A_16, %dma_start3A_17] : memref<2x128x64xf32, #tpu.memory_space<vmem>> -> memref<1x128x64xf32, #tpu.memory_space<vmem>>
    %dma_start3A_19 = tpu.memref_squeeze %dma_start3A_18 : memref<1x128x64xf32, #tpu.memory_space<vmem>> -> memref<128x64xf32, #tpu.memory_space<vmem>>
    %dma_start3A_20 = arith.constant 0 : i32
    %dma_start3A_21 = tpu.memref_slice %arg5[%dma_start3A_14, %dma_start3A_20] : memref<50x128xi32, #tpu.memory_space<vmem>> -> memref<1x128xi32, #tpu.memory_space<vmem>>
    %dma_start3A_22 = tpu.memref_squeeze %dma_start3A_21 : memref<1x128xi32, #tpu.memory_space<vmem>> -> memref<128xi32, #tpu.memory_space<vmem>>
    %dma_start3A_23 = arith.constant 0 : i32
    %dma_start3A_24 = arith.constant 0 : i32
    %dma_start3A_25 = tpu.memref_slice %arg3[%dma_start3A_23, %dma_start3A_24] : memref<1000000x64xf32, #tpu.memory_space<hbm>> -> memref<1000000x64xf32, #tpu.memory_space<hbm>>
    tpu.enqueue_indirect_dma source(%dma_start3A_25 : memref<1000000x64xf32, #tpu.memory_space<hbm>>) target(%dma_start3A_19 : memref<128x64xf32, #tpu.memory_space<vmem>>) offsets(%dma_start3A_22 : memref<128xi32, #tpu.memory_space<vmem>>) semaphore(%arg8 : memref<!tpu.dma_semaphore, #tpu.memory_space<semaphore_mem>>)
    %dma_wait3A = arith.constant 0 : i32
    %dma_wait3A_26 = arith.constant 0 : i32
    %dma_wait3A_27 = arith.constant 0 : i32
    %dma_wait3A_28 = arith.constant 0 : i32
    %dma_wait3A_29 = tpu.memref_slice %arg6[%dma_wait3A_26, %dma_wait3A_27, %dma_wait3A_28] : memref<2x128x64xf32, #tpu.memory_space<vmem>> -> memref<1x128x64xf32, #tpu.memory_space<vmem>>
    %dma_wait3A_30 = tpu.memref_squeeze %dma_wait3A_29 : memref<1x128x64xf32, #tpu.memory_space<vmem>> -> memref<128x64xf32, #tpu.memory_space<vmem>>
    %dma_wait3A_31 = arith.constant 0 : i32
    %dma_wait3A_32 = tpu.memref_slice %arg5[%dma_wait3A, %dma_wait3A_31] : memref<50x128xi32, #tpu.memory_space<vmem>> -> memref<1x128xi32, #tpu.memory_space<vmem>>
    %dma_wait3A_33 = tpu.memref_squeeze %dma_wait3A_32 : memref<1x128xi32, #tpu.memory_space<vmem>> -> memref<128xi32, #tpu.memory_space<vmem>>
    %dma_wait3A_34 = arith.constant 0 : i32
    %dma_wait3A_35 = arith.constant 0 : i32
    %dma_wait3A_36 = tpu.memref_slice %arg3[%dma_wait3A_34, %dma_wait3A_35] : memref<1000000x64xf32, #tpu.memory_space<hbm>> -> memref<1000000x64xf32, #tpu.memory_space<hbm>>
    tpu.wait_indirect_dma semaphore(%arg7 : memref<!tpu.dma_semaphore, #tpu.memory_space<semaphore_mem>>) src(%dma_wait3A_36 : memref<1000000x64xf32, #tpu.memory_space<hbm>>) dst(%dma_wait3A_30 : memref<128x64xf32, #tpu.memory_space<vmem>>)
    %add3A_37 = arith.constant 0 : i32
    %add3A_38 = arith.addi %mul3A_2, %add3A_37 : i32
    %run_scoped3A = arith.constant 0 : i32
    "tpu.region"() ({
      %run_scoped3A_1350 = tpu.sem_alloc : memref<!tpu.dma_semaphore, #tpu.memory_space<semaphore_mem>>
      %dma_start3A_1351 = arith.constant 0 : i32
      %dma_start3A_1352 = arith.constant 0 : i32
      %dma_start3A_1353 = tpu.memref_slice %arg6[%run_scoped3A, %dma_start3A_1351, %dma_start3A_1352] : memref<2x128x64xf32, #tpu.memory_space<vmem>> -> memref<1x128x64xf32, #tpu.memory_space<vmem>>
      %dma_start3A_1354 = tpu.memref_squeeze %dma_start3A_1353 : memref<1x128x64xf32, #tpu.memory_space<vmem>> -> memref<128x64xf32, #tpu.memory_space<vmem>>
      %dma_start3A_1355 = arith.constant 0 : i32
      %dma_start3A_1356 = tpu.memref_slice %arg4[%add3A_38, %dma_start3A_1355] : memref<204800x64xf32, #tpu.memory_space<hbm>> -> memref<128x64xf32, #tpu.memory_space<hbm>>
      %dma_start3A_1357 = arith.constant 0 : i32
      %dma_start3A_1358 = tpu.memref_slice %arg4[%add3A_38, %dma_start3A_1357] : memref<204800x64xf32, #tpu.memory_space<hbm>> -> memref<128x64xf32, #tpu.memory_space<hbm>>
      %dma_start3A_1359 = arith.constant 0 : i32
      %dma_start3A_1360 = arith.constant 0 : i32
      %dma_start3A_1361 = tpu.memref_slice %arg6[%run_scoped3A, %dma_start3A_1359, %dma_start3A_1360] : memref<2x128x64xf32, #tpu.memory_space<vmem>> -> memref<1x128x64xf32, #tpu.memory_space<vmem>>
      %dma_start3A_1362 = tpu.memref_squeeze %dma_start3A_1361 : memref<1x128x64xf32, #tpu.memory_space<vmem>> -> memref<128x64xf32, #tpu.memory_space<vmem>>
      tpu.enqueue_dma source(%dma_start3A_1362 : memref<128x64xf32, #tpu.memory_space<vmem>>) target(%dma_start3A_1358 : memref<128x64xf32, #tpu.memory_space<hbm>>) target_semaphore(%run_scoped3A_1350 : memref<!tpu.dma_semaphore, #tpu.memory_space<semaphore_mem>>)
      %dma_wait3A_1363 = arith.constant 0 : i32
      %dma_wait3A_1364 = arith.constant 0 : i32
      %dma_wait3A_1365 = tpu.memref_slice %arg6[%run_scoped3A, %dma_wait3A_1363, %dma_wait3A_1364] : memref<2x128x64xf32, #tpu.memory_space<vmem>> -> memref<1x128x64xf32, #tpu.memory_space<vmem>>
      %dma_wait3A_1366 = tpu.memref_squeeze %dma_wait3A_1365 : memref<1x128x64xf32, #tpu.memory_space<vmem>> -> memref<128x64xf32, #tpu.memory_space<vmem>>
      %dma_wait3A_1367 = arith.constant 0 : i32
      %dma_wait3A_1368 = tpu.memref_slice %arg4[%add3A_38, %dma_wait3A_1367] : memref<204800x64xf32, #tpu.memory_space<hbm>> -> memref<128x64xf32, #tpu.memory_space<hbm>>
      %dma_wait3A_1369 = arith.constant 0 : i32
      %dma_wait3A_1370 = tpu.memref_slice %arg4[%add3A_38, %dma_wait3A_1369] : memref<204800x64xf32, #tpu.memory_space<hbm>> -> memref<128x64xf32, #tpu.memory_space<hbm>>
      %dma_wait3A_1371 = arith.constant 0 : i32
      %dma_wait3A_1372 = arith.constant 0 : i32
      %dma_wait3A_1373 = tpu.memref_slice %arg6[%run_scoped3A, %dma_wait3A_1371, %dma_wait3A_1372] : memref<2x128x64xf32, #tpu.memory_space<vmem>> -> memref<1x128x64xf32, #tpu.memory_space<vmem>>
      %dma_wait3A_1374 = tpu.memref_squeeze %dma_wait3A_1373 : memref<1x128x64xf32, #tpu.memory_space<vmem>> -> memref<128x64xf32, #tpu.memory_space<vmem>>
      tpu.wait_dma2 semaphore(%run_scoped3A_1350 : memref<!tpu.dma_semaphore, #tpu.memory_space<semaphore_mem>>) src(%dma_wait3A_1374 : memref<128x64xf32, #tpu.memory_space<vmem>>) dst(%dma_wait3A_1370 : memref<128x64xf32, #tpu.memory_space<hbm>>)
      tpu.yield
    }) : () -> ()
    %dma_start3A_39 = arith.constant 2 : i32
    %dma_start3A_40 = arith.constant 0 : i32
    %dma_start3A_41 = arith.constant 0 : i32
    %dma_start3A_42 = arith.constant 0 : i32
    %dma_start3A_43 = tpu.memref_slice %arg6[%dma_start3A_40, %dma_start3A_41, %dma_start3A_42] : memref<2x128x64xf32, #tpu.memory_space<vmem>> -> memref<1x128x64xf32, #tpu.memory_space<vmem>>
    %dma_start3A_44 = tpu.memref_squeeze %dma_start3A_43 : memref<1x128x64xf32, #tpu.memory_space<vmem>> -> memref<128x64xf32, #tpu.memory_space<vmem>>
    %dma_start3A_45 = arith.constant 0 : i32
    %dma_start3A_46 = tpu.memref_slice %arg5[%dma_start3A_39, %dma_start3A_45] : memref<50x128xi32, #tpu.memory_space<vmem>> -> memref<1x128xi32, #tpu.memory_space<vmem>>
    %dma_start3A_47 = tpu.memref_squeeze %dma_start3A_46 : memref<1x128xi32, #tpu.memory_space<vmem>> -> memref<128xi32, #tpu.memory_space<vmem>>
    %dma_start3A_48 = arith.constant 0 : i32
    %dma_start3A_49 = arith.constant 0 : i32
    %dma_start3A_50 = tpu.memref_slice %arg3[%dma_start3A_48, %dma_start3A_49] : memref<1000000x64xf32, #tpu.memory_space<hbm>> -> memref<1000000x64xf32, #tpu.memory_space<hbm>>
    tpu.enqueue_indirect_dma source(%dma_start3A_50 : memref<1000000x64xf32, #tpu.memory_space<hbm>>) target(%dma_start3A_44 : memref<128x64xf32, #tpu.memory_space<vmem>>) offsets(%dma_start3A_47 : memref<128xi32, #tpu.memory_space<vmem>>) semaphore(%arg7 : memref<!tpu.dma_semaphore, #tpu.memory_space<semaphore_mem>>)
    %dma_wait3A_51 = arith.constant 1 : i32
    %dma_wait3A_52 = arith.constant 1 : i32
    %dma_wait3A_53 = arith.constant 0 : i32
    %dma_wait3A_54 = arith.constant 0 : i32
    %dma_wait3A_55 = tpu.memref_slice %arg6[%dma_wait3A_52, %dma_wait3A_53, %dma_wait3A_54] : memref<2x128x64xf32, #tpu.memory_space<vmem>> -> memref<1x128x64xf32, #tpu.memory_space<vmem>>
    %dma_wait3A_56 = tpu.memref_squeeze %dma_wait3A_55 : memref<1x128x64xf32, #tpu.memory_space<vmem>> -> memref<128x64xf32, #tpu.memory_space<vmem>>
    %dma_wait3A_57 = arith.constant 0 : i32
    %dma_wait3A_58 = tpu.memref_slice %arg5[%dma_wait3A_51, %dma_wait3A_57] : memref<50x128xi32, #tpu.memory_space<vmem>> -> memref<1x128xi32, #tpu.memory_space<vmem>>
    %dma_wait3A_59 = tpu.memref_squeeze %dma_wait3A_58 : memref<1x128xi32, #tpu.memory_space<vmem>> -> memref<128xi32, #tpu.memory_space<vmem>>
    %dma_wait3A_60 = arith.constant 0 : i32
    %dma_wait3A_61 = arith.constant 0 : i32
    %dma_wait3A_62 = tpu.memref_slice %arg3[%dma_wait3A_60, %dma_wait3A_61] : memref<1000000x64xf32, #tpu.memory_space<hbm>> -> memref<1000000x64xf32, #tpu.memory_space<hbm>>
    tpu.wait_indirect_dma semaphore(%arg8 : memref<!tpu.dma_semaphore, #tpu.memory_space<semaphore_mem>>) src(%dma_wait3A_62 : memref<1000000x64xf32, #tpu.memory_space<hbm>>) dst(%dma_wait3A_56 : memref<128x64xf32, #tpu.memory_space<vmem>>)
    %add3A_63 = arith.constant 128 : i32
    %add3A_64 = arith.addi %mul3A_2, %add3A_63 : i32
    %run_scoped3A_65 = arith.constant 1 : i32
    "tpu.region"() ({
      %run_scoped3A_1350 = tpu.sem_alloc : memref<!tpu.dma_semaphore, #tpu.memory_space<semaphore_mem>>
      %dma_start3A_1351 = arith.constant 0 : i32
      %dma_start3A_1352 = arith.constant 0 : i32
      %dma_start3A_1353 = tpu.memref_slice %arg6[%run_scoped3A_65, %dma_start3A_1351, %dma_start3A_1352] : memref<2x128x64xf32, #tpu.memory_space<vmem>> -> memref<1x128x64xf32, #tpu.memory_space<vmem>>
      %dma_start3A_1354 = tpu.memref_squeeze %dma_start3A_1353 : memref<1x128x64xf32, #tpu.memory_space<vmem>> -> memref<128x64xf32, #tpu.memory_space<vmem>>
      %dma_start3A_1355 = arith.constant 0 : i32
      %dma_start3A_1356 = tpu.memref_slice %arg4[%add3A_64, %dma_start3A_1355] : memref<204800x64xf32, #tpu.memory_space<hbm>> -> memref<128x64xf32, #tpu.memory_space<hbm>>
      %dma_start3A_1357 = arith.constant 0 : i32
      %dma_start3A_1358 = tpu.memref_slice %arg4[%add3A_64, %dma_start3A_1357] : memref<204800x64xf32, #tpu.memory_space<hbm>> -> memref<128x64xf32, #tpu.memory_space<hbm>>
      %dma_start3A_1359 = arith.constant 0 : i32
      %dma_start3A_1360 = arith.constant 0 : i32
      %dma_start3A_1361 = tpu.memref_slice %arg6[%run_scoped3A_65, %dma_start3A_1359, %dma_start3A_1360] : memref<2x128x64xf32, #tpu.memory_space<vmem>> -> memref<1x128x64xf32, #tpu.memory_space<vmem>>
      %dma_start3A_1362 = tpu.memref_squeeze %dma_start3A_1361 : memref<1x128x64xf32, #tpu.memory_space<vmem>> -> memref<128x64xf32, #tpu.memory_space<vmem>>
      tpu.enqueue_dma source(%dma_start3A_1362 : memref<128x64xf32, #tpu.memory_space<vmem>>) target(%dma_start3A_1358 : memref<128x64xf32, #tpu.memory_space<hbm>>) target_semaphore(%run_scoped3A_1350 : memref<!tpu.dma_semaphore, #tpu.memory_space<semaphore_mem>>)
      %dma_wait3A_1363 = arith.constant 0 : i32
      %dma_wait3A_1364 = arith.constant 0 : i32
      %dma_wait3A_1365 = tpu.memref_slice %arg6[%run_scoped3A_65, %dma_wait3A_1363, %dma_wait3A_1364] : memref<2x128x64xf32, #tpu.memory_space<vmem>> -> memref<1x128x64xf32, #tpu.memory_space<vmem>>
      %dma_wait3A_1366 = tpu.memref_squeeze %dma_wait3A_1365 : memref<1x128x64xf32, #tpu.memory_space<vmem>> -> memref<128x64xf32, #tpu.memory_space<vmem>>
      %dma_wait3A_1367 = arith.constant 0 : i32
      %dma_wait3A_1368 = tpu.memref_slice %arg4[%add3A_64, %dma_wait3A_1367] : memref<204800x64xf32, #tpu.memory_space<hbm>> -> memref<128x64xf32, #tpu.memory_space<hbm>>
      %dma_wait3A_1369 = arith.constant 0 : i32
      %dma_wait3A_1370 = tpu.memref_slice %arg4[%add3A_64, %dma_wait3A_1369] : memref<204800x64xf32, #tpu.memory_space<hbm>> -> memref<128x64xf32, #tpu.memory_space<hbm>>
      %dma_wait3A_1371 = arith.constant 0 : i32
      %dma_wait3A_1372 = arith.constant 0 : i32
      %dma_wait3A_1373 = tpu.memref_slice %arg6[%run_scoped3A_65, %dma_wait3A_1371, %dma_wait3A_1372] : memref<2x128x64xf32, #tpu.memory_space<vmem>> -> memref<1x128x64xf32, #tpu.memory_space<vmem>>
      %dma_wait3A_1374 = tpu.memref_squeeze %dma_wait3A_1373 : memref<1x128x64xf32, #tpu.memory_space<vmem>> -> memref<128x64xf32, #tpu.memory_space<vmem>>
      tpu.wait_dma2 semaphore(%run_scoped3A_1350 : memref<!tpu.dma_semaphore, #tpu.memory_space<semaphore_mem>>) src(%dma_wait3A_1374 : memref<128x64xf32, #tpu.memory_space<vmem>>) dst(%dma_wait3A_1370 : memref<128x64xf32, #tpu.memory_space<hbm>>)
      tpu.yield
    }) : () -> ()
    %dma_start3A_66 = arith.constant 3 : i32
    %dma_start3A_67 = arith.constant 1 : i32
    %dma_start3A_68 = arith.constant 0 : i32
    %dma_start3A_69 = arith.constant 0 : i32
    %dma_start3A_70 = tpu.memref_slice %arg6[%dma_start3A_67, %dma_start3A_68, %dma_start3A_69] : memref<2x128x64xf32, #tpu.memory_space<vmem>> -> memref<1x128x64xf32, #tpu.memory_space<vmem>>
    %dma_start3A_71 = tpu.memref_squeeze %dma_start3A_70 : memref<1x128x64xf32, #tpu.memory_space<vmem>> -> memref<128x64xf32, #tpu.memory_space<vmem>>
    %dma_start3A_72 = arith.constant 0 : i32
    %dma_start3A_73 = tpu.memref_slice %arg5[%dma_start3A_66, %dma_start3A_72] : memref<50x128xi32, #tpu.memory_space<vmem>> -> memref<1x128xi32, #tpu.memory_space<vmem>>
    %dma_start3A_74 = tpu.memref_squeeze %dma_start3A_73 : memref<1x128xi32, #tpu.memory_space<vmem>> -> memref<128xi32, #tpu.memory_space<vmem>>
    %dma_start3A_75 = arith.constant 0 : i32
    %dma_start3A_76 = arith.constant 0 : i32
    %dma_start3A_77 = tpu.memref_slice %arg3[%dma_start3A_75, %dma_start3A_76] : memref<1000000x64xf32, #tpu.memory_space<hbm>> -> memref<1000000x64xf32, #tpu.memory_space<hbm>>
    tpu.enqueue_indirect_dma source(%dma_start3A_77 : memref<1000000x64xf32, #tpu.memory_space<hbm>>) target(%dma_start3A_71 : memref<128x64xf32, #tpu.memory_space<vmem>>) offsets(%dma_start3A_74 : memref<128xi32, #tpu.memory_space<vmem>>) semaphore(%arg8 : memref<!tpu.dma_semaphore, #tpu.memory_space<semaphore_mem>>)
    %dma_wait3A_78 = arith.constant 2 : i32
    %dma_wait3A_79 = arith.constant 0 : i32
    %dma_wait3A_80 = arith.constant 0 : i32
    %dma_wait3A_81 = arith.constant 0 : i32
    %dma_wait3A_82 = tpu.memref_slice %arg6[%dma_wait3A_79, %dma_wait3A_80, %dma_wait3A_81] : memref<2x128x64xf32, #tpu.memory_space<vmem>> -> memref<1x128x64xf32, #tpu.memory_space<vmem>>
    %dma_wait3A_83 = tpu.memref_squeeze %dma_wait3A_82 : memref<1x128x64xf32, #tpu.memory_space<vmem>> -> memref<128x64xf32, #tpu.memory_space<vmem>>
    %dma_wait3A_84 = arith.constant 0 : i32
    %dma_wait3A_85 = tpu.memref_slice %arg5[%dma_wait3A_78, %dma_wait3A_84] : memref<50x128xi32, #tpu.memory_space<vmem>> -> memref<1x128xi32, #tpu.memory_space<vmem>>
    %dma_wait3A_86 = tpu.memref_squeeze %dma_wait3A_85 : memref<1x128xi32, #tpu.memory_space<vmem>> -> memref<128xi32, #tpu.memory_space<vmem>>
    %dma_wait3A_87 = arith.constant 0 : i32
    %dma_wait3A_88 = arith.constant 0 : i32
    %dma_wait3A_89 = tpu.memref_slice %arg3[%dma_wait3A_87, %dma_wait3A_88] : memref<1000000x64xf32, #tpu.memory_space<hbm>> -> memref<1000000x64xf32, #tpu.memory_space<hbm>>
    tpu.wait_indirect_dma semaphore(%arg7 : memref<!tpu.dma_semaphore, #tpu.memory_space<semaphore_mem>>) src(%dma_wait3A_89 : memref<1000000x64xf32, #tpu.memory_space<hbm>>) dst(%dma_wait3A_83 : memref<128x64xf32, #tpu.memory_space<vmem>>)
    %add3A_90 = arith.constant 256 : i32
    %add3A_91 = arith.addi %mul3A_2, %add3A_90 : i32
    %run_scoped3A_92 = arith.constant 0 : i32
    "tpu.region"() ({
      %run_scoped3A_1350 = tpu.sem_alloc : memref<!tpu.dma_semaphore, #tpu.memory_space<semaphore_mem>>
      %dma_start3A_1351 = arith.constant 0 : i32
      %dma_start3A_1352 = arith.constant 0 : i32
      %dma_start3A_1353 = tpu.memref_slice %arg6[%run_scoped3A_92, %dma_start3A_1351, %dma_start3A_1352] : memref<2x128x64xf32, #tpu.memory_space<vmem>> -> memref<1x128x64xf32, #tpu.memory_space<vmem>>
      %dma_start3A_1354 = tpu.memref_squeeze %dma_start3A_1353 : memref<1x128x64xf32, #tpu.memory_space<vmem>> -> memref<128x64xf32, #tpu.memory_space<vmem>>
      %dma_start3A_1355 = arith.constant 0 : i32
      %dma_start3A_1356 = tpu.memref_slice %arg4[%add3A_91, %dma_start3A_1355] : memref<204800x64xf32, #tpu.memory_space<hbm>> -> memref<128x64xf32, #tpu.memory_space<hbm>>
      %dma_start3A_1357 = arith.constant 0 : i32
      %dma_start3A_1358 = tpu.memref_slice %arg4[%add3A_91, %dma_start3A_1357] : memref<204800x64xf32, #tpu.memory_space<hbm>> -> memref<128x64xf32, #tpu.memory_space<hbm>>
      %dma_start3A_1359 = arith.constant 0 : i32
      %dma_start3A_1360 = arith.constant 0 : i32
      %dma_start3A_1361 = tpu.memref_slice %arg6[%run_scoped3A_92, %dma_start3A_1359, %dma_start3A_1360] : memref<2x128x64xf32, #tpu.memory_space<vmem>> -> memref<1x128x64xf32, #tpu.memory_space<vmem>>
      %dma_start3A_1362 = tpu.memref_squeeze %dma_start3A_1361 : memref<1x128x64xf32, #tpu.memory_space<vmem>> -> memref<128x64xf32, #tpu.memory_space<vmem>>
      tpu.enqueue_dma source(%dma_start3A_1362 : memref<128x64xf32, #tpu.memory_space<vmem>>) target(%dma_start3A_1358 : memref<128x64xf32, #tpu.memory_space<hbm>>) target_semaphore(%run_scoped3A_1350 : memref<!tpu.dma_semaphore, #tpu.memory_space<semaphore_mem>>)
      %dma_wait3A_1363 = arith.constant 0 : i32
      %dma_wait3A_1364 = arith.constant 0 : i32
      %dma_wait3A_1365 = tpu.memref_slice %arg6[%run_scoped3A_92, %dma_wait3A_1363, %dma_wait3A_1364] : memref<2x128x64xf32, #tpu.memory_space<vmem>> -> memref<1x128x64xf32, #tpu.memory_space<vmem>>
      %dma_wait3A_1366 = tpu.memref_squeeze %dma_wait3A_1365 : memref<1x128x64xf32, #tpu.memory_space<vmem>> -> memref<128x64xf32, #tpu.memory_space<vmem>>
      %dma_wait3A_1367 = arith.constant 0 : i32
      %dma_wait3A_1368 = tpu.memref_slice %arg4[%add3A_91, %dma_wait3A_1367] : memref<204800x64xf32, #tpu.memory_space<hbm>> -> memref<128x64xf32, #tpu.memory_space<hbm>>
      %dma_wait3A_1369 = arith.constant 0 : i32
      %dma_wait3A_1370 = tpu.memref_slice %arg4[%add3A_91, %dma_wait3A_1369] : memref<204800x64xf32, #tpu.memory_space<hbm>> -> memref<128x64xf32, #tpu.memory_space<hbm>>
      %dma_wait3A_1371 = arith.constant 0 : i32
      %dma_wait3A_1372 = arith.constant 0 : i32
      %dma_wait3A_1373 = tpu.memref_slice %arg6[%run_scoped3A_92, %dma_wait3A_1371, %dma_wait3A_1372] : memref<2x128x64xf32, #tpu.memory_space<vmem>> -> memref<1x128x64xf32, #tpu.memory_space<vmem>>
      %dma_wait3A_1374 = tpu.memref_squeeze %dma_wait3A_1373 : memref<1x128x64xf32, #tpu.memory_space<vmem>> -> memref<128x64xf32, #tpu.memory_space<vmem>>
      tpu.wait_dma2 semaphore(%run_scoped3A_1350 : memref<!tpu.dma_semaphore, #tpu.memory_space<semaphore_mem>>) src(%dma_wait3A_1374 : memref<128x64xf32, #tpu.memory_space<vmem>>) dst(%dma_wait3A_1370 : memref<128x64xf32, #tpu.memory_space<hbm>>)
      tpu.yield
    }) : () -> ()
    %dma_start3A_93 = arith.constant 4 : i32
    %dma_start3A_94 = arith.constant 0 : i32
    %dma_start3A_95 = arith.constant 0 : i32
    %dma_start3A_96 = arith.constant 0 : i32
    %dma_start3A_97 = tpu.memref_slice %arg6[%dma_start3A_94, %dma_start3A_95, %dma_start3A_96] : memref<2x128x64xf32, #tpu.memory_space<vmem>> -> memref<1x128x64xf32, #tpu.memory_space<vmem>>
    %dma_start3A_98 = tpu.memref_squeeze %dma_start3A_97 : memref<1x128x64xf32, #tpu.memory_space<vmem>> -> memref<128x64xf32, #tpu.memory_space<vmem>>
    %dma_start3A_99 = arith.constant 0 : i32
    %dma_start3A_100 = tpu.memref_slice %arg5[%dma_start3A_93, %dma_start3A_99] : memref<50x128xi32, #tpu.memory_space<vmem>> -> memref<1x128xi32, #tpu.memory_space<vmem>>
    %dma_start3A_101 = tpu.memref_squeeze %dma_start3A_100 : memref<1x128xi32, #tpu.memory_space<vmem>> -> memref<128xi32, #tpu.memory_space<vmem>>
    %dma_start3A_102 = arith.constant 0 : i32
    %dma_start3A_103 = arith.constant 0 : i32
    %dma_start3A_104 = tpu.memref_slice %arg3[%dma_start3A_102, %dma_start3A_103] : memref<1000000x64xf32, #tpu.memory_space<hbm>> -> memref<1000000x64xf32, #tpu.memory_space<hbm>>
    tpu.enqueue_indirect_dma source(%dma_start3A_104 : memref<1000000x64xf32, #tpu.memory_space<hbm>>) target(%dma_start3A_98 : memref<128x64xf32, #tpu.memory_space<vmem>>) offsets(%dma_start3A_101 : memref<128xi32, #tpu.memory_space<vmem>>) semaphore(%arg7 : memref<!tpu.dma_semaphore, #tpu.memory_space<semaphore_mem>>)
    %dma_wait3A_105 = arith.constant 3 : i32
    %dma_wait3A_106 = arith.constant 1 : i32
    %dma_wait3A_107 = arith.constant 0 : i32
    %dma_wait3A_108 = arith.constant 0 : i32
    %dma_wait3A_109 = tpu.memref_slice %arg6[%dma_wait3A_106, %dma_wait3A_107, %dma_wait3A_108] : memref<2x128x64xf32, #tpu.memory_space<vmem>> -> memref<1x128x64xf32, #tpu.memory_space<vmem>>
    %dma_wait3A_110 = tpu.memref_squeeze %dma_wait3A_109 : memref<1x128x64xf32, #tpu.memory_space<vmem>> -> memref<128x64xf32, #tpu.memory_space<vmem>>
    %dma_wait3A_111 = arith.constant 0 : i32
    %dma_wait3A_112 = tpu.memref_slice %arg5[%dma_wait3A_105, %dma_wait3A_111] : memref<50x128xi32, #tpu.memory_space<vmem>> -> memref<1x128xi32, #tpu.memory_space<vmem>>
    %dma_wait3A_113 = tpu.memref_squeeze %dma_wait3A_112 : memref<1x128xi32, #tpu.memory_space<vmem>> -> memref<128xi32, #tpu.memory_space<vmem>>
    %dma_wait3A_114 = arith.constant 0 : i32
    %dma_wait3A_115 = arith.constant 0 : i32
    %dma_wait3A_116 = tpu.memref_slice %arg3[%dma_wait3A_114, %dma_wait3A_115] : memref<1000000x64xf32, #tpu.memory_space<hbm>> -> memref<1000000x64xf32, #tpu.memory_space<hbm>>
    tpu.wait_indirect_dma semaphore(%arg8 : memref<!tpu.dma_semaphore, #tpu.memory_space<semaphore_mem>>) src(%dma_wait3A_116 : memref<1000000x64xf32, #tpu.memory_space<hbm>>) dst(%dma_wait3A_110 : memref<128x64xf32, #tpu.memory_space<vmem>>)
    %add3A_117 = arith.constant 384 : i32
    %add3A_118 = arith.addi %mul3A_2, %add3A_117 : i32
    %run_scoped3A_119 = arith.constant 1 : i32
    "tpu.region"() ({
      %run_scoped3A_1350 = tpu.sem_alloc : memref<!tpu.dma_semaphore, #tpu.memory_space<semaphore_mem>>
      %dma_start3A_1351 = arith.constant 0 : i32
      %dma_start3A_1352 = arith.constant 0 : i32
      %dma_start3A_1353 = tpu.memref_slice %arg6[%run_scoped3A_119, %dma_start3A_1351, %dma_start3A_1352] : memref<2x128x64xf32, #tpu.memory_space<vmem>> -> memref<1x128x64xf32, #tpu.memory_space<vmem>>
      %dma_start3A_1354 = tpu.memref_squeeze %dma_start3A_1353 : memref<1x128x64xf32, #tpu.memory_space<vmem>> -> memref<128x64xf32, #tpu.memory_space<vmem>>
      %dma_start3A_1355 = arith.constant 0 : i32
      %dma_start3A_1356 = tpu.memref_slice %arg4[%add3A_118, %dma_start3A_1355] : memref<204800x64xf32, #tpu.memory_space<hbm>> -> memref<128x64xf32, #tpu.memory_space<hbm>>
      %dma_start3A_1357 = arith.constant 0 : i32
      %dma_start3A_1358 = tpu.memref_slice %arg4[%add3A_118, %dma_start3A_1357] : memref<204800x64xf32, #tpu.memory_space<hbm>> -> memref<128x64xf32, #tpu.memory_space<hbm>>
      %dma_start3A_1359 = arith.constant 0 : i32
      %dma_start3A_1360 = arith.constant 0 : i32
      %dma_start3A_1361 = tpu.memref_slice %arg6[%run_scoped3A_119, %dma_start3A_1359, %dma_start3A_1360] : memref<2x128x64xf32, #tpu.memory_space<vmem>> -> memref<1x128x64xf32, #tpu.memory_space<vmem>>
      %dma_start3A_1362 = tpu.memref_squeeze %dma_start3A_1361 : memref<1x128x64xf32, #tpu.memory_space<vmem>> -> memref<128x64xf32, #tpu.memory_space<vmem>>
      tpu.enqueue_dma source(%dma_start3A_1362 : memref<128x64xf32, #tpu.memory_space<vmem>>) target(%dma_start3A_1358 : memref<128x64xf32, #tpu.memory_space<hbm>>) target_semaphore(%run_scoped3A_1350 : memref<!tpu.dma_semaphore, #tpu.memory_space<semaphore_mem>>)
      %dma_wait3A_1363 = arith.constant 0 : i32
      %dma_wait3A_1364 = arith.constant 0 : i32
      %dma_wait3A_1365 = tpu.memref_slice %arg6[%run_scoped3A_119, %dma_wait3A_1363, %dma_wait3A_1364] : memref<2x128x64xf32, #tpu.memory_space<vmem>> -> memref<1x128x64xf32, #tpu.memory_space<vmem>>
      %dma_wait3A_1366 = tpu.memref_squeeze %dma_wait3A_1365 : memref<1x128x64xf32, #tpu.memory_space<vmem>> -> memref<128x64xf32, #tpu.memory_space<vmem>>
      %dma_wait3A_1367 = arith.constant 0 : i32
      %dma_wait3A_1368 = tpu.memref_slice %arg4[%add3A_118, %dma_wait3A_1367] : memref<204800x64xf32, #tpu.memory_space<hbm>> -> memref<128x64xf32, #tpu.memory_space<hbm>>
      %dma_wait3A_1369 = arith.constant 0 : i32
      %dma_wait3A_1370 = tpu.memref_slice %arg4[%add3A_118, %dma_wait3A_1369] : memref<204800x64xf32, #tpu.memory_space<hbm>> -> memref<128x64xf32, #tpu.memory_space<hbm>>
      %dma_wait3A_1371 = arith.constant 0 : i32
      %dma_wait3A_1372 = arith.constant 0 : i32
      %dma_wait3A_1373 = tpu.memref_slice %arg6[%run_scoped3A_119, %dma_wait3A_1371, %dma_wait3A_1372] : memref<2x128x64xf32, #tpu.memory_space<vmem>> -> memref<1x128x64xf32, #tpu.memory_space<vmem>>
      %dma_wait3A_1374 = tpu.memref_squeeze %dma_wait3A_1373 : memref<1x128x64xf32, #tpu.memory_space<vmem>> -> memref<128x64xf32, #tpu.memory_space<vmem>>
      tpu.wait_dma2 semaphore(%run_scoped3A_1350 : memref<!tpu.dma_semaphore, #tpu.memory_space<semaphore_mem>>) src(%dma_wait3A_1374 : memref<128x64xf32, #tpu.memory_space<vmem>>) dst(%dma_wait3A_1370 : memref<128x64xf32, #tpu.memory_space<hbm>>)
      tpu.yield
    }) : () -> ()
    %dma_start3A_120 = arith.constant 5 : i32
    %dma_start3A_121 = arith.constant 1 : i32
    %dma_start3A_122 = arith.constant 0 : i32
    %dma_start3A_123 = arith.constant 0 : i32
    %dma_start3A_124 = tpu.memref_slice %arg6[%dma_start3A_121, %dma_start3A_122, %dma_start3A_123] : memref<2x128x64xf32, #tpu.memory_space<vmem>> -> memref<1x128x64xf32, #tpu.memory_space<vmem>>
    %dma_start3A_125 = tpu.memref_squeeze %dma_start3A_124 : memref<1x128x64xf32, #tpu.memory_space<vmem>> -> memref<128x64xf32, #tpu.memory_space<vmem>>
    %dma_start3A_126 = arith.constant 0 : i32
    %dma_start3A_127 = tpu.memref_slice %arg5[%dma_start3A_120, %dma_start3A_126] : memref<50x128xi32, #tpu.memory_space<vmem>> -> memref<1x128xi32, #tpu.memory_space<vmem>>
    %dma_start3A_128 = tpu.memref_squeeze %dma_start3A_127 : memref<1x128xi32, #tpu.memory_space<vmem>> -> memref<128xi32, #tpu.memory_space<vmem>>
    %dma_start3A_129 = arith.constant 0 : i32
    %dma_start3A_130 = arith.constant 0 : i32
    %dma_start3A_131 = tpu.memref_slice %arg3[%dma_start3A_129, %dma_start3A_130] : memref<1000000x64xf32, #tpu.memory_space<hbm>> -> memref<1000000x64xf32, #tpu.memory_space<hbm>>
    tpu.enqueue_indirect_dma source(%dma_start3A_131 : memref<1000000x64xf32, #tpu.memory_space<hbm>>) target(%dma_start3A_125 : memref<128x64xf32, #tpu.memory_space<vmem>>) offsets(%dma_start3A_128 : memref<128xi32, #tpu.memory_space<vmem>>) semaphore(%arg8 : memref<!tpu.dma_semaphore, #tpu.memory_space<semaphore_mem>>)
    %dma_wait3A_132 = arith.constant 4 : i32
    %dma_wait3A_133 = arith.constant 0 : i32
    %dma_wait3A_134 = arith.constant 0 : i32
    %dma_wait3A_135 = arith.constant 0 : i32
    %dma_wait3A_136 = tpu.memref_slice %arg6[%dma_wait3A_133, %dma_wait3A_134, %dma_wait3A_135] : memref<2x128x64xf32, #tpu.memory_space<vmem>> -> memref<1x128x64xf32, #tpu.memory_space<vmem>>
    %dma_wait3A_137 = tpu.memref_squeeze %dma_wait3A_136 : memref<1x128x64xf32, #tpu.memory_space<vmem>> -> memref<128x64xf32, #tpu.memory_space<vmem>>
    %dma_wait3A_138 = arith.constant 0 : i32
    %dma_wait3A_139 = tpu.memref_slice %arg5[%dma_wait3A_132, %dma_wait3A_138] : memref<50x128xi32, #tpu.memory_space<vmem>> -> memref<1x128xi32, #tpu.memory_space<vmem>>
    %dma_wait3A_140 = tpu.memref_squeeze %dma_wait3A_139 : memref<1x128xi32, #tpu.memory_space<vmem>> -> memref<128xi32, #tpu.memory_space<vmem>>
    %dma_wait3A_141 = arith.constant 0 : i32
    %dma_wait3A_142 = arith.constant 0 : i32
    %dma_wait3A_143 = tpu.memref_slice %arg3[%dma_wait3A_141, %dma_wait3A_142] : memref<1000000x64xf32, #tpu.memory_space<hbm>> -> memref<1000000x64xf32, #tpu.memory_space<hbm>>
    tpu.wait_indirect_dma semaphore(%arg7 : memref<!tpu.dma_semaphore, #tpu.memory_space<semaphore_mem>>) src(%dma_wait3A_143 : memref<1000000x64xf32, #tpu.memory_space<hbm>>) dst(%dma_wait3A_137 : memref<128x64xf32, #tpu.memory_space<vmem>>)
    %add3A_144 = arith.constant 512 : i32
    %add3A_145 = arith.addi %mul3A_2, %add3A_144 : i32
    %run_scoped3A_146 = arith.constant 0 : i32
    "tpu.region"() ({
      %run_scoped3A_1350 = tpu.sem_alloc : memref<!tpu.dma_semaphore, #tpu.memory_space<semaphore_mem>>
      %dma_start3A_1351 = arith.constant 0 : i32
      %dma_start3A_1352 = arith.constant 0 : i32
      %dma_start3A_1353 = tpu.memref_slice %arg6[%run_scoped3A_146, %dma_start3A_1351, %dma_start3A_1352] : memref<2x128x64xf32, #tpu.memory_space<vmem>> -> memref<1x128x64xf32, #tpu.memory_space<vmem>>
      %dma_start3A_1354 = tpu.memref_squeeze %dma_start3A_1353 : memref<1x128x64xf32, #tpu.memory_space<vmem>> -> memref<128x64xf32, #tpu.memory_space<vmem>>
      %dma_start3A_1355 = arith.constant 0 : i32
      %dma_start3A_1356 = tpu.memref_slice %arg4[%add3A_145, %dma_start3A_1355] : memref<204800x64xf32, #tpu.memory_space<hbm>> -> memref<128x64xf32, #tpu.memory_space<hbm>>
      %dma_start3A_1357 = arith.constant 0 : i32
      %dma_start3A_1358 = tpu.memref_slice %arg4[%add3A_145, %dma_start3A_1357] : memref<204800x64xf32, #tpu.memory_space<hbm>> -> memref<128x64xf32, #tpu.memory_space<hbm>>
      %dma_start3A_1359 = arith.constant 0 : i32
      %dma_start3A_1360 = arith.constant 0 : i32
      %dma_start3A_1361 = tpu.memref_slice %arg6[%run_scoped3A_146, %dma_start3A_1359, %dma_start3A_1360] : memref<2x128x64xf32, #tpu.memory_space<vmem>> -> memref<1x128x64xf32, #tpu.memory_space<vmem>>
      %dma_start3A_1362 = tpu.memref_squeeze %dma_start3A_1361 : memref<1x128x64xf32, #tpu.memory_space<vmem>> -> memref<128x64xf32, #tpu.memory_space<vmem>>
      tpu.enqueue_dma source(%dma_start3A_1362 : memref<128x64xf32, #tpu.memory_space<vmem>>) target(%dma_start3A_1358 : memref<128x64xf32, #tpu.memory_space<hbm>>) target_semaphore(%run_scoped3A_1350 : memref<!tpu.dma_semaphore, #tpu.memory_space<semaphore_mem>>)
      %dma_wait3A_1363 = arith.constant 0 : i32
      %dma_wait3A_1364 = arith.constant 0 : i32
      %dma_wait3A_1365 = tpu.memref_slice %arg6[%run_scoped3A_146, %dma_wait3A_1363, %dma_wait3A_1364] : memref<2x128x64xf32, #tpu.memory_space<vmem>> -> memref<1x128x64xf32, #tpu.memory_space<vmem>>
      %dma_wait3A_1366 = tpu.memref_squeeze %dma_wait3A_1365 : memref<1x128x64xf32, #tpu.memory_space<vmem>> -> memref<128x64xf32, #tpu.memory_space<vmem>>
      %dma_wait3A_1367 = arith.constant 0 : i32
      %dma_wait3A_1368 = tpu.memref_slice %arg4[%add3A_145, %dma_wait3A_1367] : memref<204800x64xf32, #tpu.memory_space<hbm>> -> memref<128x64xf32, #tpu.memory_space<hbm>>
      %dma_wait3A_1369 = arith.constant 0 : i32
      %dma_wait3A_1370 = tpu.memref_slice %arg4[%add3A_145, %dma_wait3A_1369] : memref<204800x64xf32, #tpu.memory_space<hbm>> -> memref<128x64xf32, #tpu.memory_space<hbm>>
      %dma_wait3A_1371 = arith.constant 0 : i32
      %dma_wait3A_1372 = arith.constant 0 : i32
      %dma_wait3A_1373 = tpu.memref_slice %arg6[%run_scoped3A_146, %dma_wait3A_1371, %dma_wait3A_1372] : memref<2x128x64xf32, #tpu.memory_space<vmem>> -> memref<1x128x64xf32, #tpu.memory_space<vmem>>
      %dma_wait3A_1374 = tpu.memref_squeeze %dma_wait3A_1373 : memref<1x128x64xf32, #tpu.memory_space<vmem>> -> memref<128x64xf32, #tpu.memory_space<vmem>>
      tpu.wait_dma2 semaphore(%run_scoped3A_1350 : memref<!tpu.dma_semaphore, #tpu.memory_space<semaphore_mem>>) src(%dma_wait3A_1374 : memref<128x64xf32, #tpu.memory_space<vmem>>) dst(%dma_wait3A_1370 : memref<128x64xf32, #tpu.memory_space<hbm>>)
      tpu.yield
    }) : () -> ()
    %dma_start3A_147 = arith.constant 6 : i32
    %dma_start3A_148 = arith.constant 0 : i32
    %dma_start3A_149 = arith.constant 0 : i32
    %dma_start3A_150 = arith.constant 0 : i32
    %dma_start3A_151 = tpu.memref_slice %arg6[%dma_start3A_148, %dma_start3A_149, %dma_start3A_150] : memref<2x128x64xf32, #tpu.memory_space<vmem>> -> memref<1x128x64xf32, #tpu.memory_space<vmem>>
    %dma_start3A_152 = tpu.memref_squeeze %dma_start3A_151 : memref<1x128x64xf32, #tpu.memory_space<vmem>> -> memref<128x64xf32, #tpu.memory_space<vmem>>
    %dma_start3A_153 = arith.constant 0 : i32
    %dma_start3A_154 = tpu.memref_slice %arg5[%dma_start3A_147, %dma_start3A_153] : memref<50x128xi32, #tpu.memory_space<vmem>> -> memref<1x128xi32, #tpu.memory_space<vmem>>
    %dma_start3A_155 = tpu.memref_squeeze %dma_start3A_154 : memref<1x128xi32, #tpu.memory_space<vmem>> -> memref<128xi32, #tpu.memory_space<vmem>>
    %dma_start3A_156 = arith.constant 0 : i32
    %dma_start3A_157 = arith.constant 0 : i32
    %dma_start3A_158 = tpu.memref_slice %arg3[%dma_start3A_156, %dma_start3A_157] : memref<1000000x64xf32, #tpu.memory_space<hbm>> -> memref<1000000x64xf32, #tpu.memory_space<hbm>>
    tpu.enqueue_indirect_dma source(%dma_start3A_158 : memref<1000000x64xf32, #tpu.memory_space<hbm>>) target(%dma_start3A_152 : memref<128x64xf32, #tpu.memory_space<vmem>>) offsets(%dma_start3A_155 : memref<128xi32, #tpu.memory_space<vmem>>) semaphore(%arg7 : memref<!tpu.dma_semaphore, #tpu.memory_space<semaphore_mem>>)
    %dma_wait3A_159 = arith.constant 5 : i32
    %dma_wait3A_160 = arith.constant 1 : i32
    %dma_wait3A_161 = arith.constant 0 : i32
    %dma_wait3A_162 = arith.constant 0 : i32
    %dma_wait3A_163 = tpu.memref_slice %arg6[%dma_wait3A_160, %dma_wait3A_161, %dma_wait3A_162] : memref<2x128x64xf32, #tpu.memory_space<vmem>> -> memref<1x128x64xf32, #tpu.memory_space<vmem>>
    %dma_wait3A_164 = tpu.memref_squeeze %dma_wait3A_163 : memref<1x128x64xf32, #tpu.memory_space<vmem>> -> memref<128x64xf32, #tpu.memory_space<vmem>>
    %dma_wait3A_165 = arith.constant 0 : i32
    %dma_wait3A_166 = tpu.memref_slice %arg5[%dma_wait3A_159, %dma_wait3A_165] : memref<50x128xi32, #tpu.memory_space<vmem>> -> memref<1x128xi32, #tpu.memory_space<vmem>>
    %dma_wait3A_167 = tpu.memref_squeeze %dma_wait3A_166 : memref<1x128xi32, #tpu.memory_space<vmem>> -> memref<128xi32, #tpu.memory_space<vmem>>
    %dma_wait3A_168 = arith.constant 0 : i32
    %dma_wait3A_169 = arith.constant 0 : i32
    %dma_wait3A_170 = tpu.memref_slice %arg3[%dma_wait3A_168, %dma_wait3A_169] : memref<1000000x64xf32, #tpu.memory_space<hbm>> -> memref<1000000x64xf32, #tpu.memory_space<hbm>>
    tpu.wait_indirect_dma semaphore(%arg8 : memref<!tpu.dma_semaphore, #tpu.memory_space<semaphore_mem>>) src(%dma_wait3A_170 : memref<1000000x64xf32, #tpu.memory_space<hbm>>) dst(%dma_wait3A_164 : memref<128x64xf32, #tpu.memory_space<vmem>>)
    %add3A_171 = arith.constant 640 : i32
    %add3A_172 = arith.addi %mul3A_2, %add3A_171 : i32
    %run_scoped3A_173 = arith.constant 1 : i32
    "tpu.region"() ({
      %run_scoped3A_1350 = tpu.sem_alloc : memref<!tpu.dma_semaphore, #tpu.memory_space<semaphore_mem>>
      %dma_start3A_1351 = arith.constant 0 : i32
      %dma_start3A_1352 = arith.constant 0 : i32
      %dma_start3A_1353 = tpu.memref_slice %arg6[%run_scoped3A_173, %dma_start3A_1351, %dma_start3A_1352] : memref<2x128x64xf32, #tpu.memory_space<vmem>> -> memref<1x128x64xf32, #tpu.memory_space<vmem>>
      %dma_start3A_1354 = tpu.memref_squeeze %dma_start3A_1353 : memref<1x128x64xf32, #tpu.memory_space<vmem>> -> memref<128x64xf32, #tpu.memory_space<vmem>>
      %dma_start3A_1355 = arith.constant 0 : i32
      %dma_start3A_1356 = tpu.memref_slice %arg4[%add3A_172, %dma_start3A_1355] : memref<204800x64xf32, #tpu.memory_space<hbm>> -> memref<128x64xf32, #tpu.memory_space<hbm>>
      %dma_start3A_1357 = arith.constant 0 : i32
      %dma_start3A_1358 = tpu.memref_slice %arg4[%add3A_172, %dma_start3A_1357] : memref<204800x64xf32, #tpu.memory_space<hbm>> -> memref<128x64xf32, #tpu.memory_space<hbm>>
      %dma_start3A_1359 = arith.constant 0 : i32
      %dma_start3A_1360 = arith.constant 0 : i32
      %dma_start3A_1361 = tpu.memref_slice %arg6[%run_scoped3A_173, %dma_start3A_1359, %dma_start3A_1360] : memref<2x128x64xf32, #tpu.memory_space<vmem>> -> memref<1x128x64xf32, #tpu.memory_space<vmem>>
      %dma_start3A_1362 = tpu.memref_squeeze %dma_start3A_1361 : memref<1x128x64xf32, #tpu.memory_space<vmem>> -> memref<128x64xf32, #tpu.memory_space<vmem>>
      tpu.enqueue_dma source(%dma_start3A_1362 : memref<128x64xf32, #tpu.memory_space<vmem>>) target(%dma_start3A_1358 : memref<128x64xf32, #tpu.memory_space<hbm>>) target_semaphore(%run_scoped3A_1350 : memref<!tpu.dma_semaphore, #tpu.memory_space<semaphore_mem>>)
      %dma_wait3A_1363 = arith.constant 0 : i32
      %dma_wait3A_1364 = arith.constant 0 : i32
      %dma_wait3A_1365 = tpu.memref_slice %arg6[%run_scoped3A_173, %dma_wait3A_1363, %dma_wait3A_1364] : memref<2x128x64xf32, #tpu.memory_space<vmem>> -> memref<1x128x64xf32, #tpu.memory_space<vmem>>
      %dma_wait3A_1366 = tpu.memref_squeeze %dma_wait3A_1365 : memref<1x128x64xf32, #tpu.memory_space<vmem>> -> memref<128x64xf32, #tpu.memory_space<vmem>>
      %dma_wait3A_1367 = arith.constant 0 : i32
      %dma_wait3A_1368 = tpu.memref_slice %arg4[%add3A_172, %dma_wait3A_1367] : memref<204800x64xf32, #tpu.memory_space<hbm>> -> memref<128x64xf32, #tpu.memory_space<hbm>>
      %dma_wait3A_1369 = arith.constant 0 : i32
      %dma_wait3A_1370 = tpu.memref_slice %arg4[%add3A_172, %dma_wait3A_1369] : memref<204800x64xf32, #tpu.memory_space<hbm>> -> memref<128x64xf32, #tpu.memory_space<hbm>>
      %dma_wait3A_1371 = arith.constant 0 : i32
      %dma_wait3A_1372 = arith.constant 0 : i32
      %dma_wait3A_1373 = tpu.memref_slice %arg6[%run_scoped3A_173, %dma_wait3A_1371, %dma_wait3A_1372] : memref<2x128x64xf32, #tpu.memory_space<vmem>> -> memref<1x128x64xf32, #tpu.memory_space<vmem>>
      %dma_wait3A_1374 = tpu.memref_squeeze %dma_wait3A_1373 : memref<1x128x64xf32, #tpu.memory_space<vmem>> -> memref<128x64xf32, #tpu.memory_space<vmem>>
      tpu.wait_dma2 semaphore(%run_scoped3A_1350 : memref<!tpu.dma_semaphore, #tpu.memory_space<semaphore_mem>>) src(%dma_wait3A_1374 : memref<128x64xf32, #tpu.memory_space<vmem>>) dst(%dma_wait3A_1370 : memref<128x64xf32, #tpu.memory_space<hbm>>)
      tpu.yield
    }) : () -> ()
    %dma_start3A_174 = arith.constant 7 : i32
    %dma_start3A_175 = arith.constant 1 : i32
    %dma_start3A_176 = arith.constant 0 : i32
    %dma_start3A_177 = arith.constant 0 : i32
    %dma_start3A_178 = tpu.memref_slice %arg6[%dma_start3A_175, %dma_start3A_176, %dma_start3A_177] : memref<2x128x64xf32, #tpu.memory_space<vmem>> -> memref<1x128x64xf32, #tpu.memory_space<vmem>>
    %dma_start3A_179 = tpu.memref_squeeze %dma_start3A_178 : memref<1x128x64xf32, #tpu.memory_space<vmem>> -> memref<128x64xf32, #tpu.memory_space<vmem>>
    %dma_start3A_180 = arith.constant 0 : i32
    %dma_start3A_181 = tpu.memref_slice %arg5[%dma_start3A_174, %dma_start3A_180] : memref<50x128xi32, #tpu.memory_space<vmem>> -> memref<1x128xi32, #tpu.memory_space<vmem>>
    %dma_start3A_182 = tpu.memref_squeeze %dma_start3A_181 : memref<1x128xi32, #tpu.memory_space<vmem>> -> memref<128xi32, #tpu.memory_space<vmem>>
    %dma_start3A_183 = arith.constant 0 : i32
    %dma_start3A_184 = arith.constant 0 : i32
    %dma_start3A_185 = tpu.memref_slice %arg3[%dma_start3A_183, %dma_start3A_184] : memref<1000000x64xf32, #tpu.memory_space<hbm>> -> memref<1000000x64xf32, #tpu.memory_space<hbm>>
    tpu.enqueue_indirect_dma source(%dma_start3A_185 : memref<1000000x64xf32, #tpu.memory_space<hbm>>) target(%dma_start3A_179 : memref<128x64xf32, #tpu.memory_space<vmem>>) offsets(%dma_start3A_182 : memref<128xi32, #tpu.memory_space<vmem>>) semaphore(%arg8 : memref<!tpu.dma_semaphore, #tpu.memory_space<semaphore_mem>>)
    %dma_wait3A_186 = arith.constant 6 : i32
    %dma_wait3A_187 = arith.constant 0 : i32
    %dma_wait3A_188 = arith.constant 0 : i32
    %dma_wait3A_189 = arith.constant 0 : i32
    %dma_wait3A_190 = tpu.memref_slice %arg6[%dma_wait3A_187, %dma_wait3A_188, %dma_wait3A_189] : memref<2x128x64xf32, #tpu.memory_space<vmem>> -> memref<1x128x64xf32, #tpu.memory_space<vmem>>
    %dma_wait3A_191 = tpu.memref_squeeze %dma_wait3A_190 : memref<1x128x64xf32, #tpu.memory_space<vmem>> -> memref<128x64xf32, #tpu.memory_space<vmem>>
    %dma_wait3A_192 = arith.constant 0 : i32
    %dma_wait3A_193 = tpu.memref_slice %arg5[%dma_wait3A_186, %dma_wait3A_192] : memref<50x128xi32, #tpu.memory_space<vmem>> -> memref<1x128xi32, #tpu.memory_space<vmem>>
    %dma_wait3A_194 = tpu.memref_squeeze %dma_wait3A_193 : memref<1x128xi32, #tpu.memory_space<vmem>> -> memref<128xi32, #tpu.memory_space<vmem>>
    %dma_wait3A_195 = arith.constant 0 : i32
    %dma_wait3A_196 = arith.constant 0 : i32
    %dma_wait3A_197 = tpu.memref_slice %arg3[%dma_wait3A_195, %dma_wait3A_196] : memref<1000000x64xf32, #tpu.memory_space<hbm>> -> memref<1000000x64xf32, #tpu.memory_space<hbm>>
    tpu.wait_indirect_dma semaphore(%arg7 : memref<!tpu.dma_semaphore, #tpu.memory_space<semaphore_mem>>) src(%dma_wait3A_197 : memref<1000000x64xf32, #tpu.memory_space<hbm>>) dst(%dma_wait3A_191 : memref<128x64xf32, #tpu.memory_space<vmem>>)
    %add3A_198 = arith.constant 768 : i32
    %add3A_199 = arith.addi %mul3A_2, %add3A_198 : i32
    %run_scoped3A_200 = arith.constant 0 : i32
    "tpu.region"() ({
      %run_scoped3A_1350 = tpu.sem_alloc : memref<!tpu.dma_semaphore, #tpu.memory_space<semaphore_mem>>
      %dma_start3A_1351 = arith.constant 0 : i32
      %dma_start3A_1352 = arith.constant 0 : i32
      %dma_start3A_1353 = tpu.memref_slice %arg6[%run_scoped3A_200, %dma_start3A_1351, %dma_start3A_1352] : memref<2x128x64xf32, #tpu.memory_space<vmem>> -> memref<1x128x64xf32, #tpu.memory_space<vmem>>
      %dma_start3A_1354 = tpu.memref_squeeze %dma_start3A_1353 : memref<1x128x64xf32, #tpu.memory_space<vmem>> -> memref<128x64xf32, #tpu.memory_space<vmem>>
      %dma_start3A_1355 = arith.constant 0 : i32
      %dma_start3A_1356 = tpu.memref_slice %arg4[%add3A_199, %dma_start3A_1355] : memref<204800x64xf32, #tpu.memory_space<hbm>> -> memref<128x64xf32, #tpu.memory_space<hbm>>
      %dma_start3A_1357 = arith.constant 0 : i32
      %dma_start3A_1358 = tpu.memref_slice %arg4[%add3A_199, %dma_start3A_1357] : memref<204800x64xf32, #tpu.memory_space<hbm>> -> memref<128x64xf32, #tpu.memory_space<hbm>>
      %dma_start3A_1359 = arith.constant 0 : i32
      %dma_start3A_1360 = arith.constant 0 : i32
      %dma_start3A_1361 = tpu.memref_slice %arg6[%run_scoped3A_200, %dma_start3A_1359, %dma_start3A_1360] : memref<2x128x64xf32, #tpu.memory_space<vmem>> -> memref<1x128x64xf32, #tpu.memory_space<vmem>>
      %dma_start3A_1362 = tpu.memref_squeeze %dma_start3A_1361 : memref<1x128x64xf32, #tpu.memory_space<vmem>> -> memref<128x64xf32, #tpu.memory_space<vmem>>
      tpu.enqueue_dma source(%dma_start3A_1362 : memref<128x64xf32, #tpu.memory_space<vmem>>) target(%dma_start3A_1358 : memref<128x64xf32, #tpu.memory_space<hbm>>) target_semaphore(%run_scoped3A_1350 : memref<!tpu.dma_semaphore, #tpu.memory_space<semaphore_mem>>)
      %dma_wait3A_1363 = arith.constant 0 : i32
      %dma_wait3A_1364 = arith.constant 0 : i32
      %dma_wait3A_1365 = tpu.memref_slice %arg6[%run_scoped3A_200, %dma_wait3A_1363, %dma_wait3A_1364] : memref<2x128x64xf32, #tpu.memory_space<vmem>> -> memref<1x128x64xf32, #tpu.memory_space<vmem>>
      %dma_wait3A_1366 = tpu.memref_squeeze %dma_wait3A_1365 : memref<1x128x64xf32, #tpu.memory_space<vmem>> -> memref<128x64xf32, #tpu.memory_space<vmem>>
      %dma_wait3A_1367 = arith.constant 0 : i32
      %dma_wait3A_1368 = tpu.memref_slice %arg4[%add3A_199, %dma_wait3A_1367] : memref<204800x64xf32, #tpu.memory_space<hbm>> -> memref<128x64xf32, #tpu.memory_space<hbm>>
      %dma_wait3A_1369 = arith.constant 0 : i32
      %dma_wait3A_1370 = tpu.memref_slice %arg4[%add3A_199, %dma_wait3A_1369] : memref<204800x64xf32, #tpu.memory_space<hbm>> -> memref<128x64xf32, #tpu.memory_space<hbm>>
      %dma_wait3A_1371 = arith.constant 0 : i32
      %dma_wait3A_1372 = arith.constant 0 : i32
      %dma_wait3A_1373 = tpu.memref_slice %arg6[%run_scoped3A_200, %dma_wait3A_1371, %dma_wait3A_1372] : memref<2x128x64xf32, #tpu.memory_space<vmem>> -> memref<1x128x64xf32, #tpu.memory_space<vmem>>
      %dma_wait3A_1374 = tpu.memref_squeeze %dma_wait3A_1373 : memref<1x128x64xf32, #tpu.memory_space<vmem>> -> memref<128x64xf32, #tpu.memory_space<vmem>>
      tpu.wait_dma2 semaphore(%run_scoped3A_1350 : memref<!tpu.dma_semaphore, #tpu.memory_space<semaphore_mem>>) src(%dma_wait3A_1374 : memref<128x64xf32, #tpu.memory_space<vmem>>) dst(%dma_wait3A_1370 : memref<128x64xf32, #tpu.memory_space<hbm>>)
      tpu.yield
    }) : () -> ()
    %dma_start3A_201 = arith.constant 8 : i32
    %dma_start3A_202 = arith.constant 0 : i32
    %dma_start3A_203 = arith.constant 0 : i32
    %dma_start3A_204 = arith.constant 0 : i32
    %dma_start3A_205 = tpu.memref_slice %arg6[%dma_start3A_202, %dma_start3A_203, %dma_start3A_204] : memref<2x128x64xf32, #tpu.memory_space<vmem>> -> memref<1x128x64xf32, #tpu.memory_space<vmem>>
    %dma_start3A_206 = tpu.memref_squeeze %dma_start3A_205 : memref<1x128x64xf32, #tpu.memory_space<vmem>> -> memref<128x64xf32, #tpu.memory_space<vmem>>
    %dma_start3A_207 = arith.constant 0 : i32
    %dma_start3A_208 = tpu.memref_slice %arg5[%dma_start3A_201, %dma_start3A_207] : memref<50x128xi32, #tpu.memory_space<vmem>> -> memref<1x128xi32, #tpu.memory_space<vmem>>
    %dma_start3A_209 = tpu.memref_squeeze %dma_start3A_208 : memref<1x128xi32, #tpu.memory_space<vmem>> -> memref<128xi32, #tpu.memory_space<vmem>>
    %dma_start3A_210 = arith.constant 0 : i32
    %dma_start3A_211 = arith.constant 0 : i32
    %dma_start3A_212 = tpu.memref_slice %arg3[%dma_start3A_210, %dma_start3A_211] : memref<1000000x64xf32, #tpu.memory_space<hbm>> -> memref<1000000x64xf32, #tpu.memory_space<hbm>>
    tpu.enqueue_indirect_dma source(%dma_start3A_212 : memref<1000000x64xf32, #tpu.memory_space<hbm>>) target(%dma_start3A_206 : memref<128x64xf32, #tpu.memory_space<vmem>>) offsets(%dma_start3A_209 : memref<128xi32, #tpu.memory_space<vmem>>) semaphore(%arg7 : memref<!tpu.dma_semaphore, #tpu.memory_space<semaphore_mem>>)
    %dma_wait3A_213 = arith.constant 7 : i32
    %dma_wait3A_214 = arith.constant 1 : i32
    %dma_wait3A_215 = arith.constant 0 : i32
    %dma_wait3A_216 = arith.constant 0 : i32
    %dma_wait3A_217 = tpu.memref_slice %arg6[%dma_wait3A_214, %dma_wait3A_215, %dma_wait3A_216] : memref<2x128x64xf32, #tpu.memory_space<vmem>> -> memref<1x128x64xf32, #tpu.memory_space<vmem>>
    %dma_wait3A_218 = tpu.memref_squeeze %dma_wait3A_217 : memref<1x128x64xf32, #tpu.memory_space<vmem>> -> memref<128x64xf32, #tpu.memory_space<vmem>>
    %dma_wait3A_219 = arith.constant 0 : i32
    %dma_wait3A_220 = tpu.memref_slice %arg5[%dma_wait3A_213, %dma_wait3A_219] : memref<50x128xi32, #tpu.memory_space<vmem>> -> memref<1x128xi32, #tpu.memory_space<vmem>>
    %dma_wait3A_221 = tpu.memref_squeeze %dma_wait3A_220 : memref<1x128xi32, #tpu.memory_space<vmem>> -> memref<128xi32, #tpu.memory_space<vmem>>
    %dma_wait3A_222 = arith.constant 0 : i32
    %dma_wait3A_223 = arith.constant 0 : i32
    %dma_wait3A_224 = tpu.memref_slice %arg3[%dma_wait3A_222, %dma_wait3A_223] : memref<1000000x64xf32, #tpu.memory_space<hbm>> -> memref<1000000x64xf32, #tpu.memory_space<hbm>>
    tpu.wait_indirect_dma semaphore(%arg8 : memref<!tpu.dma_semaphore, #tpu.memory_space<semaphore_mem>>) src(%dma_wait3A_224 : memref<1000000x64xf32, #tpu.memory_space<hbm>>) dst(%dma_wait3A_218 : memref<128x64xf32, #tpu.memory_space<vmem>>)
    %add3A_225 = arith.constant 896 : i32
    %add3A_226 = arith.addi %mul3A_2, %add3A_225 : i32
    %run_scoped3A_227 = arith.constant 1 : i32
    "tpu.region"() ({
      %run_scoped3A_1350 = tpu.sem_alloc : memref<!tpu.dma_semaphore, #tpu.memory_space<semaphore_mem>>
      %dma_start3A_1351 = arith.constant 0 : i32
      %dma_start3A_1352 = arith.constant 0 : i32
      %dma_start3A_1353 = tpu.memref_slice %arg6[%run_scoped3A_227, %dma_start3A_1351, %dma_start3A_1352] : memref<2x128x64xf32, #tpu.memory_space<vmem>> -> memref<1x128x64xf32, #tpu.memory_space<vmem>>
      %dma_start3A_1354 = tpu.memref_squeeze %dma_start3A_1353 : memref<1x128x64xf32, #tpu.memory_space<vmem>> -> memref<128x64xf32, #tpu.memory_space<vmem>>
      %dma_start3A_1355 = arith.constant 0 : i32
      %dma_start3A_1356 = tpu.memref_slice %arg4[%add3A_226, %dma_start3A_1355] : memref<204800x64xf32, #tpu.memory_space<hbm>> -> memref<128x64xf32, #tpu.memory_space<hbm>>
      %dma_start3A_1357 = arith.constant 0 : i32
      %dma_start3A_1358 = tpu.memref_slice %arg4[%add3A_226, %dma_start3A_1357] : memref<204800x64xf32, #tpu.memory_space<hbm>> -> memref<128x64xf32, #tpu.memory_space<hbm>>
      %dma_start3A_1359 = arith.constant 0 : i32
      %dma_start3A_1360 = arith.constant 0 : i32
      %dma_start3A_1361 = tpu.memref_slice %arg6[%run_scoped3A_227, %dma_start3A_1359, %dma_start3A_1360] : memref<2x128x64xf32, #tpu.memory_space<vmem>> -> memref<1x128x64xf32, #tpu.memory_space<vmem>>
      %dma_start3A_1362 = tpu.memref_squeeze %dma_start3A_1361 : memref<1x128x64xf32, #tpu.memory_space<vmem>> -> memref<128x64xf32, #tpu.memory_space<vmem>>
      tpu.enqueue_dma source(%dma_start3A_1362 : memref<128x64xf32, #tpu.memory_space<vmem>>) target(%dma_start3A_1358 : memref<128x64xf32, #tpu.memory_space<hbm>>) target_semaphore(%run_scoped3A_1350 : memref<!tpu.dma_semaphore, #tpu.memory_space<semaphore_mem>>)
      %dma_wait3A_1363 = arith.constant 0 : i32
      %dma_wait3A_1364 = arith.constant 0 : i32
      %dma_wait3A_1365 = tpu.memref_slice %arg6[%run_scoped3A_227, %dma_wait3A_1363, %dma_wait3A_1364] : memref<2x128x64xf32, #tpu.memory_space<vmem>> -> memref<1x128x64xf32, #tpu.memory_space<vmem>>
      %dma_wait3A_1366 = tpu.memref_squeeze %dma_wait3A_1365 : memref<1x128x64xf32, #tpu.memory_space<vmem>> -> memref<128x64xf32, #tpu.memory_space<vmem>>
      %dma_wait3A_1367 = arith.constant 0 : i32
      %dma_wait3A_1368 = tpu.memref_slice %arg4[%add3A_226, %dma_wait3A_1367] : memref<204800x64xf32, #tpu.memory_space<hbm>> -> memref<128x64xf32, #tpu.memory_space<hbm>>
      %dma_wait3A_1369 = arith.constant 0 : i32
      %dma_wait3A_1370 = tpu.memref_slice %arg4[%add3A_226, %dma_wait3A_1369] : memref<204800x64xf32, #tpu.memory_space<hbm>> -> memref<128x64xf32, #tpu.memory_space<hbm>>
      %dma_wait3A_1371 = arith.constant 0 : i32
      %dma_wait3A_1372 = arith.constant 0 : i32
      %dma_wait3A_1373 = tpu.memref_slice %arg6[%run_scoped3A_227, %dma_wait3A_1371, %dma_wait3A_1372] : memref<2x128x64xf32, #tpu.memory_space<vmem>> -> memref<1x128x64xf32, #tpu.memory_space<vmem>>
      %dma_wait3A_1374 = tpu.memref_squeeze %dma_wait3A_1373 : memref<1x128x64xf32, #tpu.memory_space<vmem>> -> memref<128x64xf32, #tpu.memory_space<vmem>>
      tpu.wait_dma2 semaphore(%run_scoped3A_1350 : memref<!tpu.dma_semaphore, #tpu.memory_space<semaphore_mem>>) src(%dma_wait3A_1374 : memref<128x64xf32, #tpu.memory_space<vmem>>) dst(%dma_wait3A_1370 : memref<128x64xf32, #tpu.memory_space<hbm>>)
      tpu.yield
    }) : () -> ()
    %dma_start3A_228 = arith.constant 9 : i32
    %dma_start3A_229 = arith.constant 1 : i32
    %dma_start3A_230 = arith.constant 0 : i32
    %dma_start3A_231 = arith.constant 0 : i32
    %dma_start3A_232 = tpu.memref_slice %arg6[%dma_start3A_229, %dma_start3A_230, %dma_start3A_231] : memref<2x128x64xf32, #tpu.memory_space<vmem>> -> memref<1x128x64xf32, #tpu.memory_space<vmem>>
    %dma_start3A_233 = tpu.memref_squeeze %dma_start3A_232 : memref<1x128x64xf32, #tpu.memory_space<vmem>> -> memref<128x64xf32, #tpu.memory_space<vmem>>
    %dma_start3A_234 = arith.constant 0 : i32
    %dma_start3A_235 = tpu.memref_slice %arg5[%dma_start3A_228, %dma_start3A_234] : memref<50x128xi32, #tpu.memory_space<vmem>> -> memref<1x128xi32, #tpu.memory_space<vmem>>
    %dma_start3A_236 = tpu.memref_squeeze %dma_start3A_235 : memref<1x128xi32, #tpu.memory_space<vmem>> -> memref<128xi32, #tpu.memory_space<vmem>>
    %dma_start3A_237 = arith.constant 0 : i32
    %dma_start3A_238 = arith.constant 0 : i32
    %dma_start3A_239 = tpu.memref_slice %arg3[%dma_start3A_237, %dma_start3A_238] : memref<1000000x64xf32, #tpu.memory_space<hbm>> -> memref<1000000x64xf32, #tpu.memory_space<hbm>>
    tpu.enqueue_indirect_dma source(%dma_start3A_239 : memref<1000000x64xf32, #tpu.memory_space<hbm>>) target(%dma_start3A_233 : memref<128x64xf32, #tpu.memory_space<vmem>>) offsets(%dma_start3A_236 : memref<128xi32, #tpu.memory_space<vmem>>) semaphore(%arg8 : memref<!tpu.dma_semaphore, #tpu.memory_space<semaphore_mem>>)
    %dma_wait3A_240 = arith.constant 8 : i32
    %dma_wait3A_241 = arith.constant 0 : i32
    %dma_wait3A_242 = arith.constant 0 : i32
    %dma_wait3A_243 = arith.constant 0 : i32
    %dma_wait3A_244 = tpu.memref_slice %arg6[%dma_wait3A_241, %dma_wait3A_242, %dma_wait3A_243] : memref<2x128x64xf32, #tpu.memory_space<vmem>> -> memref<1x128x64xf32, #tpu.memory_space<vmem>>
    %dma_wait3A_245 = tpu.memref_squeeze %dma_wait3A_244 : memref<1x128x64xf32, #tpu.memory_space<vmem>> -> memref<128x64xf32, #tpu.memory_space<vmem>>
    %dma_wait3A_246 = arith.constant 0 : i32
    %dma_wait3A_247 = tpu.memref_slice %arg5[%dma_wait3A_240, %dma_wait3A_246] : memref<50x128xi32, #tpu.memory_space<vmem>> -> memref<1x128xi32, #tpu.memory_space<vmem>>
    %dma_wait3A_248 = tpu.memref_squeeze %dma_wait3A_247 : memref<1x128xi32, #tpu.memory_space<vmem>> -> memref<128xi32, #tpu.memory_space<vmem>>
    %dma_wait3A_249 = arith.constant 0 : i32
    %dma_wait3A_250 = arith.constant 0 : i32
    %dma_wait3A_251 = tpu.memref_slice %arg3[%dma_wait3A_249, %dma_wait3A_250] : memref<1000000x64xf32, #tpu.memory_space<hbm>> -> memref<1000000x64xf32, #tpu.memory_space<hbm>>
    tpu.wait_indirect_dma semaphore(%arg7 : memref<!tpu.dma_semaphore, #tpu.memory_space<semaphore_mem>>) src(%dma_wait3A_251 : memref<1000000x64xf32, #tpu.memory_space<hbm>>) dst(%dma_wait3A_245 : memref<128x64xf32, #tpu.memory_space<vmem>>)
    %add3A_252 = arith.constant 1024 : i32
    %add3A_253 = arith.addi %mul3A_2, %add3A_252 : i32
    %run_scoped3A_254 = arith.constant 0 : i32
    "tpu.region"() ({
      %run_scoped3A_1350 = tpu.sem_alloc : memref<!tpu.dma_semaphore, #tpu.memory_space<semaphore_mem>>
      %dma_start3A_1351 = arith.constant 0 : i32
      %dma_start3A_1352 = arith.constant 0 : i32
      %dma_start3A_1353 = tpu.memref_slice %arg6[%run_scoped3A_254, %dma_start3A_1351, %dma_start3A_1352] : memref<2x128x64xf32, #tpu.memory_space<vmem>> -> memref<1x128x64xf32, #tpu.memory_space<vmem>>
      %dma_start3A_1354 = tpu.memref_squeeze %dma_start3A_1353 : memref<1x128x64xf32, #tpu.memory_space<vmem>> -> memref<128x64xf32, #tpu.memory_space<vmem>>
      %dma_start3A_1355 = arith.constant 0 : i32
      %dma_start3A_1356 = tpu.memref_slice %arg4[%add3A_253, %dma_start3A_1355] : memref<204800x64xf32, #tpu.memory_space<hbm>> -> memref<128x64xf32, #tpu.memory_space<hbm>>
      %dma_start3A_1357 = arith.constant 0 : i32
      %dma_start3A_1358 = tpu.memref_slice %arg4[%add3A_253, %dma_start3A_1357] : memref<204800x64xf32, #tpu.memory_space<hbm>> -> memref<128x64xf32, #tpu.memory_space<hbm>>
      %dma_start3A_1359 = arith.constant 0 : i32
      %dma_start3A_1360 = arith.constant 0 : i32
      %dma_start3A_1361 = tpu.memref_slice %arg6[%run_scoped3A_254, %dma_start3A_1359, %dma_start3A_1360] : memref<2x128x64xf32, #tpu.memory_space<vmem>> -> memref<1x128x64xf32, #tpu.memory_space<vmem>>
      %dma_start3A_1362 = tpu.memref_squeeze %dma_start3A_1361 : memref<1x128x64xf32, #tpu.memory_space<vmem>> -> memref<128x64xf32, #tpu.memory_space<vmem>>
      tpu.enqueue_dma source(%dma_start3A_1362 : memref<128x64xf32, #tpu.memory_space<vmem>>) target(%dma_start3A_1358 : memref<128x64xf32, #tpu.memory_space<hbm>>) target_semaphore(%run_scoped3A_1350 : memref<!tpu.dma_semaphore, #tpu.memory_space<semaphore_mem>>)
      %dma_wait3A_1363 = arith.constant 0 : i32
      %dma_wait3A_1364 = arith.constant 0 : i32
      %dma_wait3A_1365 = tpu.memref_slice %arg6[%run_scoped3A_254, %dma_wait3A_1363, %dma_wait3A_1364] : memref<2x128x64xf32, #tpu.memory_space<vmem>> -> memref<1x128x64xf32, #tpu.memory_space<vmem>>
      %dma_wait3A_1366 = tpu.memref_squeeze %dma_wait3A_1365 : memref<1x128x64xf32, #tpu.memory_space<vmem>> -> memref<128x64xf32, #tpu.memory_space<vmem>>
      %dma_wait3A_1367 = arith.constant 0 : i32
      %dma_wait3A_1368 = tpu.memref_slice %arg4[%add3A_253, %dma_wait3A_1367] : memref<204800x64xf32, #tpu.memory_space<hbm>> -> memref<128x64xf32, #tpu.memory_space<hbm>>
      %dma_wait3A_1369 = arith.constant 0 : i32
      %dma_wait3A_1370 = tpu.memref_slice %arg4[%add3A_253, %dma_wait3A_1369] : memref<204800x64xf32, #tpu.memory_space<hbm>> -> memref<128x64xf32, #tpu.memory_space<hbm>>
      %dma_wait3A_1371 = arith.constant 0 : i32
      %dma_wait3A_1372 = arith.constant 0 : i32
      %dma_wait3A_1373 = tpu.memref_slice %arg6[%run_scoped3A_254, %dma_wait3A_1371, %dma_wait3A_1372] : memref<2x128x64xf32, #tpu.memory_space<vmem>> -> memref<1x128x64xf32, #tpu.memory_space<vmem>>
      %dma_wait3A_1374 = tpu.memref_squeeze %dma_wait3A_1373 : memref<1x128x64xf32, #tpu.memory_space<vmem>> -> memref<128x64xf32, #tpu.memory_space<vmem>>
      tpu.wait_dma2 semaphore(%run_scoped3A_1350 : memref<!tpu.dma_semaphore, #tpu.memory_space<semaphore_mem>>) src(%dma_wait3A_1374 : memref<128x64xf32, #tpu.memory_space<vmem>>) dst(%dma_wait3A_1370 : memref<128x64xf32, #tpu.memory_space<hbm>>)
      tpu.yield
    }) : () -> ()
    %dma_start3A_255 = arith.constant 10 : i32
    %dma_start3A_256 = arith.constant 0 : i32
    %dma_start3A_257 = arith.constant 0 : i32
    %dma_start3A_258 = arith.constant 0 : i32
    %dma_start3A_259 = tpu.memref_slice %arg6[%dma_start3A_256, %dma_start3A_257, %dma_start3A_258] : memref<2x128x64xf32, #tpu.memory_space<vmem>> -> memref<1x128x64xf32, #tpu.memory_space<vmem>>
    %dma_start3A_260 = tpu.memref_squeeze %dma_start3A_259 : memref<1x128x64xf32, #tpu.memory_space<vmem>> -> memref<128x64xf32, #tpu.memory_space<vmem>>
    %dma_start3A_261 = arith.constant 0 : i32
    %dma_start3A_262 = tpu.memref_slice %arg5[%dma_start3A_255, %dma_start3A_261] : memref<50x128xi32, #tpu.memory_space<vmem>> -> memref<1x128xi32, #tpu.memory_space<vmem>>
    %dma_start3A_263 = tpu.memref_squeeze %dma_start3A_262 : memref<1x128xi32, #tpu.memory_space<vmem>> -> memref<128xi32, #tpu.memory_space<vmem>>
    %dma_start3A_264 = arith.constant 0 : i32
    %dma_start3A_265 = arith.constant 0 : i32
    %dma_start3A_266 = tpu.memref_slice %arg3[%dma_start3A_264, %dma_start3A_265] : memref<1000000x64xf32, #tpu.memory_space<hbm>> -> memref<1000000x64xf32, #tpu.memory_space<hbm>>
    tpu.enqueue_indirect_dma source(%dma_start3A_266 : memref<1000000x64xf32, #tpu.memory_space<hbm>>) target(%dma_start3A_260 : memref<128x64xf32, #tpu.memory_space<vmem>>) offsets(%dma_start3A_263 : memref<128xi32, #tpu.memory_space<vmem>>) semaphore(%arg7 : memref<!tpu.dma_semaphore, #tpu.memory_space<semaphore_mem>>)
    %dma_wait3A_267 = arith.constant 9 : i32
    %dma_wait3A_268 = arith.constant 1 : i32
    %dma_wait3A_269 = arith.constant 0 : i32
    %dma_wait3A_270 = arith.constant 0 : i32
    %dma_wait3A_271 = tpu.memref_slice %arg6[%dma_wait3A_268, %dma_wait3A_269, %dma_wait3A_270] : memref<2x128x64xf32, #tpu.memory_space<vmem>> -> memref<1x128x64xf32, #tpu.memory_space<vmem>>
    %dma_wait3A_272 = tpu.memref_squeeze %dma_wait3A_271 : memref<1x128x64xf32, #tpu.memory_space<vmem>> -> memref<128x64xf32, #tpu.memory_space<vmem>>
    %dma_wait3A_273 = arith.constant 0 : i32
    %dma_wait3A_274 = tpu.memref_slice %arg5[%dma_wait3A_267, %dma_wait3A_273] : memref<50x128xi32, #tpu.memory_space<vmem>> -> memref<1x128xi32, #tpu.memory_space<vmem>>
    %dma_wait3A_275 = tpu.memref_squeeze %dma_wait3A_274 : memref<1x128xi32, #tpu.memory_space<vmem>> -> memref<128xi32, #tpu.memory_space<vmem>>
    %dma_wait3A_276 = arith.constant 0 : i32
    %dma_wait3A_277 = arith.constant 0 : i32
    %dma_wait3A_278 = tpu.memref_slice %arg3[%dma_wait3A_276, %dma_wait3A_277] : memref<1000000x64xf32, #tpu.memory_space<hbm>> -> memref<1000000x64xf32, #tpu.memory_space<hbm>>
    tpu.wait_indirect_dma semaphore(%arg8 : memref<!tpu.dma_semaphore, #tpu.memory_space<semaphore_mem>>) src(%dma_wait3A_278 : memref<1000000x64xf32, #tpu.memory_space<hbm>>) dst(%dma_wait3A_272 : memref<128x64xf32, #tpu.memory_space<vmem>>)
    %add3A_279 = arith.constant 1152 : i32
    %add3A_280 = arith.addi %mul3A_2, %add3A_279 : i32
    %run_scoped3A_281 = arith.constant 1 : i32
    "tpu.region"() ({
      %run_scoped3A_1350 = tpu.sem_alloc : memref<!tpu.dma_semaphore, #tpu.memory_space<semaphore_mem>>
      %dma_start3A_1351 = arith.constant 0 : i32
      %dma_start3A_1352 = arith.constant 0 : i32
      %dma_start3A_1353 = tpu.memref_slice %arg6[%run_scoped3A_281, %dma_start3A_1351, %dma_start3A_1352] : memref<2x128x64xf32, #tpu.memory_space<vmem>> -> memref<1x128x64xf32, #tpu.memory_space<vmem>>
      %dma_start3A_1354 = tpu.memref_squeeze %dma_start3A_1353 : memref<1x128x64xf32, #tpu.memory_space<vmem>> -> memref<128x64xf32, #tpu.memory_space<vmem>>
      %dma_start3A_1355 = arith.constant 0 : i32
      %dma_start3A_1356 = tpu.memref_slice %arg4[%add3A_280, %dma_start3A_1355] : memref<204800x64xf32, #tpu.memory_space<hbm>> -> memref<128x64xf32, #tpu.memory_space<hbm>>
      %dma_start3A_1357 = arith.constant 0 : i32
      %dma_start3A_1358 = tpu.memref_slice %arg4[%add3A_280, %dma_start3A_1357] : memref<204800x64xf32, #tpu.memory_space<hbm>> -> memref<128x64xf32, #tpu.memory_space<hbm>>
      %dma_start3A_1359 = arith.constant 0 : i32
      %dma_start3A_1360 = arith.constant 0 : i32
      %dma_start3A_1361 = tpu.memref_slice %arg6[%run_scoped3A_281, %dma_start3A_1359, %dma_start3A_1360] : memref<2x128x64xf32, #tpu.memory_space<vmem>> -> memref<1x128x64xf32, #tpu.memory_space<vmem>>
      %dma_start3A_1362 = tpu.memref_squeeze %dma_start3A_1361 : memref<1x128x64xf32, #tpu.memory_space<vmem>> -> memref<128x64xf32, #tpu.memory_space<vmem>>
      tpu.enqueue_dma source(%dma_start3A_1362 : memref<128x64xf32, #tpu.memory_space<vmem>>) target(%dma_start3A_1358 : memref<128x64xf32, #tpu.memory_space<hbm>>) target_semaphore(%run_scoped3A_1350 : memref<!tpu.dma_semaphore, #tpu.memory_space<semaphore_mem>>)
      %dma_wait3A_1363 = arith.constant 0 : i32
      %dma_wait3A_1364 = arith.constant 0 : i32
      %dma_wait3A_1365 = tpu.memref_slice %arg6[%run_scoped3A_281, %dma_wait3A_1363, %dma_wait3A_1364] : memref<2x128x64xf32, #tpu.memory_space<vmem>> -> memref<1x128x64xf32, #tpu.memory_space<vmem>>
      %dma_wait3A_1366 = tpu.memref_squeeze %dma_wait3A_1365 : memref<1x128x64xf32, #tpu.memory_space<vmem>> -> memref<128x64xf32, #tpu.memory_space<vmem>>
      %dma_wait3A_1367 = arith.constant 0 : i32
      %dma_wait3A_1368 = tpu.memref_slice %arg4[%add3A_280, %dma_wait3A_1367] : memref<204800x64xf32, #tpu.memory_space<hbm>> -> memref<128x64xf32, #tpu.memory_space<hbm>>
      %dma_wait3A_1369 = arith.constant 0 : i32
      %dma_wait3A_1370 = tpu.memref_slice %arg4[%add3A_280, %dma_wait3A_1369] : memref<204800x64xf32, #tpu.memory_space<hbm>> -> memref<128x64xf32, #tpu.memory_space<hbm>>
      %dma_wait3A_1371 = arith.constant 0 : i32
      %dma_wait3A_1372 = arith.constant 0 : i32
      %dma_wait3A_1373 = tpu.memref_slice %arg6[%run_scoped3A_281, %dma_wait3A_1371, %dma_wait3A_1372] : memref<2x128x64xf32, #tpu.memory_space<vmem>> -> memref<1x128x64xf32, #tpu.memory_space<vmem>>
      %dma_wait3A_1374 = tpu.memref_squeeze %dma_wait3A_1373 : memref<1x128x64xf32, #tpu.memory_space<vmem>> -> memref<128x64xf32, #tpu.memory_space<vmem>>
      tpu.wait_dma2 semaphore(%run_scoped3A_1350 : memref<!tpu.dma_semaphore, #tpu.memory_space<semaphore_mem>>) src(%dma_wait3A_1374 : memref<128x64xf32, #tpu.memory_space<vmem>>) dst(%dma_wait3A_1370 : memref<128x64xf32, #tpu.memory_space<hbm>>)
      tpu.yield
    }) : () -> ()
    %dma_start3A_282 = arith.constant 11 : i32
    %dma_start3A_283 = arith.constant 1 : i32
    %dma_start3A_284 = arith.constant 0 : i32
    %dma_start3A_285 = arith.constant 0 : i32
    %dma_start3A_286 = tpu.memref_slice %arg6[%dma_start3A_283, %dma_start3A_284, %dma_start3A_285] : memref<2x128x64xf32, #tpu.memory_space<vmem>> -> memref<1x128x64xf32, #tpu.memory_space<vmem>>
    %dma_start3A_287 = tpu.memref_squeeze %dma_start3A_286 : memref<1x128x64xf32, #tpu.memory_space<vmem>> -> memref<128x64xf32, #tpu.memory_space<vmem>>
    %dma_start3A_288 = arith.constant 0 : i32
    %dma_start3A_289 = tpu.memref_slice %arg5[%dma_start3A_282, %dma_start3A_288] : memref<50x128xi32, #tpu.memory_space<vmem>> -> memref<1x128xi32, #tpu.memory_space<vmem>>
    %dma_start3A_290 = tpu.memref_squeeze %dma_start3A_289 : memref<1x128xi32, #tpu.memory_space<vmem>> -> memref<128xi32, #tpu.memory_space<vmem>>
    %dma_start3A_291 = arith.constant 0 : i32
    %dma_start3A_292 = arith.constant 0 : i32
    %dma_start3A_293 = tpu.memref_slice %arg3[%dma_start3A_291, %dma_start3A_292] : memref<1000000x64xf32, #tpu.memory_space<hbm>> -> memref<1000000x64xf32, #tpu.memory_space<hbm>>
    tpu.enqueue_indirect_dma source(%dma_start3A_293 : memref<1000000x64xf32, #tpu.memory_space<hbm>>) target(%dma_start3A_287 : memref<128x64xf32, #tpu.memory_space<vmem>>) offsets(%dma_start3A_290 : memref<128xi32, #tpu.memory_space<vmem>>) semaphore(%arg8 : memref<!tpu.dma_semaphore, #tpu.memory_space<semaphore_mem>>)
    %dma_wait3A_294 = arith.constant 10 : i32
    %dma_wait3A_295 = arith.constant 0 : i32
    %dma_wait3A_296 = arith.constant 0 : i32
    %dma_wait3A_297 = arith.constant 0 : i32
    %dma_wait3A_298 = tpu.memref_slice %arg6[%dma_wait3A_295, %dma_wait3A_296, %dma_wait3A_297] : memref<2x128x64xf32, #tpu.memory_space<vmem>> -> memref<1x128x64xf32, #tpu.memory_space<vmem>>
    %dma_wait3A_299 = tpu.memref_squeeze %dma_wait3A_298 : memref<1x128x64xf32, #tpu.memory_space<vmem>> -> memref<128x64xf32, #tpu.memory_space<vmem>>
    %dma_wait3A_300 = arith.constant 0 : i32
    %dma_wait3A_301 = tpu.memref_slice %arg5[%dma_wait3A_294, %dma_wait3A_300] : memref<50x128xi32, #tpu.memory_space<vmem>> -> memref<1x128xi32, #tpu.memory_space<vmem>>
    %dma_wait3A_302 = tpu.memref_squeeze %dma_wait3A_301 : memref<1x128xi32, #tpu.memory_space<vmem>> -> memref<128xi32, #tpu.memory_space<vmem>>
    %dma_wait3A_303 = arith.constant 0 : i32
    %dma_wait3A_304 = arith.constant 0 : i32
    %dma_wait3A_305 = tpu.memref_slice %arg3[%dma_wait3A_303, %dma_wait3A_304] : memref<1000000x64xf32, #tpu.memory_space<hbm>> -> memref<1000000x64xf32, #tpu.memory_space<hbm>>
    tpu.wait_indirect_dma semaphore(%arg7 : memref<!tpu.dma_semaphore, #tpu.memory_space<semaphore_mem>>) src(%dma_wait3A_305 : memref<1000000x64xf32, #tpu.memory_space<hbm>>) dst(%dma_wait3A_299 : memref<128x64xf32, #tpu.memory_space<vmem>>)
    %add3A_306 = arith.constant 1280 : i32
    %add3A_307 = arith.addi %mul3A_2, %add3A_306 : i32
    %run_scoped3A_308 = arith.constant 0 : i32
    "tpu.region"() ({
      %run_scoped3A_1350 = tpu.sem_alloc : memref<!tpu.dma_semaphore, #tpu.memory_space<semaphore_mem>>
      %dma_start3A_1351 = arith.constant 0 : i32
      %dma_start3A_1352 = arith.constant 0 : i32
      %dma_start3A_1353 = tpu.memref_slice %arg6[%run_scoped3A_308, %dma_start3A_1351, %dma_start3A_1352] : memref<2x128x64xf32, #tpu.memory_space<vmem>> -> memref<1x128x64xf32, #tpu.memory_space<vmem>>
      %dma_start3A_1354 = tpu.memref_squeeze %dma_start3A_1353 : memref<1x128x64xf32, #tpu.memory_space<vmem>> -> memref<128x64xf32, #tpu.memory_space<vmem>>
      %dma_start3A_1355 = arith.constant 0 : i32
      %dma_start3A_1356 = tpu.memref_slice %arg4[%add3A_307, %dma_start3A_1355] : memref<204800x64xf32, #tpu.memory_space<hbm>> -> memref<128x64xf32, #tpu.memory_space<hbm>>
      %dma_start3A_1357 = arith.constant 0 : i32
      %dma_start3A_1358 = tpu.memref_slice %arg4[%add3A_307, %dma_start3A_1357] : memref<204800x64xf32, #tpu.memory_space<hbm>> -> memref<128x64xf32, #tpu.memory_space<hbm>>
      %dma_start3A_1359 = arith.constant 0 : i32
      %dma_start3A_1360 = arith.constant 0 : i32
      %dma_start3A_1361 = tpu.memref_slice %arg6[%run_scoped3A_308, %dma_start3A_1359, %dma_start3A_1360] : memref<2x128x64xf32, #tpu.memory_space<vmem>> -> memref<1x128x64xf32, #tpu.memory_space<vmem>>
      %dma_start3A_1362 = tpu.memref_squeeze %dma_start3A_1361 : memref<1x128x64xf32, #tpu.memory_space<vmem>> -> memref<128x64xf32, #tpu.memory_space<vmem>>
      tpu.enqueue_dma source(%dma_start3A_1362 : memref<128x64xf32, #tpu.memory_space<vmem>>) target(%dma_start3A_1358 : memref<128x64xf32, #tpu.memory_space<hbm>>) target_semaphore(%run_scoped3A_1350 : memref<!tpu.dma_semaphore, #tpu.memory_space<semaphore_mem>>)
      %dma_wait3A_1363 = arith.constant 0 : i32
      %dma_wait3A_1364 = arith.constant 0 : i32
      %dma_wait3A_1365 = tpu.memref_slice %arg6[%run_scoped3A_308, %dma_wait3A_1363, %dma_wait3A_1364] : memref<2x128x64xf32, #tpu.memory_space<vmem>> -> memref<1x128x64xf32, #tpu.memory_space<vmem>>
      %dma_wait3A_1366 = tpu.memref_squeeze %dma_wait3A_1365 : memref<1x128x64xf32, #tpu.memory_space<vmem>> -> memref<128x64xf32, #tpu.memory_space<vmem>>
      %dma_wait3A_1367 = arith.constant 0 : i32
      %dma_wait3A_1368 = tpu.memref_slice %arg4[%add3A_307, %dma_wait3A_1367] : memref<204800x64xf32, #tpu.memory_space<hbm>> -> memref<128x64xf32, #tpu.memory_space<hbm>>
      %dma_wait3A_1369 = arith.constant 0 : i32
      %dma_wait3A_1370 = tpu.memref_slice %arg4[%add3A_307, %dma_wait3A_1369] : memref<204800x64xf32, #tpu.memory_space<hbm>> -> memref<128x64xf32, #tpu.memory_space<hbm>>
      %dma_wait3A_1371 = arith.constant 0 : i32
      %dma_wait3A_1372 = arith.constant 0 : i32
      %dma_wait3A_1373 = tpu.memref_slice %arg6[%run_scoped3A_308, %dma_wait3A_1371, %dma_wait3A_1372] : memref<2x128x64xf32, #tpu.memory_space<vmem>> -> memref<1x128x64xf32, #tpu.memory_space<vmem>>
      %dma_wait3A_1374 = tpu.memref_squeeze %dma_wait3A_1373 : memref<1x128x64xf32, #tpu.memory_space<vmem>> -> memref<128x64xf32, #tpu.memory_space<vmem>>
      tpu.wait_dma2 semaphore(%run_scoped3A_1350 : memref<!tpu.dma_semaphore, #tpu.memory_space<semaphore_mem>>) src(%dma_wait3A_1374 : memref<128x64xf32, #tpu.memory_space<vmem>>) dst(%dma_wait3A_1370 : memref<128x64xf32, #tpu.memory_space<hbm>>)
      tpu.yield
    }) : () -> ()
    %dma_start3A_309 = arith.constant 12 : i32
    %dma_start3A_310 = arith.constant 0 : i32
    %dma_start3A_311 = arith.constant 0 : i32
    %dma_start3A_312 = arith.constant 0 : i32
    %dma_start3A_313 = tpu.memref_slice %arg6[%dma_start3A_310, %dma_start3A_311, %dma_start3A_312] : memref<2x128x64xf32, #tpu.memory_space<vmem>> -> memref<1x128x64xf32, #tpu.memory_space<vmem>>
    %dma_start3A_314 = tpu.memref_squeeze %dma_start3A_313 : memref<1x128x64xf32, #tpu.memory_space<vmem>> -> memref<128x64xf32, #tpu.memory_space<vmem>>
    %dma_start3A_315 = arith.constant 0 : i32
    %dma_start3A_316 = tpu.memref_slice %arg5[%dma_start3A_309, %dma_start3A_315] : memref<50x128xi32, #tpu.memory_space<vmem>> -> memref<1x128xi32, #tpu.memory_space<vmem>>
    %dma_start3A_317 = tpu.memref_squeeze %dma_start3A_316 : memref<1x128xi32, #tpu.memory_space<vmem>> -> memref<128xi32, #tpu.memory_space<vmem>>
    %dma_start3A_318 = arith.constant 0 : i32
    %dma_start3A_319 = arith.constant 0 : i32
    %dma_start3A_320 = tpu.memref_slice %arg3[%dma_start3A_318, %dma_start3A_319] : memref<1000000x64xf32, #tpu.memory_space<hbm>> -> memref<1000000x64xf32, #tpu.memory_space<hbm>>
    tpu.enqueue_indirect_dma source(%dma_start3A_320 : memref<1000000x64xf32, #tpu.memory_space<hbm>>) target(%dma_start3A_314 : memref<128x64xf32, #tpu.memory_space<vmem>>) offsets(%dma_start3A_317 : memref<128xi32, #tpu.memory_space<vmem>>) semaphore(%arg7 : memref<!tpu.dma_semaphore, #tpu.memory_space<semaphore_mem>>)
    %dma_wait3A_321 = arith.constant 11 : i32
    %dma_wait3A_322 = arith.constant 1 : i32
    %dma_wait3A_323 = arith.constant 0 : i32
    %dma_wait3A_324 = arith.constant 0 : i32
    %dma_wait3A_325 = tpu.memref_slice %arg6[%dma_wait3A_322, %dma_wait3A_323, %dma_wait3A_324] : memref<2x128x64xf32, #tpu.memory_space<vmem>> -> memref<1x128x64xf32, #tpu.memory_space<vmem>>
    %dma_wait3A_326 = tpu.memref_squeeze %dma_wait3A_325 : memref<1x128x64xf32, #tpu.memory_space<vmem>> -> memref<128x64xf32, #tpu.memory_space<vmem>>
    %dma_wait3A_327 = arith.constant 0 : i32
    %dma_wait3A_328 = tpu.memref_slice %arg5[%dma_wait3A_321, %dma_wait3A_327] : memref<50x128xi32, #tpu.memory_space<vmem>> -> memref<1x128xi32, #tpu.memory_space<vmem>>
    %dma_wait3A_329 = tpu.memref_squeeze %dma_wait3A_328 : memref<1x128xi32, #tpu.memory_space<vmem>> -> memref<128xi32, #tpu.memory_space<vmem>>
    %dma_wait3A_330 = arith.constant 0 : i32
    %dma_wait3A_331 = arith.constant 0 : i32
    %dma_wait3A_332 = tpu.memref_slice %arg3[%dma_wait3A_330, %dma_wait3A_331] : memref<1000000x64xf32, #tpu.memory_space<hbm>> -> memref<1000000x64xf32, #tpu.memory_space<hbm>>
    tpu.wait_indirect_dma semaphore(%arg8 : memref<!tpu.dma_semaphore, #tpu.memory_space<semaphore_mem>>) src(%dma_wait3A_332 : memref<1000000x64xf32, #tpu.memory_space<hbm>>) dst(%dma_wait3A_326 : memref<128x64xf32, #tpu.memory_space<vmem>>)
    %add3A_333 = arith.constant 1408 : i32
    %add3A_334 = arith.addi %mul3A_2, %add3A_333 : i32
    %run_scoped3A_335 = arith.constant 1 : i32
    "tpu.region"() ({
      %run_scoped3A_1350 = tpu.sem_alloc : memref<!tpu.dma_semaphore, #tpu.memory_space<semaphore_mem>>
      %dma_start3A_1351 = arith.constant 0 : i32
      %dma_start3A_1352 = arith.constant 0 : i32
      %dma_start3A_1353 = tpu.memref_slice %arg6[%run_scoped3A_335, %dma_start3A_1351, %dma_start3A_1352] : memref<2x128x64xf32, #tpu.memory_space<vmem>> -> memref<1x128x64xf32, #tpu.memory_space<vmem>>
      %dma_start3A_1354 = tpu.memref_squeeze %dma_start3A_1353 : memref<1x128x64xf32, #tpu.memory_space<vmem>> -> memref<128x64xf32, #tpu.memory_space<vmem>>
      %dma_start3A_1355 = arith.constant 0 : i32
      %dma_start3A_1356 = tpu.memref_slice %arg4[%add3A_334, %dma_start3A_1355] : memref<204800x64xf32, #tpu.memory_space<hbm>> -> memref<128x64xf32, #tpu.memory_space<hbm>>
      %dma_start3A_1357 = arith.constant 0 : i32
      %dma_start3A_1358 = tpu.memref_slice %arg4[%add3A_334, %dma_start3A_1357] : memref<204800x64xf32, #tpu.memory_space<hbm>> -> memref<128x64xf32, #tpu.memory_space<hbm>>
      %dma_start3A_1359 = arith.constant 0 : i32
      %dma_start3A_1360 = arith.constant 0 : i32
      %dma_start3A_1361 = tpu.memref_slice %arg6[%run_scoped3A_335, %dma_start3A_1359, %dma_start3A_1360] : memref<2x128x64xf32, #tpu.memory_space<vmem>> -> memref<1x128x64xf32, #tpu.memory_space<vmem>>
      %dma_start3A_1362 = tpu.memref_squeeze %dma_start3A_1361 : memref<1x128x64xf32, #tpu.memory_space<vmem>> -> memref<128x64xf32, #tpu.memory_space<vmem>>
      tpu.enqueue_dma source(%dma_start3A_1362 : memref<128x64xf32, #tpu.memory_space<vmem>>) target(%dma_start3A_1358 : memref<128x64xf32, #tpu.memory_space<hbm>>) target_semaphore(%run_scoped3A_1350 : memref<!tpu.dma_semaphore, #tpu.memory_space<semaphore_mem>>)
      %dma_wait3A_1363 = arith.constant 0 : i32
      %dma_wait3A_1364 = arith.constant 0 : i32
      %dma_wait3A_1365 = tpu.memref_slice %arg6[%run_scoped3A_335, %dma_wait3A_1363, %dma_wait3A_1364] : memref<2x128x64xf32, #tpu.memory_space<vmem>> -> memref<1x128x64xf32, #tpu.memory_space<vmem>>
      %dma_wait3A_1366 = tpu.memref_squeeze %dma_wait3A_1365 : memref<1x128x64xf32, #tpu.memory_space<vmem>> -> memref<128x64xf32, #tpu.memory_space<vmem>>
      %dma_wait3A_1367 = arith.constant 0 : i32
      %dma_wait3A_1368 = tpu.memref_slice %arg4[%add3A_334, %dma_wait3A_1367] : memref<204800x64xf32, #tpu.memory_space<hbm>> -> memref<128x64xf32, #tpu.memory_space<hbm>>
      %dma_wait3A_1369 = arith.constant 0 : i32
      %dma_wait3A_1370 = tpu.memref_slice %arg4[%add3A_334, %dma_wait3A_1369] : memref<204800x64xf32, #tpu.memory_space<hbm>> -> memref<128x64xf32, #tpu.memory_space<hbm>>
      %dma_wait3A_1371 = arith.constant 0 : i32
      %dma_wait3A_1372 = arith.constant 0 : i32
      %dma_wait3A_1373 = tpu.memref_slice %arg6[%run_scoped3A_335, %dma_wait3A_1371, %dma_wait3A_1372] : memref<2x128x64xf32, #tpu.memory_space<vmem>> -> memref<1x128x64xf32, #tpu.memory_space<vmem>>
      %dma_wait3A_1374 = tpu.memref_squeeze %dma_wait3A_1373 : memref<1x128x64xf32, #tpu.memory_space<vmem>> -> memref<128x64xf32, #tpu.memory_space<vmem>>
      tpu.wait_dma2 semaphore(%run_scoped3A_1350 : memref<!tpu.dma_semaphore, #tpu.memory_space<semaphore_mem>>) src(%dma_wait3A_1374 : memref<128x64xf32, #tpu.memory_space<vmem>>) dst(%dma_wait3A_1370 : memref<128x64xf32, #tpu.memory_space<hbm>>)
      tpu.yield
    }) : () -> ()
    %dma_start3A_336 = arith.constant 13 : i32
    %dma_start3A_337 = arith.constant 1 : i32
    %dma_start3A_338 = arith.constant 0 : i32
    %dma_start3A_339 = arith.constant 0 : i32
    %dma_start3A_340 = tpu.memref_slice %arg6[%dma_start3A_337, %dma_start3A_338, %dma_start3A_339] : memref<2x128x64xf32, #tpu.memory_space<vmem>> -> memref<1x128x64xf32, #tpu.memory_space<vmem>>
    %dma_start3A_341 = tpu.memref_squeeze %dma_start3A_340 : memref<1x128x64xf32, #tpu.memory_space<vmem>> -> memref<128x64xf32, #tpu.memory_space<vmem>>
    %dma_start3A_342 = arith.constant 0 : i32
    %dma_start3A_343 = tpu.memref_slice %arg5[%dma_start3A_336, %dma_start3A_342] : memref<50x128xi32, #tpu.memory_space<vmem>> -> memref<1x128xi32, #tpu.memory_space<vmem>>
    %dma_start3A_344 = tpu.memref_squeeze %dma_start3A_343 : memref<1x128xi32, #tpu.memory_space<vmem>> -> memref<128xi32, #tpu.memory_space<vmem>>
    %dma_start3A_345 = arith.constant 0 : i32
    %dma_start3A_346 = arith.constant 0 : i32
    %dma_start3A_347 = tpu.memref_slice %arg3[%dma_start3A_345, %dma_start3A_346] : memref<1000000x64xf32, #tpu.memory_space<hbm>> -> memref<1000000x64xf32, #tpu.memory_space<hbm>>
    tpu.enqueue_indirect_dma source(%dma_start3A_347 : memref<1000000x64xf32, #tpu.memory_space<hbm>>) target(%dma_start3A_341 : memref<128x64xf32, #tpu.memory_space<vmem>>) offsets(%dma_start3A_344 : memref<128xi32, #tpu.memory_space<vmem>>) semaphore(%arg8 : memref<!tpu.dma_semaphore, #tpu.memory_space<semaphore_mem>>)
    %dma_wait3A_348 = arith.constant 12 : i32
    %dma_wait3A_349 = arith.constant 0 : i32
    %dma_wait3A_350 = arith.constant 0 : i32
    %dma_wait3A_351 = arith.constant 0 : i32
    %dma_wait3A_352 = tpu.memref_slice %arg6[%dma_wait3A_349, %dma_wait3A_350, %dma_wait3A_351] : memref<2x128x64xf32, #tpu.memory_space<vmem>> -> memref<1x128x64xf32, #tpu.memory_space<vmem>>
    %dma_wait3A_353 = tpu.memref_squeeze %dma_wait3A_352 : memref<1x128x64xf32, #tpu.memory_space<vmem>> -> memref<128x64xf32, #tpu.memory_space<vmem>>
    %dma_wait3A_354 = arith.constant 0 : i32
    %dma_wait3A_355 = tpu.memref_slice %arg5[%dma_wait3A_348, %dma_wait3A_354] : memref<50x128xi32, #tpu.memory_space<vmem>> -> memref<1x128xi32, #tpu.memory_space<vmem>>
    %dma_wait3A_356 = tpu.memref_squeeze %dma_wait3A_355 : memref<1x128xi32, #tpu.memory_space<vmem>> -> memref<128xi32, #tpu.memory_space<vmem>>
    %dma_wait3A_357 = arith.constant 0 : i32
    %dma_wait3A_358 = arith.constant 0 : i32
    %dma_wait3A_359 = tpu.memref_slice %arg3[%dma_wait3A_357, %dma_wait3A_358] : memref<1000000x64xf32, #tpu.memory_space<hbm>> -> memref<1000000x64xf32, #tpu.memory_space<hbm>>
    tpu.wait_indirect_dma semaphore(%arg7 : memref<!tpu.dma_semaphore, #tpu.memory_space<semaphore_mem>>) src(%dma_wait3A_359 : memref<1000000x64xf32, #tpu.memory_space<hbm>>) dst(%dma_wait3A_353 : memref<128x64xf32, #tpu.memory_space<vmem>>)
    %add3A_360 = arith.constant 1536 : i32
    %add3A_361 = arith.addi %mul3A_2, %add3A_360 : i32
    %run_scoped3A_362 = arith.constant 0 : i32
    "tpu.region"() ({
      %run_scoped3A_1350 = tpu.sem_alloc : memref<!tpu.dma_semaphore, #tpu.memory_space<semaphore_mem>>
      %dma_start3A_1351 = arith.constant 0 : i32
      %dma_start3A_1352 = arith.constant 0 : i32
      %dma_start3A_1353 = tpu.memref_slice %arg6[%run_scoped3A_362, %dma_start3A_1351, %dma_start3A_1352] : memref<2x128x64xf32, #tpu.memory_space<vmem>> -> memref<1x128x64xf32, #tpu.memory_space<vmem>>
      %dma_start3A_1354 = tpu.memref_squeeze %dma_start3A_1353 : memref<1x128x64xf32, #tpu.memory_space<vmem>> -> memref<128x64xf32, #tpu.memory_space<vmem>>
      %dma_start3A_1355 = arith.constant 0 : i32
      %dma_start3A_1356 = tpu.memref_slice %arg4[%add3A_361, %dma_start3A_1355] : memref<204800x64xf32, #tpu.memory_space<hbm>> -> memref<128x64xf32, #tpu.memory_space<hbm>>
      %dma_start3A_1357 = arith.constant 0 : i32
      %dma_start3A_1358 = tpu.memref_slice %arg4[%add3A_361, %dma_start3A_1357] : memref<204800x64xf32, #tpu.memory_space<hbm>> -> memref<128x64xf32, #tpu.memory_space<hbm>>
      %dma_start3A_1359 = arith.constant 0 : i32
      %dma_start3A_1360 = arith.constant 0 : i32
      %dma_start3A_1361 = tpu.memref_slice %arg6[%run_scoped3A_362, %dma_start3A_1359, %dma_start3A_1360] : memref<2x128x64xf32, #tpu.memory_space<vmem>> -> memref<1x128x64xf32, #tpu.memory_space<vmem>>
      %dma_start3A_1362 = tpu.memref_squeeze %dma_start3A_1361 : memref<1x128x64xf32, #tpu.memory_space<vmem>> -> memref<128x64xf32, #tpu.memory_space<vmem>>
      tpu.enqueue_dma source(%dma_start3A_1362 : memref<128x64xf32, #tpu.memory_space<vmem>>) target(%dma_start3A_1358 : memref<128x64xf32, #tpu.memory_space<hbm>>) target_semaphore(%run_scoped3A_1350 : memref<!tpu.dma_semaphore, #tpu.memory_space<semaphore_mem>>)
      %dma_wait3A_1363 = arith.constant 0 : i32
      %dma_wait3A_1364 = arith.constant 0 : i32
      %dma_wait3A_1365 = tpu.memref_slice %arg6[%run_scoped3A_362, %dma_wait3A_1363, %dma_wait3A_1364] : memref<2x128x64xf32, #tpu.memory_space<vmem>> -> memref<1x128x64xf32, #tpu.memory_space<vmem>>
      %dma_wait3A_1366 = tpu.memref_squeeze %dma_wait3A_1365 : memref<1x128x64xf32, #tpu.memory_space<vmem>> -> memref<128x64xf32, #tpu.memory_space<vmem>>
      %dma_wait3A_1367 = arith.constant 0 : i32
      %dma_wait3A_1368 = tpu.memref_slice %arg4[%add3A_361, %dma_wait3A_1367] : memref<204800x64xf32, #tpu.memory_space<hbm>> -> memref<128x64xf32, #tpu.memory_space<hbm>>
      %dma_wait3A_1369 = arith.constant 0 : i32
      %dma_wait3A_1370 = tpu.memref_slice %arg4[%add3A_361, %dma_wait3A_1369] : memref<204800x64xf32, #tpu.memory_space<hbm>> -> memref<128x64xf32, #tpu.memory_space<hbm>>
      %dma_wait3A_1371 = arith.constant 0 : i32
      %dma_wait3A_1372 = arith.constant 0 : i32
      %dma_wait3A_1373 = tpu.memref_slice %arg6[%run_scoped3A_362, %dma_wait3A_1371, %dma_wait3A_1372] : memref<2x128x64xf32, #tpu.memory_space<vmem>> -> memref<1x128x64xf32, #tpu.memory_space<vmem>>
      %dma_wait3A_1374 = tpu.memref_squeeze %dma_wait3A_1373 : memref<1x128x64xf32, #tpu.memory_space<vmem>> -> memref<128x64xf32, #tpu.memory_space<vmem>>
      tpu.wait_dma2 semaphore(%run_scoped3A_1350 : memref<!tpu.dma_semaphore, #tpu.memory_space<semaphore_mem>>) src(%dma_wait3A_1374 : memref<128x64xf32, #tpu.memory_space<vmem>>) dst(%dma_wait3A_1370 : memref<128x64xf32, #tpu.memory_space<hbm>>)
      tpu.yield
    }) : () -> ()
    %dma_start3A_363 = arith.constant 14 : i32
    %dma_start3A_364 = arith.constant 0 : i32
    %dma_start3A_365 = arith.constant 0 : i32
    %dma_start3A_366 = arith.constant 0 : i32
    %dma_start3A_367 = tpu.memref_slice %arg6[%dma_start3A_364, %dma_start3A_365, %dma_start3A_366] : memref<2x128x64xf32, #tpu.memory_space<vmem>> -> memref<1x128x64xf32, #tpu.memory_space<vmem>>
    %dma_start3A_368 = tpu.memref_squeeze %dma_start3A_367 : memref<1x128x64xf32, #tpu.memory_space<vmem>> -> memref<128x64xf32, #tpu.memory_space<vmem>>
    %dma_start3A_369 = arith.constant 0 : i32
    %dma_start3A_370 = tpu.memref_slice %arg5[%dma_start3A_363, %dma_start3A_369] : memref<50x128xi32, #tpu.memory_space<vmem>> -> memref<1x128xi32, #tpu.memory_space<vmem>>
    %dma_start3A_371 = tpu.memref_squeeze %dma_start3A_370 : memref<1x128xi32, #tpu.memory_space<vmem>> -> memref<128xi32, #tpu.memory_space<vmem>>
    %dma_start3A_372 = arith.constant 0 : i32
    %dma_start3A_373 = arith.constant 0 : i32
    %dma_start3A_374 = tpu.memref_slice %arg3[%dma_start3A_372, %dma_start3A_373] : memref<1000000x64xf32, #tpu.memory_space<hbm>> -> memref<1000000x64xf32, #tpu.memory_space<hbm>>
    tpu.enqueue_indirect_dma source(%dma_start3A_374 : memref<1000000x64xf32, #tpu.memory_space<hbm>>) target(%dma_start3A_368 : memref<128x64xf32, #tpu.memory_space<vmem>>) offsets(%dma_start3A_371 : memref<128xi32, #tpu.memory_space<vmem>>) semaphore(%arg7 : memref<!tpu.dma_semaphore, #tpu.memory_space<semaphore_mem>>)
    %dma_wait3A_375 = arith.constant 13 : i32
    %dma_wait3A_376 = arith.constant 1 : i32
    %dma_wait3A_377 = arith.constant 0 : i32
    %dma_wait3A_378 = arith.constant 0 : i32
    %dma_wait3A_379 = tpu.memref_slice %arg6[%dma_wait3A_376, %dma_wait3A_377, %dma_wait3A_378] : memref<2x128x64xf32, #tpu.memory_space<vmem>> -> memref<1x128x64xf32, #tpu.memory_space<vmem>>
    %dma_wait3A_380 = tpu.memref_squeeze %dma_wait3A_379 : memref<1x128x64xf32, #tpu.memory_space<vmem>> -> memref<128x64xf32, #tpu.memory_space<vmem>>
    %dma_wait3A_381 = arith.constant 0 : i32
    %dma_wait3A_382 = tpu.memref_slice %arg5[%dma_wait3A_375, %dma_wait3A_381] : memref<50x128xi32, #tpu.memory_space<vmem>> -> memref<1x128xi32, #tpu.memory_space<vmem>>
    %dma_wait3A_383 = tpu.memref_squeeze %dma_wait3A_382 : memref<1x128xi32, #tpu.memory_space<vmem>> -> memref<128xi32, #tpu.memory_space<vmem>>
    %dma_wait3A_384 = arith.constant 0 : i32
    %dma_wait3A_385 = arith.constant 0 : i32
    %dma_wait3A_386 = tpu.memref_slice %arg3[%dma_wait3A_384, %dma_wait3A_385] : memref<1000000x64xf32, #tpu.memory_space<hbm>> -> memref<1000000x64xf32, #tpu.memory_space<hbm>>
    tpu.wait_indirect_dma semaphore(%arg8 : memref<!tpu.dma_semaphore, #tpu.memory_space<semaphore_mem>>) src(%dma_wait3A_386 : memref<1000000x64xf32, #tpu.memory_space<hbm>>) dst(%dma_wait3A_380 : memref<128x64xf32, #tpu.memory_space<vmem>>)
    %add3A_387 = arith.constant 1664 : i32
    %add3A_388 = arith.addi %mul3A_2, %add3A_387 : i32
    %run_scoped3A_389 = arith.constant 1 : i32
    "tpu.region"() ({
      %run_scoped3A_1350 = tpu.sem_alloc : memref<!tpu.dma_semaphore, #tpu.memory_space<semaphore_mem>>
      %dma_start3A_1351 = arith.constant 0 : i32
      %dma_start3A_1352 = arith.constant 0 : i32
      %dma_start3A_1353 = tpu.memref_slice %arg6[%run_scoped3A_389, %dma_start3A_1351, %dma_start3A_1352] : memref<2x128x64xf32, #tpu.memory_space<vmem>> -> memref<1x128x64xf32, #tpu.memory_space<vmem>>
      %dma_start3A_1354 = tpu.memref_squeeze %dma_start3A_1353 : memref<1x128x64xf32, #tpu.memory_space<vmem>> -> memref<128x64xf32, #tpu.memory_space<vmem>>
      %dma_start3A_1355 = arith.constant 0 : i32
      %dma_start3A_1356 = tpu.memref_slice %arg4[%add3A_388, %dma_start3A_1355] : memref<204800x64xf32, #tpu.memory_space<hbm>> -> memref<128x64xf32, #tpu.memory_space<hbm>>
      %dma_start3A_1357 = arith.constant 0 : i32
      %dma_start3A_1358 = tpu.memref_slice %arg4[%add3A_388, %dma_start3A_1357] : memref<204800x64xf32, #tpu.memory_space<hbm>> -> memref<128x64xf32, #tpu.memory_space<hbm>>
      %dma_start3A_1359 = arith.constant 0 : i32
      %dma_start3A_1360 = arith.constant 0 : i32
      %dma_start3A_1361 = tpu.memref_slice %arg6[%run_scoped3A_389, %dma_start3A_1359, %dma_start3A_1360] : memref<2x128x64xf32, #tpu.memory_space<vmem>> -> memref<1x128x64xf32, #tpu.memory_space<vmem>>
      %dma_start3A_1362 = tpu.memref_squeeze %dma_start3A_1361 : memref<1x128x64xf32, #tpu.memory_space<vmem>> -> memref<128x64xf32, #tpu.memory_space<vmem>>
      tpu.enqueue_dma source(%dma_start3A_1362 : memref<128x64xf32, #tpu.memory_space<vmem>>) target(%dma_start3A_1358 : memref<128x64xf32, #tpu.memory_space<hbm>>) target_semaphore(%run_scoped3A_1350 : memref<!tpu.dma_semaphore, #tpu.memory_space<semaphore_mem>>)
      %dma_wait3A_1363 = arith.constant 0 : i32
      %dma_wait3A_1364 = arith.constant 0 : i32
      %dma_wait3A_1365 = tpu.memref_slice %arg6[%run_scoped3A_389, %dma_wait3A_1363, %dma_wait3A_1364] : memref<2x128x64xf32, #tpu.memory_space<vmem>> -> memref<1x128x64xf32, #tpu.memory_space<vmem>>
      %dma_wait3A_1366 = tpu.memref_squeeze %dma_wait3A_1365 : memref<1x128x64xf32, #tpu.memory_space<vmem>> -> memref<128x64xf32, #tpu.memory_space<vmem>>
      %dma_wait3A_1367 = arith.constant 0 : i32
      %dma_wait3A_1368 = tpu.memref_slice %arg4[%add3A_388, %dma_wait3A_1367] : memref<204800x64xf32, #tpu.memory_space<hbm>> -> memref<128x64xf32, #tpu.memory_space<hbm>>
      %dma_wait3A_1369 = arith.constant 0 : i32
      %dma_wait3A_1370 = tpu.memref_slice %arg4[%add3A_388, %dma_wait3A_1369] : memref<204800x64xf32, #tpu.memory_space<hbm>> -> memref<128x64xf32, #tpu.memory_space<hbm>>
      %dma_wait3A_1371 = arith.constant 0 : i32
      %dma_wait3A_1372 = arith.constant 0 : i32
      %dma_wait3A_1373 = tpu.memref_slice %arg6[%run_scoped3A_389, %dma_wait3A_1371, %dma_wait3A_1372] : memref<2x128x64xf32, #tpu.memory_space<vmem>> -> memref<1x128x64xf32, #tpu.memory_space<vmem>>
      %dma_wait3A_1374 = tpu.memref_squeeze %dma_wait3A_1373 : memref<1x128x64xf32, #tpu.memory_space<vmem>> -> memref<128x64xf32, #tpu.memory_space<vmem>>
      tpu.wait_dma2 semaphore(%run_scoped3A_1350 : memref<!tpu.dma_semaphore, #tpu.memory_space<semaphore_mem>>) src(%dma_wait3A_1374 : memref<128x64xf32, #tpu.memory_space<vmem>>) dst(%dma_wait3A_1370 : memref<128x64xf32, #tpu.memory_space<hbm>>)
      tpu.yield
    }) : () -> ()
    %dma_start3A_390 = arith.constant 15 : i32
    %dma_start3A_391 = arith.constant 1 : i32
    %dma_start3A_392 = arith.constant 0 : i32
    %dma_start3A_393 = arith.constant 0 : i32
    %dma_start3A_394 = tpu.memref_slice %arg6[%dma_start3A_391, %dma_start3A_392, %dma_start3A_393] : memref<2x128x64xf32, #tpu.memory_space<vmem>> -> memref<1x128x64xf32, #tpu.memory_space<vmem>>
    %dma_start3A_395 = tpu.memref_squeeze %dma_start3A_394 : memref<1x128x64xf32, #tpu.memory_space<vmem>> -> memref<128x64xf32, #tpu.memory_space<vmem>>
    %dma_start3A_396 = arith.constant 0 : i32
    %dma_start3A_397 = tpu.memref_slice %arg5[%dma_start3A_390, %dma_start3A_396] : memref<50x128xi32, #tpu.memory_space<vmem>> -> memref<1x128xi32, #tpu.memory_space<vmem>>
    %dma_start3A_398 = tpu.memref_squeeze %dma_start3A_397 : memref<1x128xi32, #tpu.memory_space<vmem>> -> memref<128xi32, #tpu.memory_space<vmem>>
    %dma_start3A_399 = arith.constant 0 : i32
    %dma_start3A_400 = arith.constant 0 : i32
    %dma_start3A_401 = tpu.memref_slice %arg3[%dma_start3A_399, %dma_start3A_400] : memref<1000000x64xf32, #tpu.memory_space<hbm>> -> memref<1000000x64xf32, #tpu.memory_space<hbm>>
    tpu.enqueue_indirect_dma source(%dma_start3A_401 : memref<1000000x64xf32, #tpu.memory_space<hbm>>) target(%dma_start3A_395 : memref<128x64xf32, #tpu.memory_space<vmem>>) offsets(%dma_start3A_398 : memref<128xi32, #tpu.memory_space<vmem>>) semaphore(%arg8 : memref<!tpu.dma_semaphore, #tpu.memory_space<semaphore_mem>>)
    %dma_wait3A_402 = arith.constant 14 : i32
    %dma_wait3A_403 = arith.constant 0 : i32
    %dma_wait3A_404 = arith.constant 0 : i32
    %dma_wait3A_405 = arith.constant 0 : i32
    %dma_wait3A_406 = tpu.memref_slice %arg6[%dma_wait3A_403, %dma_wait3A_404, %dma_wait3A_405] : memref<2x128x64xf32, #tpu.memory_space<vmem>> -> memref<1x128x64xf32, #tpu.memory_space<vmem>>
    %dma_wait3A_407 = tpu.memref_squeeze %dma_wait3A_406 : memref<1x128x64xf32, #tpu.memory_space<vmem>> -> memref<128x64xf32, #tpu.memory_space<vmem>>
    %dma_wait3A_408 = arith.constant 0 : i32
    %dma_wait3A_409 = tpu.memref_slice %arg5[%dma_wait3A_402, %dma_wait3A_408] : memref<50x128xi32, #tpu.memory_space<vmem>> -> memref<1x128xi32, #tpu.memory_space<vmem>>
    %dma_wait3A_410 = tpu.memref_squeeze %dma_wait3A_409 : memref<1x128xi32, #tpu.memory_space<vmem>> -> memref<128xi32, #tpu.memory_space<vmem>>
    %dma_wait3A_411 = arith.constant 0 : i32
    %dma_wait3A_412 = arith.constant 0 : i32
    %dma_wait3A_413 = tpu.memref_slice %arg3[%dma_wait3A_411, %dma_wait3A_412] : memref<1000000x64xf32, #tpu.memory_space<hbm>> -> memref<1000000x64xf32, #tpu.memory_space<hbm>>
    tpu.wait_indirect_dma semaphore(%arg7 : memref<!tpu.dma_semaphore, #tpu.memory_space<semaphore_mem>>) src(%dma_wait3A_413 : memref<1000000x64xf32, #tpu.memory_space<hbm>>) dst(%dma_wait3A_407 : memref<128x64xf32, #tpu.memory_space<vmem>>)
    %add3A_414 = arith.constant 1792 : i32
    %add3A_415 = arith.addi %mul3A_2, %add3A_414 : i32
    %run_scoped3A_416 = arith.constant 0 : i32
    "tpu.region"() ({
      %run_scoped3A_1350 = tpu.sem_alloc : memref<!tpu.dma_semaphore, #tpu.memory_space<semaphore_mem>>
      %dma_start3A_1351 = arith.constant 0 : i32
      %dma_start3A_1352 = arith.constant 0 : i32
      %dma_start3A_1353 = tpu.memref_slice %arg6[%run_scoped3A_416, %dma_start3A_1351, %dma_start3A_1352] : memref<2x128x64xf32, #tpu.memory_space<vmem>> -> memref<1x128x64xf32, #tpu.memory_space<vmem>>
      %dma_start3A_1354 = tpu.memref_squeeze %dma_start3A_1353 : memref<1x128x64xf32, #tpu.memory_space<vmem>> -> memref<128x64xf32, #tpu.memory_space<vmem>>
      %dma_start3A_1355 = arith.constant 0 : i32
      %dma_start3A_1356 = tpu.memref_slice %arg4[%add3A_415, %dma_start3A_1355] : memref<204800x64xf32, #tpu.memory_space<hbm>> -> memref<128x64xf32, #tpu.memory_space<hbm>>
      %dma_start3A_1357 = arith.constant 0 : i32
      %dma_start3A_1358 = tpu.memref_slice %arg4[%add3A_415, %dma_start3A_1357] : memref<204800x64xf32, #tpu.memory_space<hbm>> -> memref<128x64xf32, #tpu.memory_space<hbm>>
      %dma_start3A_1359 = arith.constant 0 : i32
      %dma_start3A_1360 = arith.constant 0 : i32
      %dma_start3A_1361 = tpu.memref_slice %arg6[%run_scoped3A_416, %dma_start3A_1359, %dma_start3A_1360] : memref<2x128x64xf32, #tpu.memory_space<vmem>> -> memref<1x128x64xf32, #tpu.memory_space<vmem>>
      %dma_start3A_1362 = tpu.memref_squeeze %dma_start3A_1361 : memref<1x128x64xf32, #tpu.memory_space<vmem>> -> memref<128x64xf32, #tpu.memory_space<vmem>>
      tpu.enqueue_dma source(%dma_start3A_1362 : memref<128x64xf32, #tpu.memory_space<vmem>>) target(%dma_start3A_1358 : memref<128x64xf32, #tpu.memory_space<hbm>>) target_semaphore(%run_scoped3A_1350 : memref<!tpu.dma_semaphore, #tpu.memory_space<semaphore_mem>>)
      %dma_wait3A_1363 = arith.constant 0 : i32
      %dma_wait3A_1364 = arith.constant 0 : i32
      %dma_wait3A_1365 = tpu.memref_slice %arg6[%run_scoped3A_416, %dma_wait3A_1363, %dma_wait3A_1364] : memref<2x128x64xf32, #tpu.memory_space<vmem>> -> memref<1x128x64xf32, #tpu.memory_space<vmem>>
      %dma_wait3A_1366 = tpu.memref_squeeze %dma_wait3A_1365 : memref<1x128x64xf32, #tpu.memory_space<vmem>> -> memref<128x64xf32, #tpu.memory_space<vmem>>
      %dma_wait3A_1367 = arith.constant 0 : i32
      %dma_wait3A_1368 = tpu.memref_slice %arg4[%add3A_415, %dma_wait3A_1367] : memref<204800x64xf32, #tpu.memory_space<hbm>> -> memref<128x64xf32, #tpu.memory_space<hbm>>
      %dma_wait3A_1369 = arith.constant 0 : i32
      %dma_wait3A_1370 = tpu.memref_slice %arg4[%add3A_415, %dma_wait3A_1369] : memref<204800x64xf32, #tpu.memory_space<hbm>> -> memref<128x64xf32, #tpu.memory_space<hbm>>
      %dma_wait3A_1371 = arith.constant 0 : i32
      %dma_wait3A_1372 = arith.constant 0 : i32
      %dma_wait3A_1373 = tpu.memref_slice %arg6[%run_scoped3A_416, %dma_wait3A_1371, %dma_wait3A_1372] : memref<2x128x64xf32, #tpu.memory_space<vmem>> -> memref<1x128x64xf32, #tpu.memory_space<vmem>>
      %dma_wait3A_1374 = tpu.memref_squeeze %dma_wait3A_1373 : memref<1x128x64xf32, #tpu.memory_space<vmem>> -> memref<128x64xf32, #tpu.memory_space<vmem>>
      tpu.wait_dma2 semaphore(%run_scoped3A_1350 : memref<!tpu.dma_semaphore, #tpu.memory_space<semaphore_mem>>) src(%dma_wait3A_1374 : memref<128x64xf32, #tpu.memory_space<vmem>>) dst(%dma_wait3A_1370 : memref<128x64xf32, #tpu.memory_space<hbm>>)
      tpu.yield
    }) : () -> ()
    %dma_start3A_417 = arith.constant 16 : i32
    %dma_start3A_418 = arith.constant 0 : i32
    %dma_start3A_419 = arith.constant 0 : i32
    %dma_start3A_420 = arith.constant 0 : i32
    %dma_start3A_421 = tpu.memref_slice %arg6[%dma_start3A_418, %dma_start3A_419, %dma_start3A_420] : memref<2x128x64xf32, #tpu.memory_space<vmem>> -> memref<1x128x64xf32, #tpu.memory_space<vmem>>
    %dma_start3A_422 = tpu.memref_squeeze %dma_start3A_421 : memref<1x128x64xf32, #tpu.memory_space<vmem>> -> memref<128x64xf32, #tpu.memory_space<vmem>>
    %dma_start3A_423 = arith.constant 0 : i32
    %dma_start3A_424 = tpu.memref_slice %arg5[%dma_start3A_417, %dma_start3A_423] : memref<50x128xi32, #tpu.memory_space<vmem>> -> memref<1x128xi32, #tpu.memory_space<vmem>>
    %dma_start3A_425 = tpu.memref_squeeze %dma_start3A_424 : memref<1x128xi32, #tpu.memory_space<vmem>> -> memref<128xi32, #tpu.memory_space<vmem>>
    %dma_start3A_426 = arith.constant 0 : i32
    %dma_start3A_427 = arith.constant 0 : i32
    %dma_start3A_428 = tpu.memref_slice %arg3[%dma_start3A_426, %dma_start3A_427] : memref<1000000x64xf32, #tpu.memory_space<hbm>> -> memref<1000000x64xf32, #tpu.memory_space<hbm>>
    tpu.enqueue_indirect_dma source(%dma_start3A_428 : memref<1000000x64xf32, #tpu.memory_space<hbm>>) target(%dma_start3A_422 : memref<128x64xf32, #tpu.memory_space<vmem>>) offsets(%dma_start3A_425 : memref<128xi32, #tpu.memory_space<vmem>>) semaphore(%arg7 : memref<!tpu.dma_semaphore, #tpu.memory_space<semaphore_mem>>)
    %dma_wait3A_429 = arith.constant 15 : i32
    %dma_wait3A_430 = arith.constant 1 : i32
    %dma_wait3A_431 = arith.constant 0 : i32
    %dma_wait3A_432 = arith.constant 0 : i32
    %dma_wait3A_433 = tpu.memref_slice %arg6[%dma_wait3A_430, %dma_wait3A_431, %dma_wait3A_432] : memref<2x128x64xf32, #tpu.memory_space<vmem>> -> memref<1x128x64xf32, #tpu.memory_space<vmem>>
    %dma_wait3A_434 = tpu.memref_squeeze %dma_wait3A_433 : memref<1x128x64xf32, #tpu.memory_space<vmem>> -> memref<128x64xf32, #tpu.memory_space<vmem>>
    %dma_wait3A_435 = arith.constant 0 : i32
    %dma_wait3A_436 = tpu.memref_slice %arg5[%dma_wait3A_429, %dma_wait3A_435] : memref<50x128xi32, #tpu.memory_space<vmem>> -> memref<1x128xi32, #tpu.memory_space<vmem>>
    %dma_wait3A_437 = tpu.memref_squeeze %dma_wait3A_436 : memref<1x128xi32, #tpu.memory_space<vmem>> -> memref<128xi32, #tpu.memory_space<vmem>>
    %dma_wait3A_438 = arith.constant 0 : i32
    %dma_wait3A_439 = arith.constant 0 : i32
    %dma_wait3A_440 = tpu.memref_slice %arg3[%dma_wait3A_438, %dma_wait3A_439] : memref<1000000x64xf32, #tpu.memory_space<hbm>> -> memref<1000000x64xf32, #tpu.memory_space<hbm>>
    tpu.wait_indirect_dma semaphore(%arg8 : memref<!tpu.dma_semaphore, #tpu.memory_space<semaphore_mem>>) src(%dma_wait3A_440 : memref<1000000x64xf32, #tpu.memory_space<hbm>>) dst(%dma_wait3A_434 : memref<128x64xf32, #tpu.memory_space<vmem>>)
    %add3A_441 = arith.constant 1920 : i32
    %add3A_442 = arith.addi %mul3A_2, %add3A_441 : i32
    %run_scoped3A_443 = arith.constant 1 : i32
    "tpu.region"() ({
      %run_scoped3A_1350 = tpu.sem_alloc : memref<!tpu.dma_semaphore, #tpu.memory_space<semaphore_mem>>
      %dma_start3A_1351 = arith.constant 0 : i32
      %dma_start3A_1352 = arith.constant 0 : i32
      %dma_start3A_1353 = tpu.memref_slice %arg6[%run_scoped3A_443, %dma_start3A_1351, %dma_start3A_1352] : memref<2x128x64xf32, #tpu.memory_space<vmem>> -> memref<1x128x64xf32, #tpu.memory_space<vmem>>
      %dma_start3A_1354 = tpu.memref_squeeze %dma_start3A_1353 : memref<1x128x64xf32, #tpu.memory_space<vmem>> -> memref<128x64xf32, #tpu.memory_space<vmem>>
      %dma_start3A_1355 = arith.constant 0 : i32
      %dma_start3A_1356 = tpu.memref_slice %arg4[%add3A_442, %dma_start3A_1355] : memref<204800x64xf32, #tpu.memory_space<hbm>> -> memref<128x64xf32, #tpu.memory_space<hbm>>
      %dma_start3A_1357 = arith.constant 0 : i32
      %dma_start3A_1358 = tpu.memref_slice %arg4[%add3A_442, %dma_start3A_1357] : memref<204800x64xf32, #tpu.memory_space<hbm>> -> memref<128x64xf32, #tpu.memory_space<hbm>>
      %dma_start3A_1359 = arith.constant 0 : i32
      %dma_start3A_1360 = arith.constant 0 : i32
      %dma_start3A_1361 = tpu.memref_slice %arg6[%run_scoped3A_443, %dma_start3A_1359, %dma_start3A_1360] : memref<2x128x64xf32, #tpu.memory_space<vmem>> -> memref<1x128x64xf32, #tpu.memory_space<vmem>>
      %dma_start3A_1362 = tpu.memref_squeeze %dma_start3A_1361 : memref<1x128x64xf32, #tpu.memory_space<vmem>> -> memref<128x64xf32, #tpu.memory_space<vmem>>
      tpu.enqueue_dma source(%dma_start3A_1362 : memref<128x64xf32, #tpu.memory_space<vmem>>) target(%dma_start3A_1358 : memref<128x64xf32, #tpu.memory_space<hbm>>) target_semaphore(%run_scoped3A_1350 : memref<!tpu.dma_semaphore, #tpu.memory_space<semaphore_mem>>)
      %dma_wait3A_1363 = arith.constant 0 : i32
      %dma_wait3A_1364 = arith.constant 0 : i32
      %dma_wait3A_1365 = tpu.memref_slice %arg6[%run_scoped3A_443, %dma_wait3A_1363, %dma_wait3A_1364] : memref<2x128x64xf32, #tpu.memory_space<vmem>> -> memref<1x128x64xf32, #tpu.memory_space<vmem>>
      %dma_wait3A_1366 = tpu.memref_squeeze %dma_wait3A_1365 : memref<1x128x64xf32, #tpu.memory_space<vmem>> -> memref<128x64xf32, #tpu.memory_space<vmem>>
      %dma_wait3A_1367 = arith.constant 0 : i32
      %dma_wait3A_1368 = tpu.memref_slice %arg4[%add3A_442, %dma_wait3A_1367] : memref<204800x64xf32, #tpu.memory_space<hbm>> -> memref<128x64xf32, #tpu.memory_space<hbm>>
      %dma_wait3A_1369 = arith.constant 0 : i32
      %dma_wait3A_1370 = tpu.memref_slice %arg4[%add3A_442, %dma_wait3A_1369] : memref<204800x64xf32, #tpu.memory_space<hbm>> -> memref<128x64xf32, #tpu.memory_space<hbm>>
      %dma_wait3A_1371 = arith.constant 0 : i32
      %dma_wait3A_1372 = arith.constant 0 : i32
      %dma_wait3A_1373 = tpu.memref_slice %arg6[%run_scoped3A_443, %dma_wait3A_1371, %dma_wait3A_1372] : memref<2x128x64xf32, #tpu.memory_space<vmem>> -> memref<1x128x64xf32, #tpu.memory_space<vmem>>
      %dma_wait3A_1374 = tpu.memref_squeeze %dma_wait3A_1373 : memref<1x128x64xf32, #tpu.memory_space<vmem>> -> memref<128x64xf32, #tpu.memory_space<vmem>>
      tpu.wait_dma2 semaphore(%run_scoped3A_1350 : memref<!tpu.dma_semaphore, #tpu.memory_space<semaphore_mem>>) src(%dma_wait3A_1374 : memref<128x64xf32, #tpu.memory_space<vmem>>) dst(%dma_wait3A_1370 : memref<128x64xf32, #tpu.memory_space<hbm>>)
      tpu.yield
    }) : () -> ()
    %dma_start3A_444 = arith.constant 17 : i32
    %dma_start3A_445 = arith.constant 1 : i32
    %dma_start3A_446 = arith.constant 0 : i32
    %dma_start3A_447 = arith.constant 0 : i32
    %dma_start3A_448 = tpu.memref_slice %arg6[%dma_start3A_445, %dma_start3A_446, %dma_start3A_447] : memref<2x128x64xf32, #tpu.memory_space<vmem>> -> memref<1x128x64xf32, #tpu.memory_space<vmem>>
    %dma_start3A_449 = tpu.memref_squeeze %dma_start3A_448 : memref<1x128x64xf32, #tpu.memory_space<vmem>> -> memref<128x64xf32, #tpu.memory_space<vmem>>
    %dma_start3A_450 = arith.constant 0 : i32
    %dma_start3A_451 = tpu.memref_slice %arg5[%dma_start3A_444, %dma_start3A_450] : memref<50x128xi32, #tpu.memory_space<vmem>> -> memref<1x128xi32, #tpu.memory_space<vmem>>
    %dma_start3A_452 = tpu.memref_squeeze %dma_start3A_451 : memref<1x128xi32, #tpu.memory_space<vmem>> -> memref<128xi32, #tpu.memory_space<vmem>>
    %dma_start3A_453 = arith.constant 0 : i32
    %dma_start3A_454 = arith.constant 0 : i32
    %dma_start3A_455 = tpu.memref_slice %arg3[%dma_start3A_453, %dma_start3A_454] : memref<1000000x64xf32, #tpu.memory_space<hbm>> -> memref<1000000x64xf32, #tpu.memory_space<hbm>>
    tpu.enqueue_indirect_dma source(%dma_start3A_455 : memref<1000000x64xf32, #tpu.memory_space<hbm>>) target(%dma_start3A_449 : memref<128x64xf32, #tpu.memory_space<vmem>>) offsets(%dma_start3A_452 : memref<128xi32, #tpu.memory_space<vmem>>) semaphore(%arg8 : memref<!tpu.dma_semaphore, #tpu.memory_space<semaphore_mem>>)
    %dma_wait3A_456 = arith.constant 16 : i32
    %dma_wait3A_457 = arith.constant 0 : i32
    %dma_wait3A_458 = arith.constant 0 : i32
    %dma_wait3A_459 = arith.constant 0 : i32
    %dma_wait3A_460 = tpu.memref_slice %arg6[%dma_wait3A_457, %dma_wait3A_458, %dma_wait3A_459] : memref<2x128x64xf32, #tpu.memory_space<vmem>> -> memref<1x128x64xf32, #tpu.memory_space<vmem>>
    %dma_wait3A_461 = tpu.memref_squeeze %dma_wait3A_460 : memref<1x128x64xf32, #tpu.memory_space<vmem>> -> memref<128x64xf32, #tpu.memory_space<vmem>>
    %dma_wait3A_462 = arith.constant 0 : i32
    %dma_wait3A_463 = tpu.memref_slice %arg5[%dma_wait3A_456, %dma_wait3A_462] : memref<50x128xi32, #tpu.memory_space<vmem>> -> memref<1x128xi32, #tpu.memory_space<vmem>>
    %dma_wait3A_464 = tpu.memref_squeeze %dma_wait3A_463 : memref<1x128xi32, #tpu.memory_space<vmem>> -> memref<128xi32, #tpu.memory_space<vmem>>
    %dma_wait3A_465 = arith.constant 0 : i32
    %dma_wait3A_466 = arith.constant 0 : i32
    %dma_wait3A_467 = tpu.memref_slice %arg3[%dma_wait3A_465, %dma_wait3A_466] : memref<1000000x64xf32, #tpu.memory_space<hbm>> -> memref<1000000x64xf32, #tpu.memory_space<hbm>>
    tpu.wait_indirect_dma semaphore(%arg7 : memref<!tpu.dma_semaphore, #tpu.memory_space<semaphore_mem>>) src(%dma_wait3A_467 : memref<1000000x64xf32, #tpu.memory_space<hbm>>) dst(%dma_wait3A_461 : memref<128x64xf32, #tpu.memory_space<vmem>>)
    %add3A_468 = arith.constant 2048 : i32
    %add3A_469 = arith.addi %mul3A_2, %add3A_468 : i32
    %run_scoped3A_470 = arith.constant 0 : i32
    "tpu.region"() ({
      %run_scoped3A_1350 = tpu.sem_alloc : memref<!tpu.dma_semaphore, #tpu.memory_space<semaphore_mem>>
      %dma_start3A_1351 = arith.constant 0 : i32
      %dma_start3A_1352 = arith.constant 0 : i32
      %dma_start3A_1353 = tpu.memref_slice %arg6[%run_scoped3A_470, %dma_start3A_1351, %dma_start3A_1352] : memref<2x128x64xf32, #tpu.memory_space<vmem>> -> memref<1x128x64xf32, #tpu.memory_space<vmem>>
      %dma_start3A_1354 = tpu.memref_squeeze %dma_start3A_1353 : memref<1x128x64xf32, #tpu.memory_space<vmem>> -> memref<128x64xf32, #tpu.memory_space<vmem>>
      %dma_start3A_1355 = arith.constant 0 : i32
      %dma_start3A_1356 = tpu.memref_slice %arg4[%add3A_469, %dma_start3A_1355] : memref<204800x64xf32, #tpu.memory_space<hbm>> -> memref<128x64xf32, #tpu.memory_space<hbm>>
      %dma_start3A_1357 = arith.constant 0 : i32
      %dma_start3A_1358 = tpu.memref_slice %arg4[%add3A_469, %dma_start3A_1357] : memref<204800x64xf32, #tpu.memory_space<hbm>> -> memref<128x64xf32, #tpu.memory_space<hbm>>
      %dma_start3A_1359 = arith.constant 0 : i32
      %dma_start3A_1360 = arith.constant 0 : i32
      %dma_start3A_1361 = tpu.memref_slice %arg6[%run_scoped3A_470, %dma_start3A_1359, %dma_start3A_1360] : memref<2x128x64xf32, #tpu.memory_space<vmem>> -> memref<1x128x64xf32, #tpu.memory_space<vmem>>
      %dma_start3A_1362 = tpu.memref_squeeze %dma_start3A_1361 : memref<1x128x64xf32, #tpu.memory_space<vmem>> -> memref<128x64xf32, #tpu.memory_space<vmem>>
      tpu.enqueue_dma source(%dma_start3A_1362 : memref<128x64xf32, #tpu.memory_space<vmem>>) target(%dma_start3A_1358 : memref<128x64xf32, #tpu.memory_space<hbm>>) target_semaphore(%run_scoped3A_1350 : memref<!tpu.dma_semaphore, #tpu.memory_space<semaphore_mem>>)
      %dma_wait3A_1363 = arith.constant 0 : i32
      %dma_wait3A_1364 = arith.constant 0 : i32
      %dma_wait3A_1365 = tpu.memref_slice %arg6[%run_scoped3A_470, %dma_wait3A_1363, %dma_wait3A_1364] : memref<2x128x64xf32, #tpu.memory_space<vmem>> -> memref<1x128x64xf32, #tpu.memory_space<vmem>>
      %dma_wait3A_1366 = tpu.memref_squeeze %dma_wait3A_1365 : memref<1x128x64xf32, #tpu.memory_space<vmem>> -> memref<128x64xf32, #tpu.memory_space<vmem>>
      %dma_wait3A_1367 = arith.constant 0 : i32
      %dma_wait3A_1368 = tpu.memref_slice %arg4[%add3A_469, %dma_wait3A_1367] : memref<204800x64xf32, #tpu.memory_space<hbm>> -> memref<128x64xf32, #tpu.memory_space<hbm>>
      %dma_wait3A_1369 = arith.constant 0 : i32
      %dma_wait3A_1370 = tpu.memref_slice %arg4[%add3A_469, %dma_wait3A_1369] : memref<204800x64xf32, #tpu.memory_space<hbm>> -> memref<128x64xf32, #tpu.memory_space<hbm>>
      %dma_wait3A_1371 = arith.constant 0 : i32
      %dma_wait3A_1372 = arith.constant 0 : i32
      %dma_wait3A_1373 = tpu.memref_slice %arg6[%run_scoped3A_470, %dma_wait3A_1371, %dma_wait3A_1372] : memref<2x128x64xf32, #tpu.memory_space<vmem>> -> memref<1x128x64xf32, #tpu.memory_space<vmem>>
      %dma_wait3A_1374 = tpu.memref_squeeze %dma_wait3A_1373 : memref<1x128x64xf32, #tpu.memory_space<vmem>> -> memref<128x64xf32, #tpu.memory_space<vmem>>
      tpu.wait_dma2 semaphore(%run_scoped3A_1350 : memref<!tpu.dma_semaphore, #tpu.memory_space<semaphore_mem>>) src(%dma_wait3A_1374 : memref<128x64xf32, #tpu.memory_space<vmem>>) dst(%dma_wait3A_1370 : memref<128x64xf32, #tpu.memory_space<hbm>>)
      tpu.yield
    }) : () -> ()
    %dma_start3A_471 = arith.constant 18 : i32
    %dma_start3A_472 = arith.constant 0 : i32
    %dma_start3A_473 = arith.constant 0 : i32
    %dma_start3A_474 = arith.constant 0 : i32
    %dma_start3A_475 = tpu.memref_slice %arg6[%dma_start3A_472, %dma_start3A_473, %dma_start3A_474] : memref<2x128x64xf32, #tpu.memory_space<vmem>> -> memref<1x128x64xf32, #tpu.memory_space<vmem>>
    %dma_start3A_476 = tpu.memref_squeeze %dma_start3A_475 : memref<1x128x64xf32, #tpu.memory_space<vmem>> -> memref<128x64xf32, #tpu.memory_space<vmem>>
    %dma_start3A_477 = arith.constant 0 : i32
    %dma_start3A_478 = tpu.memref_slice %arg5[%dma_start3A_471, %dma_start3A_477] : memref<50x128xi32, #tpu.memory_space<vmem>> -> memref<1x128xi32, #tpu.memory_space<vmem>>
    %dma_start3A_479 = tpu.memref_squeeze %dma_start3A_478 : memref<1x128xi32, #tpu.memory_space<vmem>> -> memref<128xi32, #tpu.memory_space<vmem>>
    %dma_start3A_480 = arith.constant 0 : i32
    %dma_start3A_481 = arith.constant 0 : i32
    %dma_start3A_482 = tpu.memref_slice %arg3[%dma_start3A_480, %dma_start3A_481] : memref<1000000x64xf32, #tpu.memory_space<hbm>> -> memref<1000000x64xf32, #tpu.memory_space<hbm>>
    tpu.enqueue_indirect_dma source(%dma_start3A_482 : memref<1000000x64xf32, #tpu.memory_space<hbm>>) target(%dma_start3A_476 : memref<128x64xf32, #tpu.memory_space<vmem>>) offsets(%dma_start3A_479 : memref<128xi32, #tpu.memory_space<vmem>>) semaphore(%arg7 : memref<!tpu.dma_semaphore, #tpu.memory_space<semaphore_mem>>)
    %dma_wait3A_483 = arith.constant 17 : i32
    %dma_wait3A_484 = arith.constant 1 : i32
    %dma_wait3A_485 = arith.constant 0 : i32
    %dma_wait3A_486 = arith.constant 0 : i32
    %dma_wait3A_487 = tpu.memref_slice %arg6[%dma_wait3A_484, %dma_wait3A_485, %dma_wait3A_486] : memref<2x128x64xf32, #tpu.memory_space<vmem>> -> memref<1x128x64xf32, #tpu.memory_space<vmem>>
    %dma_wait3A_488 = tpu.memref_squeeze %dma_wait3A_487 : memref<1x128x64xf32, #tpu.memory_space<vmem>> -> memref<128x64xf32, #tpu.memory_space<vmem>>
    %dma_wait3A_489 = arith.constant 0 : i32
    %dma_wait3A_490 = tpu.memref_slice %arg5[%dma_wait3A_483, %dma_wait3A_489] : memref<50x128xi32, #tpu.memory_space<vmem>> -> memref<1x128xi32, #tpu.memory_space<vmem>>
    %dma_wait3A_491 = tpu.memref_squeeze %dma_wait3A_490 : memref<1x128xi32, #tpu.memory_space<vmem>> -> memref<128xi32, #tpu.memory_space<vmem>>
    %dma_wait3A_492 = arith.constant 0 : i32
    %dma_wait3A_493 = arith.constant 0 : i32
    %dma_wait3A_494 = tpu.memref_slice %arg3[%dma_wait3A_492, %dma_wait3A_493] : memref<1000000x64xf32, #tpu.memory_space<hbm>> -> memref<1000000x64xf32, #tpu.memory_space<hbm>>
    tpu.wait_indirect_dma semaphore(%arg8 : memref<!tpu.dma_semaphore, #tpu.memory_space<semaphore_mem>>) src(%dma_wait3A_494 : memref<1000000x64xf32, #tpu.memory_space<hbm>>) dst(%dma_wait3A_488 : memref<128x64xf32, #tpu.memory_space<vmem>>)
    %add3A_495 = arith.constant 2176 : i32
    %add3A_496 = arith.addi %mul3A_2, %add3A_495 : i32
    %run_scoped3A_497 = arith.constant 1 : i32
    "tpu.region"() ({
      %run_scoped3A_1350 = tpu.sem_alloc : memref<!tpu.dma_semaphore, #tpu.memory_space<semaphore_mem>>
      %dma_start3A_1351 = arith.constant 0 : i32
      %dma_start3A_1352 = arith.constant 0 : i32
      %dma_start3A_1353 = tpu.memref_slice %arg6[%run_scoped3A_497, %dma_start3A_1351, %dma_start3A_1352] : memref<2x128x64xf32, #tpu.memory_space<vmem>> -> memref<1x128x64xf32, #tpu.memory_space<vmem>>
      %dma_start3A_1354 = tpu.memref_squeeze %dma_start3A_1353 : memref<1x128x64xf32, #tpu.memory_space<vmem>> -> memref<128x64xf32, #tpu.memory_space<vmem>>
      %dma_start3A_1355 = arith.constant 0 : i32
      %dma_start3A_1356 = tpu.memref_slice %arg4[%add3A_496, %dma_start3A_1355] : memref<204800x64xf32, #tpu.memory_space<hbm>> -> memref<128x64xf32, #tpu.memory_space<hbm>>
      %dma_start3A_1357 = arith.constant 0 : i32
      %dma_start3A_1358 = tpu.memref_slice %arg4[%add3A_496, %dma_start3A_1357] : memref<204800x64xf32, #tpu.memory_space<hbm>> -> memref<128x64xf32, #tpu.memory_space<hbm>>
      %dma_start3A_1359 = arith.constant 0 : i32
      %dma_start3A_1360 = arith.constant 0 : i32
      %dma_start3A_1361 = tpu.memref_slice %arg6[%run_scoped3A_497, %dma_start3A_1359, %dma_start3A_1360] : memref<2x128x64xf32, #tpu.memory_space<vmem>> -> memref<1x128x64xf32, #tpu.memory_space<vmem>>
      %dma_start3A_1362 = tpu.memref_squeeze %dma_start3A_1361 : memref<1x128x64xf32, #tpu.memory_space<vmem>> -> memref<128x64xf32, #tpu.memory_space<vmem>>
      tpu.enqueue_dma source(%dma_start3A_1362 : memref<128x64xf32, #tpu.memory_space<vmem>>) target(%dma_start3A_1358 : memref<128x64xf32, #tpu.memory_space<hbm>>) target_semaphore(%run_scoped3A_1350 : memref<!tpu.dma_semaphore, #tpu.memory_space<semaphore_mem>>)
      %dma_wait3A_1363 = arith.constant 0 : i32
      %dma_wait3A_1364 = arith.constant 0 : i32
      %dma_wait3A_1365 = tpu.memref_slice %arg6[%run_scoped3A_497, %dma_wait3A_1363, %dma_wait3A_1364] : memref<2x128x64xf32, #tpu.memory_space<vmem>> -> memref<1x128x64xf32, #tpu.memory_space<vmem>>
      %dma_wait3A_1366 = tpu.memref_squeeze %dma_wait3A_1365 : memref<1x128x64xf32, #tpu.memory_space<vmem>> -> memref<128x64xf32, #tpu.memory_space<vmem>>
      %dma_wait3A_1367 = arith.constant 0 : i32
      %dma_wait3A_1368 = tpu.memref_slice %arg4[%add3A_496, %dma_wait3A_1367] : memref<204800x64xf32, #tpu.memory_space<hbm>> -> memref<128x64xf32, #tpu.memory_space<hbm>>
      %dma_wait3A_1369 = arith.constant 0 : i32
      %dma_wait3A_1370 = tpu.memref_slice %arg4[%add3A_496, %dma_wait3A_1369] : memref<204800x64xf32, #tpu.memory_space<hbm>> -> memref<128x64xf32, #tpu.memory_space<hbm>>
      %dma_wait3A_1371 = arith.constant 0 : i32
      %dma_wait3A_1372 = arith.constant 0 : i32
      %dma_wait3A_1373 = tpu.memref_slice %arg6[%run_scoped3A_497, %dma_wait3A_1371, %dma_wait3A_1372] : memref<2x128x64xf32, #tpu.memory_space<vmem>> -> memref<1x128x64xf32, #tpu.memory_space<vmem>>
      %dma_wait3A_1374 = tpu.memref_squeeze %dma_wait3A_1373 : memref<1x128x64xf32, #tpu.memory_space<vmem>> -> memref<128x64xf32, #tpu.memory_space<vmem>>
      tpu.wait_dma2 semaphore(%run_scoped3A_1350 : memref<!tpu.dma_semaphore, #tpu.memory_space<semaphore_mem>>) src(%dma_wait3A_1374 : memref<128x64xf32, #tpu.memory_space<vmem>>) dst(%dma_wait3A_1370 : memref<128x64xf32, #tpu.memory_space<hbm>>)
      tpu.yield
    }) : () -> ()
    %dma_start3A_498 = arith.constant 19 : i32
    %dma_start3A_499 = arith.constant 1 : i32
    %dma_start3A_500 = arith.constant 0 : i32
    %dma_start3A_501 = arith.constant 0 : i32
    %dma_start3A_502 = tpu.memref_slice %arg6[%dma_start3A_499, %dma_start3A_500, %dma_start3A_501] : memref<2x128x64xf32, #tpu.memory_space<vmem>> -> memref<1x128x64xf32, #tpu.memory_space<vmem>>
    %dma_start3A_503 = tpu.memref_squeeze %dma_start3A_502 : memref<1x128x64xf32, #tpu.memory_space<vmem>> -> memref<128x64xf32, #tpu.memory_space<vmem>>
    %dma_start3A_504 = arith.constant 0 : i32
    %dma_start3A_505 = tpu.memref_slice %arg5[%dma_start3A_498, %dma_start3A_504] : memref<50x128xi32, #tpu.memory_space<vmem>> -> memref<1x128xi32, #tpu.memory_space<vmem>>
    %dma_start3A_506 = tpu.memref_squeeze %dma_start3A_505 : memref<1x128xi32, #tpu.memory_space<vmem>> -> memref<128xi32, #tpu.memory_space<vmem>>
    %dma_start3A_507 = arith.constant 0 : i32
    %dma_start3A_508 = arith.constant 0 : i32
    %dma_start3A_509 = tpu.memref_slice %arg3[%dma_start3A_507, %dma_start3A_508] : memref<1000000x64xf32, #tpu.memory_space<hbm>> -> memref<1000000x64xf32, #tpu.memory_space<hbm>>
    tpu.enqueue_indirect_dma source(%dma_start3A_509 : memref<1000000x64xf32, #tpu.memory_space<hbm>>) target(%dma_start3A_503 : memref<128x64xf32, #tpu.memory_space<vmem>>) offsets(%dma_start3A_506 : memref<128xi32, #tpu.memory_space<vmem>>) semaphore(%arg8 : memref<!tpu.dma_semaphore, #tpu.memory_space<semaphore_mem>>)
    %dma_wait3A_510 = arith.constant 18 : i32
    %dma_wait3A_511 = arith.constant 0 : i32
    %dma_wait3A_512 = arith.constant 0 : i32
    %dma_wait3A_513 = arith.constant 0 : i32
    %dma_wait3A_514 = tpu.memref_slice %arg6[%dma_wait3A_511, %dma_wait3A_512, %dma_wait3A_513] : memref<2x128x64xf32, #tpu.memory_space<vmem>> -> memref<1x128x64xf32, #tpu.memory_space<vmem>>
    %dma_wait3A_515 = tpu.memref_squeeze %dma_wait3A_514 : memref<1x128x64xf32, #tpu.memory_space<vmem>> -> memref<128x64xf32, #tpu.memory_space<vmem>>
    %dma_wait3A_516 = arith.constant 0 : i32
    %dma_wait3A_517 = tpu.memref_slice %arg5[%dma_wait3A_510, %dma_wait3A_516] : memref<50x128xi32, #tpu.memory_space<vmem>> -> memref<1x128xi32, #tpu.memory_space<vmem>>
    %dma_wait3A_518 = tpu.memref_squeeze %dma_wait3A_517 : memref<1x128xi32, #tpu.memory_space<vmem>> -> memref<128xi32, #tpu.memory_space<vmem>>
    %dma_wait3A_519 = arith.constant 0 : i32
    %dma_wait3A_520 = arith.constant 0 : i32
    %dma_wait3A_521 = tpu.memref_slice %arg3[%dma_wait3A_519, %dma_wait3A_520] : memref<1000000x64xf32, #tpu.memory_space<hbm>> -> memref<1000000x64xf32, #tpu.memory_space<hbm>>
    tpu.wait_indirect_dma semaphore(%arg7 : memref<!tpu.dma_semaphore, #tpu.memory_space<semaphore_mem>>) src(%dma_wait3A_521 : memref<1000000x64xf32, #tpu.memory_space<hbm>>) dst(%dma_wait3A_515 : memref<128x64xf32, #tpu.memory_space<vmem>>)
    %add3A_522 = arith.constant 2304 : i32
    %add3A_523 = arith.addi %mul3A_2, %add3A_522 : i32
    %run_scoped3A_524 = arith.constant 0 : i32
    "tpu.region"() ({
      %run_scoped3A_1350 = tpu.sem_alloc : memref<!tpu.dma_semaphore, #tpu.memory_space<semaphore_mem>>
      %dma_start3A_1351 = arith.constant 0 : i32
      %dma_start3A_1352 = arith.constant 0 : i32
      %dma_start3A_1353 = tpu.memref_slice %arg6[%run_scoped3A_524, %dma_start3A_1351, %dma_start3A_1352] : memref<2x128x64xf32, #tpu.memory_space<vmem>> -> memref<1x128x64xf32, #tpu.memory_space<vmem>>
      %dma_start3A_1354 = tpu.memref_squeeze %dma_start3A_1353 : memref<1x128x64xf32, #tpu.memory_space<vmem>> -> memref<128x64xf32, #tpu.memory_space<vmem>>
      %dma_start3A_1355 = arith.constant 0 : i32
      %dma_start3A_1356 = tpu.memref_slice %arg4[%add3A_523, %dma_start3A_1355] : memref<204800x64xf32, #tpu.memory_space<hbm>> -> memref<128x64xf32, #tpu.memory_space<hbm>>
      %dma_start3A_1357 = arith.constant 0 : i32
      %dma_start3A_1358 = tpu.memref_slice %arg4[%add3A_523, %dma_start3A_1357] : memref<204800x64xf32, #tpu.memory_space<hbm>> -> memref<128x64xf32, #tpu.memory_space<hbm>>
      %dma_start3A_1359 = arith.constant 0 : i32
      %dma_start3A_1360 = arith.constant 0 : i32
      %dma_start3A_1361 = tpu.memref_slice %arg6[%run_scoped3A_524, %dma_start3A_1359, %dma_start3A_1360] : memref<2x128x64xf32, #tpu.memory_space<vmem>> -> memref<1x128x64xf32, #tpu.memory_space<vmem>>
      %dma_start3A_1362 = tpu.memref_squeeze %dma_start3A_1361 : memref<1x128x64xf32, #tpu.memory_space<vmem>> -> memref<128x64xf32, #tpu.memory_space<vmem>>
      tpu.enqueue_dma source(%dma_start3A_1362 : memref<128x64xf32, #tpu.memory_space<vmem>>) target(%dma_start3A_1358 : memref<128x64xf32, #tpu.memory_space<hbm>>) target_semaphore(%run_scoped3A_1350 : memref<!tpu.dma_semaphore, #tpu.memory_space<semaphore_mem>>)
      %dma_wait3A_1363 = arith.constant 0 : i32
      %dma_wait3A_1364 = arith.constant 0 : i32
      %dma_wait3A_1365 = tpu.memref_slice %arg6[%run_scoped3A_524, %dma_wait3A_1363, %dma_wait3A_1364] : memref<2x128x64xf32, #tpu.memory_space<vmem>> -> memref<1x128x64xf32, #tpu.memory_space<vmem>>
      %dma_wait3A_1366 = tpu.memref_squeeze %dma_wait3A_1365 : memref<1x128x64xf32, #tpu.memory_space<vmem>> -> memref<128x64xf32, #tpu.memory_space<vmem>>
      %dma_wait3A_1367 = arith.constant 0 : i32
      %dma_wait3A_1368 = tpu.memref_slice %arg4[%add3A_523, %dma_wait3A_1367] : memref<204800x64xf32, #tpu.memory_space<hbm>> -> memref<128x64xf32, #tpu.memory_space<hbm>>
      %dma_wait3A_1369 = arith.constant 0 : i32
      %dma_wait3A_1370 = tpu.memref_slice %arg4[%add3A_523, %dma_wait3A_1369] : memref<204800x64xf32, #tpu.memory_space<hbm>> -> memref<128x64xf32, #tpu.memory_space<hbm>>
      %dma_wait3A_1371 = arith.constant 0 : i32
      %dma_wait3A_1372 = arith.constant 0 : i32
      %dma_wait3A_1373 = tpu.memref_slice %arg6[%run_scoped3A_524, %dma_wait3A_1371, %dma_wait3A_1372] : memref<2x128x64xf32, #tpu.memory_space<vmem>> -> memref<1x128x64xf32, #tpu.memory_space<vmem>>
      %dma_wait3A_1374 = tpu.memref_squeeze %dma_wait3A_1373 : memref<1x128x64xf32, #tpu.memory_space<vmem>> -> memref<128x64xf32, #tpu.memory_space<vmem>>
      tpu.wait_dma2 semaphore(%run_scoped3A_1350 : memref<!tpu.dma_semaphore, #tpu.memory_space<semaphore_mem>>) src(%dma_wait3A_1374 : memref<128x64xf32, #tpu.memory_space<vmem>>) dst(%dma_wait3A_1370 : memref<128x64xf32, #tpu.memory_space<hbm>>)
      tpu.yield
    }) : () -> ()
    %dma_start3A_525 = arith.constant 20 : i32
    %dma_start3A_526 = arith.constant 0 : i32
    %dma_start3A_527 = arith.constant 0 : i32
    %dma_start3A_528 = arith.constant 0 : i32
    %dma_start3A_529 = tpu.memref_slice %arg6[%dma_start3A_526, %dma_start3A_527, %dma_start3A_528] : memref<2x128x64xf32, #tpu.memory_space<vmem>> -> memref<1x128x64xf32, #tpu.memory_space<vmem>>
    %dma_start3A_530 = tpu.memref_squeeze %dma_start3A_529 : memref<1x128x64xf32, #tpu.memory_space<vmem>> -> memref<128x64xf32, #tpu.memory_space<vmem>>
    %dma_start3A_531 = arith.constant 0 : i32
    %dma_start3A_532 = tpu.memref_slice %arg5[%dma_start3A_525, %dma_start3A_531] : memref<50x128xi32, #tpu.memory_space<vmem>> -> memref<1x128xi32, #tpu.memory_space<vmem>>
    %dma_start3A_533 = tpu.memref_squeeze %dma_start3A_532 : memref<1x128xi32, #tpu.memory_space<vmem>> -> memref<128xi32, #tpu.memory_space<vmem>>
    %dma_start3A_534 = arith.constant 0 : i32
    %dma_start3A_535 = arith.constant 0 : i32
    %dma_start3A_536 = tpu.memref_slice %arg3[%dma_start3A_534, %dma_start3A_535] : memref<1000000x64xf32, #tpu.memory_space<hbm>> -> memref<1000000x64xf32, #tpu.memory_space<hbm>>
    tpu.enqueue_indirect_dma source(%dma_start3A_536 : memref<1000000x64xf32, #tpu.memory_space<hbm>>) target(%dma_start3A_530 : memref<128x64xf32, #tpu.memory_space<vmem>>) offsets(%dma_start3A_533 : memref<128xi32, #tpu.memory_space<vmem>>) semaphore(%arg7 : memref<!tpu.dma_semaphore, #tpu.memory_space<semaphore_mem>>)
    %dma_wait3A_537 = arith.constant 19 : i32
    %dma_wait3A_538 = arith.constant 1 : i32
    %dma_wait3A_539 = arith.constant 0 : i32
    %dma_wait3A_540 = arith.constant 0 : i32
    %dma_wait3A_541 = tpu.memref_slice %arg6[%dma_wait3A_538, %dma_wait3A_539, %dma_wait3A_540] : memref<2x128x64xf32, #tpu.memory_space<vmem>> -> memref<1x128x64xf32, #tpu.memory_space<vmem>>
    %dma_wait3A_542 = tpu.memref_squeeze %dma_wait3A_541 : memref<1x128x64xf32, #tpu.memory_space<vmem>> -> memref<128x64xf32, #tpu.memory_space<vmem>>
    %dma_wait3A_543 = arith.constant 0 : i32
    %dma_wait3A_544 = tpu.memref_slice %arg5[%dma_wait3A_537, %dma_wait3A_543] : memref<50x128xi32, #tpu.memory_space<vmem>> -> memref<1x128xi32, #tpu.memory_space<vmem>>
    %dma_wait3A_545 = tpu.memref_squeeze %dma_wait3A_544 : memref<1x128xi32, #tpu.memory_space<vmem>> -> memref<128xi32, #tpu.memory_space<vmem>>
    %dma_wait3A_546 = arith.constant 0 : i32
    %dma_wait3A_547 = arith.constant 0 : i32
    %dma_wait3A_548 = tpu.memref_slice %arg3[%dma_wait3A_546, %dma_wait3A_547] : memref<1000000x64xf32, #tpu.memory_space<hbm>> -> memref<1000000x64xf32, #tpu.memory_space<hbm>>
    tpu.wait_indirect_dma semaphore(%arg8 : memref<!tpu.dma_semaphore, #tpu.memory_space<semaphore_mem>>) src(%dma_wait3A_548 : memref<1000000x64xf32, #tpu.memory_space<hbm>>) dst(%dma_wait3A_542 : memref<128x64xf32, #tpu.memory_space<vmem>>)
    %add3A_549 = arith.constant 2432 : i32
    %add3A_550 = arith.addi %mul3A_2, %add3A_549 : i32
    %run_scoped3A_551 = arith.constant 1 : i32
    "tpu.region"() ({
      %run_scoped3A_1350 = tpu.sem_alloc : memref<!tpu.dma_semaphore, #tpu.memory_space<semaphore_mem>>
      %dma_start3A_1351 = arith.constant 0 : i32
      %dma_start3A_1352 = arith.constant 0 : i32
      %dma_start3A_1353 = tpu.memref_slice %arg6[%run_scoped3A_551, %dma_start3A_1351, %dma_start3A_1352] : memref<2x128x64xf32, #tpu.memory_space<vmem>> -> memref<1x128x64xf32, #tpu.memory_space<vmem>>
      %dma_start3A_1354 = tpu.memref_squeeze %dma_start3A_1353 : memref<1x128x64xf32, #tpu.memory_space<vmem>> -> memref<128x64xf32, #tpu.memory_space<vmem>>
      %dma_start3A_1355 = arith.constant 0 : i32
      %dma_start3A_1356 = tpu.memref_slice %arg4[%add3A_550, %dma_start3A_1355] : memref<204800x64xf32, #tpu.memory_space<hbm>> -> memref<128x64xf32, #tpu.memory_space<hbm>>
      %dma_start3A_1357 = arith.constant 0 : i32
      %dma_start3A_1358 = tpu.memref_slice %arg4[%add3A_550, %dma_start3A_1357] : memref<204800x64xf32, #tpu.memory_space<hbm>> -> memref<128x64xf32, #tpu.memory_space<hbm>>
      %dma_start3A_1359 = arith.constant 0 : i32
      %dma_start3A_1360 = arith.constant 0 : i32
      %dma_start3A_1361 = tpu.memref_slice %arg6[%run_scoped3A_551, %dma_start3A_1359, %dma_start3A_1360] : memref<2x128x64xf32, #tpu.memory_space<vmem>> -> memref<1x128x64xf32, #tpu.memory_space<vmem>>
      %dma_start3A_1362 = tpu.memref_squeeze %dma_start3A_1361 : memref<1x128x64xf32, #tpu.memory_space<vmem>> -> memref<128x64xf32, #tpu.memory_space<vmem>>
      tpu.enqueue_dma source(%dma_start3A_1362 : memref<128x64xf32, #tpu.memory_space<vmem>>) target(%dma_start3A_1358 : memref<128x64xf32, #tpu.memory_space<hbm>>) target_semaphore(%run_scoped3A_1350 : memref<!tpu.dma_semaphore, #tpu.memory_space<semaphore_mem>>)
      %dma_wait3A_1363 = arith.constant 0 : i32
      %dma_wait3A_1364 = arith.constant 0 : i32
      %dma_wait3A_1365 = tpu.memref_slice %arg6[%run_scoped3A_551, %dma_wait3A_1363, %dma_wait3A_1364] : memref<2x128x64xf32, #tpu.memory_space<vmem>> -> memref<1x128x64xf32, #tpu.memory_space<vmem>>
      %dma_wait3A_1366 = tpu.memref_squeeze %dma_wait3A_1365 : memref<1x128x64xf32, #tpu.memory_space<vmem>> -> memref<128x64xf32, #tpu.memory_space<vmem>>
      %dma_wait3A_1367 = arith.constant 0 : i32
      %dma_wait3A_1368 = tpu.memref_slice %arg4[%add3A_550, %dma_wait3A_1367] : memref<204800x64xf32, #tpu.memory_space<hbm>> -> memref<128x64xf32, #tpu.memory_space<hbm>>
      %dma_wait3A_1369 = arith.constant 0 : i32
      %dma_wait3A_1370 = tpu.memref_slice %arg4[%add3A_550, %dma_wait3A_1369] : memref<204800x64xf32, #tpu.memory_space<hbm>> -> memref<128x64xf32, #tpu.memory_space<hbm>>
      %dma_wait3A_1371 = arith.constant 0 : i32
      %dma_wait3A_1372 = arith.constant 0 : i32
      %dma_wait3A_1373 = tpu.memref_slice %arg6[%run_scoped3A_551, %dma_wait3A_1371, %dma_wait3A_1372] : memref<2x128x64xf32, #tpu.memory_space<vmem>> -> memref<1x128x64xf32, #tpu.memory_space<vmem>>
      %dma_wait3A_1374 = tpu.memref_squeeze %dma_wait3A_1373 : memref<1x128x64xf32, #tpu.memory_space<vmem>> -> memref<128x64xf32, #tpu.memory_space<vmem>>
      tpu.wait_dma2 semaphore(%run_scoped3A_1350 : memref<!tpu.dma_semaphore, #tpu.memory_space<semaphore_mem>>) src(%dma_wait3A_1374 : memref<128x64xf32, #tpu.memory_space<vmem>>) dst(%dma_wait3A_1370 : memref<128x64xf32, #tpu.memory_space<hbm>>)
      tpu.yield
    }) : () -> ()
    %dma_start3A_552 = arith.constant 21 : i32
    %dma_start3A_553 = arith.constant 1 : i32
    %dma_start3A_554 = arith.constant 0 : i32
    %dma_start3A_555 = arith.constant 0 : i32
    %dma_start3A_556 = tpu.memref_slice %arg6[%dma_start3A_553, %dma_start3A_554, %dma_start3A_555] : memref<2x128x64xf32, #tpu.memory_space<vmem>> -> memref<1x128x64xf32, #tpu.memory_space<vmem>>
    %dma_start3A_557 = tpu.memref_squeeze %dma_start3A_556 : memref<1x128x64xf32, #tpu.memory_space<vmem>> -> memref<128x64xf32, #tpu.memory_space<vmem>>
    %dma_start3A_558 = arith.constant 0 : i32
    %dma_start3A_559 = tpu.memref_slice %arg5[%dma_start3A_552, %dma_start3A_558] : memref<50x128xi32, #tpu.memory_space<vmem>> -> memref<1x128xi32, #tpu.memory_space<vmem>>
    %dma_start3A_560 = tpu.memref_squeeze %dma_start3A_559 : memref<1x128xi32, #tpu.memory_space<vmem>> -> memref<128xi32, #tpu.memory_space<vmem>>
    %dma_start3A_561 = arith.constant 0 : i32
    %dma_start3A_562 = arith.constant 0 : i32
    %dma_start3A_563 = tpu.memref_slice %arg3[%dma_start3A_561, %dma_start3A_562] : memref<1000000x64xf32, #tpu.memory_space<hbm>> -> memref<1000000x64xf32, #tpu.memory_space<hbm>>
    tpu.enqueue_indirect_dma source(%dma_start3A_563 : memref<1000000x64xf32, #tpu.memory_space<hbm>>) target(%dma_start3A_557 : memref<128x64xf32, #tpu.memory_space<vmem>>) offsets(%dma_start3A_560 : memref<128xi32, #tpu.memory_space<vmem>>) semaphore(%arg8 : memref<!tpu.dma_semaphore, #tpu.memory_space<semaphore_mem>>)
    %dma_wait3A_564 = arith.constant 20 : i32
    %dma_wait3A_565 = arith.constant 0 : i32
    %dma_wait3A_566 = arith.constant 0 : i32
    %dma_wait3A_567 = arith.constant 0 : i32
    %dma_wait3A_568 = tpu.memref_slice %arg6[%dma_wait3A_565, %dma_wait3A_566, %dma_wait3A_567] : memref<2x128x64xf32, #tpu.memory_space<vmem>> -> memref<1x128x64xf32, #tpu.memory_space<vmem>>
    %dma_wait3A_569 = tpu.memref_squeeze %dma_wait3A_568 : memref<1x128x64xf32, #tpu.memory_space<vmem>> -> memref<128x64xf32, #tpu.memory_space<vmem>>
    %dma_wait3A_570 = arith.constant 0 : i32
    %dma_wait3A_571 = tpu.memref_slice %arg5[%dma_wait3A_564, %dma_wait3A_570] : memref<50x128xi32, #tpu.memory_space<vmem>> -> memref<1x128xi32, #tpu.memory_space<vmem>>
    %dma_wait3A_572 = tpu.memref_squeeze %dma_wait3A_571 : memref<1x128xi32, #tpu.memory_space<vmem>> -> memref<128xi32, #tpu.memory_space<vmem>>
    %dma_wait3A_573 = arith.constant 0 : i32
    %dma_wait3A_574 = arith.constant 0 : i32
    %dma_wait3A_575 = tpu.memref_slice %arg3[%dma_wait3A_573, %dma_wait3A_574] : memref<1000000x64xf32, #tpu.memory_space<hbm>> -> memref<1000000x64xf32, #tpu.memory_space<hbm>>
    tpu.wait_indirect_dma semaphore(%arg7 : memref<!tpu.dma_semaphore, #tpu.memory_space<semaphore_mem>>) src(%dma_wait3A_575 : memref<1000000x64xf32, #tpu.memory_space<hbm>>) dst(%dma_wait3A_569 : memref<128x64xf32, #tpu.memory_space<vmem>>)
    %add3A_576 = arith.constant 2560 : i32
    %add3A_577 = arith.addi %mul3A_2, %add3A_576 : i32
    %run_scoped3A_578 = arith.constant 0 : i32
    "tpu.region"() ({
      %run_scoped3A_1350 = tpu.sem_alloc : memref<!tpu.dma_semaphore, #tpu.memory_space<semaphore_mem>>
      %dma_start3A_1351 = arith.constant 0 : i32
      %dma_start3A_1352 = arith.constant 0 : i32
      %dma_start3A_1353 = tpu.memref_slice %arg6[%run_scoped3A_578, %dma_start3A_1351, %dma_start3A_1352] : memref<2x128x64xf32, #tpu.memory_space<vmem>> -> memref<1x128x64xf32, #tpu.memory_space<vmem>>
      %dma_start3A_1354 = tpu.memref_squeeze %dma_start3A_1353 : memref<1x128x64xf32, #tpu.memory_space<vmem>> -> memref<128x64xf32, #tpu.memory_space<vmem>>
      %dma_start3A_1355 = arith.constant 0 : i32
      %dma_start3A_1356 = tpu.memref_slice %arg4[%add3A_577, %dma_start3A_1355] : memref<204800x64xf32, #tpu.memory_space<hbm>> -> memref<128x64xf32, #tpu.memory_space<hbm>>
      %dma_start3A_1357 = arith.constant 0 : i32
      %dma_start3A_1358 = tpu.memref_slice %arg4[%add3A_577, %dma_start3A_1357] : memref<204800x64xf32, #tpu.memory_space<hbm>> -> memref<128x64xf32, #tpu.memory_space<hbm>>
      %dma_start3A_1359 = arith.constant 0 : i32
      %dma_start3A_1360 = arith.constant 0 : i32
      %dma_start3A_1361 = tpu.memref_slice %arg6[%run_scoped3A_578, %dma_start3A_1359, %dma_start3A_1360] : memref<2x128x64xf32, #tpu.memory_space<vmem>> -> memref<1x128x64xf32, #tpu.memory_space<vmem>>
      %dma_start3A_1362 = tpu.memref_squeeze %dma_start3A_1361 : memref<1x128x64xf32, #tpu.memory_space<vmem>> -> memref<128x64xf32, #tpu.memory_space<vmem>>
      tpu.enqueue_dma source(%dma_start3A_1362 : memref<128x64xf32, #tpu.memory_space<vmem>>) target(%dma_start3A_1358 : memref<128x64xf32, #tpu.memory_space<hbm>>) target_semaphore(%run_scoped3A_1350 : memref<!tpu.dma_semaphore, #tpu.memory_space<semaphore_mem>>)
      %dma_wait3A_1363 = arith.constant 0 : i32
      %dma_wait3A_1364 = arith.constant 0 : i32
      %dma_wait3A_1365 = tpu.memref_slice %arg6[%run_scoped3A_578, %dma_wait3A_1363, %dma_wait3A_1364] : memref<2x128x64xf32, #tpu.memory_space<vmem>> -> memref<1x128x64xf32, #tpu.memory_space<vmem>>
      %dma_wait3A_1366 = tpu.memref_squeeze %dma_wait3A_1365 : memref<1x128x64xf32, #tpu.memory_space<vmem>> -> memref<128x64xf32, #tpu.memory_space<vmem>>
      %dma_wait3A_1367 = arith.constant 0 : i32
      %dma_wait3A_1368 = tpu.memref_slice %arg4[%add3A_577, %dma_wait3A_1367] : memref<204800x64xf32, #tpu.memory_space<hbm>> -> memref<128x64xf32, #tpu.memory_space<hbm>>
      %dma_wait3A_1369 = arith.constant 0 : i32
      %dma_wait3A_1370 = tpu.memref_slice %arg4[%add3A_577, %dma_wait3A_1369] : memref<204800x64xf32, #tpu.memory_space<hbm>> -> memref<128x64xf32, #tpu.memory_space<hbm>>
      %dma_wait3A_1371 = arith.constant 0 : i32
      %dma_wait3A_1372 = arith.constant 0 : i32
      %dma_wait3A_1373 = tpu.memref_slice %arg6[%run_scoped3A_578, %dma_wait3A_1371, %dma_wait3A_1372] : memref<2x128x64xf32, #tpu.memory_space<vmem>> -> memref<1x128x64xf32, #tpu.memory_space<vmem>>
      %dma_wait3A_1374 = tpu.memref_squeeze %dma_wait3A_1373 : memref<1x128x64xf32, #tpu.memory_space<vmem>> -> memref<128x64xf32, #tpu.memory_space<vmem>>
      tpu.wait_dma2 semaphore(%run_scoped3A_1350 : memref<!tpu.dma_semaphore, #tpu.memory_space<semaphore_mem>>) src(%dma_wait3A_1374 : memref<128x64xf32, #tpu.memory_space<vmem>>) dst(%dma_wait3A_1370 : memref<128x64xf32, #tpu.memory_space<hbm>>)
      tpu.yield
    }) : () -> ()
    %dma_start3A_579 = arith.constant 22 : i32
    %dma_start3A_580 = arith.constant 0 : i32
    %dma_start3A_581 = arith.constant 0 : i32
    %dma_start3A_582 = arith.constant 0 : i32
    %dma_start3A_583 = tpu.memref_slice %arg6[%dma_start3A_580, %dma_start3A_581, %dma_start3A_582] : memref<2x128x64xf32, #tpu.memory_space<vmem>> -> memref<1x128x64xf32, #tpu.memory_space<vmem>>
    %dma_start3A_584 = tpu.memref_squeeze %dma_start3A_583 : memref<1x128x64xf32, #tpu.memory_space<vmem>> -> memref<128x64xf32, #tpu.memory_space<vmem>>
    %dma_start3A_585 = arith.constant 0 : i32
    %dma_start3A_586 = tpu.memref_slice %arg5[%dma_start3A_579, %dma_start3A_585] : memref<50x128xi32, #tpu.memory_space<vmem>> -> memref<1x128xi32, #tpu.memory_space<vmem>>
    %dma_start3A_587 = tpu.memref_squeeze %dma_start3A_586 : memref<1x128xi32, #tpu.memory_space<vmem>> -> memref<128xi32, #tpu.memory_space<vmem>>
    %dma_start3A_588 = arith.constant 0 : i32
    %dma_start3A_589 = arith.constant 0 : i32
    %dma_start3A_590 = tpu.memref_slice %arg3[%dma_start3A_588, %dma_start3A_589] : memref<1000000x64xf32, #tpu.memory_space<hbm>> -> memref<1000000x64xf32, #tpu.memory_space<hbm>>
    tpu.enqueue_indirect_dma source(%dma_start3A_590 : memref<1000000x64xf32, #tpu.memory_space<hbm>>) target(%dma_start3A_584 : memref<128x64xf32, #tpu.memory_space<vmem>>) offsets(%dma_start3A_587 : memref<128xi32, #tpu.memory_space<vmem>>) semaphore(%arg7 : memref<!tpu.dma_semaphore, #tpu.memory_space<semaphore_mem>>)
    %dma_wait3A_591 = arith.constant 21 : i32
    %dma_wait3A_592 = arith.constant 1 : i32
    %dma_wait3A_593 = arith.constant 0 : i32
    %dma_wait3A_594 = arith.constant 0 : i32
    %dma_wait3A_595 = tpu.memref_slice %arg6[%dma_wait3A_592, %dma_wait3A_593, %dma_wait3A_594] : memref<2x128x64xf32, #tpu.memory_space<vmem>> -> memref<1x128x64xf32, #tpu.memory_space<vmem>>
    %dma_wait3A_596 = tpu.memref_squeeze %dma_wait3A_595 : memref<1x128x64xf32, #tpu.memory_space<vmem>> -> memref<128x64xf32, #tpu.memory_space<vmem>>
    %dma_wait3A_597 = arith.constant 0 : i32
    %dma_wait3A_598 = tpu.memref_slice %arg5[%dma_wait3A_591, %dma_wait3A_597] : memref<50x128xi32, #tpu.memory_space<vmem>> -> memref<1x128xi32, #tpu.memory_space<vmem>>
    %dma_wait3A_599 = tpu.memref_squeeze %dma_wait3A_598 : memref<1x128xi32, #tpu.memory_space<vmem>> -> memref<128xi32, #tpu.memory_space<vmem>>
    %dma_wait3A_600 = arith.constant 0 : i32
    %dma_wait3A_601 = arith.constant 0 : i32
    %dma_wait3A_602 = tpu.memref_slice %arg3[%dma_wait3A_600, %dma_wait3A_601] : memref<1000000x64xf32, #tpu.memory_space<hbm>> -> memref<1000000x64xf32, #tpu.memory_space<hbm>>
    tpu.wait_indirect_dma semaphore(%arg8 : memref<!tpu.dma_semaphore, #tpu.memory_space<semaphore_mem>>) src(%dma_wait3A_602 : memref<1000000x64xf32, #tpu.memory_space<hbm>>) dst(%dma_wait3A_596 : memref<128x64xf32, #tpu.memory_space<vmem>>)
    %add3A_603 = arith.constant 2688 : i32
    %add3A_604 = arith.addi %mul3A_2, %add3A_603 : i32
    %run_scoped3A_605 = arith.constant 1 : i32
    "tpu.region"() ({
      %run_scoped3A_1350 = tpu.sem_alloc : memref<!tpu.dma_semaphore, #tpu.memory_space<semaphore_mem>>
      %dma_start3A_1351 = arith.constant 0 : i32
      %dma_start3A_1352 = arith.constant 0 : i32
      %dma_start3A_1353 = tpu.memref_slice %arg6[%run_scoped3A_605, %dma_start3A_1351, %dma_start3A_1352] : memref<2x128x64xf32, #tpu.memory_space<vmem>> -> memref<1x128x64xf32, #tpu.memory_space<vmem>>
      %dma_start3A_1354 = tpu.memref_squeeze %dma_start3A_1353 : memref<1x128x64xf32, #tpu.memory_space<vmem>> -> memref<128x64xf32, #tpu.memory_space<vmem>>
      %dma_start3A_1355 = arith.constant 0 : i32
      %dma_start3A_1356 = tpu.memref_slice %arg4[%add3A_604, %dma_start3A_1355] : memref<204800x64xf32, #tpu.memory_space<hbm>> -> memref<128x64xf32, #tpu.memory_space<hbm>>
      %dma_start3A_1357 = arith.constant 0 : i32
      %dma_start3A_1358 = tpu.memref_slice %arg4[%add3A_604, %dma_start3A_1357] : memref<204800x64xf32, #tpu.memory_space<hbm>> -> memref<128x64xf32, #tpu.memory_space<hbm>>
      %dma_start3A_1359 = arith.constant 0 : i32
      %dma_start3A_1360 = arith.constant 0 : i32
      %dma_start3A_1361 = tpu.memref_slice %arg6[%run_scoped3A_605, %dma_start3A_1359, %dma_start3A_1360] : memref<2x128x64xf32, #tpu.memory_space<vmem>> -> memref<1x128x64xf32, #tpu.memory_space<vmem>>
      %dma_start3A_1362 = tpu.memref_squeeze %dma_start3A_1361 : memref<1x128x64xf32, #tpu.memory_space<vmem>> -> memref<128x64xf32, #tpu.memory_space<vmem>>
      tpu.enqueue_dma source(%dma_start3A_1362 : memref<128x64xf32, #tpu.memory_space<vmem>>) target(%dma_start3A_1358 : memref<128x64xf32, #tpu.memory_space<hbm>>) target_semaphore(%run_scoped3A_1350 : memref<!tpu.dma_semaphore, #tpu.memory_space<semaphore_mem>>)
      %dma_wait3A_1363 = arith.constant 0 : i32
      %dma_wait3A_1364 = arith.constant 0 : i32
      %dma_wait3A_1365 = tpu.memref_slice %arg6[%run_scoped3A_605, %dma_wait3A_1363, %dma_wait3A_1364] : memref<2x128x64xf32, #tpu.memory_space<vmem>> -> memref<1x128x64xf32, #tpu.memory_space<vmem>>
      %dma_wait3A_1366 = tpu.memref_squeeze %dma_wait3A_1365 : memref<1x128x64xf32, #tpu.memory_space<vmem>> -> memref<128x64xf32, #tpu.memory_space<vmem>>
      %dma_wait3A_1367 = arith.constant 0 : i32
      %dma_wait3A_1368 = tpu.memref_slice %arg4[%add3A_604, %dma_wait3A_1367] : memref<204800x64xf32, #tpu.memory_space<hbm>> -> memref<128x64xf32, #tpu.memory_space<hbm>>
      %dma_wait3A_1369 = arith.constant 0 : i32
      %dma_wait3A_1370 = tpu.memref_slice %arg4[%add3A_604, %dma_wait3A_1369] : memref<204800x64xf32, #tpu.memory_space<hbm>> -> memref<128x64xf32, #tpu.memory_space<hbm>>
      %dma_wait3A_1371 = arith.constant 0 : i32
      %dma_wait3A_1372 = arith.constant 0 : i32
      %dma_wait3A_1373 = tpu.memref_slice %arg6[%run_scoped3A_605, %dma_wait3A_1371, %dma_wait3A_1372] : memref<2x128x64xf32, #tpu.memory_space<vmem>> -> memref<1x128x64xf32, #tpu.memory_space<vmem>>
      %dma_wait3A_1374 = tpu.memref_squeeze %dma_wait3A_1373 : memref<1x128x64xf32, #tpu.memory_space<vmem>> -> memref<128x64xf32, #tpu.memory_space<vmem>>
      tpu.wait_dma2 semaphore(%run_scoped3A_1350 : memref<!tpu.dma_semaphore, #tpu.memory_space<semaphore_mem>>) src(%dma_wait3A_1374 : memref<128x64xf32, #tpu.memory_space<vmem>>) dst(%dma_wait3A_1370 : memref<128x64xf32, #tpu.memory_space<hbm>>)
      tpu.yield
    }) : () -> ()
    %dma_start3A_606 = arith.constant 23 : i32
    %dma_start3A_607 = arith.constant 1 : i32
    %dma_start3A_608 = arith.constant 0 : i32
    %dma_start3A_609 = arith.constant 0 : i32
    %dma_start3A_610 = tpu.memref_slice %arg6[%dma_start3A_607, %dma_start3A_608, %dma_start3A_609] : memref<2x128x64xf32, #tpu.memory_space<vmem>> -> memref<1x128x64xf32, #tpu.memory_space<vmem>>
    %dma_start3A_611 = tpu.memref_squeeze %dma_start3A_610 : memref<1x128x64xf32, #tpu.memory_space<vmem>> -> memref<128x64xf32, #tpu.memory_space<vmem>>
    %dma_start3A_612 = arith.constant 0 : i32
    %dma_start3A_613 = tpu.memref_slice %arg5[%dma_start3A_606, %dma_start3A_612] : memref<50x128xi32, #tpu.memory_space<vmem>> -> memref<1x128xi32, #tpu.memory_space<vmem>>
    %dma_start3A_614 = tpu.memref_squeeze %dma_start3A_613 : memref<1x128xi32, #tpu.memory_space<vmem>> -> memref<128xi32, #tpu.memory_space<vmem>>
    %dma_start3A_615 = arith.constant 0 : i32
    %dma_start3A_616 = arith.constant 0 : i32
    %dma_start3A_617 = tpu.memref_slice %arg3[%dma_start3A_615, %dma_start3A_616] : memref<1000000x64xf32, #tpu.memory_space<hbm>> -> memref<1000000x64xf32, #tpu.memory_space<hbm>>
    tpu.enqueue_indirect_dma source(%dma_start3A_617 : memref<1000000x64xf32, #tpu.memory_space<hbm>>) target(%dma_start3A_611 : memref<128x64xf32, #tpu.memory_space<vmem>>) offsets(%dma_start3A_614 : memref<128xi32, #tpu.memory_space<vmem>>) semaphore(%arg8 : memref<!tpu.dma_semaphore, #tpu.memory_space<semaphore_mem>>)
    %dma_wait3A_618 = arith.constant 22 : i32
    %dma_wait3A_619 = arith.constant 0 : i32
    %dma_wait3A_620 = arith.constant 0 : i32
    %dma_wait3A_621 = arith.constant 0 : i32
    %dma_wait3A_622 = tpu.memref_slice %arg6[%dma_wait3A_619, %dma_wait3A_620, %dma_wait3A_621] : memref<2x128x64xf32, #tpu.memory_space<vmem>> -> memref<1x128x64xf32, #tpu.memory_space<vmem>>
    %dma_wait3A_623 = tpu.memref_squeeze %dma_wait3A_622 : memref<1x128x64xf32, #tpu.memory_space<vmem>> -> memref<128x64xf32, #tpu.memory_space<vmem>>
    %dma_wait3A_624 = arith.constant 0 : i32
    %dma_wait3A_625 = tpu.memref_slice %arg5[%dma_wait3A_618, %dma_wait3A_624] : memref<50x128xi32, #tpu.memory_space<vmem>> -> memref<1x128xi32, #tpu.memory_space<vmem>>
    %dma_wait3A_626 = tpu.memref_squeeze %dma_wait3A_625 : memref<1x128xi32, #tpu.memory_space<vmem>> -> memref<128xi32, #tpu.memory_space<vmem>>
    %dma_wait3A_627 = arith.constant 0 : i32
    %dma_wait3A_628 = arith.constant 0 : i32
    %dma_wait3A_629 = tpu.memref_slice %arg3[%dma_wait3A_627, %dma_wait3A_628] : memref<1000000x64xf32, #tpu.memory_space<hbm>> -> memref<1000000x64xf32, #tpu.memory_space<hbm>>
    tpu.wait_indirect_dma semaphore(%arg7 : memref<!tpu.dma_semaphore, #tpu.memory_space<semaphore_mem>>) src(%dma_wait3A_629 : memref<1000000x64xf32, #tpu.memory_space<hbm>>) dst(%dma_wait3A_623 : memref<128x64xf32, #tpu.memory_space<vmem>>)
    %add3A_630 = arith.constant 2816 : i32
    %add3A_631 = arith.addi %mul3A_2, %add3A_630 : i32
    %run_scoped3A_632 = arith.constant 0 : i32
    "tpu.region"() ({
      %run_scoped3A_1350 = tpu.sem_alloc : memref<!tpu.dma_semaphore, #tpu.memory_space<semaphore_mem>>
      %dma_start3A_1351 = arith.constant 0 : i32
      %dma_start3A_1352 = arith.constant 0 : i32
      %dma_start3A_1353 = tpu.memref_slice %arg6[%run_scoped3A_632, %dma_start3A_1351, %dma_start3A_1352] : memref<2x128x64xf32, #tpu.memory_space<vmem>> -> memref<1x128x64xf32, #tpu.memory_space<vmem>>
      %dma_start3A_1354 = tpu.memref_squeeze %dma_start3A_1353 : memref<1x128x64xf32, #tpu.memory_space<vmem>> -> memref<128x64xf32, #tpu.memory_space<vmem>>
      %dma_start3A_1355 = arith.constant 0 : i32
      %dma_start3A_1356 = tpu.memref_slice %arg4[%add3A_631, %dma_start3A_1355] : memref<204800x64xf32, #tpu.memory_space<hbm>> -> memref<128x64xf32, #tpu.memory_space<hbm>>
      %dma_start3A_1357 = arith.constant 0 : i32
      %dma_start3A_1358 = tpu.memref_slice %arg4[%add3A_631, %dma_start3A_1357] : memref<204800x64xf32, #tpu.memory_space<hbm>> -> memref<128x64xf32, #tpu.memory_space<hbm>>
      %dma_start3A_1359 = arith.constant 0 : i32
      %dma_start3A_1360 = arith.constant 0 : i32
      %dma_start3A_1361 = tpu.memref_slice %arg6[%run_scoped3A_632, %dma_start3A_1359, %dma_start3A_1360] : memref<2x128x64xf32, #tpu.memory_space<vmem>> -> memref<1x128x64xf32, #tpu.memory_space<vmem>>
      %dma_start3A_1362 = tpu.memref_squeeze %dma_start3A_1361 : memref<1x128x64xf32, #tpu.memory_space<vmem>> -> memref<128x64xf32, #tpu.memory_space<vmem>>
      tpu.enqueue_dma source(%dma_start3A_1362 : memref<128x64xf32, #tpu.memory_space<vmem>>) target(%dma_start3A_1358 : memref<128x64xf32, #tpu.memory_space<hbm>>) target_semaphore(%run_scoped3A_1350 : memref<!tpu.dma_semaphore, #tpu.memory_space<semaphore_mem>>)
      %dma_wait3A_1363 = arith.constant 0 : i32
      %dma_wait3A_1364 = arith.constant 0 : i32
      %dma_wait3A_1365 = tpu.memref_slice %arg6[%run_scoped3A_632, %dma_wait3A_1363, %dma_wait3A_1364] : memref<2x128x64xf32, #tpu.memory_space<vmem>> -> memref<1x128x64xf32, #tpu.memory_space<vmem>>
      %dma_wait3A_1366 = tpu.memref_squeeze %dma_wait3A_1365 : memref<1x128x64xf32, #tpu.memory_space<vmem>> -> memref<128x64xf32, #tpu.memory_space<vmem>>
      %dma_wait3A_1367 = arith.constant 0 : i32
      %dma_wait3A_1368 = tpu.memref_slice %arg4[%add3A_631, %dma_wait3A_1367] : memref<204800x64xf32, #tpu.memory_space<hbm>> -> memref<128x64xf32, #tpu.memory_space<hbm>>
      %dma_wait3A_1369 = arith.constant 0 : i32
      %dma_wait3A_1370 = tpu.memref_slice %arg4[%add3A_631, %dma_wait3A_1369] : memref<204800x64xf32, #tpu.memory_space<hbm>> -> memref<128x64xf32, #tpu.memory_space<hbm>>
      %dma_wait3A_1371 = arith.constant 0 : i32
      %dma_wait3A_1372 = arith.constant 0 : i32
      %dma_wait3A_1373 = tpu.memref_slice %arg6[%run_scoped3A_632, %dma_wait3A_1371, %dma_wait3A_1372] : memref<2x128x64xf32, #tpu.memory_space<vmem>> -> memref<1x128x64xf32, #tpu.memory_space<vmem>>
      %dma_wait3A_1374 = tpu.memref_squeeze %dma_wait3A_1373 : memref<1x128x64xf32, #tpu.memory_space<vmem>> -> memref<128x64xf32, #tpu.memory_space<vmem>>
      tpu.wait_dma2 semaphore(%run_scoped3A_1350 : memref<!tpu.dma_semaphore, #tpu.memory_space<semaphore_mem>>) src(%dma_wait3A_1374 : memref<128x64xf32, #tpu.memory_space<vmem>>) dst(%dma_wait3A_1370 : memref<128x64xf32, #tpu.memory_space<hbm>>)
      tpu.yield
    }) : () -> ()
    %dma_start3A_633 = arith.constant 24 : i32
    %dma_start3A_634 = arith.constant 0 : i32
    %dma_start3A_635 = arith.constant 0 : i32
    %dma_start3A_636 = arith.constant 0 : i32
    %dma_start3A_637 = tpu.memref_slice %arg6[%dma_start3A_634, %dma_start3A_635, %dma_start3A_636] : memref<2x128x64xf32, #tpu.memory_space<vmem>> -> memref<1x128x64xf32, #tpu.memory_space<vmem>>
    %dma_start3A_638 = tpu.memref_squeeze %dma_start3A_637 : memref<1x128x64xf32, #tpu.memory_space<vmem>> -> memref<128x64xf32, #tpu.memory_space<vmem>>
    %dma_start3A_639 = arith.constant 0 : i32
    %dma_start3A_640 = tpu.memref_slice %arg5[%dma_start3A_633, %dma_start3A_639] : memref<50x128xi32, #tpu.memory_space<vmem>> -> memref<1x128xi32, #tpu.memory_space<vmem>>
    %dma_start3A_641 = tpu.memref_squeeze %dma_start3A_640 : memref<1x128xi32, #tpu.memory_space<vmem>> -> memref<128xi32, #tpu.memory_space<vmem>>
    %dma_start3A_642 = arith.constant 0 : i32
    %dma_start3A_643 = arith.constant 0 : i32
    %dma_start3A_644 = tpu.memref_slice %arg3[%dma_start3A_642, %dma_start3A_643] : memref<1000000x64xf32, #tpu.memory_space<hbm>> -> memref<1000000x64xf32, #tpu.memory_space<hbm>>
    tpu.enqueue_indirect_dma source(%dma_start3A_644 : memref<1000000x64xf32, #tpu.memory_space<hbm>>) target(%dma_start3A_638 : memref<128x64xf32, #tpu.memory_space<vmem>>) offsets(%dma_start3A_641 : memref<128xi32, #tpu.memory_space<vmem>>) semaphore(%arg7 : memref<!tpu.dma_semaphore, #tpu.memory_space<semaphore_mem>>)
    %dma_wait3A_645 = arith.constant 23 : i32
    %dma_wait3A_646 = arith.constant 1 : i32
    %dma_wait3A_647 = arith.constant 0 : i32
    %dma_wait3A_648 = arith.constant 0 : i32
    %dma_wait3A_649 = tpu.memref_slice %arg6[%dma_wait3A_646, %dma_wait3A_647, %dma_wait3A_648] : memref<2x128x64xf32, #tpu.memory_space<vmem>> -> memref<1x128x64xf32, #tpu.memory_space<vmem>>
    %dma_wait3A_650 = tpu.memref_squeeze %dma_wait3A_649 : memref<1x128x64xf32, #tpu.memory_space<vmem>> -> memref<128x64xf32, #tpu.memory_space<vmem>>
    %dma_wait3A_651 = arith.constant 0 : i32
    %dma_wait3A_652 = tpu.memref_slice %arg5[%dma_wait3A_645, %dma_wait3A_651] : memref<50x128xi32, #tpu.memory_space<vmem>> -> memref<1x128xi32, #tpu.memory_space<vmem>>
    %dma_wait3A_653 = tpu.memref_squeeze %dma_wait3A_652 : memref<1x128xi32, #tpu.memory_space<vmem>> -> memref<128xi32, #tpu.memory_space<vmem>>
    %dma_wait3A_654 = arith.constant 0 : i32
    %dma_wait3A_655 = arith.constant 0 : i32
    %dma_wait3A_656 = tpu.memref_slice %arg3[%dma_wait3A_654, %dma_wait3A_655] : memref<1000000x64xf32, #tpu.memory_space<hbm>> -> memref<1000000x64xf32, #tpu.memory_space<hbm>>
    tpu.wait_indirect_dma semaphore(%arg8 : memref<!tpu.dma_semaphore, #tpu.memory_space<semaphore_mem>>) src(%dma_wait3A_656 : memref<1000000x64xf32, #tpu.memory_space<hbm>>) dst(%dma_wait3A_650 : memref<128x64xf32, #tpu.memory_space<vmem>>)
    %add3A_657 = arith.constant 2944 : i32
    %add3A_658 = arith.addi %mul3A_2, %add3A_657 : i32
    %run_scoped3A_659 = arith.constant 1 : i32
    "tpu.region"() ({
      %run_scoped3A_1350 = tpu.sem_alloc : memref<!tpu.dma_semaphore, #tpu.memory_space<semaphore_mem>>
      %dma_start3A_1351 = arith.constant 0 : i32
      %dma_start3A_1352 = arith.constant 0 : i32
      %dma_start3A_1353 = tpu.memref_slice %arg6[%run_scoped3A_659, %dma_start3A_1351, %dma_start3A_1352] : memref<2x128x64xf32, #tpu.memory_space<vmem>> -> memref<1x128x64xf32, #tpu.memory_space<vmem>>
      %dma_start3A_1354 = tpu.memref_squeeze %dma_start3A_1353 : memref<1x128x64xf32, #tpu.memory_space<vmem>> -> memref<128x64xf32, #tpu.memory_space<vmem>>
      %dma_start3A_1355 = arith.constant 0 : i32
      %dma_start3A_1356 = tpu.memref_slice %arg4[%add3A_658, %dma_start3A_1355] : memref<204800x64xf32, #tpu.memory_space<hbm>> -> memref<128x64xf32, #tpu.memory_space<hbm>>
      %dma_start3A_1357 = arith.constant 0 : i32
      %dma_start3A_1358 = tpu.memref_slice %arg4[%add3A_658, %dma_start3A_1357] : memref<204800x64xf32, #tpu.memory_space<hbm>> -> memref<128x64xf32, #tpu.memory_space<hbm>>
      %dma_start3A_1359 = arith.constant 0 : i32
      %dma_start3A_1360 = arith.constant 0 : i32
      %dma_start3A_1361 = tpu.memref_slice %arg6[%run_scoped3A_659, %dma_start3A_1359, %dma_start3A_1360] : memref<2x128x64xf32, #tpu.memory_space<vmem>> -> memref<1x128x64xf32, #tpu.memory_space<vmem>>
      %dma_start3A_1362 = tpu.memref_squeeze %dma_start3A_1361 : memref<1x128x64xf32, #tpu.memory_space<vmem>> -> memref<128x64xf32, #tpu.memory_space<vmem>>
      tpu.enqueue_dma source(%dma_start3A_1362 : memref<128x64xf32, #tpu.memory_space<vmem>>) target(%dma_start3A_1358 : memref<128x64xf32, #tpu.memory_space<hbm>>) target_semaphore(%run_scoped3A_1350 : memref<!tpu.dma_semaphore, #tpu.memory_space<semaphore_mem>>)
      %dma_wait3A_1363 = arith.constant 0 : i32
      %dma_wait3A_1364 = arith.constant 0 : i32
      %dma_wait3A_1365 = tpu.memref_slice %arg6[%run_scoped3A_659, %dma_wait3A_1363, %dma_wait3A_1364] : memref<2x128x64xf32, #tpu.memory_space<vmem>> -> memref<1x128x64xf32, #tpu.memory_space<vmem>>
      %dma_wait3A_1366 = tpu.memref_squeeze %dma_wait3A_1365 : memref<1x128x64xf32, #tpu.memory_space<vmem>> -> memref<128x64xf32, #tpu.memory_space<vmem>>
      %dma_wait3A_1367 = arith.constant 0 : i32
      %dma_wait3A_1368 = tpu.memref_slice %arg4[%add3A_658, %dma_wait3A_1367] : memref<204800x64xf32, #tpu.memory_space<hbm>> -> memref<128x64xf32, #tpu.memory_space<hbm>>
      %dma_wait3A_1369 = arith.constant 0 : i32
      %dma_wait3A_1370 = tpu.memref_slice %arg4[%add3A_658, %dma_wait3A_1369] : memref<204800x64xf32, #tpu.memory_space<hbm>> -> memref<128x64xf32, #tpu.memory_space<hbm>>
      %dma_wait3A_1371 = arith.constant 0 : i32
      %dma_wait3A_1372 = arith.constant 0 : i32
      %dma_wait3A_1373 = tpu.memref_slice %arg6[%run_scoped3A_659, %dma_wait3A_1371, %dma_wait3A_1372] : memref<2x128x64xf32, #tpu.memory_space<vmem>> -> memref<1x128x64xf32, #tpu.memory_space<vmem>>
      %dma_wait3A_1374 = tpu.memref_squeeze %dma_wait3A_1373 : memref<1x128x64xf32, #tpu.memory_space<vmem>> -> memref<128x64xf32, #tpu.memory_space<vmem>>
      tpu.wait_dma2 semaphore(%run_scoped3A_1350 : memref<!tpu.dma_semaphore, #tpu.memory_space<semaphore_mem>>) src(%dma_wait3A_1374 : memref<128x64xf32, #tpu.memory_space<vmem>>) dst(%dma_wait3A_1370 : memref<128x64xf32, #tpu.memory_space<hbm>>)
      tpu.yield
    }) : () -> ()
    %dma_start3A_660 = arith.constant 25 : i32
    %dma_start3A_661 = arith.constant 1 : i32
    %dma_start3A_662 = arith.constant 0 : i32
    %dma_start3A_663 = arith.constant 0 : i32
    %dma_start3A_664 = tpu.memref_slice %arg6[%dma_start3A_661, %dma_start3A_662, %dma_start3A_663] : memref<2x128x64xf32, #tpu.memory_space<vmem>> -> memref<1x128x64xf32, #tpu.memory_space<vmem>>
    %dma_start3A_665 = tpu.memref_squeeze %dma_start3A_664 : memref<1x128x64xf32, #tpu.memory_space<vmem>> -> memref<128x64xf32, #tpu.memory_space<vmem>>
    %dma_start3A_666 = arith.constant 0 : i32
    %dma_start3A_667 = tpu.memref_slice %arg5[%dma_start3A_660, %dma_start3A_666] : memref<50x128xi32, #tpu.memory_space<vmem>> -> memref<1x128xi32, #tpu.memory_space<vmem>>
    %dma_start3A_668 = tpu.memref_squeeze %dma_start3A_667 : memref<1x128xi32, #tpu.memory_space<vmem>> -> memref<128xi32, #tpu.memory_space<vmem>>
    %dma_start3A_669 = arith.constant 0 : i32
    %dma_start3A_670 = arith.constant 0 : i32
    %dma_start3A_671 = tpu.memref_slice %arg3[%dma_start3A_669, %dma_start3A_670] : memref<1000000x64xf32, #tpu.memory_space<hbm>> -> memref<1000000x64xf32, #tpu.memory_space<hbm>>
    tpu.enqueue_indirect_dma source(%dma_start3A_671 : memref<1000000x64xf32, #tpu.memory_space<hbm>>) target(%dma_start3A_665 : memref<128x64xf32, #tpu.memory_space<vmem>>) offsets(%dma_start3A_668 : memref<128xi32, #tpu.memory_space<vmem>>) semaphore(%arg8 : memref<!tpu.dma_semaphore, #tpu.memory_space<semaphore_mem>>)
    %dma_wait3A_672 = arith.constant 24 : i32
    %dma_wait3A_673 = arith.constant 0 : i32
    %dma_wait3A_674 = arith.constant 0 : i32
    %dma_wait3A_675 = arith.constant 0 : i32
    %dma_wait3A_676 = tpu.memref_slice %arg6[%dma_wait3A_673, %dma_wait3A_674, %dma_wait3A_675] : memref<2x128x64xf32, #tpu.memory_space<vmem>> -> memref<1x128x64xf32, #tpu.memory_space<vmem>>
    %dma_wait3A_677 = tpu.memref_squeeze %dma_wait3A_676 : memref<1x128x64xf32, #tpu.memory_space<vmem>> -> memref<128x64xf32, #tpu.memory_space<vmem>>
    %dma_wait3A_678 = arith.constant 0 : i32
    %dma_wait3A_679 = tpu.memref_slice %arg5[%dma_wait3A_672, %dma_wait3A_678] : memref<50x128xi32, #tpu.memory_space<vmem>> -> memref<1x128xi32, #tpu.memory_space<vmem>>
    %dma_wait3A_680 = tpu.memref_squeeze %dma_wait3A_679 : memref<1x128xi32, #tpu.memory_space<vmem>> -> memref<128xi32, #tpu.memory_space<vmem>>
    %dma_wait3A_681 = arith.constant 0 : i32
    %dma_wait3A_682 = arith.constant 0 : i32
    %dma_wait3A_683 = tpu.memref_slice %arg3[%dma_wait3A_681, %dma_wait3A_682] : memref<1000000x64xf32, #tpu.memory_space<hbm>> -> memref<1000000x64xf32, #tpu.memory_space<hbm>>
    tpu.wait_indirect_dma semaphore(%arg7 : memref<!tpu.dma_semaphore, #tpu.memory_space<semaphore_mem>>) src(%dma_wait3A_683 : memref<1000000x64xf32, #tpu.memory_space<hbm>>) dst(%dma_wait3A_677 : memref<128x64xf32, #tpu.memory_space<vmem>>)
    %add3A_684 = arith.constant 3072 : i32
    %add3A_685 = arith.addi %mul3A_2, %add3A_684 : i32
    %run_scoped3A_686 = arith.constant 0 : i32
    "tpu.region"() ({
      %run_scoped3A_1350 = tpu.sem_alloc : memref<!tpu.dma_semaphore, #tpu.memory_space<semaphore_mem>>
      %dma_start3A_1351 = arith.constant 0 : i32
      %dma_start3A_1352 = arith.constant 0 : i32
      %dma_start3A_1353 = tpu.memref_slice %arg6[%run_scoped3A_686, %dma_start3A_1351, %dma_start3A_1352] : memref<2x128x64xf32, #tpu.memory_space<vmem>> -> memref<1x128x64xf32, #tpu.memory_space<vmem>>
      %dma_start3A_1354 = tpu.memref_squeeze %dma_start3A_1353 : memref<1x128x64xf32, #tpu.memory_space<vmem>> -> memref<128x64xf32, #tpu.memory_space<vmem>>
      %dma_start3A_1355 = arith.constant 0 : i32
      %dma_start3A_1356 = tpu.memref_slice %arg4[%add3A_685, %dma_start3A_1355] : memref<204800x64xf32, #tpu.memory_space<hbm>> -> memref<128x64xf32, #tpu.memory_space<hbm>>
      %dma_start3A_1357 = arith.constant 0 : i32
      %dma_start3A_1358 = tpu.memref_slice %arg4[%add3A_685, %dma_start3A_1357] : memref<204800x64xf32, #tpu.memory_space<hbm>> -> memref<128x64xf32, #tpu.memory_space<hbm>>
      %dma_start3A_1359 = arith.constant 0 : i32
      %dma_start3A_1360 = arith.constant 0 : i32
      %dma_start3A_1361 = tpu.memref_slice %arg6[%run_scoped3A_686, %dma_start3A_1359, %dma_start3A_1360] : memref<2x128x64xf32, #tpu.memory_space<vmem>> -> memref<1x128x64xf32, #tpu.memory_space<vmem>>
      %dma_start3A_1362 = tpu.memref_squeeze %dma_start3A_1361 : memref<1x128x64xf32, #tpu.memory_space<vmem>> -> memref<128x64xf32, #tpu.memory_space<vmem>>
      tpu.enqueue_dma source(%dma_start3A_1362 : memref<128x64xf32, #tpu.memory_space<vmem>>) target(%dma_start3A_1358 : memref<128x64xf32, #tpu.memory_space<hbm>>) target_semaphore(%run_scoped3A_1350 : memref<!tpu.dma_semaphore, #tpu.memory_space<semaphore_mem>>)
      %dma_wait3A_1363 = arith.constant 0 : i32
      %dma_wait3A_1364 = arith.constant 0 : i32
      %dma_wait3A_1365 = tpu.memref_slice %arg6[%run_scoped3A_686, %dma_wait3A_1363, %dma_wait3A_1364] : memref<2x128x64xf32, #tpu.memory_space<vmem>> -> memref<1x128x64xf32, #tpu.memory_space<vmem>>
      %dma_wait3A_1366 = tpu.memref_squeeze %dma_wait3A_1365 : memref<1x128x64xf32, #tpu.memory_space<vmem>> -> memref<128x64xf32, #tpu.memory_space<vmem>>
      %dma_wait3A_1367 = arith.constant 0 : i32
      %dma_wait3A_1368 = tpu.memref_slice %arg4[%add3A_685, %dma_wait3A_1367] : memref<204800x64xf32, #tpu.memory_space<hbm>> -> memref<128x64xf32, #tpu.memory_space<hbm>>
      %dma_wait3A_1369 = arith.constant 0 : i32
      %dma_wait3A_1370 = tpu.memref_slice %arg4[%add3A_685, %dma_wait3A_1369] : memref<204800x64xf32, #tpu.memory_space<hbm>> -> memref<128x64xf32, #tpu.memory_space<hbm>>
      %dma_wait3A_1371 = arith.constant 0 : i32
      %dma_wait3A_1372 = arith.constant 0 : i32
      %dma_wait3A_1373 = tpu.memref_slice %arg6[%run_scoped3A_686, %dma_wait3A_1371, %dma_wait3A_1372] : memref<2x128x64xf32, #tpu.memory_space<vmem>> -> memref<1x128x64xf32, #tpu.memory_space<vmem>>
      %dma_wait3A_1374 = tpu.memref_squeeze %dma_wait3A_1373 : memref<1x128x64xf32, #tpu.memory_space<vmem>> -> memref<128x64xf32, #tpu.memory_space<vmem>>
      tpu.wait_dma2 semaphore(%run_scoped3A_1350 : memref<!tpu.dma_semaphore, #tpu.memory_space<semaphore_mem>>) src(%dma_wait3A_1374 : memref<128x64xf32, #tpu.memory_space<vmem>>) dst(%dma_wait3A_1370 : memref<128x64xf32, #tpu.memory_space<hbm>>)
      tpu.yield
    }) : () -> ()
    %dma_start3A_687 = arith.constant 26 : i32
    %dma_start3A_688 = arith.constant 0 : i32
    %dma_start3A_689 = arith.constant 0 : i32
    %dma_start3A_690 = arith.constant 0 : i32
    %dma_start3A_691 = tpu.memref_slice %arg6[%dma_start3A_688, %dma_start3A_689, %dma_start3A_690] : memref<2x128x64xf32, #tpu.memory_space<vmem>> -> memref<1x128x64xf32, #tpu.memory_space<vmem>>
    %dma_start3A_692 = tpu.memref_squeeze %dma_start3A_691 : memref<1x128x64xf32, #tpu.memory_space<vmem>> -> memref<128x64xf32, #tpu.memory_space<vmem>>
    %dma_start3A_693 = arith.constant 0 : i32
    %dma_start3A_694 = tpu.memref_slice %arg5[%dma_start3A_687, %dma_start3A_693] : memref<50x128xi32, #tpu.memory_space<vmem>> -> memref<1x128xi32, #tpu.memory_space<vmem>>
    %dma_start3A_695 = tpu.memref_squeeze %dma_start3A_694 : memref<1x128xi32, #tpu.memory_space<vmem>> -> memref<128xi32, #tpu.memory_space<vmem>>
    %dma_start3A_696 = arith.constant 0 : i32
    %dma_start3A_697 = arith.constant 0 : i32
    %dma_start3A_698 = tpu.memref_slice %arg3[%dma_start3A_696, %dma_start3A_697] : memref<1000000x64xf32, #tpu.memory_space<hbm>> -> memref<1000000x64xf32, #tpu.memory_space<hbm>>
    tpu.enqueue_indirect_dma source(%dma_start3A_698 : memref<1000000x64xf32, #tpu.memory_space<hbm>>) target(%dma_start3A_692 : memref<128x64xf32, #tpu.memory_space<vmem>>) offsets(%dma_start3A_695 : memref<128xi32, #tpu.memory_space<vmem>>) semaphore(%arg7 : memref<!tpu.dma_semaphore, #tpu.memory_space<semaphore_mem>>)
    %dma_wait3A_699 = arith.constant 25 : i32
    %dma_wait3A_700 = arith.constant 1 : i32
    %dma_wait3A_701 = arith.constant 0 : i32
    %dma_wait3A_702 = arith.constant 0 : i32
    %dma_wait3A_703 = tpu.memref_slice %arg6[%dma_wait3A_700, %dma_wait3A_701, %dma_wait3A_702] : memref<2x128x64xf32, #tpu.memory_space<vmem>> -> memref<1x128x64xf32, #tpu.memory_space<vmem>>
    %dma_wait3A_704 = tpu.memref_squeeze %dma_wait3A_703 : memref<1x128x64xf32, #tpu.memory_space<vmem>> -> memref<128x64xf32, #tpu.memory_space<vmem>>
    %dma_wait3A_705 = arith.constant 0 : i32
    %dma_wait3A_706 = tpu.memref_slice %arg5[%dma_wait3A_699, %dma_wait3A_705] : memref<50x128xi32, #tpu.memory_space<vmem>> -> memref<1x128xi32, #tpu.memory_space<vmem>>
    %dma_wait3A_707 = tpu.memref_squeeze %dma_wait3A_706 : memref<1x128xi32, #tpu.memory_space<vmem>> -> memref<128xi32, #tpu.memory_space<vmem>>
    %dma_wait3A_708 = arith.constant 0 : i32
    %dma_wait3A_709 = arith.constant 0 : i32
    %dma_wait3A_710 = tpu.memref_slice %arg3[%dma_wait3A_708, %dma_wait3A_709] : memref<1000000x64xf32, #tpu.memory_space<hbm>> -> memref<1000000x64xf32, #tpu.memory_space<hbm>>
    tpu.wait_indirect_dma semaphore(%arg8 : memref<!tpu.dma_semaphore, #tpu.memory_space<semaphore_mem>>) src(%dma_wait3A_710 : memref<1000000x64xf32, #tpu.memory_space<hbm>>) dst(%dma_wait3A_704 : memref<128x64xf32, #tpu.memory_space<vmem>>)
    %add3A_711 = arith.constant 3200 : i32
    %add3A_712 = arith.addi %mul3A_2, %add3A_711 : i32
    %run_scoped3A_713 = arith.constant 1 : i32
    "tpu.region"() ({
      %run_scoped3A_1350 = tpu.sem_alloc : memref<!tpu.dma_semaphore, #tpu.memory_space<semaphore_mem>>
      %dma_start3A_1351 = arith.constant 0 : i32
      %dma_start3A_1352 = arith.constant 0 : i32
      %dma_start3A_1353 = tpu.memref_slice %arg6[%run_scoped3A_713, %dma_start3A_1351, %dma_start3A_1352] : memref<2x128x64xf32, #tpu.memory_space<vmem>> -> memref<1x128x64xf32, #tpu.memory_space<vmem>>
      %dma_start3A_1354 = tpu.memref_squeeze %dma_start3A_1353 : memref<1x128x64xf32, #tpu.memory_space<vmem>> -> memref<128x64xf32, #tpu.memory_space<vmem>>
      %dma_start3A_1355 = arith.constant 0 : i32
      %dma_start3A_1356 = tpu.memref_slice %arg4[%add3A_712, %dma_start3A_1355] : memref<204800x64xf32, #tpu.memory_space<hbm>> -> memref<128x64xf32, #tpu.memory_space<hbm>>
      %dma_start3A_1357 = arith.constant 0 : i32
      %dma_start3A_1358 = tpu.memref_slice %arg4[%add3A_712, %dma_start3A_1357] : memref<204800x64xf32, #tpu.memory_space<hbm>> -> memref<128x64xf32, #tpu.memory_space<hbm>>
      %dma_start3A_1359 = arith.constant 0 : i32
      %dma_start3A_1360 = arith.constant 0 : i32
      %dma_start3A_1361 = tpu.memref_slice %arg6[%run_scoped3A_713, %dma_start3A_1359, %dma_start3A_1360] : memref<2x128x64xf32, #tpu.memory_space<vmem>> -> memref<1x128x64xf32, #tpu.memory_space<vmem>>
      %dma_start3A_1362 = tpu.memref_squeeze %dma_start3A_1361 : memref<1x128x64xf32, #tpu.memory_space<vmem>> -> memref<128x64xf32, #tpu.memory_space<vmem>>
      tpu.enqueue_dma source(%dma_start3A_1362 : memref<128x64xf32, #tpu.memory_space<vmem>>) target(%dma_start3A_1358 : memref<128x64xf32, #tpu.memory_space<hbm>>) target_semaphore(%run_scoped3A_1350 : memref<!tpu.dma_semaphore, #tpu.memory_space<semaphore_mem>>)
      %dma_wait3A_1363 = arith.constant 0 : i32
      %dma_wait3A_1364 = arith.constant 0 : i32
      %dma_wait3A_1365 = tpu.memref_slice %arg6[%run_scoped3A_713, %dma_wait3A_1363, %dma_wait3A_1364] : memref<2x128x64xf32, #tpu.memory_space<vmem>> -> memref<1x128x64xf32, #tpu.memory_space<vmem>>
      %dma_wait3A_1366 = tpu.memref_squeeze %dma_wait3A_1365 : memref<1x128x64xf32, #tpu.memory_space<vmem>> -> memref<128x64xf32, #tpu.memory_space<vmem>>
      %dma_wait3A_1367 = arith.constant 0 : i32
      %dma_wait3A_1368 = tpu.memref_slice %arg4[%add3A_712, %dma_wait3A_1367] : memref<204800x64xf32, #tpu.memory_space<hbm>> -> memref<128x64xf32, #tpu.memory_space<hbm>>
      %dma_wait3A_1369 = arith.constant 0 : i32
      %dma_wait3A_1370 = tpu.memref_slice %arg4[%add3A_712, %dma_wait3A_1369] : memref<204800x64xf32, #tpu.memory_space<hbm>> -> memref<128x64xf32, #tpu.memory_space<hbm>>
      %dma_wait3A_1371 = arith.constant 0 : i32
      %dma_wait3A_1372 = arith.constant 0 : i32
      %dma_wait3A_1373 = tpu.memref_slice %arg6[%run_scoped3A_713, %dma_wait3A_1371, %dma_wait3A_1372] : memref<2x128x64xf32, #tpu.memory_space<vmem>> -> memref<1x128x64xf32, #tpu.memory_space<vmem>>
      %dma_wait3A_1374 = tpu.memref_squeeze %dma_wait3A_1373 : memref<1x128x64xf32, #tpu.memory_space<vmem>> -> memref<128x64xf32, #tpu.memory_space<vmem>>
      tpu.wait_dma2 semaphore(%run_scoped3A_1350 : memref<!tpu.dma_semaphore, #tpu.memory_space<semaphore_mem>>) src(%dma_wait3A_1374 : memref<128x64xf32, #tpu.memory_space<vmem>>) dst(%dma_wait3A_1370 : memref<128x64xf32, #tpu.memory_space<hbm>>)
      tpu.yield
    }) : () -> ()
    %dma_start3A_714 = arith.constant 27 : i32
    %dma_start3A_715 = arith.constant 1 : i32
    %dma_start3A_716 = arith.constant 0 : i32
    %dma_start3A_717 = arith.constant 0 : i32
    %dma_start3A_718 = tpu.memref_slice %arg6[%dma_start3A_715, %dma_start3A_716, %dma_start3A_717] : memref<2x128x64xf32, #tpu.memory_space<vmem>> -> memref<1x128x64xf32, #tpu.memory_space<vmem>>
    %dma_start3A_719 = tpu.memref_squeeze %dma_start3A_718 : memref<1x128x64xf32, #tpu.memory_space<vmem>> -> memref<128x64xf32, #tpu.memory_space<vmem>>
    %dma_start3A_720 = arith.constant 0 : i32
    %dma_start3A_721 = tpu.memref_slice %arg5[%dma_start3A_714, %dma_start3A_720] : memref<50x128xi32, #tpu.memory_space<vmem>> -> memref<1x128xi32, #tpu.memory_space<vmem>>
    %dma_start3A_722 = tpu.memref_squeeze %dma_start3A_721 : memref<1x128xi32, #tpu.memory_space<vmem>> -> memref<128xi32, #tpu.memory_space<vmem>>
    %dma_start3A_723 = arith.constant 0 : i32
    %dma_start3A_724 = arith.constant 0 : i32
    %dma_start3A_725 = tpu.memref_slice %arg3[%dma_start3A_723, %dma_start3A_724] : memref<1000000x64xf32, #tpu.memory_space<hbm>> -> memref<1000000x64xf32, #tpu.memory_space<hbm>>
    tpu.enqueue_indirect_dma source(%dma_start3A_725 : memref<1000000x64xf32, #tpu.memory_space<hbm>>) target(%dma_start3A_719 : memref<128x64xf32, #tpu.memory_space<vmem>>) offsets(%dma_start3A_722 : memref<128xi32, #tpu.memory_space<vmem>>) semaphore(%arg8 : memref<!tpu.dma_semaphore, #tpu.memory_space<semaphore_mem>>)
    %dma_wait3A_726 = arith.constant 26 : i32
    %dma_wait3A_727 = arith.constant 0 : i32
    %dma_wait3A_728 = arith.constant 0 : i32
    %dma_wait3A_729 = arith.constant 0 : i32
    %dma_wait3A_730 = tpu.memref_slice %arg6[%dma_wait3A_727, %dma_wait3A_728, %dma_wait3A_729] : memref<2x128x64xf32, #tpu.memory_space<vmem>> -> memref<1x128x64xf32, #tpu.memory_space<vmem>>
    %dma_wait3A_731 = tpu.memref_squeeze %dma_wait3A_730 : memref<1x128x64xf32, #tpu.memory_space<vmem>> -> memref<128x64xf32, #tpu.memory_space<vmem>>
    %dma_wait3A_732 = arith.constant 0 : i32
    %dma_wait3A_733 = tpu.memref_slice %arg5[%dma_wait3A_726, %dma_wait3A_732] : memref<50x128xi32, #tpu.memory_space<vmem>> -> memref<1x128xi32, #tpu.memory_space<vmem>>
    %dma_wait3A_734 = tpu.memref_squeeze %dma_wait3A_733 : memref<1x128xi32, #tpu.memory_space<vmem>> -> memref<128xi32, #tpu.memory_space<vmem>>
    %dma_wait3A_735 = arith.constant 0 : i32
    %dma_wait3A_736 = arith.constant 0 : i32
    %dma_wait3A_737 = tpu.memref_slice %arg3[%dma_wait3A_735, %dma_wait3A_736] : memref<1000000x64xf32, #tpu.memory_space<hbm>> -> memref<1000000x64xf32, #tpu.memory_space<hbm>>
    tpu.wait_indirect_dma semaphore(%arg7 : memref<!tpu.dma_semaphore, #tpu.memory_space<semaphore_mem>>) src(%dma_wait3A_737 : memref<1000000x64xf32, #tpu.memory_space<hbm>>) dst(%dma_wait3A_731 : memref<128x64xf32, #tpu.memory_space<vmem>>)
    %add3A_738 = arith.constant 3328 : i32
    %add3A_739 = arith.addi %mul3A_2, %add3A_738 : i32
    %run_scoped3A_740 = arith.constant 0 : i32
    "tpu.region"() ({
      %run_scoped3A_1350 = tpu.sem_alloc : memref<!tpu.dma_semaphore, #tpu.memory_space<semaphore_mem>>
      %dma_start3A_1351 = arith.constant 0 : i32
      %dma_start3A_1352 = arith.constant 0 : i32
      %dma_start3A_1353 = tpu.memref_slice %arg6[%run_scoped3A_740, %dma_start3A_1351, %dma_start3A_1352] : memref<2x128x64xf32, #tpu.memory_space<vmem>> -> memref<1x128x64xf32, #tpu.memory_space<vmem>>
      %dma_start3A_1354 = tpu.memref_squeeze %dma_start3A_1353 : memref<1x128x64xf32, #tpu.memory_space<vmem>> -> memref<128x64xf32, #tpu.memory_space<vmem>>
      %dma_start3A_1355 = arith.constant 0 : i32
      %dma_start3A_1356 = tpu.memref_slice %arg4[%add3A_739, %dma_start3A_1355] : memref<204800x64xf32, #tpu.memory_space<hbm>> -> memref<128x64xf32, #tpu.memory_space<hbm>>
      %dma_start3A_1357 = arith.constant 0 : i32
      %dma_start3A_1358 = tpu.memref_slice %arg4[%add3A_739, %dma_start3A_1357] : memref<204800x64xf32, #tpu.memory_space<hbm>> -> memref<128x64xf32, #tpu.memory_space<hbm>>
      %dma_start3A_1359 = arith.constant 0 : i32
      %dma_start3A_1360 = arith.constant 0 : i32
      %dma_start3A_1361 = tpu.memref_slice %arg6[%run_scoped3A_740, %dma_start3A_1359, %dma_start3A_1360] : memref<2x128x64xf32, #tpu.memory_space<vmem>> -> memref<1x128x64xf32, #tpu.memory_space<vmem>>
      %dma_start3A_1362 = tpu.memref_squeeze %dma_start3A_1361 : memref<1x128x64xf32, #tpu.memory_space<vmem>> -> memref<128x64xf32, #tpu.memory_space<vmem>>
      tpu.enqueue_dma source(%dma_start3A_1362 : memref<128x64xf32, #tpu.memory_space<vmem>>) target(%dma_start3A_1358 : memref<128x64xf32, #tpu.memory_space<hbm>>) target_semaphore(%run_scoped3A_1350 : memref<!tpu.dma_semaphore, #tpu.memory_space<semaphore_mem>>)
      %dma_wait3A_1363 = arith.constant 0 : i32
      %dma_wait3A_1364 = arith.constant 0 : i32
      %dma_wait3A_1365 = tpu.memref_slice %arg6[%run_scoped3A_740, %dma_wait3A_1363, %dma_wait3A_1364] : memref<2x128x64xf32, #tpu.memory_space<vmem>> -> memref<1x128x64xf32, #tpu.memory_space<vmem>>
      %dma_wait3A_1366 = tpu.memref_squeeze %dma_wait3A_1365 : memref<1x128x64xf32, #tpu.memory_space<vmem>> -> memref<128x64xf32, #tpu.memory_space<vmem>>
      %dma_wait3A_1367 = arith.constant 0 : i32
      %dma_wait3A_1368 = tpu.memref_slice %arg4[%add3A_739, %dma_wait3A_1367] : memref<204800x64xf32, #tpu.memory_space<hbm>> -> memref<128x64xf32, #tpu.memory_space<hbm>>
      %dma_wait3A_1369 = arith.constant 0 : i32
      %dma_wait3A_1370 = tpu.memref_slice %arg4[%add3A_739, %dma_wait3A_1369] : memref<204800x64xf32, #tpu.memory_space<hbm>> -> memref<128x64xf32, #tpu.memory_space<hbm>>
      %dma_wait3A_1371 = arith.constant 0 : i32
      %dma_wait3A_1372 = arith.constant 0 : i32
      %dma_wait3A_1373 = tpu.memref_slice %arg6[%run_scoped3A_740, %dma_wait3A_1371, %dma_wait3A_1372] : memref<2x128x64xf32, #tpu.memory_space<vmem>> -> memref<1x128x64xf32, #tpu.memory_space<vmem>>
      %dma_wait3A_1374 = tpu.memref_squeeze %dma_wait3A_1373 : memref<1x128x64xf32, #tpu.memory_space<vmem>> -> memref<128x64xf32, #tpu.memory_space<vmem>>
      tpu.wait_dma2 semaphore(%run_scoped3A_1350 : memref<!tpu.dma_semaphore, #tpu.memory_space<semaphore_mem>>) src(%dma_wait3A_1374 : memref<128x64xf32, #tpu.memory_space<vmem>>) dst(%dma_wait3A_1370 : memref<128x64xf32, #tpu.memory_space<hbm>>)
      tpu.yield
    }) : () -> ()
    %dma_start3A_741 = arith.constant 28 : i32
    %dma_start3A_742 = arith.constant 0 : i32
    %dma_start3A_743 = arith.constant 0 : i32
    %dma_start3A_744 = arith.constant 0 : i32
    %dma_start3A_745 = tpu.memref_slice %arg6[%dma_start3A_742, %dma_start3A_743, %dma_start3A_744] : memref<2x128x64xf32, #tpu.memory_space<vmem>> -> memref<1x128x64xf32, #tpu.memory_space<vmem>>
    %dma_start3A_746 = tpu.memref_squeeze %dma_start3A_745 : memref<1x128x64xf32, #tpu.memory_space<vmem>> -> memref<128x64xf32, #tpu.memory_space<vmem>>
    %dma_start3A_747 = arith.constant 0 : i32
    %dma_start3A_748 = tpu.memref_slice %arg5[%dma_start3A_741, %dma_start3A_747] : memref<50x128xi32, #tpu.memory_space<vmem>> -> memref<1x128xi32, #tpu.memory_space<vmem>>
    %dma_start3A_749 = tpu.memref_squeeze %dma_start3A_748 : memref<1x128xi32, #tpu.memory_space<vmem>> -> memref<128xi32, #tpu.memory_space<vmem>>
    %dma_start3A_750 = arith.constant 0 : i32
    %dma_start3A_751 = arith.constant 0 : i32
    %dma_start3A_752 = tpu.memref_slice %arg3[%dma_start3A_750, %dma_start3A_751] : memref<1000000x64xf32, #tpu.memory_space<hbm>> -> memref<1000000x64xf32, #tpu.memory_space<hbm>>
    tpu.enqueue_indirect_dma source(%dma_start3A_752 : memref<1000000x64xf32, #tpu.memory_space<hbm>>) target(%dma_start3A_746 : memref<128x64xf32, #tpu.memory_space<vmem>>) offsets(%dma_start3A_749 : memref<128xi32, #tpu.memory_space<vmem>>) semaphore(%arg7 : memref<!tpu.dma_semaphore, #tpu.memory_space<semaphore_mem>>)
    %dma_wait3A_753 = arith.constant 27 : i32
    %dma_wait3A_754 = arith.constant 1 : i32
    %dma_wait3A_755 = arith.constant 0 : i32
    %dma_wait3A_756 = arith.constant 0 : i32
    %dma_wait3A_757 = tpu.memref_slice %arg6[%dma_wait3A_754, %dma_wait3A_755, %dma_wait3A_756] : memref<2x128x64xf32, #tpu.memory_space<vmem>> -> memref<1x128x64xf32, #tpu.memory_space<vmem>>
    %dma_wait3A_758 = tpu.memref_squeeze %dma_wait3A_757 : memref<1x128x64xf32, #tpu.memory_space<vmem>> -> memref<128x64xf32, #tpu.memory_space<vmem>>
    %dma_wait3A_759 = arith.constant 0 : i32
    %dma_wait3A_760 = tpu.memref_slice %arg5[%dma_wait3A_753, %dma_wait3A_759] : memref<50x128xi32, #tpu.memory_space<vmem>> -> memref<1x128xi32, #tpu.memory_space<vmem>>
    %dma_wait3A_761 = tpu.memref_squeeze %dma_wait3A_760 : memref<1x128xi32, #tpu.memory_space<vmem>> -> memref<128xi32, #tpu.memory_space<vmem>>
    %dma_wait3A_762 = arith.constant 0 : i32
    %dma_wait3A_763 = arith.constant 0 : i32
    %dma_wait3A_764 = tpu.memref_slice %arg3[%dma_wait3A_762, %dma_wait3A_763] : memref<1000000x64xf32, #tpu.memory_space<hbm>> -> memref<1000000x64xf32, #tpu.memory_space<hbm>>
    tpu.wait_indirect_dma semaphore(%arg8 : memref<!tpu.dma_semaphore, #tpu.memory_space<semaphore_mem>>) src(%dma_wait3A_764 : memref<1000000x64xf32, #tpu.memory_space<hbm>>) dst(%dma_wait3A_758 : memref<128x64xf32, #tpu.memory_space<vmem>>)
    %add3A_765 = arith.constant 3456 : i32
    %add3A_766 = arith.addi %mul3A_2, %add3A_765 : i32
    %run_scoped3A_767 = arith.constant 1 : i32
    "tpu.region"() ({
      %run_scoped3A_1350 = tpu.sem_alloc : memref<!tpu.dma_semaphore, #tpu.memory_space<semaphore_mem>>
      %dma_start3A_1351 = arith.constant 0 : i32
      %dma_start3A_1352 = arith.constant 0 : i32
      %dma_start3A_1353 = tpu.memref_slice %arg6[%run_scoped3A_767, %dma_start3A_1351, %dma_start3A_1352] : memref<2x128x64xf32, #tpu.memory_space<vmem>> -> memref<1x128x64xf32, #tpu.memory_space<vmem>>
      %dma_start3A_1354 = tpu.memref_squeeze %dma_start3A_1353 : memref<1x128x64xf32, #tpu.memory_space<vmem>> -> memref<128x64xf32, #tpu.memory_space<vmem>>
      %dma_start3A_1355 = arith.constant 0 : i32
      %dma_start3A_1356 = tpu.memref_slice %arg4[%add3A_766, %dma_start3A_1355] : memref<204800x64xf32, #tpu.memory_space<hbm>> -> memref<128x64xf32, #tpu.memory_space<hbm>>
      %dma_start3A_1357 = arith.constant 0 : i32
      %dma_start3A_1358 = tpu.memref_slice %arg4[%add3A_766, %dma_start3A_1357] : memref<204800x64xf32, #tpu.memory_space<hbm>> -> memref<128x64xf32, #tpu.memory_space<hbm>>
      %dma_start3A_1359 = arith.constant 0 : i32
      %dma_start3A_1360 = arith.constant 0 : i32
      %dma_start3A_1361 = tpu.memref_slice %arg6[%run_scoped3A_767, %dma_start3A_1359, %dma_start3A_1360] : memref<2x128x64xf32, #tpu.memory_space<vmem>> -> memref<1x128x64xf32, #tpu.memory_space<vmem>>
      %dma_start3A_1362 = tpu.memref_squeeze %dma_start3A_1361 : memref<1x128x64xf32, #tpu.memory_space<vmem>> -> memref<128x64xf32, #tpu.memory_space<vmem>>
      tpu.enqueue_dma source(%dma_start3A_1362 : memref<128x64xf32, #tpu.memory_space<vmem>>) target(%dma_start3A_1358 : memref<128x64xf32, #tpu.memory_space<hbm>>) target_semaphore(%run_scoped3A_1350 : memref<!tpu.dma_semaphore, #tpu.memory_space<semaphore_mem>>)
      %dma_wait3A_1363 = arith.constant 0 : i32
      %dma_wait3A_1364 = arith.constant 0 : i32
      %dma_wait3A_1365 = tpu.memref_slice %arg6[%run_scoped3A_767, %dma_wait3A_1363, %dma_wait3A_1364] : memref<2x128x64xf32, #tpu.memory_space<vmem>> -> memref<1x128x64xf32, #tpu.memory_space<vmem>>
      %dma_wait3A_1366 = tpu.memref_squeeze %dma_wait3A_1365 : memref<1x128x64xf32, #tpu.memory_space<vmem>> -> memref<128x64xf32, #tpu.memory_space<vmem>>
      %dma_wait3A_1367 = arith.constant 0 : i32
      %dma_wait3A_1368 = tpu.memref_slice %arg4[%add3A_766, %dma_wait3A_1367] : memref<204800x64xf32, #tpu.memory_space<hbm>> -> memref<128x64xf32, #tpu.memory_space<hbm>>
      %dma_wait3A_1369 = arith.constant 0 : i32
      %dma_wait3A_1370 = tpu.memref_slice %arg4[%add3A_766, %dma_wait3A_1369] : memref<204800x64xf32, #tpu.memory_space<hbm>> -> memref<128x64xf32, #tpu.memory_space<hbm>>
      %dma_wait3A_1371 = arith.constant 0 : i32
      %dma_wait3A_1372 = arith.constant 0 : i32
      %dma_wait3A_1373 = tpu.memref_slice %arg6[%run_scoped3A_767, %dma_wait3A_1371, %dma_wait3A_1372] : memref<2x128x64xf32, #tpu.memory_space<vmem>> -> memref<1x128x64xf32, #tpu.memory_space<vmem>>
      %dma_wait3A_1374 = tpu.memref_squeeze %dma_wait3A_1373 : memref<1x128x64xf32, #tpu.memory_space<vmem>> -> memref<128x64xf32, #tpu.memory_space<vmem>>
      tpu.wait_dma2 semaphore(%run_scoped3A_1350 : memref<!tpu.dma_semaphore, #tpu.memory_space<semaphore_mem>>) src(%dma_wait3A_1374 : memref<128x64xf32, #tpu.memory_space<vmem>>) dst(%dma_wait3A_1370 : memref<128x64xf32, #tpu.memory_space<hbm>>)
      tpu.yield
    }) : () -> ()
    %dma_start3A_768 = arith.constant 29 : i32
    %dma_start3A_769 = arith.constant 1 : i32
    %dma_start3A_770 = arith.constant 0 : i32
    %dma_start3A_771 = arith.constant 0 : i32
    %dma_start3A_772 = tpu.memref_slice %arg6[%dma_start3A_769, %dma_start3A_770, %dma_start3A_771] : memref<2x128x64xf32, #tpu.memory_space<vmem>> -> memref<1x128x64xf32, #tpu.memory_space<vmem>>
    %dma_start3A_773 = tpu.memref_squeeze %dma_start3A_772 : memref<1x128x64xf32, #tpu.memory_space<vmem>> -> memref<128x64xf32, #tpu.memory_space<vmem>>
    %dma_start3A_774 = arith.constant 0 : i32
    %dma_start3A_775 = tpu.memref_slice %arg5[%dma_start3A_768, %dma_start3A_774] : memref<50x128xi32, #tpu.memory_space<vmem>> -> memref<1x128xi32, #tpu.memory_space<vmem>>
    %dma_start3A_776 = tpu.memref_squeeze %dma_start3A_775 : memref<1x128xi32, #tpu.memory_space<vmem>> -> memref<128xi32, #tpu.memory_space<vmem>>
    %dma_start3A_777 = arith.constant 0 : i32
    %dma_start3A_778 = arith.constant 0 : i32
    %dma_start3A_779 = tpu.memref_slice %arg3[%dma_start3A_777, %dma_start3A_778] : memref<1000000x64xf32, #tpu.memory_space<hbm>> -> memref<1000000x64xf32, #tpu.memory_space<hbm>>
    tpu.enqueue_indirect_dma source(%dma_start3A_779 : memref<1000000x64xf32, #tpu.memory_space<hbm>>) target(%dma_start3A_773 : memref<128x64xf32, #tpu.memory_space<vmem>>) offsets(%dma_start3A_776 : memref<128xi32, #tpu.memory_space<vmem>>) semaphore(%arg8 : memref<!tpu.dma_semaphore, #tpu.memory_space<semaphore_mem>>)
    %dma_wait3A_780 = arith.constant 28 : i32
    %dma_wait3A_781 = arith.constant 0 : i32
    %dma_wait3A_782 = arith.constant 0 : i32
    %dma_wait3A_783 = arith.constant 0 : i32
    %dma_wait3A_784 = tpu.memref_slice %arg6[%dma_wait3A_781, %dma_wait3A_782, %dma_wait3A_783] : memref<2x128x64xf32, #tpu.memory_space<vmem>> -> memref<1x128x64xf32, #tpu.memory_space<vmem>>
    %dma_wait3A_785 = tpu.memref_squeeze %dma_wait3A_784 : memref<1x128x64xf32, #tpu.memory_space<vmem>> -> memref<128x64xf32, #tpu.memory_space<vmem>>
    %dma_wait3A_786 = arith.constant 0 : i32
    %dma_wait3A_787 = tpu.memref_slice %arg5[%dma_wait3A_780, %dma_wait3A_786] : memref<50x128xi32, #tpu.memory_space<vmem>> -> memref<1x128xi32, #tpu.memory_space<vmem>>
    %dma_wait3A_788 = tpu.memref_squeeze %dma_wait3A_787 : memref<1x128xi32, #tpu.memory_space<vmem>> -> memref<128xi32, #tpu.memory_space<vmem>>
    %dma_wait3A_789 = arith.constant 0 : i32
    %dma_wait3A_790 = arith.constant 0 : i32
    %dma_wait3A_791 = tpu.memref_slice %arg3[%dma_wait3A_789, %dma_wait3A_790] : memref<1000000x64xf32, #tpu.memory_space<hbm>> -> memref<1000000x64xf32, #tpu.memory_space<hbm>>
    tpu.wait_indirect_dma semaphore(%arg7 : memref<!tpu.dma_semaphore, #tpu.memory_space<semaphore_mem>>) src(%dma_wait3A_791 : memref<1000000x64xf32, #tpu.memory_space<hbm>>) dst(%dma_wait3A_785 : memref<128x64xf32, #tpu.memory_space<vmem>>)
    %add3A_792 = arith.constant 3584 : i32
    %add3A_793 = arith.addi %mul3A_2, %add3A_792 : i32
    %run_scoped3A_794 = arith.constant 0 : i32
    "tpu.region"() ({
      %run_scoped3A_1350 = tpu.sem_alloc : memref<!tpu.dma_semaphore, #tpu.memory_space<semaphore_mem>>
      %dma_start3A_1351 = arith.constant 0 : i32
      %dma_start3A_1352 = arith.constant 0 : i32
      %dma_start3A_1353 = tpu.memref_slice %arg6[%run_scoped3A_794, %dma_start3A_1351, %dma_start3A_1352] : memref<2x128x64xf32, #tpu.memory_space<vmem>> -> memref<1x128x64xf32, #tpu.memory_space<vmem>>
      %dma_start3A_1354 = tpu.memref_squeeze %dma_start3A_1353 : memref<1x128x64xf32, #tpu.memory_space<vmem>> -> memref<128x64xf32, #tpu.memory_space<vmem>>
      %dma_start3A_1355 = arith.constant 0 : i32
      %dma_start3A_1356 = tpu.memref_slice %arg4[%add3A_793, %dma_start3A_1355] : memref<204800x64xf32, #tpu.memory_space<hbm>> -> memref<128x64xf32, #tpu.memory_space<hbm>>
      %dma_start3A_1357 = arith.constant 0 : i32
      %dma_start3A_1358 = tpu.memref_slice %arg4[%add3A_793, %dma_start3A_1357] : memref<204800x64xf32, #tpu.memory_space<hbm>> -> memref<128x64xf32, #tpu.memory_space<hbm>>
      %dma_start3A_1359 = arith.constant 0 : i32
      %dma_start3A_1360 = arith.constant 0 : i32
      %dma_start3A_1361 = tpu.memref_slice %arg6[%run_scoped3A_794, %dma_start3A_1359, %dma_start3A_1360] : memref<2x128x64xf32, #tpu.memory_space<vmem>> -> memref<1x128x64xf32, #tpu.memory_space<vmem>>
      %dma_start3A_1362 = tpu.memref_squeeze %dma_start3A_1361 : memref<1x128x64xf32, #tpu.memory_space<vmem>> -> memref<128x64xf32, #tpu.memory_space<vmem>>
      tpu.enqueue_dma source(%dma_start3A_1362 : memref<128x64xf32, #tpu.memory_space<vmem>>) target(%dma_start3A_1358 : memref<128x64xf32, #tpu.memory_space<hbm>>) target_semaphore(%run_scoped3A_1350 : memref<!tpu.dma_semaphore, #tpu.memory_space<semaphore_mem>>)
      %dma_wait3A_1363 = arith.constant 0 : i32
      %dma_wait3A_1364 = arith.constant 0 : i32
      %dma_wait3A_1365 = tpu.memref_slice %arg6[%run_scoped3A_794, %dma_wait3A_1363, %dma_wait3A_1364] : memref<2x128x64xf32, #tpu.memory_space<vmem>> -> memref<1x128x64xf32, #tpu.memory_space<vmem>>
      %dma_wait3A_1366 = tpu.memref_squeeze %dma_wait3A_1365 : memref<1x128x64xf32, #tpu.memory_space<vmem>> -> memref<128x64xf32, #tpu.memory_space<vmem>>
      %dma_wait3A_1367 = arith.constant 0 : i32
      %dma_wait3A_1368 = tpu.memref_slice %arg4[%add3A_793, %dma_wait3A_1367] : memref<204800x64xf32, #tpu.memory_space<hbm>> -> memref<128x64xf32, #tpu.memory_space<hbm>>
      %dma_wait3A_1369 = arith.constant 0 : i32
      %dma_wait3A_1370 = tpu.memref_slice %arg4[%add3A_793, %dma_wait3A_1369] : memref<204800x64xf32, #tpu.memory_space<hbm>> -> memref<128x64xf32, #tpu.memory_space<hbm>>
      %dma_wait3A_1371 = arith.constant 0 : i32
      %dma_wait3A_1372 = arith.constant 0 : i32
      %dma_wait3A_1373 = tpu.memref_slice %arg6[%run_scoped3A_794, %dma_wait3A_1371, %dma_wait3A_1372] : memref<2x128x64xf32, #tpu.memory_space<vmem>> -> memref<1x128x64xf32, #tpu.memory_space<vmem>>
      %dma_wait3A_1374 = tpu.memref_squeeze %dma_wait3A_1373 : memref<1x128x64xf32, #tpu.memory_space<vmem>> -> memref<128x64xf32, #tpu.memory_space<vmem>>
      tpu.wait_dma2 semaphore(%run_scoped3A_1350 : memref<!tpu.dma_semaphore, #tpu.memory_space<semaphore_mem>>) src(%dma_wait3A_1374 : memref<128x64xf32, #tpu.memory_space<vmem>>) dst(%dma_wait3A_1370 : memref<128x64xf32, #tpu.memory_space<hbm>>)
      tpu.yield
    }) : () -> ()
    %dma_start3A_795 = arith.constant 30 : i32
    %dma_start3A_796 = arith.constant 0 : i32
    %dma_start3A_797 = arith.constant 0 : i32
    %dma_start3A_798 = arith.constant 0 : i32
    %dma_start3A_799 = tpu.memref_slice %arg6[%dma_start3A_796, %dma_start3A_797, %dma_start3A_798] : memref<2x128x64xf32, #tpu.memory_space<vmem>> -> memref<1x128x64xf32, #tpu.memory_space<vmem>>
    %dma_start3A_800 = tpu.memref_squeeze %dma_start3A_799 : memref<1x128x64xf32, #tpu.memory_space<vmem>> -> memref<128x64xf32, #tpu.memory_space<vmem>>
    %dma_start3A_801 = arith.constant 0 : i32
    %dma_start3A_802 = tpu.memref_slice %arg5[%dma_start3A_795, %dma_start3A_801] : memref<50x128xi32, #tpu.memory_space<vmem>> -> memref<1x128xi32, #tpu.memory_space<vmem>>
    %dma_start3A_803 = tpu.memref_squeeze %dma_start3A_802 : memref<1x128xi32, #tpu.memory_space<vmem>> -> memref<128xi32, #tpu.memory_space<vmem>>
    %dma_start3A_804 = arith.constant 0 : i32
    %dma_start3A_805 = arith.constant 0 : i32
    %dma_start3A_806 = tpu.memref_slice %arg3[%dma_start3A_804, %dma_start3A_805] : memref<1000000x64xf32, #tpu.memory_space<hbm>> -> memref<1000000x64xf32, #tpu.memory_space<hbm>>
    tpu.enqueue_indirect_dma source(%dma_start3A_806 : memref<1000000x64xf32, #tpu.memory_space<hbm>>) target(%dma_start3A_800 : memref<128x64xf32, #tpu.memory_space<vmem>>) offsets(%dma_start3A_803 : memref<128xi32, #tpu.memory_space<vmem>>) semaphore(%arg7 : memref<!tpu.dma_semaphore, #tpu.memory_space<semaphore_mem>>)
    %dma_wait3A_807 = arith.constant 29 : i32
    %dma_wait3A_808 = arith.constant 1 : i32
    %dma_wait3A_809 = arith.constant 0 : i32
    %dma_wait3A_810 = arith.constant 0 : i32
    %dma_wait3A_811 = tpu.memref_slice %arg6[%dma_wait3A_808, %dma_wait3A_809, %dma_wait3A_810] : memref<2x128x64xf32, #tpu.memory_space<vmem>> -> memref<1x128x64xf32, #tpu.memory_space<vmem>>
    %dma_wait3A_812 = tpu.memref_squeeze %dma_wait3A_811 : memref<1x128x64xf32, #tpu.memory_space<vmem>> -> memref<128x64xf32, #tpu.memory_space<vmem>>
    %dma_wait3A_813 = arith.constant 0 : i32
    %dma_wait3A_814 = tpu.memref_slice %arg5[%dma_wait3A_807, %dma_wait3A_813] : memref<50x128xi32, #tpu.memory_space<vmem>> -> memref<1x128xi32, #tpu.memory_space<vmem>>
    %dma_wait3A_815 = tpu.memref_squeeze %dma_wait3A_814 : memref<1x128xi32, #tpu.memory_space<vmem>> -> memref<128xi32, #tpu.memory_space<vmem>>
    %dma_wait3A_816 = arith.constant 0 : i32
    %dma_wait3A_817 = arith.constant 0 : i32
    %dma_wait3A_818 = tpu.memref_slice %arg3[%dma_wait3A_816, %dma_wait3A_817] : memref<1000000x64xf32, #tpu.memory_space<hbm>> -> memref<1000000x64xf32, #tpu.memory_space<hbm>>
    tpu.wait_indirect_dma semaphore(%arg8 : memref<!tpu.dma_semaphore, #tpu.memory_space<semaphore_mem>>) src(%dma_wait3A_818 : memref<1000000x64xf32, #tpu.memory_space<hbm>>) dst(%dma_wait3A_812 : memref<128x64xf32, #tpu.memory_space<vmem>>)
    %add3A_819 = arith.constant 3712 : i32
    %add3A_820 = arith.addi %mul3A_2, %add3A_819 : i32
    %run_scoped3A_821 = arith.constant 1 : i32
    "tpu.region"() ({
      %run_scoped3A_1350 = tpu.sem_alloc : memref<!tpu.dma_semaphore, #tpu.memory_space<semaphore_mem>>
      %dma_start3A_1351 = arith.constant 0 : i32
      %dma_start3A_1352 = arith.constant 0 : i32
      %dma_start3A_1353 = tpu.memref_slice %arg6[%run_scoped3A_821, %dma_start3A_1351, %dma_start3A_1352] : memref<2x128x64xf32, #tpu.memory_space<vmem>> -> memref<1x128x64xf32, #tpu.memory_space<vmem>>
      %dma_start3A_1354 = tpu.memref_squeeze %dma_start3A_1353 : memref<1x128x64xf32, #tpu.memory_space<vmem>> -> memref<128x64xf32, #tpu.memory_space<vmem>>
      %dma_start3A_1355 = arith.constant 0 : i32
      %dma_start3A_1356 = tpu.memref_slice %arg4[%add3A_820, %dma_start3A_1355] : memref<204800x64xf32, #tpu.memory_space<hbm>> -> memref<128x64xf32, #tpu.memory_space<hbm>>
      %dma_start3A_1357 = arith.constant 0 : i32
      %dma_start3A_1358 = tpu.memref_slice %arg4[%add3A_820, %dma_start3A_1357] : memref<204800x64xf32, #tpu.memory_space<hbm>> -> memref<128x64xf32, #tpu.memory_space<hbm>>
      %dma_start3A_1359 = arith.constant 0 : i32
      %dma_start3A_1360 = arith.constant 0 : i32
      %dma_start3A_1361 = tpu.memref_slice %arg6[%run_scoped3A_821, %dma_start3A_1359, %dma_start3A_1360] : memref<2x128x64xf32, #tpu.memory_space<vmem>> -> memref<1x128x64xf32, #tpu.memory_space<vmem>>
      %dma_start3A_1362 = tpu.memref_squeeze %dma_start3A_1361 : memref<1x128x64xf32, #tpu.memory_space<vmem>> -> memref<128x64xf32, #tpu.memory_space<vmem>>
      tpu.enqueue_dma source(%dma_start3A_1362 : memref<128x64xf32, #tpu.memory_space<vmem>>) target(%dma_start3A_1358 : memref<128x64xf32, #tpu.memory_space<hbm>>) target_semaphore(%run_scoped3A_1350 : memref<!tpu.dma_semaphore, #tpu.memory_space<semaphore_mem>>)
      %dma_wait3A_1363 = arith.constant 0 : i32
      %dma_wait3A_1364 = arith.constant 0 : i32
      %dma_wait3A_1365 = tpu.memref_slice %arg6[%run_scoped3A_821, %dma_wait3A_1363, %dma_wait3A_1364] : memref<2x128x64xf32, #tpu.memory_space<vmem>> -> memref<1x128x64xf32, #tpu.memory_space<vmem>>
      %dma_wait3A_1366 = tpu.memref_squeeze %dma_wait3A_1365 : memref<1x128x64xf32, #tpu.memory_space<vmem>> -> memref<128x64xf32, #tpu.memory_space<vmem>>
      %dma_wait3A_1367 = arith.constant 0 : i32
      %dma_wait3A_1368 = tpu.memref_slice %arg4[%add3A_820, %dma_wait3A_1367] : memref<204800x64xf32, #tpu.memory_space<hbm>> -> memref<128x64xf32, #tpu.memory_space<hbm>>
      %dma_wait3A_1369 = arith.constant 0 : i32
      %dma_wait3A_1370 = tpu.memref_slice %arg4[%add3A_820, %dma_wait3A_1369] : memref<204800x64xf32, #tpu.memory_space<hbm>> -> memref<128x64xf32, #tpu.memory_space<hbm>>
      %dma_wait3A_1371 = arith.constant 0 : i32
      %dma_wait3A_1372 = arith.constant 0 : i32
      %dma_wait3A_1373 = tpu.memref_slice %arg6[%run_scoped3A_821, %dma_wait3A_1371, %dma_wait3A_1372] : memref<2x128x64xf32, #tpu.memory_space<vmem>> -> memref<1x128x64xf32, #tpu.memory_space<vmem>>
      %dma_wait3A_1374 = tpu.memref_squeeze %dma_wait3A_1373 : memref<1x128x64xf32, #tpu.memory_space<vmem>> -> memref<128x64xf32, #tpu.memory_space<vmem>>
      tpu.wait_dma2 semaphore(%run_scoped3A_1350 : memref<!tpu.dma_semaphore, #tpu.memory_space<semaphore_mem>>) src(%dma_wait3A_1374 : memref<128x64xf32, #tpu.memory_space<vmem>>) dst(%dma_wait3A_1370 : memref<128x64xf32, #tpu.memory_space<hbm>>)
      tpu.yield
    }) : () -> ()
    %dma_start3A_822 = arith.constant 31 : i32
    %dma_start3A_823 = arith.constant 1 : i32
    %dma_start3A_824 = arith.constant 0 : i32
    %dma_start3A_825 = arith.constant 0 : i32
    %dma_start3A_826 = tpu.memref_slice %arg6[%dma_start3A_823, %dma_start3A_824, %dma_start3A_825] : memref<2x128x64xf32, #tpu.memory_space<vmem>> -> memref<1x128x64xf32, #tpu.memory_space<vmem>>
    %dma_start3A_827 = tpu.memref_squeeze %dma_start3A_826 : memref<1x128x64xf32, #tpu.memory_space<vmem>> -> memref<128x64xf32, #tpu.memory_space<vmem>>
    %dma_start3A_828 = arith.constant 0 : i32
    %dma_start3A_829 = tpu.memref_slice %arg5[%dma_start3A_822, %dma_start3A_828] : memref<50x128xi32, #tpu.memory_space<vmem>> -> memref<1x128xi32, #tpu.memory_space<vmem>>
    %dma_start3A_830 = tpu.memref_squeeze %dma_start3A_829 : memref<1x128xi32, #tpu.memory_space<vmem>> -> memref<128xi32, #tpu.memory_space<vmem>>
    %dma_start3A_831 = arith.constant 0 : i32
    %dma_start3A_832 = arith.constant 0 : i32
    %dma_start3A_833 = tpu.memref_slice %arg3[%dma_start3A_831, %dma_start3A_832] : memref<1000000x64xf32, #tpu.memory_space<hbm>> -> memref<1000000x64xf32, #tpu.memory_space<hbm>>
    tpu.enqueue_indirect_dma source(%dma_start3A_833 : memref<1000000x64xf32, #tpu.memory_space<hbm>>) target(%dma_start3A_827 : memref<128x64xf32, #tpu.memory_space<vmem>>) offsets(%dma_start3A_830 : memref<128xi32, #tpu.memory_space<vmem>>) semaphore(%arg8 : memref<!tpu.dma_semaphore, #tpu.memory_space<semaphore_mem>>)
    %dma_wait3A_834 = arith.constant 30 : i32
    %dma_wait3A_835 = arith.constant 0 : i32
    %dma_wait3A_836 = arith.constant 0 : i32
    %dma_wait3A_837 = arith.constant 0 : i32
    %dma_wait3A_838 = tpu.memref_slice %arg6[%dma_wait3A_835, %dma_wait3A_836, %dma_wait3A_837] : memref<2x128x64xf32, #tpu.memory_space<vmem>> -> memref<1x128x64xf32, #tpu.memory_space<vmem>>
    %dma_wait3A_839 = tpu.memref_squeeze %dma_wait3A_838 : memref<1x128x64xf32, #tpu.memory_space<vmem>> -> memref<128x64xf32, #tpu.memory_space<vmem>>
    %dma_wait3A_840 = arith.constant 0 : i32
    %dma_wait3A_841 = tpu.memref_slice %arg5[%dma_wait3A_834, %dma_wait3A_840] : memref<50x128xi32, #tpu.memory_space<vmem>> -> memref<1x128xi32, #tpu.memory_space<vmem>>
    %dma_wait3A_842 = tpu.memref_squeeze %dma_wait3A_841 : memref<1x128xi32, #tpu.memory_space<vmem>> -> memref<128xi32, #tpu.memory_space<vmem>>
    %dma_wait3A_843 = arith.constant 0 : i32
    %dma_wait3A_844 = arith.constant 0 : i32
    %dma_wait3A_845 = tpu.memref_slice %arg3[%dma_wait3A_843, %dma_wait3A_844] : memref<1000000x64xf32, #tpu.memory_space<hbm>> -> memref<1000000x64xf32, #tpu.memory_space<hbm>>
    tpu.wait_indirect_dma semaphore(%arg7 : memref<!tpu.dma_semaphore, #tpu.memory_space<semaphore_mem>>) src(%dma_wait3A_845 : memref<1000000x64xf32, #tpu.memory_space<hbm>>) dst(%dma_wait3A_839 : memref<128x64xf32, #tpu.memory_space<vmem>>)
    %add3A_846 = arith.constant 3840 : i32
    %add3A_847 = arith.addi %mul3A_2, %add3A_846 : i32
    %run_scoped3A_848 = arith.constant 0 : i32
    "tpu.region"() ({
      %run_scoped3A_1350 = tpu.sem_alloc : memref<!tpu.dma_semaphore, #tpu.memory_space<semaphore_mem>>
      %dma_start3A_1351 = arith.constant 0 : i32
      %dma_start3A_1352 = arith.constant 0 : i32
      %dma_start3A_1353 = tpu.memref_slice %arg6[%run_scoped3A_848, %dma_start3A_1351, %dma_start3A_1352] : memref<2x128x64xf32, #tpu.memory_space<vmem>> -> memref<1x128x64xf32, #tpu.memory_space<vmem>>
      %dma_start3A_1354 = tpu.memref_squeeze %dma_start3A_1353 : memref<1x128x64xf32, #tpu.memory_space<vmem>> -> memref<128x64xf32, #tpu.memory_space<vmem>>
      %dma_start3A_1355 = arith.constant 0 : i32
      %dma_start3A_1356 = tpu.memref_slice %arg4[%add3A_847, %dma_start3A_1355] : memref<204800x64xf32, #tpu.memory_space<hbm>> -> memref<128x64xf32, #tpu.memory_space<hbm>>
      %dma_start3A_1357 = arith.constant 0 : i32
      %dma_start3A_1358 = tpu.memref_slice %arg4[%add3A_847, %dma_start3A_1357] : memref<204800x64xf32, #tpu.memory_space<hbm>> -> memref<128x64xf32, #tpu.memory_space<hbm>>
      %dma_start3A_1359 = arith.constant 0 : i32
      %dma_start3A_1360 = arith.constant 0 : i32
      %dma_start3A_1361 = tpu.memref_slice %arg6[%run_scoped3A_848, %dma_start3A_1359, %dma_start3A_1360] : memref<2x128x64xf32, #tpu.memory_space<vmem>> -> memref<1x128x64xf32, #tpu.memory_space<vmem>>
      %dma_start3A_1362 = tpu.memref_squeeze %dma_start3A_1361 : memref<1x128x64xf32, #tpu.memory_space<vmem>> -> memref<128x64xf32, #tpu.memory_space<vmem>>
      tpu.enqueue_dma source(%dma_start3A_1362 : memref<128x64xf32, #tpu.memory_space<vmem>>) target(%dma_start3A_1358 : memref<128x64xf32, #tpu.memory_space<hbm>>) target_semaphore(%run_scoped3A_1350 : memref<!tpu.dma_semaphore, #tpu.memory_space<semaphore_mem>>)
      %dma_wait3A_1363 = arith.constant 0 : i32
      %dma_wait3A_1364 = arith.constant 0 : i32
      %dma_wait3A_1365 = tpu.memref_slice %arg6[%run_scoped3A_848, %dma_wait3A_1363, %dma_wait3A_1364] : memref<2x128x64xf32, #tpu.memory_space<vmem>> -> memref<1x128x64xf32, #tpu.memory_space<vmem>>
      %dma_wait3A_1366 = tpu.memref_squeeze %dma_wait3A_1365 : memref<1x128x64xf32, #tpu.memory_space<vmem>> -> memref<128x64xf32, #tpu.memory_space<vmem>>
      %dma_wait3A_1367 = arith.constant 0 : i32
      %dma_wait3A_1368 = tpu.memref_slice %arg4[%add3A_847, %dma_wait3A_1367] : memref<204800x64xf32, #tpu.memory_space<hbm>> -> memref<128x64xf32, #tpu.memory_space<hbm>>
      %dma_wait3A_1369 = arith.constant 0 : i32
      %dma_wait3A_1370 = tpu.memref_slice %arg4[%add3A_847, %dma_wait3A_1369] : memref<204800x64xf32, #tpu.memory_space<hbm>> -> memref<128x64xf32, #tpu.memory_space<hbm>>
      %dma_wait3A_1371 = arith.constant 0 : i32
      %dma_wait3A_1372 = arith.constant 0 : i32
      %dma_wait3A_1373 = tpu.memref_slice %arg6[%run_scoped3A_848, %dma_wait3A_1371, %dma_wait3A_1372] : memref<2x128x64xf32, #tpu.memory_space<vmem>> -> memref<1x128x64xf32, #tpu.memory_space<vmem>>
      %dma_wait3A_1374 = tpu.memref_squeeze %dma_wait3A_1373 : memref<1x128x64xf32, #tpu.memory_space<vmem>> -> memref<128x64xf32, #tpu.memory_space<vmem>>
      tpu.wait_dma2 semaphore(%run_scoped3A_1350 : memref<!tpu.dma_semaphore, #tpu.memory_space<semaphore_mem>>) src(%dma_wait3A_1374 : memref<128x64xf32, #tpu.memory_space<vmem>>) dst(%dma_wait3A_1370 : memref<128x64xf32, #tpu.memory_space<hbm>>)
      tpu.yield
    }) : () -> ()
    %dma_start3A_849 = arith.constant 32 : i32
    %dma_start3A_850 = arith.constant 0 : i32
    %dma_start3A_851 = arith.constant 0 : i32
    %dma_start3A_852 = arith.constant 0 : i32
    %dma_start3A_853 = tpu.memref_slice %arg6[%dma_start3A_850, %dma_start3A_851, %dma_start3A_852] : memref<2x128x64xf32, #tpu.memory_space<vmem>> -> memref<1x128x64xf32, #tpu.memory_space<vmem>>
    %dma_start3A_854 = tpu.memref_squeeze %dma_start3A_853 : memref<1x128x64xf32, #tpu.memory_space<vmem>> -> memref<128x64xf32, #tpu.memory_space<vmem>>
    %dma_start3A_855 = arith.constant 0 : i32
    %dma_start3A_856 = tpu.memref_slice %arg5[%dma_start3A_849, %dma_start3A_855] : memref<50x128xi32, #tpu.memory_space<vmem>> -> memref<1x128xi32, #tpu.memory_space<vmem>>
    %dma_start3A_857 = tpu.memref_squeeze %dma_start3A_856 : memref<1x128xi32, #tpu.memory_space<vmem>> -> memref<128xi32, #tpu.memory_space<vmem>>
    %dma_start3A_858 = arith.constant 0 : i32
    %dma_start3A_859 = arith.constant 0 : i32
    %dma_start3A_860 = tpu.memref_slice %arg3[%dma_start3A_858, %dma_start3A_859] : memref<1000000x64xf32, #tpu.memory_space<hbm>> -> memref<1000000x64xf32, #tpu.memory_space<hbm>>
    tpu.enqueue_indirect_dma source(%dma_start3A_860 : memref<1000000x64xf32, #tpu.memory_space<hbm>>) target(%dma_start3A_854 : memref<128x64xf32, #tpu.memory_space<vmem>>) offsets(%dma_start3A_857 : memref<128xi32, #tpu.memory_space<vmem>>) semaphore(%arg7 : memref<!tpu.dma_semaphore, #tpu.memory_space<semaphore_mem>>)
    %dma_wait3A_861 = arith.constant 31 : i32
    %dma_wait3A_862 = arith.constant 1 : i32
    %dma_wait3A_863 = arith.constant 0 : i32
    %dma_wait3A_864 = arith.constant 0 : i32
    %dma_wait3A_865 = tpu.memref_slice %arg6[%dma_wait3A_862, %dma_wait3A_863, %dma_wait3A_864] : memref<2x128x64xf32, #tpu.memory_space<vmem>> -> memref<1x128x64xf32, #tpu.memory_space<vmem>>
    %dma_wait3A_866 = tpu.memref_squeeze %dma_wait3A_865 : memref<1x128x64xf32, #tpu.memory_space<vmem>> -> memref<128x64xf32, #tpu.memory_space<vmem>>
    %dma_wait3A_867 = arith.constant 0 : i32
    %dma_wait3A_868 = tpu.memref_slice %arg5[%dma_wait3A_861, %dma_wait3A_867] : memref<50x128xi32, #tpu.memory_space<vmem>> -> memref<1x128xi32, #tpu.memory_space<vmem>>
    %dma_wait3A_869 = tpu.memref_squeeze %dma_wait3A_868 : memref<1x128xi32, #tpu.memory_space<vmem>> -> memref<128xi32, #tpu.memory_space<vmem>>
    %dma_wait3A_870 = arith.constant 0 : i32
    %dma_wait3A_871 = arith.constant 0 : i32
    %dma_wait3A_872 = tpu.memref_slice %arg3[%dma_wait3A_870, %dma_wait3A_871] : memref<1000000x64xf32, #tpu.memory_space<hbm>> -> memref<1000000x64xf32, #tpu.memory_space<hbm>>
    tpu.wait_indirect_dma semaphore(%arg8 : memref<!tpu.dma_semaphore, #tpu.memory_space<semaphore_mem>>) src(%dma_wait3A_872 : memref<1000000x64xf32, #tpu.memory_space<hbm>>) dst(%dma_wait3A_866 : memref<128x64xf32, #tpu.memory_space<vmem>>)
    %add3A_873 = arith.constant 3968 : i32
    %add3A_874 = arith.addi %mul3A_2, %add3A_873 : i32
    %run_scoped3A_875 = arith.constant 1 : i32
    "tpu.region"() ({
      %run_scoped3A_1350 = tpu.sem_alloc : memref<!tpu.dma_semaphore, #tpu.memory_space<semaphore_mem>>
      %dma_start3A_1351 = arith.constant 0 : i32
      %dma_start3A_1352 = arith.constant 0 : i32
      %dma_start3A_1353 = tpu.memref_slice %arg6[%run_scoped3A_875, %dma_start3A_1351, %dma_start3A_1352] : memref<2x128x64xf32, #tpu.memory_space<vmem>> -> memref<1x128x64xf32, #tpu.memory_space<vmem>>
      %dma_start3A_1354 = tpu.memref_squeeze %dma_start3A_1353 : memref<1x128x64xf32, #tpu.memory_space<vmem>> -> memref<128x64xf32, #tpu.memory_space<vmem>>
      %dma_start3A_1355 = arith.constant 0 : i32
      %dma_start3A_1356 = tpu.memref_slice %arg4[%add3A_874, %dma_start3A_1355] : memref<204800x64xf32, #tpu.memory_space<hbm>> -> memref<128x64xf32, #tpu.memory_space<hbm>>
      %dma_start3A_1357 = arith.constant 0 : i32
      %dma_start3A_1358 = tpu.memref_slice %arg4[%add3A_874, %dma_start3A_1357] : memref<204800x64xf32, #tpu.memory_space<hbm>> -> memref<128x64xf32, #tpu.memory_space<hbm>>
      %dma_start3A_1359 = arith.constant 0 : i32
      %dma_start3A_1360 = arith.constant 0 : i32
      %dma_start3A_1361 = tpu.memref_slice %arg6[%run_scoped3A_875, %dma_start3A_1359, %dma_start3A_1360] : memref<2x128x64xf32, #tpu.memory_space<vmem>> -> memref<1x128x64xf32, #tpu.memory_space<vmem>>
      %dma_start3A_1362 = tpu.memref_squeeze %dma_start3A_1361 : memref<1x128x64xf32, #tpu.memory_space<vmem>> -> memref<128x64xf32, #tpu.memory_space<vmem>>
      tpu.enqueue_dma source(%dma_start3A_1362 : memref<128x64xf32, #tpu.memory_space<vmem>>) target(%dma_start3A_1358 : memref<128x64xf32, #tpu.memory_space<hbm>>) target_semaphore(%run_scoped3A_1350 : memref<!tpu.dma_semaphore, #tpu.memory_space<semaphore_mem>>)
      %dma_wait3A_1363 = arith.constant 0 : i32
      %dma_wait3A_1364 = arith.constant 0 : i32
      %dma_wait3A_1365 = tpu.memref_slice %arg6[%run_scoped3A_875, %dma_wait3A_1363, %dma_wait3A_1364] : memref<2x128x64xf32, #tpu.memory_space<vmem>> -> memref<1x128x64xf32, #tpu.memory_space<vmem>>
      %dma_wait3A_1366 = tpu.memref_squeeze %dma_wait3A_1365 : memref<1x128x64xf32, #tpu.memory_space<vmem>> -> memref<128x64xf32, #tpu.memory_space<vmem>>
      %dma_wait3A_1367 = arith.constant 0 : i32
      %dma_wait3A_1368 = tpu.memref_slice %arg4[%add3A_874, %dma_wait3A_1367] : memref<204800x64xf32, #tpu.memory_space<hbm>> -> memref<128x64xf32, #tpu.memory_space<hbm>>
      %dma_wait3A_1369 = arith.constant 0 : i32
      %dma_wait3A_1370 = tpu.memref_slice %arg4[%add3A_874, %dma_wait3A_1369] : memref<204800x64xf32, #tpu.memory_space<hbm>> -> memref<128x64xf32, #tpu.memory_space<hbm>>
      %dma_wait3A_1371 = arith.constant 0 : i32
      %dma_wait3A_1372 = arith.constant 0 : i32
      %dma_wait3A_1373 = tpu.memref_slice %arg6[%run_scoped3A_875, %dma_wait3A_1371, %dma_wait3A_1372] : memref<2x128x64xf32, #tpu.memory_space<vmem>> -> memref<1x128x64xf32, #tpu.memory_space<vmem>>
      %dma_wait3A_1374 = tpu.memref_squeeze %dma_wait3A_1373 : memref<1x128x64xf32, #tpu.memory_space<vmem>> -> memref<128x64xf32, #tpu.memory_space<vmem>>
      tpu.wait_dma2 semaphore(%run_scoped3A_1350 : memref<!tpu.dma_semaphore, #tpu.memory_space<semaphore_mem>>) src(%dma_wait3A_1374 : memref<128x64xf32, #tpu.memory_space<vmem>>) dst(%dma_wait3A_1370 : memref<128x64xf32, #tpu.memory_space<hbm>>)
      tpu.yield
    }) : () -> ()
    %dma_start3A_876 = arith.constant 33 : i32
    %dma_start3A_877 = arith.constant 1 : i32
    %dma_start3A_878 = arith.constant 0 : i32
    %dma_start3A_879 = arith.constant 0 : i32
    %dma_start3A_880 = tpu.memref_slice %arg6[%dma_start3A_877, %dma_start3A_878, %dma_start3A_879] : memref<2x128x64xf32, #tpu.memory_space<vmem>> -> memref<1x128x64xf32, #tpu.memory_space<vmem>>
    %dma_start3A_881 = tpu.memref_squeeze %dma_start3A_880 : memref<1x128x64xf32, #tpu.memory_space<vmem>> -> memref<128x64xf32, #tpu.memory_space<vmem>>
    %dma_start3A_882 = arith.constant 0 : i32
    %dma_start3A_883 = tpu.memref_slice %arg5[%dma_start3A_876, %dma_start3A_882] : memref<50x128xi32, #tpu.memory_space<vmem>> -> memref<1x128xi32, #tpu.memory_space<vmem>>
    %dma_start3A_884 = tpu.memref_squeeze %dma_start3A_883 : memref<1x128xi32, #tpu.memory_space<vmem>> -> memref<128xi32, #tpu.memory_space<vmem>>
    %dma_start3A_885 = arith.constant 0 : i32
    %dma_start3A_886 = arith.constant 0 : i32
    %dma_start3A_887 = tpu.memref_slice %arg3[%dma_start3A_885, %dma_start3A_886] : memref<1000000x64xf32, #tpu.memory_space<hbm>> -> memref<1000000x64xf32, #tpu.memory_space<hbm>>
    tpu.enqueue_indirect_dma source(%dma_start3A_887 : memref<1000000x64xf32, #tpu.memory_space<hbm>>) target(%dma_start3A_881 : memref<128x64xf32, #tpu.memory_space<vmem>>) offsets(%dma_start3A_884 : memref<128xi32, #tpu.memory_space<vmem>>) semaphore(%arg8 : memref<!tpu.dma_semaphore, #tpu.memory_space<semaphore_mem>>)
    %dma_wait3A_888 = arith.constant 32 : i32
    %dma_wait3A_889 = arith.constant 0 : i32
    %dma_wait3A_890 = arith.constant 0 : i32
    %dma_wait3A_891 = arith.constant 0 : i32
    %dma_wait3A_892 = tpu.memref_slice %arg6[%dma_wait3A_889, %dma_wait3A_890, %dma_wait3A_891] : memref<2x128x64xf32, #tpu.memory_space<vmem>> -> memref<1x128x64xf32, #tpu.memory_space<vmem>>
    %dma_wait3A_893 = tpu.memref_squeeze %dma_wait3A_892 : memref<1x128x64xf32, #tpu.memory_space<vmem>> -> memref<128x64xf32, #tpu.memory_space<vmem>>
    %dma_wait3A_894 = arith.constant 0 : i32
    %dma_wait3A_895 = tpu.memref_slice %arg5[%dma_wait3A_888, %dma_wait3A_894] : memref<50x128xi32, #tpu.memory_space<vmem>> -> memref<1x128xi32, #tpu.memory_space<vmem>>
    %dma_wait3A_896 = tpu.memref_squeeze %dma_wait3A_895 : memref<1x128xi32, #tpu.memory_space<vmem>> -> memref<128xi32, #tpu.memory_space<vmem>>
    %dma_wait3A_897 = arith.constant 0 : i32
    %dma_wait3A_898 = arith.constant 0 : i32
    %dma_wait3A_899 = tpu.memref_slice %arg3[%dma_wait3A_897, %dma_wait3A_898] : memref<1000000x64xf32, #tpu.memory_space<hbm>> -> memref<1000000x64xf32, #tpu.memory_space<hbm>>
    tpu.wait_indirect_dma semaphore(%arg7 : memref<!tpu.dma_semaphore, #tpu.memory_space<semaphore_mem>>) src(%dma_wait3A_899 : memref<1000000x64xf32, #tpu.memory_space<hbm>>) dst(%dma_wait3A_893 : memref<128x64xf32, #tpu.memory_space<vmem>>)
    %add3A_900 = arith.constant 4096 : i32
    %add3A_901 = arith.addi %mul3A_2, %add3A_900 : i32
    %run_scoped3A_902 = arith.constant 0 : i32
    "tpu.region"() ({
      %run_scoped3A_1350 = tpu.sem_alloc : memref<!tpu.dma_semaphore, #tpu.memory_space<semaphore_mem>>
      %dma_start3A_1351 = arith.constant 0 : i32
      %dma_start3A_1352 = arith.constant 0 : i32
      %dma_start3A_1353 = tpu.memref_slice %arg6[%run_scoped3A_902, %dma_start3A_1351, %dma_start3A_1352] : memref<2x128x64xf32, #tpu.memory_space<vmem>> -> memref<1x128x64xf32, #tpu.memory_space<vmem>>
      %dma_start3A_1354 = tpu.memref_squeeze %dma_start3A_1353 : memref<1x128x64xf32, #tpu.memory_space<vmem>> -> memref<128x64xf32, #tpu.memory_space<vmem>>
      %dma_start3A_1355 = arith.constant 0 : i32
      %dma_start3A_1356 = tpu.memref_slice %arg4[%add3A_901, %dma_start3A_1355] : memref<204800x64xf32, #tpu.memory_space<hbm>> -> memref<128x64xf32, #tpu.memory_space<hbm>>
      %dma_start3A_1357 = arith.constant 0 : i32
      %dma_start3A_1358 = tpu.memref_slice %arg4[%add3A_901, %dma_start3A_1357] : memref<204800x64xf32, #tpu.memory_space<hbm>> -> memref<128x64xf32, #tpu.memory_space<hbm>>
      %dma_start3A_1359 = arith.constant 0 : i32
      %dma_start3A_1360 = arith.constant 0 : i32
      %dma_start3A_1361 = tpu.memref_slice %arg6[%run_scoped3A_902, %dma_start3A_1359, %dma_start3A_1360] : memref<2x128x64xf32, #tpu.memory_space<vmem>> -> memref<1x128x64xf32, #tpu.memory_space<vmem>>
      %dma_start3A_1362 = tpu.memref_squeeze %dma_start3A_1361 : memref<1x128x64xf32, #tpu.memory_space<vmem>> -> memref<128x64xf32, #tpu.memory_space<vmem>>
      tpu.enqueue_dma source(%dma_start3A_1362 : memref<128x64xf32, #tpu.memory_space<vmem>>) target(%dma_start3A_1358 : memref<128x64xf32, #tpu.memory_space<hbm>>) target_semaphore(%run_scoped3A_1350 : memref<!tpu.dma_semaphore, #tpu.memory_space<semaphore_mem>>)
      %dma_wait3A_1363 = arith.constant 0 : i32
      %dma_wait3A_1364 = arith.constant 0 : i32
      %dma_wait3A_1365 = tpu.memref_slice %arg6[%run_scoped3A_902, %dma_wait3A_1363, %dma_wait3A_1364] : memref<2x128x64xf32, #tpu.memory_space<vmem>> -> memref<1x128x64xf32, #tpu.memory_space<vmem>>
      %dma_wait3A_1366 = tpu.memref_squeeze %dma_wait3A_1365 : memref<1x128x64xf32, #tpu.memory_space<vmem>> -> memref<128x64xf32, #tpu.memory_space<vmem>>
      %dma_wait3A_1367 = arith.constant 0 : i32
      %dma_wait3A_1368 = tpu.memref_slice %arg4[%add3A_901, %dma_wait3A_1367] : memref<204800x64xf32, #tpu.memory_space<hbm>> -> memref<128x64xf32, #tpu.memory_space<hbm>>
      %dma_wait3A_1369 = arith.constant 0 : i32
      %dma_wait3A_1370 = tpu.memref_slice %arg4[%add3A_901, %dma_wait3A_1369] : memref<204800x64xf32, #tpu.memory_space<hbm>> -> memref<128x64xf32, #tpu.memory_space<hbm>>
      %dma_wait3A_1371 = arith.constant 0 : i32
      %dma_wait3A_1372 = arith.constant 0 : i32
      %dma_wait3A_1373 = tpu.memref_slice %arg6[%run_scoped3A_902, %dma_wait3A_1371, %dma_wait3A_1372] : memref<2x128x64xf32, #tpu.memory_space<vmem>> -> memref<1x128x64xf32, #tpu.memory_space<vmem>>
      %dma_wait3A_1374 = tpu.memref_squeeze %dma_wait3A_1373 : memref<1x128x64xf32, #tpu.memory_space<vmem>> -> memref<128x64xf32, #tpu.memory_space<vmem>>
      tpu.wait_dma2 semaphore(%run_scoped3A_1350 : memref<!tpu.dma_semaphore, #tpu.memory_space<semaphore_mem>>) src(%dma_wait3A_1374 : memref<128x64xf32, #tpu.memory_space<vmem>>) dst(%dma_wait3A_1370 : memref<128x64xf32, #tpu.memory_space<hbm>>)
      tpu.yield
    }) : () -> ()
    %dma_start3A_903 = arith.constant 34 : i32
    %dma_start3A_904 = arith.constant 0 : i32
    %dma_start3A_905 = arith.constant 0 : i32
    %dma_start3A_906 = arith.constant 0 : i32
    %dma_start3A_907 = tpu.memref_slice %arg6[%dma_start3A_904, %dma_start3A_905, %dma_start3A_906] : memref<2x128x64xf32, #tpu.memory_space<vmem>> -> memref<1x128x64xf32, #tpu.memory_space<vmem>>
    %dma_start3A_908 = tpu.memref_squeeze %dma_start3A_907 : memref<1x128x64xf32, #tpu.memory_space<vmem>> -> memref<128x64xf32, #tpu.memory_space<vmem>>
    %dma_start3A_909 = arith.constant 0 : i32
    %dma_start3A_910 = tpu.memref_slice %arg5[%dma_start3A_903, %dma_start3A_909] : memref<50x128xi32, #tpu.memory_space<vmem>> -> memref<1x128xi32, #tpu.memory_space<vmem>>
    %dma_start3A_911 = tpu.memref_squeeze %dma_start3A_910 : memref<1x128xi32, #tpu.memory_space<vmem>> -> memref<128xi32, #tpu.memory_space<vmem>>
    %dma_start3A_912 = arith.constant 0 : i32
    %dma_start3A_913 = arith.constant 0 : i32
    %dma_start3A_914 = tpu.memref_slice %arg3[%dma_start3A_912, %dma_start3A_913] : memref<1000000x64xf32, #tpu.memory_space<hbm>> -> memref<1000000x64xf32, #tpu.memory_space<hbm>>
    tpu.enqueue_indirect_dma source(%dma_start3A_914 : memref<1000000x64xf32, #tpu.memory_space<hbm>>) target(%dma_start3A_908 : memref<128x64xf32, #tpu.memory_space<vmem>>) offsets(%dma_start3A_911 : memref<128xi32, #tpu.memory_space<vmem>>) semaphore(%arg7 : memref<!tpu.dma_semaphore, #tpu.memory_space<semaphore_mem>>)
    %dma_wait3A_915 = arith.constant 33 : i32
    %dma_wait3A_916 = arith.constant 1 : i32
    %dma_wait3A_917 = arith.constant 0 : i32
    %dma_wait3A_918 = arith.constant 0 : i32
    %dma_wait3A_919 = tpu.memref_slice %arg6[%dma_wait3A_916, %dma_wait3A_917, %dma_wait3A_918] : memref<2x128x64xf32, #tpu.memory_space<vmem>> -> memref<1x128x64xf32, #tpu.memory_space<vmem>>
    %dma_wait3A_920 = tpu.memref_squeeze %dma_wait3A_919 : memref<1x128x64xf32, #tpu.memory_space<vmem>> -> memref<128x64xf32, #tpu.memory_space<vmem>>
    %dma_wait3A_921 = arith.constant 0 : i32
    %dma_wait3A_922 = tpu.memref_slice %arg5[%dma_wait3A_915, %dma_wait3A_921] : memref<50x128xi32, #tpu.memory_space<vmem>> -> memref<1x128xi32, #tpu.memory_space<vmem>>
    %dma_wait3A_923 = tpu.memref_squeeze %dma_wait3A_922 : memref<1x128xi32, #tpu.memory_space<vmem>> -> memref<128xi32, #tpu.memory_space<vmem>>
    %dma_wait3A_924 = arith.constant 0 : i32
    %dma_wait3A_925 = arith.constant 0 : i32
    %dma_wait3A_926 = tpu.memref_slice %arg3[%dma_wait3A_924, %dma_wait3A_925] : memref<1000000x64xf32, #tpu.memory_space<hbm>> -> memref<1000000x64xf32, #tpu.memory_space<hbm>>
    tpu.wait_indirect_dma semaphore(%arg8 : memref<!tpu.dma_semaphore, #tpu.memory_space<semaphore_mem>>) src(%dma_wait3A_926 : memref<1000000x64xf32, #tpu.memory_space<hbm>>) dst(%dma_wait3A_920 : memref<128x64xf32, #tpu.memory_space<vmem>>)
    %add3A_927 = arith.constant 4224 : i32
    %add3A_928 = arith.addi %mul3A_2, %add3A_927 : i32
    %run_scoped3A_929 = arith.constant 1 : i32
    "tpu.region"() ({
      %run_scoped3A_1350 = tpu.sem_alloc : memref<!tpu.dma_semaphore, #tpu.memory_space<semaphore_mem>>
      %dma_start3A_1351 = arith.constant 0 : i32
      %dma_start3A_1352 = arith.constant 0 : i32
      %dma_start3A_1353 = tpu.memref_slice %arg6[%run_scoped3A_929, %dma_start3A_1351, %dma_start3A_1352] : memref<2x128x64xf32, #tpu.memory_space<vmem>> -> memref<1x128x64xf32, #tpu.memory_space<vmem>>
      %dma_start3A_1354 = tpu.memref_squeeze %dma_start3A_1353 : memref<1x128x64xf32, #tpu.memory_space<vmem>> -> memref<128x64xf32, #tpu.memory_space<vmem>>
      %dma_start3A_1355 = arith.constant 0 : i32
      %dma_start3A_1356 = tpu.memref_slice %arg4[%add3A_928, %dma_start3A_1355] : memref<204800x64xf32, #tpu.memory_space<hbm>> -> memref<128x64xf32, #tpu.memory_space<hbm>>
      %dma_start3A_1357 = arith.constant 0 : i32
      %dma_start3A_1358 = tpu.memref_slice %arg4[%add3A_928, %dma_start3A_1357] : memref<204800x64xf32, #tpu.memory_space<hbm>> -> memref<128x64xf32, #tpu.memory_space<hbm>>
      %dma_start3A_1359 = arith.constant 0 : i32
      %dma_start3A_1360 = arith.constant 0 : i32
      %dma_start3A_1361 = tpu.memref_slice %arg6[%run_scoped3A_929, %dma_start3A_1359, %dma_start3A_1360] : memref<2x128x64xf32, #tpu.memory_space<vmem>> -> memref<1x128x64xf32, #tpu.memory_space<vmem>>
      %dma_start3A_1362 = tpu.memref_squeeze %dma_start3A_1361 : memref<1x128x64xf32, #tpu.memory_space<vmem>> -> memref<128x64xf32, #tpu.memory_space<vmem>>
      tpu.enqueue_dma source(%dma_start3A_1362 : memref<128x64xf32, #tpu.memory_space<vmem>>) target(%dma_start3A_1358 : memref<128x64xf32, #tpu.memory_space<hbm>>) target_semaphore(%run_scoped3A_1350 : memref<!tpu.dma_semaphore, #tpu.memory_space<semaphore_mem>>)
      %dma_wait3A_1363 = arith.constant 0 : i32
      %dma_wait3A_1364 = arith.constant 0 : i32
      %dma_wait3A_1365 = tpu.memref_slice %arg6[%run_scoped3A_929, %dma_wait3A_1363, %dma_wait3A_1364] : memref<2x128x64xf32, #tpu.memory_space<vmem>> -> memref<1x128x64xf32, #tpu.memory_space<vmem>>
      %dma_wait3A_1366 = tpu.memref_squeeze %dma_wait3A_1365 : memref<1x128x64xf32, #tpu.memory_space<vmem>> -> memref<128x64xf32, #tpu.memory_space<vmem>>
      %dma_wait3A_1367 = arith.constant 0 : i32
      %dma_wait3A_1368 = tpu.memref_slice %arg4[%add3A_928, %dma_wait3A_1367] : memref<204800x64xf32, #tpu.memory_space<hbm>> -> memref<128x64xf32, #tpu.memory_space<hbm>>
      %dma_wait3A_1369 = arith.constant 0 : i32
      %dma_wait3A_1370 = tpu.memref_slice %arg4[%add3A_928, %dma_wait3A_1369] : memref<204800x64xf32, #tpu.memory_space<hbm>> -> memref<128x64xf32, #tpu.memory_space<hbm>>
      %dma_wait3A_1371 = arith.constant 0 : i32
      %dma_wait3A_1372 = arith.constant 0 : i32
      %dma_wait3A_1373 = tpu.memref_slice %arg6[%run_scoped3A_929, %dma_wait3A_1371, %dma_wait3A_1372] : memref<2x128x64xf32, #tpu.memory_space<vmem>> -> memref<1x128x64xf32, #tpu.memory_space<vmem>>
      %dma_wait3A_1374 = tpu.memref_squeeze %dma_wait3A_1373 : memref<1x128x64xf32, #tpu.memory_space<vmem>> -> memref<128x64xf32, #tpu.memory_space<vmem>>
      tpu.wait_dma2 semaphore(%run_scoped3A_1350 : memref<!tpu.dma_semaphore, #tpu.memory_space<semaphore_mem>>) src(%dma_wait3A_1374 : memref<128x64xf32, #tpu.memory_space<vmem>>) dst(%dma_wait3A_1370 : memref<128x64xf32, #tpu.memory_space<hbm>>)
      tpu.yield
    }) : () -> ()
    %dma_start3A_930 = arith.constant 35 : i32
    %dma_start3A_931 = arith.constant 1 : i32
    %dma_start3A_932 = arith.constant 0 : i32
    %dma_start3A_933 = arith.constant 0 : i32
    %dma_start3A_934 = tpu.memref_slice %arg6[%dma_start3A_931, %dma_start3A_932, %dma_start3A_933] : memref<2x128x64xf32, #tpu.memory_space<vmem>> -> memref<1x128x64xf32, #tpu.memory_space<vmem>>
    %dma_start3A_935 = tpu.memref_squeeze %dma_start3A_934 : memref<1x128x64xf32, #tpu.memory_space<vmem>> -> memref<128x64xf32, #tpu.memory_space<vmem>>
    %dma_start3A_936 = arith.constant 0 : i32
    %dma_start3A_937 = tpu.memref_slice %arg5[%dma_start3A_930, %dma_start3A_936] : memref<50x128xi32, #tpu.memory_space<vmem>> -> memref<1x128xi32, #tpu.memory_space<vmem>>
    %dma_start3A_938 = tpu.memref_squeeze %dma_start3A_937 : memref<1x128xi32, #tpu.memory_space<vmem>> -> memref<128xi32, #tpu.memory_space<vmem>>
    %dma_start3A_939 = arith.constant 0 : i32
    %dma_start3A_940 = arith.constant 0 : i32
    %dma_start3A_941 = tpu.memref_slice %arg3[%dma_start3A_939, %dma_start3A_940] : memref<1000000x64xf32, #tpu.memory_space<hbm>> -> memref<1000000x64xf32, #tpu.memory_space<hbm>>
    tpu.enqueue_indirect_dma source(%dma_start3A_941 : memref<1000000x64xf32, #tpu.memory_space<hbm>>) target(%dma_start3A_935 : memref<128x64xf32, #tpu.memory_space<vmem>>) offsets(%dma_start3A_938 : memref<128xi32, #tpu.memory_space<vmem>>) semaphore(%arg8 : memref<!tpu.dma_semaphore, #tpu.memory_space<semaphore_mem>>)
    %dma_wait3A_942 = arith.constant 34 : i32
    %dma_wait3A_943 = arith.constant 0 : i32
    %dma_wait3A_944 = arith.constant 0 : i32
    %dma_wait3A_945 = arith.constant 0 : i32
    %dma_wait3A_946 = tpu.memref_slice %arg6[%dma_wait3A_943, %dma_wait3A_944, %dma_wait3A_945] : memref<2x128x64xf32, #tpu.memory_space<vmem>> -> memref<1x128x64xf32, #tpu.memory_space<vmem>>
    %dma_wait3A_947 = tpu.memref_squeeze %dma_wait3A_946 : memref<1x128x64xf32, #tpu.memory_space<vmem>> -> memref<128x64xf32, #tpu.memory_space<vmem>>
    %dma_wait3A_948 = arith.constant 0 : i32
    %dma_wait3A_949 = tpu.memref_slice %arg5[%dma_wait3A_942, %dma_wait3A_948] : memref<50x128xi32, #tpu.memory_space<vmem>> -> memref<1x128xi32, #tpu.memory_space<vmem>>
    %dma_wait3A_950 = tpu.memref_squeeze %dma_wait3A_949 : memref<1x128xi32, #tpu.memory_space<vmem>> -> memref<128xi32, #tpu.memory_space<vmem>>
    %dma_wait3A_951 = arith.constant 0 : i32
    %dma_wait3A_952 = arith.constant 0 : i32
    %dma_wait3A_953 = tpu.memref_slice %arg3[%dma_wait3A_951, %dma_wait3A_952] : memref<1000000x64xf32, #tpu.memory_space<hbm>> -> memref<1000000x64xf32, #tpu.memory_space<hbm>>
    tpu.wait_indirect_dma semaphore(%arg7 : memref<!tpu.dma_semaphore, #tpu.memory_space<semaphore_mem>>) src(%dma_wait3A_953 : memref<1000000x64xf32, #tpu.memory_space<hbm>>) dst(%dma_wait3A_947 : memref<128x64xf32, #tpu.memory_space<vmem>>)
    %add3A_954 = arith.constant 4352 : i32
    %add3A_955 = arith.addi %mul3A_2, %add3A_954 : i32
    %run_scoped3A_956 = arith.constant 0 : i32
    "tpu.region"() ({
      %run_scoped3A_1350 = tpu.sem_alloc : memref<!tpu.dma_semaphore, #tpu.memory_space<semaphore_mem>>
      %dma_start3A_1351 = arith.constant 0 : i32
      %dma_start3A_1352 = arith.constant 0 : i32
      %dma_start3A_1353 = tpu.memref_slice %arg6[%run_scoped3A_956, %dma_start3A_1351, %dma_start3A_1352] : memref<2x128x64xf32, #tpu.memory_space<vmem>> -> memref<1x128x64xf32, #tpu.memory_space<vmem>>
      %dma_start3A_1354 = tpu.memref_squeeze %dma_start3A_1353 : memref<1x128x64xf32, #tpu.memory_space<vmem>> -> memref<128x64xf32, #tpu.memory_space<vmem>>
      %dma_start3A_1355 = arith.constant 0 : i32
      %dma_start3A_1356 = tpu.memref_slice %arg4[%add3A_955, %dma_start3A_1355] : memref<204800x64xf32, #tpu.memory_space<hbm>> -> memref<128x64xf32, #tpu.memory_space<hbm>>
      %dma_start3A_1357 = arith.constant 0 : i32
      %dma_start3A_1358 = tpu.memref_slice %arg4[%add3A_955, %dma_start3A_1357] : memref<204800x64xf32, #tpu.memory_space<hbm>> -> memref<128x64xf32, #tpu.memory_space<hbm>>
      %dma_start3A_1359 = arith.constant 0 : i32
      %dma_start3A_1360 = arith.constant 0 : i32
      %dma_start3A_1361 = tpu.memref_slice %arg6[%run_scoped3A_956, %dma_start3A_1359, %dma_start3A_1360] : memref<2x128x64xf32, #tpu.memory_space<vmem>> -> memref<1x128x64xf32, #tpu.memory_space<vmem>>
      %dma_start3A_1362 = tpu.memref_squeeze %dma_start3A_1361 : memref<1x128x64xf32, #tpu.memory_space<vmem>> -> memref<128x64xf32, #tpu.memory_space<vmem>>
      tpu.enqueue_dma source(%dma_start3A_1362 : memref<128x64xf32, #tpu.memory_space<vmem>>) target(%dma_start3A_1358 : memref<128x64xf32, #tpu.memory_space<hbm>>) target_semaphore(%run_scoped3A_1350 : memref<!tpu.dma_semaphore, #tpu.memory_space<semaphore_mem>>)
      %dma_wait3A_1363 = arith.constant 0 : i32
      %dma_wait3A_1364 = arith.constant 0 : i32
      %dma_wait3A_1365 = tpu.memref_slice %arg6[%run_scoped3A_956, %dma_wait3A_1363, %dma_wait3A_1364] : memref<2x128x64xf32, #tpu.memory_space<vmem>> -> memref<1x128x64xf32, #tpu.memory_space<vmem>>
      %dma_wait3A_1366 = tpu.memref_squeeze %dma_wait3A_1365 : memref<1x128x64xf32, #tpu.memory_space<vmem>> -> memref<128x64xf32, #tpu.memory_space<vmem>>
      %dma_wait3A_1367 = arith.constant 0 : i32
      %dma_wait3A_1368 = tpu.memref_slice %arg4[%add3A_955, %dma_wait3A_1367] : memref<204800x64xf32, #tpu.memory_space<hbm>> -> memref<128x64xf32, #tpu.memory_space<hbm>>
      %dma_wait3A_1369 = arith.constant 0 : i32
      %dma_wait3A_1370 = tpu.memref_slice %arg4[%add3A_955, %dma_wait3A_1369] : memref<204800x64xf32, #tpu.memory_space<hbm>> -> memref<128x64xf32, #tpu.memory_space<hbm>>
      %dma_wait3A_1371 = arith.constant 0 : i32
      %dma_wait3A_1372 = arith.constant 0 : i32
      %dma_wait3A_1373 = tpu.memref_slice %arg6[%run_scoped3A_956, %dma_wait3A_1371, %dma_wait3A_1372] : memref<2x128x64xf32, #tpu.memory_space<vmem>> -> memref<1x128x64xf32, #tpu.memory_space<vmem>>
      %dma_wait3A_1374 = tpu.memref_squeeze %dma_wait3A_1373 : memref<1x128x64xf32, #tpu.memory_space<vmem>> -> memref<128x64xf32, #tpu.memory_space<vmem>>
      tpu.wait_dma2 semaphore(%run_scoped3A_1350 : memref<!tpu.dma_semaphore, #tpu.memory_space<semaphore_mem>>) src(%dma_wait3A_1374 : memref<128x64xf32, #tpu.memory_space<vmem>>) dst(%dma_wait3A_1370 : memref<128x64xf32, #tpu.memory_space<hbm>>)
      tpu.yield
    }) : () -> ()
    %dma_start3A_957 = arith.constant 36 : i32
    %dma_start3A_958 = arith.constant 0 : i32
    %dma_start3A_959 = arith.constant 0 : i32
    %dma_start3A_960 = arith.constant 0 : i32
    %dma_start3A_961 = tpu.memref_slice %arg6[%dma_start3A_958, %dma_start3A_959, %dma_start3A_960] : memref<2x128x64xf32, #tpu.memory_space<vmem>> -> memref<1x128x64xf32, #tpu.memory_space<vmem>>
    %dma_start3A_962 = tpu.memref_squeeze %dma_start3A_961 : memref<1x128x64xf32, #tpu.memory_space<vmem>> -> memref<128x64xf32, #tpu.memory_space<vmem>>
    %dma_start3A_963 = arith.constant 0 : i32
    %dma_start3A_964 = tpu.memref_slice %arg5[%dma_start3A_957, %dma_start3A_963] : memref<50x128xi32, #tpu.memory_space<vmem>> -> memref<1x128xi32, #tpu.memory_space<vmem>>
    %dma_start3A_965 = tpu.memref_squeeze %dma_start3A_964 : memref<1x128xi32, #tpu.memory_space<vmem>> -> memref<128xi32, #tpu.memory_space<vmem>>
    %dma_start3A_966 = arith.constant 0 : i32
    %dma_start3A_967 = arith.constant 0 : i32
    %dma_start3A_968 = tpu.memref_slice %arg3[%dma_start3A_966, %dma_start3A_967] : memref<1000000x64xf32, #tpu.memory_space<hbm>> -> memref<1000000x64xf32, #tpu.memory_space<hbm>>
    tpu.enqueue_indirect_dma source(%dma_start3A_968 : memref<1000000x64xf32, #tpu.memory_space<hbm>>) target(%dma_start3A_962 : memref<128x64xf32, #tpu.memory_space<vmem>>) offsets(%dma_start3A_965 : memref<128xi32, #tpu.memory_space<vmem>>) semaphore(%arg7 : memref<!tpu.dma_semaphore, #tpu.memory_space<semaphore_mem>>)
    %dma_wait3A_969 = arith.constant 35 : i32
    %dma_wait3A_970 = arith.constant 1 : i32
    %dma_wait3A_971 = arith.constant 0 : i32
    %dma_wait3A_972 = arith.constant 0 : i32
    %dma_wait3A_973 = tpu.memref_slice %arg6[%dma_wait3A_970, %dma_wait3A_971, %dma_wait3A_972] : memref<2x128x64xf32, #tpu.memory_space<vmem>> -> memref<1x128x64xf32, #tpu.memory_space<vmem>>
    %dma_wait3A_974 = tpu.memref_squeeze %dma_wait3A_973 : memref<1x128x64xf32, #tpu.memory_space<vmem>> -> memref<128x64xf32, #tpu.memory_space<vmem>>
    %dma_wait3A_975 = arith.constant 0 : i32
    %dma_wait3A_976 = tpu.memref_slice %arg5[%dma_wait3A_969, %dma_wait3A_975] : memref<50x128xi32, #tpu.memory_space<vmem>> -> memref<1x128xi32, #tpu.memory_space<vmem>>
    %dma_wait3A_977 = tpu.memref_squeeze %dma_wait3A_976 : memref<1x128xi32, #tpu.memory_space<vmem>> -> memref<128xi32, #tpu.memory_space<vmem>>
    %dma_wait3A_978 = arith.constant 0 : i32
    %dma_wait3A_979 = arith.constant 0 : i32
    %dma_wait3A_980 = tpu.memref_slice %arg3[%dma_wait3A_978, %dma_wait3A_979] : memref<1000000x64xf32, #tpu.memory_space<hbm>> -> memref<1000000x64xf32, #tpu.memory_space<hbm>>
    tpu.wait_indirect_dma semaphore(%arg8 : memref<!tpu.dma_semaphore, #tpu.memory_space<semaphore_mem>>) src(%dma_wait3A_980 : memref<1000000x64xf32, #tpu.memory_space<hbm>>) dst(%dma_wait3A_974 : memref<128x64xf32, #tpu.memory_space<vmem>>)
    %add3A_981 = arith.constant 4480 : i32
    %add3A_982 = arith.addi %mul3A_2, %add3A_981 : i32
    %run_scoped3A_983 = arith.constant 1 : i32
    "tpu.region"() ({
      %run_scoped3A_1350 = tpu.sem_alloc : memref<!tpu.dma_semaphore, #tpu.memory_space<semaphore_mem>>
      %dma_start3A_1351 = arith.constant 0 : i32
      %dma_start3A_1352 = arith.constant 0 : i32
      %dma_start3A_1353 = tpu.memref_slice %arg6[%run_scoped3A_983, %dma_start3A_1351, %dma_start3A_1352] : memref<2x128x64xf32, #tpu.memory_space<vmem>> -> memref<1x128x64xf32, #tpu.memory_space<vmem>>
      %dma_start3A_1354 = tpu.memref_squeeze %dma_start3A_1353 : memref<1x128x64xf32, #tpu.memory_space<vmem>> -> memref<128x64xf32, #tpu.memory_space<vmem>>
      %dma_start3A_1355 = arith.constant 0 : i32
      %dma_start3A_1356 = tpu.memref_slice %arg4[%add3A_982, %dma_start3A_1355] : memref<204800x64xf32, #tpu.memory_space<hbm>> -> memref<128x64xf32, #tpu.memory_space<hbm>>
      %dma_start3A_1357 = arith.constant 0 : i32
      %dma_start3A_1358 = tpu.memref_slice %arg4[%add3A_982, %dma_start3A_1357] : memref<204800x64xf32, #tpu.memory_space<hbm>> -> memref<128x64xf32, #tpu.memory_space<hbm>>
      %dma_start3A_1359 = arith.constant 0 : i32
      %dma_start3A_1360 = arith.constant 0 : i32
      %dma_start3A_1361 = tpu.memref_slice %arg6[%run_scoped3A_983, %dma_start3A_1359, %dma_start3A_1360] : memref<2x128x64xf32, #tpu.memory_space<vmem>> -> memref<1x128x64xf32, #tpu.memory_space<vmem>>
      %dma_start3A_1362 = tpu.memref_squeeze %dma_start3A_1361 : memref<1x128x64xf32, #tpu.memory_space<vmem>> -> memref<128x64xf32, #tpu.memory_space<vmem>>
      tpu.enqueue_dma source(%dma_start3A_1362 : memref<128x64xf32, #tpu.memory_space<vmem>>) target(%dma_start3A_1358 : memref<128x64xf32, #tpu.memory_space<hbm>>) target_semaphore(%run_scoped3A_1350 : memref<!tpu.dma_semaphore, #tpu.memory_space<semaphore_mem>>)
      %dma_wait3A_1363 = arith.constant 0 : i32
      %dma_wait3A_1364 = arith.constant 0 : i32
      %dma_wait3A_1365 = tpu.memref_slice %arg6[%run_scoped3A_983, %dma_wait3A_1363, %dma_wait3A_1364] : memref<2x128x64xf32, #tpu.memory_space<vmem>> -> memref<1x128x64xf32, #tpu.memory_space<vmem>>
      %dma_wait3A_1366 = tpu.memref_squeeze %dma_wait3A_1365 : memref<1x128x64xf32, #tpu.memory_space<vmem>> -> memref<128x64xf32, #tpu.memory_space<vmem>>
      %dma_wait3A_1367 = arith.constant 0 : i32
      %dma_wait3A_1368 = tpu.memref_slice %arg4[%add3A_982, %dma_wait3A_1367] : memref<204800x64xf32, #tpu.memory_space<hbm>> -> memref<128x64xf32, #tpu.memory_space<hbm>>
      %dma_wait3A_1369 = arith.constant 0 : i32
      %dma_wait3A_1370 = tpu.memref_slice %arg4[%add3A_982, %dma_wait3A_1369] : memref<204800x64xf32, #tpu.memory_space<hbm>> -> memref<128x64xf32, #tpu.memory_space<hbm>>
      %dma_wait3A_1371 = arith.constant 0 : i32
      %dma_wait3A_1372 = arith.constant 0 : i32
      %dma_wait3A_1373 = tpu.memref_slice %arg6[%run_scoped3A_983, %dma_wait3A_1371, %dma_wait3A_1372] : memref<2x128x64xf32, #tpu.memory_space<vmem>> -> memref<1x128x64xf32, #tpu.memory_space<vmem>>
      %dma_wait3A_1374 = tpu.memref_squeeze %dma_wait3A_1373 : memref<1x128x64xf32, #tpu.memory_space<vmem>> -> memref<128x64xf32, #tpu.memory_space<vmem>>
      tpu.wait_dma2 semaphore(%run_scoped3A_1350 : memref<!tpu.dma_semaphore, #tpu.memory_space<semaphore_mem>>) src(%dma_wait3A_1374 : memref<128x64xf32, #tpu.memory_space<vmem>>) dst(%dma_wait3A_1370 : memref<128x64xf32, #tpu.memory_space<hbm>>)
      tpu.yield
    }) : () -> ()
    %dma_start3A_984 = arith.constant 37 : i32
    %dma_start3A_985 = arith.constant 1 : i32
    %dma_start3A_986 = arith.constant 0 : i32
    %dma_start3A_987 = arith.constant 0 : i32
    %dma_start3A_988 = tpu.memref_slice %arg6[%dma_start3A_985, %dma_start3A_986, %dma_start3A_987] : memref<2x128x64xf32, #tpu.memory_space<vmem>> -> memref<1x128x64xf32, #tpu.memory_space<vmem>>
    %dma_start3A_989 = tpu.memref_squeeze %dma_start3A_988 : memref<1x128x64xf32, #tpu.memory_space<vmem>> -> memref<128x64xf32, #tpu.memory_space<vmem>>
    %dma_start3A_990 = arith.constant 0 : i32
    %dma_start3A_991 = tpu.memref_slice %arg5[%dma_start3A_984, %dma_start3A_990] : memref<50x128xi32, #tpu.memory_space<vmem>> -> memref<1x128xi32, #tpu.memory_space<vmem>>
    %dma_start3A_992 = tpu.memref_squeeze %dma_start3A_991 : memref<1x128xi32, #tpu.memory_space<vmem>> -> memref<128xi32, #tpu.memory_space<vmem>>
    %dma_start3A_993 = arith.constant 0 : i32
    %dma_start3A_994 = arith.constant 0 : i32
    %dma_start3A_995 = tpu.memref_slice %arg3[%dma_start3A_993, %dma_start3A_994] : memref<1000000x64xf32, #tpu.memory_space<hbm>> -> memref<1000000x64xf32, #tpu.memory_space<hbm>>
    tpu.enqueue_indirect_dma source(%dma_start3A_995 : memref<1000000x64xf32, #tpu.memory_space<hbm>>) target(%dma_start3A_989 : memref<128x64xf32, #tpu.memory_space<vmem>>) offsets(%dma_start3A_992 : memref<128xi32, #tpu.memory_space<vmem>>) semaphore(%arg8 : memref<!tpu.dma_semaphore, #tpu.memory_space<semaphore_mem>>)
    %dma_wait3A_996 = arith.constant 36 : i32
    %dma_wait3A_997 = arith.constant 0 : i32
    %dma_wait3A_998 = arith.constant 0 : i32
    %dma_wait3A_999 = arith.constant 0 : i32
    %dma_wait3A_1000 = tpu.memref_slice %arg6[%dma_wait3A_997, %dma_wait3A_998, %dma_wait3A_999] : memref<2x128x64xf32, #tpu.memory_space<vmem>> -> memref<1x128x64xf32, #tpu.memory_space<vmem>>
    %dma_wait3A_1001 = tpu.memref_squeeze %dma_wait3A_1000 : memref<1x128x64xf32, #tpu.memory_space<vmem>> -> memref<128x64xf32, #tpu.memory_space<vmem>>
    %dma_wait3A_1002 = arith.constant 0 : i32
    %dma_wait3A_1003 = tpu.memref_slice %arg5[%dma_wait3A_996, %dma_wait3A_1002] : memref<50x128xi32, #tpu.memory_space<vmem>> -> memref<1x128xi32, #tpu.memory_space<vmem>>
    %dma_wait3A_1004 = tpu.memref_squeeze %dma_wait3A_1003 : memref<1x128xi32, #tpu.memory_space<vmem>> -> memref<128xi32, #tpu.memory_space<vmem>>
    %dma_wait3A_1005 = arith.constant 0 : i32
    %dma_wait3A_1006 = arith.constant 0 : i32
    %dma_wait3A_1007 = tpu.memref_slice %arg3[%dma_wait3A_1005, %dma_wait3A_1006] : memref<1000000x64xf32, #tpu.memory_space<hbm>> -> memref<1000000x64xf32, #tpu.memory_space<hbm>>
    tpu.wait_indirect_dma semaphore(%arg7 : memref<!tpu.dma_semaphore, #tpu.memory_space<semaphore_mem>>) src(%dma_wait3A_1007 : memref<1000000x64xf32, #tpu.memory_space<hbm>>) dst(%dma_wait3A_1001 : memref<128x64xf32, #tpu.memory_space<vmem>>)
    %add3A_1008 = arith.constant 4608 : i32
    %add3A_1009 = arith.addi %mul3A_2, %add3A_1008 : i32
    %run_scoped3A_1010 = arith.constant 0 : i32
    "tpu.region"() ({
      %run_scoped3A_1350 = tpu.sem_alloc : memref<!tpu.dma_semaphore, #tpu.memory_space<semaphore_mem>>
      %dma_start3A_1351 = arith.constant 0 : i32
      %dma_start3A_1352 = arith.constant 0 : i32
      %dma_start3A_1353 = tpu.memref_slice %arg6[%run_scoped3A_1010, %dma_start3A_1351, %dma_start3A_1352] : memref<2x128x64xf32, #tpu.memory_space<vmem>> -> memref<1x128x64xf32, #tpu.memory_space<vmem>>
      %dma_start3A_1354 = tpu.memref_squeeze %dma_start3A_1353 : memref<1x128x64xf32, #tpu.memory_space<vmem>> -> memref<128x64xf32, #tpu.memory_space<vmem>>
      %dma_start3A_1355 = arith.constant 0 : i32
      %dma_start3A_1356 = tpu.memref_slice %arg4[%add3A_1009, %dma_start3A_1355] : memref<204800x64xf32, #tpu.memory_space<hbm>> -> memref<128x64xf32, #tpu.memory_space<hbm>>
      %dma_start3A_1357 = arith.constant 0 : i32
      %dma_start3A_1358 = tpu.memref_slice %arg4[%add3A_1009, %dma_start3A_1357] : memref<204800x64xf32, #tpu.memory_space<hbm>> -> memref<128x64xf32, #tpu.memory_space<hbm>>
      %dma_start3A_1359 = arith.constant 0 : i32
      %dma_start3A_1360 = arith.constant 0 : i32
      %dma_start3A_1361 = tpu.memref_slice %arg6[%run_scoped3A_1010, %dma_start3A_1359, %dma_start3A_1360] : memref<2x128x64xf32, #tpu.memory_space<vmem>> -> memref<1x128x64xf32, #tpu.memory_space<vmem>>
      %dma_start3A_1362 = tpu.memref_squeeze %dma_start3A_1361 : memref<1x128x64xf32, #tpu.memory_space<vmem>> -> memref<128x64xf32, #tpu.memory_space<vmem>>
      tpu.enqueue_dma source(%dma_start3A_1362 : memref<128x64xf32, #tpu.memory_space<vmem>>) target(%dma_start3A_1358 : memref<128x64xf32, #tpu.memory_space<hbm>>) target_semaphore(%run_scoped3A_1350 : memref<!tpu.dma_semaphore, #tpu.memory_space<semaphore_mem>>)
      %dma_wait3A_1363 = arith.constant 0 : i32
      %dma_wait3A_1364 = arith.constant 0 : i32
      %dma_wait3A_1365 = tpu.memref_slice %arg6[%run_scoped3A_1010, %dma_wait3A_1363, %dma_wait3A_1364] : memref<2x128x64xf32, #tpu.memory_space<vmem>> -> memref<1x128x64xf32, #tpu.memory_space<vmem>>
      %dma_wait3A_1366 = tpu.memref_squeeze %dma_wait3A_1365 : memref<1x128x64xf32, #tpu.memory_space<vmem>> -> memref<128x64xf32, #tpu.memory_space<vmem>>
      %dma_wait3A_1367 = arith.constant 0 : i32
      %dma_wait3A_1368 = tpu.memref_slice %arg4[%add3A_1009, %dma_wait3A_1367] : memref<204800x64xf32, #tpu.memory_space<hbm>> -> memref<128x64xf32, #tpu.memory_space<hbm>>
      %dma_wait3A_1369 = arith.constant 0 : i32
      %dma_wait3A_1370 = tpu.memref_slice %arg4[%add3A_1009, %dma_wait3A_1369] : memref<204800x64xf32, #tpu.memory_space<hbm>> -> memref<128x64xf32, #tpu.memory_space<hbm>>
      %dma_wait3A_1371 = arith.constant 0 : i32
      %dma_wait3A_1372 = arith.constant 0 : i32
      %dma_wait3A_1373 = tpu.memref_slice %arg6[%run_scoped3A_1010, %dma_wait3A_1371, %dma_wait3A_1372] : memref<2x128x64xf32, #tpu.memory_space<vmem>> -> memref<1x128x64xf32, #tpu.memory_space<vmem>>
      %dma_wait3A_1374 = tpu.memref_squeeze %dma_wait3A_1373 : memref<1x128x64xf32, #tpu.memory_space<vmem>> -> memref<128x64xf32, #tpu.memory_space<vmem>>
      tpu.wait_dma2 semaphore(%run_scoped3A_1350 : memref<!tpu.dma_semaphore, #tpu.memory_space<semaphore_mem>>) src(%dma_wait3A_1374 : memref<128x64xf32, #tpu.memory_space<vmem>>) dst(%dma_wait3A_1370 : memref<128x64xf32, #tpu.memory_space<hbm>>)
      tpu.yield
    }) : () -> ()
    %dma_start3A_1011 = arith.constant 38 : i32
    %dma_start3A_1012 = arith.constant 0 : i32
    %dma_start3A_1013 = arith.constant 0 : i32
    %dma_start3A_1014 = arith.constant 0 : i32
    %dma_start3A_1015 = tpu.memref_slice %arg6[%dma_start3A_1012, %dma_start3A_1013, %dma_start3A_1014] : memref<2x128x64xf32, #tpu.memory_space<vmem>> -> memref<1x128x64xf32, #tpu.memory_space<vmem>>
    %dma_start3A_1016 = tpu.memref_squeeze %dma_start3A_1015 : memref<1x128x64xf32, #tpu.memory_space<vmem>> -> memref<128x64xf32, #tpu.memory_space<vmem>>
    %dma_start3A_1017 = arith.constant 0 : i32
    %dma_start3A_1018 = tpu.memref_slice %arg5[%dma_start3A_1011, %dma_start3A_1017] : memref<50x128xi32, #tpu.memory_space<vmem>> -> memref<1x128xi32, #tpu.memory_space<vmem>>
    %dma_start3A_1019 = tpu.memref_squeeze %dma_start3A_1018 : memref<1x128xi32, #tpu.memory_space<vmem>> -> memref<128xi32, #tpu.memory_space<vmem>>
    %dma_start3A_1020 = arith.constant 0 : i32
    %dma_start3A_1021 = arith.constant 0 : i32
    %dma_start3A_1022 = tpu.memref_slice %arg3[%dma_start3A_1020, %dma_start3A_1021] : memref<1000000x64xf32, #tpu.memory_space<hbm>> -> memref<1000000x64xf32, #tpu.memory_space<hbm>>
    tpu.enqueue_indirect_dma source(%dma_start3A_1022 : memref<1000000x64xf32, #tpu.memory_space<hbm>>) target(%dma_start3A_1016 : memref<128x64xf32, #tpu.memory_space<vmem>>) offsets(%dma_start3A_1019 : memref<128xi32, #tpu.memory_space<vmem>>) semaphore(%arg7 : memref<!tpu.dma_semaphore, #tpu.memory_space<semaphore_mem>>)
    %dma_wait3A_1023 = arith.constant 37 : i32
    %dma_wait3A_1024 = arith.constant 1 : i32
    %dma_wait3A_1025 = arith.constant 0 : i32
    %dma_wait3A_1026 = arith.constant 0 : i32
    %dma_wait3A_1027 = tpu.memref_slice %arg6[%dma_wait3A_1024, %dma_wait3A_1025, %dma_wait3A_1026] : memref<2x128x64xf32, #tpu.memory_space<vmem>> -> memref<1x128x64xf32, #tpu.memory_space<vmem>>
    %dma_wait3A_1028 = tpu.memref_squeeze %dma_wait3A_1027 : memref<1x128x64xf32, #tpu.memory_space<vmem>> -> memref<128x64xf32, #tpu.memory_space<vmem>>
    %dma_wait3A_1029 = arith.constant 0 : i32
    %dma_wait3A_1030 = tpu.memref_slice %arg5[%dma_wait3A_1023, %dma_wait3A_1029] : memref<50x128xi32, #tpu.memory_space<vmem>> -> memref<1x128xi32, #tpu.memory_space<vmem>>
    %dma_wait3A_1031 = tpu.memref_squeeze %dma_wait3A_1030 : memref<1x128xi32, #tpu.memory_space<vmem>> -> memref<128xi32, #tpu.memory_space<vmem>>
    %dma_wait3A_1032 = arith.constant 0 : i32
    %dma_wait3A_1033 = arith.constant 0 : i32
    %dma_wait3A_1034 = tpu.memref_slice %arg3[%dma_wait3A_1032, %dma_wait3A_1033] : memref<1000000x64xf32, #tpu.memory_space<hbm>> -> memref<1000000x64xf32, #tpu.memory_space<hbm>>
    tpu.wait_indirect_dma semaphore(%arg8 : memref<!tpu.dma_semaphore, #tpu.memory_space<semaphore_mem>>) src(%dma_wait3A_1034 : memref<1000000x64xf32, #tpu.memory_space<hbm>>) dst(%dma_wait3A_1028 : memref<128x64xf32, #tpu.memory_space<vmem>>)
    %add3A_1035 = arith.constant 4736 : i32
    %add3A_1036 = arith.addi %mul3A_2, %add3A_1035 : i32
    %run_scoped3A_1037 = arith.constant 1 : i32
    "tpu.region"() ({
      %run_scoped3A_1350 = tpu.sem_alloc : memref<!tpu.dma_semaphore, #tpu.memory_space<semaphore_mem>>
      %dma_start3A_1351 = arith.constant 0 : i32
      %dma_start3A_1352 = arith.constant 0 : i32
      %dma_start3A_1353 = tpu.memref_slice %arg6[%run_scoped3A_1037, %dma_start3A_1351, %dma_start3A_1352] : memref<2x128x64xf32, #tpu.memory_space<vmem>> -> memref<1x128x64xf32, #tpu.memory_space<vmem>>
      %dma_start3A_1354 = tpu.memref_squeeze %dma_start3A_1353 : memref<1x128x64xf32, #tpu.memory_space<vmem>> -> memref<128x64xf32, #tpu.memory_space<vmem>>
      %dma_start3A_1355 = arith.constant 0 : i32
      %dma_start3A_1356 = tpu.memref_slice %arg4[%add3A_1036, %dma_start3A_1355] : memref<204800x64xf32, #tpu.memory_space<hbm>> -> memref<128x64xf32, #tpu.memory_space<hbm>>
      %dma_start3A_1357 = arith.constant 0 : i32
      %dma_start3A_1358 = tpu.memref_slice %arg4[%add3A_1036, %dma_start3A_1357] : memref<204800x64xf32, #tpu.memory_space<hbm>> -> memref<128x64xf32, #tpu.memory_space<hbm>>
      %dma_start3A_1359 = arith.constant 0 : i32
      %dma_start3A_1360 = arith.constant 0 : i32
      %dma_start3A_1361 = tpu.memref_slice %arg6[%run_scoped3A_1037, %dma_start3A_1359, %dma_start3A_1360] : memref<2x128x64xf32, #tpu.memory_space<vmem>> -> memref<1x128x64xf32, #tpu.memory_space<vmem>>
      %dma_start3A_1362 = tpu.memref_squeeze %dma_start3A_1361 : memref<1x128x64xf32, #tpu.memory_space<vmem>> -> memref<128x64xf32, #tpu.memory_space<vmem>>
      tpu.enqueue_dma source(%dma_start3A_1362 : memref<128x64xf32, #tpu.memory_space<vmem>>) target(%dma_start3A_1358 : memref<128x64xf32, #tpu.memory_space<hbm>>) target_semaphore(%run_scoped3A_1350 : memref<!tpu.dma_semaphore, #tpu.memory_space<semaphore_mem>>)
      %dma_wait3A_1363 = arith.constant 0 : i32
      %dma_wait3A_1364 = arith.constant 0 : i32
      %dma_wait3A_1365 = tpu.memref_slice %arg6[%run_scoped3A_1037, %dma_wait3A_1363, %dma_wait3A_1364] : memref<2x128x64xf32, #tpu.memory_space<vmem>> -> memref<1x128x64xf32, #tpu.memory_space<vmem>>
      %dma_wait3A_1366 = tpu.memref_squeeze %dma_wait3A_1365 : memref<1x128x64xf32, #tpu.memory_space<vmem>> -> memref<128x64xf32, #tpu.memory_space<vmem>>
      %dma_wait3A_1367 = arith.constant 0 : i32
      %dma_wait3A_1368 = tpu.memref_slice %arg4[%add3A_1036, %dma_wait3A_1367] : memref<204800x64xf32, #tpu.memory_space<hbm>> -> memref<128x64xf32, #tpu.memory_space<hbm>>
      %dma_wait3A_1369 = arith.constant 0 : i32
      %dma_wait3A_1370 = tpu.memref_slice %arg4[%add3A_1036, %dma_wait3A_1369] : memref<204800x64xf32, #tpu.memory_space<hbm>> -> memref<128x64xf32, #tpu.memory_space<hbm>>
      %dma_wait3A_1371 = arith.constant 0 : i32
      %dma_wait3A_1372 = arith.constant 0 : i32
      %dma_wait3A_1373 = tpu.memref_slice %arg6[%run_scoped3A_1037, %dma_wait3A_1371, %dma_wait3A_1372] : memref<2x128x64xf32, #tpu.memory_space<vmem>> -> memref<1x128x64xf32, #tpu.memory_space<vmem>>
      %dma_wait3A_1374 = tpu.memref_squeeze %dma_wait3A_1373 : memref<1x128x64xf32, #tpu.memory_space<vmem>> -> memref<128x64xf32, #tpu.memory_space<vmem>>
      tpu.wait_dma2 semaphore(%run_scoped3A_1350 : memref<!tpu.dma_semaphore, #tpu.memory_space<semaphore_mem>>) src(%dma_wait3A_1374 : memref<128x64xf32, #tpu.memory_space<vmem>>) dst(%dma_wait3A_1370 : memref<128x64xf32, #tpu.memory_space<hbm>>)
      tpu.yield
    }) : () -> ()
    %dma_start3A_1038 = arith.constant 39 : i32
    %dma_start3A_1039 = arith.constant 1 : i32
    %dma_start3A_1040 = arith.constant 0 : i32
    %dma_start3A_1041 = arith.constant 0 : i32
    %dma_start3A_1042 = tpu.memref_slice %arg6[%dma_start3A_1039, %dma_start3A_1040, %dma_start3A_1041] : memref<2x128x64xf32, #tpu.memory_space<vmem>> -> memref<1x128x64xf32, #tpu.memory_space<vmem>>
    %dma_start3A_1043 = tpu.memref_squeeze %dma_start3A_1042 : memref<1x128x64xf32, #tpu.memory_space<vmem>> -> memref<128x64xf32, #tpu.memory_space<vmem>>
    %dma_start3A_1044 = arith.constant 0 : i32
    %dma_start3A_1045 = tpu.memref_slice %arg5[%dma_start3A_1038, %dma_start3A_1044] : memref<50x128xi32, #tpu.memory_space<vmem>> -> memref<1x128xi32, #tpu.memory_space<vmem>>
    %dma_start3A_1046 = tpu.memref_squeeze %dma_start3A_1045 : memref<1x128xi32, #tpu.memory_space<vmem>> -> memref<128xi32, #tpu.memory_space<vmem>>
    %dma_start3A_1047 = arith.constant 0 : i32
    %dma_start3A_1048 = arith.constant 0 : i32
    %dma_start3A_1049 = tpu.memref_slice %arg3[%dma_start3A_1047, %dma_start3A_1048] : memref<1000000x64xf32, #tpu.memory_space<hbm>> -> memref<1000000x64xf32, #tpu.memory_space<hbm>>
    tpu.enqueue_indirect_dma source(%dma_start3A_1049 : memref<1000000x64xf32, #tpu.memory_space<hbm>>) target(%dma_start3A_1043 : memref<128x64xf32, #tpu.memory_space<vmem>>) offsets(%dma_start3A_1046 : memref<128xi32, #tpu.memory_space<vmem>>) semaphore(%arg8 : memref<!tpu.dma_semaphore, #tpu.memory_space<semaphore_mem>>)
    %dma_wait3A_1050 = arith.constant 38 : i32
    %dma_wait3A_1051 = arith.constant 0 : i32
    %dma_wait3A_1052 = arith.constant 0 : i32
    %dma_wait3A_1053 = arith.constant 0 : i32
    %dma_wait3A_1054 = tpu.memref_slice %arg6[%dma_wait3A_1051, %dma_wait3A_1052, %dma_wait3A_1053] : memref<2x128x64xf32, #tpu.memory_space<vmem>> -> memref<1x128x64xf32, #tpu.memory_space<vmem>>
    %dma_wait3A_1055 = tpu.memref_squeeze %dma_wait3A_1054 : memref<1x128x64xf32, #tpu.memory_space<vmem>> -> memref<128x64xf32, #tpu.memory_space<vmem>>
    %dma_wait3A_1056 = arith.constant 0 : i32
    %dma_wait3A_1057 = tpu.memref_slice %arg5[%dma_wait3A_1050, %dma_wait3A_1056] : memref<50x128xi32, #tpu.memory_space<vmem>> -> memref<1x128xi32, #tpu.memory_space<vmem>>
    %dma_wait3A_1058 = tpu.memref_squeeze %dma_wait3A_1057 : memref<1x128xi32, #tpu.memory_space<vmem>> -> memref<128xi32, #tpu.memory_space<vmem>>
    %dma_wait3A_1059 = arith.constant 0 : i32
    %dma_wait3A_1060 = arith.constant 0 : i32
    %dma_wait3A_1061 = tpu.memref_slice %arg3[%dma_wait3A_1059, %dma_wait3A_1060] : memref<1000000x64xf32, #tpu.memory_space<hbm>> -> memref<1000000x64xf32, #tpu.memory_space<hbm>>
    tpu.wait_indirect_dma semaphore(%arg7 : memref<!tpu.dma_semaphore, #tpu.memory_space<semaphore_mem>>) src(%dma_wait3A_1061 : memref<1000000x64xf32, #tpu.memory_space<hbm>>) dst(%dma_wait3A_1055 : memref<128x64xf32, #tpu.memory_space<vmem>>)
    %add3A_1062 = arith.constant 4864 : i32
    %add3A_1063 = arith.addi %mul3A_2, %add3A_1062 : i32
    %run_scoped3A_1064 = arith.constant 0 : i32
    "tpu.region"() ({
      %run_scoped3A_1350 = tpu.sem_alloc : memref<!tpu.dma_semaphore, #tpu.memory_space<semaphore_mem>>
      %dma_start3A_1351 = arith.constant 0 : i32
      %dma_start3A_1352 = arith.constant 0 : i32
      %dma_start3A_1353 = tpu.memref_slice %arg6[%run_scoped3A_1064, %dma_start3A_1351, %dma_start3A_1352] : memref<2x128x64xf32, #tpu.memory_space<vmem>> -> memref<1x128x64xf32, #tpu.memory_space<vmem>>
      %dma_start3A_1354 = tpu.memref_squeeze %dma_start3A_1353 : memref<1x128x64xf32, #tpu.memory_space<vmem>> -> memref<128x64xf32, #tpu.memory_space<vmem>>
      %dma_start3A_1355 = arith.constant 0 : i32
      %dma_start3A_1356 = tpu.memref_slice %arg4[%add3A_1063, %dma_start3A_1355] : memref<204800x64xf32, #tpu.memory_space<hbm>> -> memref<128x64xf32, #tpu.memory_space<hbm>>
      %dma_start3A_1357 = arith.constant 0 : i32
      %dma_start3A_1358 = tpu.memref_slice %arg4[%add3A_1063, %dma_start3A_1357] : memref<204800x64xf32, #tpu.memory_space<hbm>> -> memref<128x64xf32, #tpu.memory_space<hbm>>
      %dma_start3A_1359 = arith.constant 0 : i32
      %dma_start3A_1360 = arith.constant 0 : i32
      %dma_start3A_1361 = tpu.memref_slice %arg6[%run_scoped3A_1064, %dma_start3A_1359, %dma_start3A_1360] : memref<2x128x64xf32, #tpu.memory_space<vmem>> -> memref<1x128x64xf32, #tpu.memory_space<vmem>>
      %dma_start3A_1362 = tpu.memref_squeeze %dma_start3A_1361 : memref<1x128x64xf32, #tpu.memory_space<vmem>> -> memref<128x64xf32, #tpu.memory_space<vmem>>
      tpu.enqueue_dma source(%dma_start3A_1362 : memref<128x64xf32, #tpu.memory_space<vmem>>) target(%dma_start3A_1358 : memref<128x64xf32, #tpu.memory_space<hbm>>) target_semaphore(%run_scoped3A_1350 : memref<!tpu.dma_semaphore, #tpu.memory_space<semaphore_mem>>)
      %dma_wait3A_1363 = arith.constant 0 : i32
      %dma_wait3A_1364 = arith.constant 0 : i32
      %dma_wait3A_1365 = tpu.memref_slice %arg6[%run_scoped3A_1064, %dma_wait3A_1363, %dma_wait3A_1364] : memref<2x128x64xf32, #tpu.memory_space<vmem>> -> memref<1x128x64xf32, #tpu.memory_space<vmem>>
      %dma_wait3A_1366 = tpu.memref_squeeze %dma_wait3A_1365 : memref<1x128x64xf32, #tpu.memory_space<vmem>> -> memref<128x64xf32, #tpu.memory_space<vmem>>
      %dma_wait3A_1367 = arith.constant 0 : i32
      %dma_wait3A_1368 = tpu.memref_slice %arg4[%add3A_1063, %dma_wait3A_1367] : memref<204800x64xf32, #tpu.memory_space<hbm>> -> memref<128x64xf32, #tpu.memory_space<hbm>>
      %dma_wait3A_1369 = arith.constant 0 : i32
      %dma_wait3A_1370 = tpu.memref_slice %arg4[%add3A_1063, %dma_wait3A_1369] : memref<204800x64xf32, #tpu.memory_space<hbm>> -> memref<128x64xf32, #tpu.memory_space<hbm>>
      %dma_wait3A_1371 = arith.constant 0 : i32
      %dma_wait3A_1372 = arith.constant 0 : i32
      %dma_wait3A_1373 = tpu.memref_slice %arg6[%run_scoped3A_1064, %dma_wait3A_1371, %dma_wait3A_1372] : memref<2x128x64xf32, #tpu.memory_space<vmem>> -> memref<1x128x64xf32, #tpu.memory_space<vmem>>
      %dma_wait3A_1374 = tpu.memref_squeeze %dma_wait3A_1373 : memref<1x128x64xf32, #tpu.memory_space<vmem>> -> memref<128x64xf32, #tpu.memory_space<vmem>>
      tpu.wait_dma2 semaphore(%run_scoped3A_1350 : memref<!tpu.dma_semaphore, #tpu.memory_space<semaphore_mem>>) src(%dma_wait3A_1374 : memref<128x64xf32, #tpu.memory_space<vmem>>) dst(%dma_wait3A_1370 : memref<128x64xf32, #tpu.memory_space<hbm>>)
      tpu.yield
    }) : () -> ()
    %dma_start3A_1065 = arith.constant 40 : i32
    %dma_start3A_1066 = arith.constant 0 : i32
    %dma_start3A_1067 = arith.constant 0 : i32
    %dma_start3A_1068 = arith.constant 0 : i32
    %dma_start3A_1069 = tpu.memref_slice %arg6[%dma_start3A_1066, %dma_start3A_1067, %dma_start3A_1068] : memref<2x128x64xf32, #tpu.memory_space<vmem>> -> memref<1x128x64xf32, #tpu.memory_space<vmem>>
    %dma_start3A_1070 = tpu.memref_squeeze %dma_start3A_1069 : memref<1x128x64xf32, #tpu.memory_space<vmem>> -> memref<128x64xf32, #tpu.memory_space<vmem>>
    %dma_start3A_1071 = arith.constant 0 : i32
    %dma_start3A_1072 = tpu.memref_slice %arg5[%dma_start3A_1065, %dma_start3A_1071] : memref<50x128xi32, #tpu.memory_space<vmem>> -> memref<1x128xi32, #tpu.memory_space<vmem>>
    %dma_start3A_1073 = tpu.memref_squeeze %dma_start3A_1072 : memref<1x128xi32, #tpu.memory_space<vmem>> -> memref<128xi32, #tpu.memory_space<vmem>>
    %dma_start3A_1074 = arith.constant 0 : i32
    %dma_start3A_1075 = arith.constant 0 : i32
    %dma_start3A_1076 = tpu.memref_slice %arg3[%dma_start3A_1074, %dma_start3A_1075] : memref<1000000x64xf32, #tpu.memory_space<hbm>> -> memref<1000000x64xf32, #tpu.memory_space<hbm>>
    tpu.enqueue_indirect_dma source(%dma_start3A_1076 : memref<1000000x64xf32, #tpu.memory_space<hbm>>) target(%dma_start3A_1070 : memref<128x64xf32, #tpu.memory_space<vmem>>) offsets(%dma_start3A_1073 : memref<128xi32, #tpu.memory_space<vmem>>) semaphore(%arg7 : memref<!tpu.dma_semaphore, #tpu.memory_space<semaphore_mem>>)
    %dma_wait3A_1077 = arith.constant 39 : i32
    %dma_wait3A_1078 = arith.constant 1 : i32
    %dma_wait3A_1079 = arith.constant 0 : i32
    %dma_wait3A_1080 = arith.constant 0 : i32
    %dma_wait3A_1081 = tpu.memref_slice %arg6[%dma_wait3A_1078, %dma_wait3A_1079, %dma_wait3A_1080] : memref<2x128x64xf32, #tpu.memory_space<vmem>> -> memref<1x128x64xf32, #tpu.memory_space<vmem>>
    %dma_wait3A_1082 = tpu.memref_squeeze %dma_wait3A_1081 : memref<1x128x64xf32, #tpu.memory_space<vmem>> -> memref<128x64xf32, #tpu.memory_space<vmem>>
    %dma_wait3A_1083 = arith.constant 0 : i32
    %dma_wait3A_1084 = tpu.memref_slice %arg5[%dma_wait3A_1077, %dma_wait3A_1083] : memref<50x128xi32, #tpu.memory_space<vmem>> -> memref<1x128xi32, #tpu.memory_space<vmem>>
    %dma_wait3A_1085 = tpu.memref_squeeze %dma_wait3A_1084 : memref<1x128xi32, #tpu.memory_space<vmem>> -> memref<128xi32, #tpu.memory_space<vmem>>
    %dma_wait3A_1086 = arith.constant 0 : i32
    %dma_wait3A_1087 = arith.constant 0 : i32
    %dma_wait3A_1088 = tpu.memref_slice %arg3[%dma_wait3A_1086, %dma_wait3A_1087] : memref<1000000x64xf32, #tpu.memory_space<hbm>> -> memref<1000000x64xf32, #tpu.memory_space<hbm>>
    tpu.wait_indirect_dma semaphore(%arg8 : memref<!tpu.dma_semaphore, #tpu.memory_space<semaphore_mem>>) src(%dma_wait3A_1088 : memref<1000000x64xf32, #tpu.memory_space<hbm>>) dst(%dma_wait3A_1082 : memref<128x64xf32, #tpu.memory_space<vmem>>)
    %add3A_1089 = arith.constant 4992 : i32
    %add3A_1090 = arith.addi %mul3A_2, %add3A_1089 : i32
    %run_scoped3A_1091 = arith.constant 1 : i32
    "tpu.region"() ({
      %run_scoped3A_1350 = tpu.sem_alloc : memref<!tpu.dma_semaphore, #tpu.memory_space<semaphore_mem>>
      %dma_start3A_1351 = arith.constant 0 : i32
      %dma_start3A_1352 = arith.constant 0 : i32
      %dma_start3A_1353 = tpu.memref_slice %arg6[%run_scoped3A_1091, %dma_start3A_1351, %dma_start3A_1352] : memref<2x128x64xf32, #tpu.memory_space<vmem>> -> memref<1x128x64xf32, #tpu.memory_space<vmem>>
      %dma_start3A_1354 = tpu.memref_squeeze %dma_start3A_1353 : memref<1x128x64xf32, #tpu.memory_space<vmem>> -> memref<128x64xf32, #tpu.memory_space<vmem>>
      %dma_start3A_1355 = arith.constant 0 : i32
      %dma_start3A_1356 = tpu.memref_slice %arg4[%add3A_1090, %dma_start3A_1355] : memref<204800x64xf32, #tpu.memory_space<hbm>> -> memref<128x64xf32, #tpu.memory_space<hbm>>
      %dma_start3A_1357 = arith.constant 0 : i32
      %dma_start3A_1358 = tpu.memref_slice %arg4[%add3A_1090, %dma_start3A_1357] : memref<204800x64xf32, #tpu.memory_space<hbm>> -> memref<128x64xf32, #tpu.memory_space<hbm>>
      %dma_start3A_1359 = arith.constant 0 : i32
      %dma_start3A_1360 = arith.constant 0 : i32
      %dma_start3A_1361 = tpu.memref_slice %arg6[%run_scoped3A_1091, %dma_start3A_1359, %dma_start3A_1360] : memref<2x128x64xf32, #tpu.memory_space<vmem>> -> memref<1x128x64xf32, #tpu.memory_space<vmem>>
      %dma_start3A_1362 = tpu.memref_squeeze %dma_start3A_1361 : memref<1x128x64xf32, #tpu.memory_space<vmem>> -> memref<128x64xf32, #tpu.memory_space<vmem>>
      tpu.enqueue_dma source(%dma_start3A_1362 : memref<128x64xf32, #tpu.memory_space<vmem>>) target(%dma_start3A_1358 : memref<128x64xf32, #tpu.memory_space<hbm>>) target_semaphore(%run_scoped3A_1350 : memref<!tpu.dma_semaphore, #tpu.memory_space<semaphore_mem>>)
      %dma_wait3A_1363 = arith.constant 0 : i32
      %dma_wait3A_1364 = arith.constant 0 : i32
      %dma_wait3A_1365 = tpu.memref_slice %arg6[%run_scoped3A_1091, %dma_wait3A_1363, %dma_wait3A_1364] : memref<2x128x64xf32, #tpu.memory_space<vmem>> -> memref<1x128x64xf32, #tpu.memory_space<vmem>>
      %dma_wait3A_1366 = tpu.memref_squeeze %dma_wait3A_1365 : memref<1x128x64xf32, #tpu.memory_space<vmem>> -> memref<128x64xf32, #tpu.memory_space<vmem>>
      %dma_wait3A_1367 = arith.constant 0 : i32
      %dma_wait3A_1368 = tpu.memref_slice %arg4[%add3A_1090, %dma_wait3A_1367] : memref<204800x64xf32, #tpu.memory_space<hbm>> -> memref<128x64xf32, #tpu.memory_space<hbm>>
      %dma_wait3A_1369 = arith.constant 0 : i32
      %dma_wait3A_1370 = tpu.memref_slice %arg4[%add3A_1090, %dma_wait3A_1369] : memref<204800x64xf32, #tpu.memory_space<hbm>> -> memref<128x64xf32, #tpu.memory_space<hbm>>
      %dma_wait3A_1371 = arith.constant 0 : i32
      %dma_wait3A_1372 = arith.constant 0 : i32
      %dma_wait3A_1373 = tpu.memref_slice %arg6[%run_scoped3A_1091, %dma_wait3A_1371, %dma_wait3A_1372] : memref<2x128x64xf32, #tpu.memory_space<vmem>> -> memref<1x128x64xf32, #tpu.memory_space<vmem>>
      %dma_wait3A_1374 = tpu.memref_squeeze %dma_wait3A_1373 : memref<1x128x64xf32, #tpu.memory_space<vmem>> -> memref<128x64xf32, #tpu.memory_space<vmem>>
      tpu.wait_dma2 semaphore(%run_scoped3A_1350 : memref<!tpu.dma_semaphore, #tpu.memory_space<semaphore_mem>>) src(%dma_wait3A_1374 : memref<128x64xf32, #tpu.memory_space<vmem>>) dst(%dma_wait3A_1370 : memref<128x64xf32, #tpu.memory_space<hbm>>)
      tpu.yield
    }) : () -> ()
    %dma_start3A_1092 = arith.constant 41 : i32
    %dma_start3A_1093 = arith.constant 1 : i32
    %dma_start3A_1094 = arith.constant 0 : i32
    %dma_start3A_1095 = arith.constant 0 : i32
    %dma_start3A_1096 = tpu.memref_slice %arg6[%dma_start3A_1093, %dma_start3A_1094, %dma_start3A_1095] : memref<2x128x64xf32, #tpu.memory_space<vmem>> -> memref<1x128x64xf32, #tpu.memory_space<vmem>>
    %dma_start3A_1097 = tpu.memref_squeeze %dma_start3A_1096 : memref<1x128x64xf32, #tpu.memory_space<vmem>> -> memref<128x64xf32, #tpu.memory_space<vmem>>
    %dma_start3A_1098 = arith.constant 0 : i32
    %dma_start3A_1099 = tpu.memref_slice %arg5[%dma_start3A_1092, %dma_start3A_1098] : memref<50x128xi32, #tpu.memory_space<vmem>> -> memref<1x128xi32, #tpu.memory_space<vmem>>
    %dma_start3A_1100 = tpu.memref_squeeze %dma_start3A_1099 : memref<1x128xi32, #tpu.memory_space<vmem>> -> memref<128xi32, #tpu.memory_space<vmem>>
    %dma_start3A_1101 = arith.constant 0 : i32
    %dma_start3A_1102 = arith.constant 0 : i32
    %dma_start3A_1103 = tpu.memref_slice %arg3[%dma_start3A_1101, %dma_start3A_1102] : memref<1000000x64xf32, #tpu.memory_space<hbm>> -> memref<1000000x64xf32, #tpu.memory_space<hbm>>
    tpu.enqueue_indirect_dma source(%dma_start3A_1103 : memref<1000000x64xf32, #tpu.memory_space<hbm>>) target(%dma_start3A_1097 : memref<128x64xf32, #tpu.memory_space<vmem>>) offsets(%dma_start3A_1100 : memref<128xi32, #tpu.memory_space<vmem>>) semaphore(%arg8 : memref<!tpu.dma_semaphore, #tpu.memory_space<semaphore_mem>>)
    %dma_wait3A_1104 = arith.constant 40 : i32
    %dma_wait3A_1105 = arith.constant 0 : i32
    %dma_wait3A_1106 = arith.constant 0 : i32
    %dma_wait3A_1107 = arith.constant 0 : i32
    %dma_wait3A_1108 = tpu.memref_slice %arg6[%dma_wait3A_1105, %dma_wait3A_1106, %dma_wait3A_1107] : memref<2x128x64xf32, #tpu.memory_space<vmem>> -> memref<1x128x64xf32, #tpu.memory_space<vmem>>
    %dma_wait3A_1109 = tpu.memref_squeeze %dma_wait3A_1108 : memref<1x128x64xf32, #tpu.memory_space<vmem>> -> memref<128x64xf32, #tpu.memory_space<vmem>>
    %dma_wait3A_1110 = arith.constant 0 : i32
    %dma_wait3A_1111 = tpu.memref_slice %arg5[%dma_wait3A_1104, %dma_wait3A_1110] : memref<50x128xi32, #tpu.memory_space<vmem>> -> memref<1x128xi32, #tpu.memory_space<vmem>>
    %dma_wait3A_1112 = tpu.memref_squeeze %dma_wait3A_1111 : memref<1x128xi32, #tpu.memory_space<vmem>> -> memref<128xi32, #tpu.memory_space<vmem>>
    %dma_wait3A_1113 = arith.constant 0 : i32
    %dma_wait3A_1114 = arith.constant 0 : i32
    %dma_wait3A_1115 = tpu.memref_slice %arg3[%dma_wait3A_1113, %dma_wait3A_1114] : memref<1000000x64xf32, #tpu.memory_space<hbm>> -> memref<1000000x64xf32, #tpu.memory_space<hbm>>
    tpu.wait_indirect_dma semaphore(%arg7 : memref<!tpu.dma_semaphore, #tpu.memory_space<semaphore_mem>>) src(%dma_wait3A_1115 : memref<1000000x64xf32, #tpu.memory_space<hbm>>) dst(%dma_wait3A_1109 : memref<128x64xf32, #tpu.memory_space<vmem>>)
    %add3A_1116 = arith.constant 5120 : i32
    %add3A_1117 = arith.addi %mul3A_2, %add3A_1116 : i32
    %run_scoped3A_1118 = arith.constant 0 : i32
    "tpu.region"() ({
      %run_scoped3A_1350 = tpu.sem_alloc : memref<!tpu.dma_semaphore, #tpu.memory_space<semaphore_mem>>
      %dma_start3A_1351 = arith.constant 0 : i32
      %dma_start3A_1352 = arith.constant 0 : i32
      %dma_start3A_1353 = tpu.memref_slice %arg6[%run_scoped3A_1118, %dma_start3A_1351, %dma_start3A_1352] : memref<2x128x64xf32, #tpu.memory_space<vmem>> -> memref<1x128x64xf32, #tpu.memory_space<vmem>>
      %dma_start3A_1354 = tpu.memref_squeeze %dma_start3A_1353 : memref<1x128x64xf32, #tpu.memory_space<vmem>> -> memref<128x64xf32, #tpu.memory_space<vmem>>
      %dma_start3A_1355 = arith.constant 0 : i32
      %dma_start3A_1356 = tpu.memref_slice %arg4[%add3A_1117, %dma_start3A_1355] : memref<204800x64xf32, #tpu.memory_space<hbm>> -> memref<128x64xf32, #tpu.memory_space<hbm>>
      %dma_start3A_1357 = arith.constant 0 : i32
      %dma_start3A_1358 = tpu.memref_slice %arg4[%add3A_1117, %dma_start3A_1357] : memref<204800x64xf32, #tpu.memory_space<hbm>> -> memref<128x64xf32, #tpu.memory_space<hbm>>
      %dma_start3A_1359 = arith.constant 0 : i32
      %dma_start3A_1360 = arith.constant 0 : i32
      %dma_start3A_1361 = tpu.memref_slice %arg6[%run_scoped3A_1118, %dma_start3A_1359, %dma_start3A_1360] : memref<2x128x64xf32, #tpu.memory_space<vmem>> -> memref<1x128x64xf32, #tpu.memory_space<vmem>>
      %dma_start3A_1362 = tpu.memref_squeeze %dma_start3A_1361 : memref<1x128x64xf32, #tpu.memory_space<vmem>> -> memref<128x64xf32, #tpu.memory_space<vmem>>
      tpu.enqueue_dma source(%dma_start3A_1362 : memref<128x64xf32, #tpu.memory_space<vmem>>) target(%dma_start3A_1358 : memref<128x64xf32, #tpu.memory_space<hbm>>) target_semaphore(%run_scoped3A_1350 : memref<!tpu.dma_semaphore, #tpu.memory_space<semaphore_mem>>)
      %dma_wait3A_1363 = arith.constant 0 : i32
      %dma_wait3A_1364 = arith.constant 0 : i32
      %dma_wait3A_1365 = tpu.memref_slice %arg6[%run_scoped3A_1118, %dma_wait3A_1363, %dma_wait3A_1364] : memref<2x128x64xf32, #tpu.memory_space<vmem>> -> memref<1x128x64xf32, #tpu.memory_space<vmem>>
      %dma_wait3A_1366 = tpu.memref_squeeze %dma_wait3A_1365 : memref<1x128x64xf32, #tpu.memory_space<vmem>> -> memref<128x64xf32, #tpu.memory_space<vmem>>
      %dma_wait3A_1367 = arith.constant 0 : i32
      %dma_wait3A_1368 = tpu.memref_slice %arg4[%add3A_1117, %dma_wait3A_1367] : memref<204800x64xf32, #tpu.memory_space<hbm>> -> memref<128x64xf32, #tpu.memory_space<hbm>>
      %dma_wait3A_1369 = arith.constant 0 : i32
      %dma_wait3A_1370 = tpu.memref_slice %arg4[%add3A_1117, %dma_wait3A_1369] : memref<204800x64xf32, #tpu.memory_space<hbm>> -> memref<128x64xf32, #tpu.memory_space<hbm>>
      %dma_wait3A_1371 = arith.constant 0 : i32
      %dma_wait3A_1372 = arith.constant 0 : i32
      %dma_wait3A_1373 = tpu.memref_slice %arg6[%run_scoped3A_1118, %dma_wait3A_1371, %dma_wait3A_1372] : memref<2x128x64xf32, #tpu.memory_space<vmem>> -> memref<1x128x64xf32, #tpu.memory_space<vmem>>
      %dma_wait3A_1374 = tpu.memref_squeeze %dma_wait3A_1373 : memref<1x128x64xf32, #tpu.memory_space<vmem>> -> memref<128x64xf32, #tpu.memory_space<vmem>>
      tpu.wait_dma2 semaphore(%run_scoped3A_1350 : memref<!tpu.dma_semaphore, #tpu.memory_space<semaphore_mem>>) src(%dma_wait3A_1374 : memref<128x64xf32, #tpu.memory_space<vmem>>) dst(%dma_wait3A_1370 : memref<128x64xf32, #tpu.memory_space<hbm>>)
      tpu.yield
    }) : () -> ()
    %dma_start3A_1119 = arith.constant 42 : i32
    %dma_start3A_1120 = arith.constant 0 : i32
    %dma_start3A_1121 = arith.constant 0 : i32
    %dma_start3A_1122 = arith.constant 0 : i32
    %dma_start3A_1123 = tpu.memref_slice %arg6[%dma_start3A_1120, %dma_start3A_1121, %dma_start3A_1122] : memref<2x128x64xf32, #tpu.memory_space<vmem>> -> memref<1x128x64xf32, #tpu.memory_space<vmem>>
    %dma_start3A_1124 = tpu.memref_squeeze %dma_start3A_1123 : memref<1x128x64xf32, #tpu.memory_space<vmem>> -> memref<128x64xf32, #tpu.memory_space<vmem>>
    %dma_start3A_1125 = arith.constant 0 : i32
    %dma_start3A_1126 = tpu.memref_slice %arg5[%dma_start3A_1119, %dma_start3A_1125] : memref<50x128xi32, #tpu.memory_space<vmem>> -> memref<1x128xi32, #tpu.memory_space<vmem>>
    %dma_start3A_1127 = tpu.memref_squeeze %dma_start3A_1126 : memref<1x128xi32, #tpu.memory_space<vmem>> -> memref<128xi32, #tpu.memory_space<vmem>>
    %dma_start3A_1128 = arith.constant 0 : i32
    %dma_start3A_1129 = arith.constant 0 : i32
    %dma_start3A_1130 = tpu.memref_slice %arg3[%dma_start3A_1128, %dma_start3A_1129] : memref<1000000x64xf32, #tpu.memory_space<hbm>> -> memref<1000000x64xf32, #tpu.memory_space<hbm>>
    tpu.enqueue_indirect_dma source(%dma_start3A_1130 : memref<1000000x64xf32, #tpu.memory_space<hbm>>) target(%dma_start3A_1124 : memref<128x64xf32, #tpu.memory_space<vmem>>) offsets(%dma_start3A_1127 : memref<128xi32, #tpu.memory_space<vmem>>) semaphore(%arg7 : memref<!tpu.dma_semaphore, #tpu.memory_space<semaphore_mem>>)
    %dma_wait3A_1131 = arith.constant 41 : i32
    %dma_wait3A_1132 = arith.constant 1 : i32
    %dma_wait3A_1133 = arith.constant 0 : i32
    %dma_wait3A_1134 = arith.constant 0 : i32
    %dma_wait3A_1135 = tpu.memref_slice %arg6[%dma_wait3A_1132, %dma_wait3A_1133, %dma_wait3A_1134] : memref<2x128x64xf32, #tpu.memory_space<vmem>> -> memref<1x128x64xf32, #tpu.memory_space<vmem>>
    %dma_wait3A_1136 = tpu.memref_squeeze %dma_wait3A_1135 : memref<1x128x64xf32, #tpu.memory_space<vmem>> -> memref<128x64xf32, #tpu.memory_space<vmem>>
    %dma_wait3A_1137 = arith.constant 0 : i32
    %dma_wait3A_1138 = tpu.memref_slice %arg5[%dma_wait3A_1131, %dma_wait3A_1137] : memref<50x128xi32, #tpu.memory_space<vmem>> -> memref<1x128xi32, #tpu.memory_space<vmem>>
    %dma_wait3A_1139 = tpu.memref_squeeze %dma_wait3A_1138 : memref<1x128xi32, #tpu.memory_space<vmem>> -> memref<128xi32, #tpu.memory_space<vmem>>
    %dma_wait3A_1140 = arith.constant 0 : i32
    %dma_wait3A_1141 = arith.constant 0 : i32
    %dma_wait3A_1142 = tpu.memref_slice %arg3[%dma_wait3A_1140, %dma_wait3A_1141] : memref<1000000x64xf32, #tpu.memory_space<hbm>> -> memref<1000000x64xf32, #tpu.memory_space<hbm>>
    tpu.wait_indirect_dma semaphore(%arg8 : memref<!tpu.dma_semaphore, #tpu.memory_space<semaphore_mem>>) src(%dma_wait3A_1142 : memref<1000000x64xf32, #tpu.memory_space<hbm>>) dst(%dma_wait3A_1136 : memref<128x64xf32, #tpu.memory_space<vmem>>)
    %add3A_1143 = arith.constant 5248 : i32
    %add3A_1144 = arith.addi %mul3A_2, %add3A_1143 : i32
    %run_scoped3A_1145 = arith.constant 1 : i32
    "tpu.region"() ({
      %run_scoped3A_1350 = tpu.sem_alloc : memref<!tpu.dma_semaphore, #tpu.memory_space<semaphore_mem>>
      %dma_start3A_1351 = arith.constant 0 : i32
      %dma_start3A_1352 = arith.constant 0 : i32
      %dma_start3A_1353 = tpu.memref_slice %arg6[%run_scoped3A_1145, %dma_start3A_1351, %dma_start3A_1352] : memref<2x128x64xf32, #tpu.memory_space<vmem>> -> memref<1x128x64xf32, #tpu.memory_space<vmem>>
      %dma_start3A_1354 = tpu.memref_squeeze %dma_start3A_1353 : memref<1x128x64xf32, #tpu.memory_space<vmem>> -> memref<128x64xf32, #tpu.memory_space<vmem>>
      %dma_start3A_1355 = arith.constant 0 : i32
      %dma_start3A_1356 = tpu.memref_slice %arg4[%add3A_1144, %dma_start3A_1355] : memref<204800x64xf32, #tpu.memory_space<hbm>> -> memref<128x64xf32, #tpu.memory_space<hbm>>
      %dma_start3A_1357 = arith.constant 0 : i32
      %dma_start3A_1358 = tpu.memref_slice %arg4[%add3A_1144, %dma_start3A_1357] : memref<204800x64xf32, #tpu.memory_space<hbm>> -> memref<128x64xf32, #tpu.memory_space<hbm>>
      %dma_start3A_1359 = arith.constant 0 : i32
      %dma_start3A_1360 = arith.constant 0 : i32
      %dma_start3A_1361 = tpu.memref_slice %arg6[%run_scoped3A_1145, %dma_start3A_1359, %dma_start3A_1360] : memref<2x128x64xf32, #tpu.memory_space<vmem>> -> memref<1x128x64xf32, #tpu.memory_space<vmem>>
      %dma_start3A_1362 = tpu.memref_squeeze %dma_start3A_1361 : memref<1x128x64xf32, #tpu.memory_space<vmem>> -> memref<128x64xf32, #tpu.memory_space<vmem>>
      tpu.enqueue_dma source(%dma_start3A_1362 : memref<128x64xf32, #tpu.memory_space<vmem>>) target(%dma_start3A_1358 : memref<128x64xf32, #tpu.memory_space<hbm>>) target_semaphore(%run_scoped3A_1350 : memref<!tpu.dma_semaphore, #tpu.memory_space<semaphore_mem>>)
      %dma_wait3A_1363 = arith.constant 0 : i32
      %dma_wait3A_1364 = arith.constant 0 : i32
      %dma_wait3A_1365 = tpu.memref_slice %arg6[%run_scoped3A_1145, %dma_wait3A_1363, %dma_wait3A_1364] : memref<2x128x64xf32, #tpu.memory_space<vmem>> -> memref<1x128x64xf32, #tpu.memory_space<vmem>>
      %dma_wait3A_1366 = tpu.memref_squeeze %dma_wait3A_1365 : memref<1x128x64xf32, #tpu.memory_space<vmem>> -> memref<128x64xf32, #tpu.memory_space<vmem>>
      %dma_wait3A_1367 = arith.constant 0 : i32
      %dma_wait3A_1368 = tpu.memref_slice %arg4[%add3A_1144, %dma_wait3A_1367] : memref<204800x64xf32, #tpu.memory_space<hbm>> -> memref<128x64xf32, #tpu.memory_space<hbm>>
      %dma_wait3A_1369 = arith.constant 0 : i32
      %dma_wait3A_1370 = tpu.memref_slice %arg4[%add3A_1144, %dma_wait3A_1369] : memref<204800x64xf32, #tpu.memory_space<hbm>> -> memref<128x64xf32, #tpu.memory_space<hbm>>
      %dma_wait3A_1371 = arith.constant 0 : i32
      %dma_wait3A_1372 = arith.constant 0 : i32
      %dma_wait3A_1373 = tpu.memref_slice %arg6[%run_scoped3A_1145, %dma_wait3A_1371, %dma_wait3A_1372] : memref<2x128x64xf32, #tpu.memory_space<vmem>> -> memref<1x128x64xf32, #tpu.memory_space<vmem>>
      %dma_wait3A_1374 = tpu.memref_squeeze %dma_wait3A_1373 : memref<1x128x64xf32, #tpu.memory_space<vmem>> -> memref<128x64xf32, #tpu.memory_space<vmem>>
      tpu.wait_dma2 semaphore(%run_scoped3A_1350 : memref<!tpu.dma_semaphore, #tpu.memory_space<semaphore_mem>>) src(%dma_wait3A_1374 : memref<128x64xf32, #tpu.memory_space<vmem>>) dst(%dma_wait3A_1370 : memref<128x64xf32, #tpu.memory_space<hbm>>)
      tpu.yield
    }) : () -> ()
    %dma_start3A_1146 = arith.constant 43 : i32
    %dma_start3A_1147 = arith.constant 1 : i32
    %dma_start3A_1148 = arith.constant 0 : i32
    %dma_start3A_1149 = arith.constant 0 : i32
    %dma_start3A_1150 = tpu.memref_slice %arg6[%dma_start3A_1147, %dma_start3A_1148, %dma_start3A_1149] : memref<2x128x64xf32, #tpu.memory_space<vmem>> -> memref<1x128x64xf32, #tpu.memory_space<vmem>>
    %dma_start3A_1151 = tpu.memref_squeeze %dma_start3A_1150 : memref<1x128x64xf32, #tpu.memory_space<vmem>> -> memref<128x64xf32, #tpu.memory_space<vmem>>
    %dma_start3A_1152 = arith.constant 0 : i32
    %dma_start3A_1153 = tpu.memref_slice %arg5[%dma_start3A_1146, %dma_start3A_1152] : memref<50x128xi32, #tpu.memory_space<vmem>> -> memref<1x128xi32, #tpu.memory_space<vmem>>
    %dma_start3A_1154 = tpu.memref_squeeze %dma_start3A_1153 : memref<1x128xi32, #tpu.memory_space<vmem>> -> memref<128xi32, #tpu.memory_space<vmem>>
    %dma_start3A_1155 = arith.constant 0 : i32
    %dma_start3A_1156 = arith.constant 0 : i32
    %dma_start3A_1157 = tpu.memref_slice %arg3[%dma_start3A_1155, %dma_start3A_1156] : memref<1000000x64xf32, #tpu.memory_space<hbm>> -> memref<1000000x64xf32, #tpu.memory_space<hbm>>
    tpu.enqueue_indirect_dma source(%dma_start3A_1157 : memref<1000000x64xf32, #tpu.memory_space<hbm>>) target(%dma_start3A_1151 : memref<128x64xf32, #tpu.memory_space<vmem>>) offsets(%dma_start3A_1154 : memref<128xi32, #tpu.memory_space<vmem>>) semaphore(%arg8 : memref<!tpu.dma_semaphore, #tpu.memory_space<semaphore_mem>>)
    %dma_wait3A_1158 = arith.constant 42 : i32
    %dma_wait3A_1159 = arith.constant 0 : i32
    %dma_wait3A_1160 = arith.constant 0 : i32
    %dma_wait3A_1161 = arith.constant 0 : i32
    %dma_wait3A_1162 = tpu.memref_slice %arg6[%dma_wait3A_1159, %dma_wait3A_1160, %dma_wait3A_1161] : memref<2x128x64xf32, #tpu.memory_space<vmem>> -> memref<1x128x64xf32, #tpu.memory_space<vmem>>
    %dma_wait3A_1163 = tpu.memref_squeeze %dma_wait3A_1162 : memref<1x128x64xf32, #tpu.memory_space<vmem>> -> memref<128x64xf32, #tpu.memory_space<vmem>>
    %dma_wait3A_1164 = arith.constant 0 : i32
    %dma_wait3A_1165 = tpu.memref_slice %arg5[%dma_wait3A_1158, %dma_wait3A_1164] : memref<50x128xi32, #tpu.memory_space<vmem>> -> memref<1x128xi32, #tpu.memory_space<vmem>>
    %dma_wait3A_1166 = tpu.memref_squeeze %dma_wait3A_1165 : memref<1x128xi32, #tpu.memory_space<vmem>> -> memref<128xi32, #tpu.memory_space<vmem>>
    %dma_wait3A_1167 = arith.constant 0 : i32
    %dma_wait3A_1168 = arith.constant 0 : i32
    %dma_wait3A_1169 = tpu.memref_slice %arg3[%dma_wait3A_1167, %dma_wait3A_1168] : memref<1000000x64xf32, #tpu.memory_space<hbm>> -> memref<1000000x64xf32, #tpu.memory_space<hbm>>
    tpu.wait_indirect_dma semaphore(%arg7 : memref<!tpu.dma_semaphore, #tpu.memory_space<semaphore_mem>>) src(%dma_wait3A_1169 : memref<1000000x64xf32, #tpu.memory_space<hbm>>) dst(%dma_wait3A_1163 : memref<128x64xf32, #tpu.memory_space<vmem>>)
    %add3A_1170 = arith.constant 5376 : i32
    %add3A_1171 = arith.addi %mul3A_2, %add3A_1170 : i32
    %run_scoped3A_1172 = arith.constant 0 : i32
    "tpu.region"() ({
      %run_scoped3A_1350 = tpu.sem_alloc : memref<!tpu.dma_semaphore, #tpu.memory_space<semaphore_mem>>
      %dma_start3A_1351 = arith.constant 0 : i32
      %dma_start3A_1352 = arith.constant 0 : i32
      %dma_start3A_1353 = tpu.memref_slice %arg6[%run_scoped3A_1172, %dma_start3A_1351, %dma_start3A_1352] : memref<2x128x64xf32, #tpu.memory_space<vmem>> -> memref<1x128x64xf32, #tpu.memory_space<vmem>>
      %dma_start3A_1354 = tpu.memref_squeeze %dma_start3A_1353 : memref<1x128x64xf32, #tpu.memory_space<vmem>> -> memref<128x64xf32, #tpu.memory_space<vmem>>
      %dma_start3A_1355 = arith.constant 0 : i32
      %dma_start3A_1356 = tpu.memref_slice %arg4[%add3A_1171, %dma_start3A_1355] : memref<204800x64xf32, #tpu.memory_space<hbm>> -> memref<128x64xf32, #tpu.memory_space<hbm>>
      %dma_start3A_1357 = arith.constant 0 : i32
      %dma_start3A_1358 = tpu.memref_slice %arg4[%add3A_1171, %dma_start3A_1357] : memref<204800x64xf32, #tpu.memory_space<hbm>> -> memref<128x64xf32, #tpu.memory_space<hbm>>
      %dma_start3A_1359 = arith.constant 0 : i32
      %dma_start3A_1360 = arith.constant 0 : i32
      %dma_start3A_1361 = tpu.memref_slice %arg6[%run_scoped3A_1172, %dma_start3A_1359, %dma_start3A_1360] : memref<2x128x64xf32, #tpu.memory_space<vmem>> -> memref<1x128x64xf32, #tpu.memory_space<vmem>>
      %dma_start3A_1362 = tpu.memref_squeeze %dma_start3A_1361 : memref<1x128x64xf32, #tpu.memory_space<vmem>> -> memref<128x64xf32, #tpu.memory_space<vmem>>
      tpu.enqueue_dma source(%dma_start3A_1362 : memref<128x64xf32, #tpu.memory_space<vmem>>) target(%dma_start3A_1358 : memref<128x64xf32, #tpu.memory_space<hbm>>) target_semaphore(%run_scoped3A_1350 : memref<!tpu.dma_semaphore, #tpu.memory_space<semaphore_mem>>)
      %dma_wait3A_1363 = arith.constant 0 : i32
      %dma_wait3A_1364 = arith.constant 0 : i32
      %dma_wait3A_1365 = tpu.memref_slice %arg6[%run_scoped3A_1172, %dma_wait3A_1363, %dma_wait3A_1364] : memref<2x128x64xf32, #tpu.memory_space<vmem>> -> memref<1x128x64xf32, #tpu.memory_space<vmem>>
      %dma_wait3A_1366 = tpu.memref_squeeze %dma_wait3A_1365 : memref<1x128x64xf32, #tpu.memory_space<vmem>> -> memref<128x64xf32, #tpu.memory_space<vmem>>
      %dma_wait3A_1367 = arith.constant 0 : i32
      %dma_wait3A_1368 = tpu.memref_slice %arg4[%add3A_1171, %dma_wait3A_1367] : memref<204800x64xf32, #tpu.memory_space<hbm>> -> memref<128x64xf32, #tpu.memory_space<hbm>>
      %dma_wait3A_1369 = arith.constant 0 : i32
      %dma_wait3A_1370 = tpu.memref_slice %arg4[%add3A_1171, %dma_wait3A_1369] : memref<204800x64xf32, #tpu.memory_space<hbm>> -> memref<128x64xf32, #tpu.memory_space<hbm>>
      %dma_wait3A_1371 = arith.constant 0 : i32
      %dma_wait3A_1372 = arith.constant 0 : i32
      %dma_wait3A_1373 = tpu.memref_slice %arg6[%run_scoped3A_1172, %dma_wait3A_1371, %dma_wait3A_1372] : memref<2x128x64xf32, #tpu.memory_space<vmem>> -> memref<1x128x64xf32, #tpu.memory_space<vmem>>
      %dma_wait3A_1374 = tpu.memref_squeeze %dma_wait3A_1373 : memref<1x128x64xf32, #tpu.memory_space<vmem>> -> memref<128x64xf32, #tpu.memory_space<vmem>>
      tpu.wait_dma2 semaphore(%run_scoped3A_1350 : memref<!tpu.dma_semaphore, #tpu.memory_space<semaphore_mem>>) src(%dma_wait3A_1374 : memref<128x64xf32, #tpu.memory_space<vmem>>) dst(%dma_wait3A_1370 : memref<128x64xf32, #tpu.memory_space<hbm>>)
      tpu.yield
    }) : () -> ()
    %dma_start3A_1173 = arith.constant 44 : i32
    %dma_start3A_1174 = arith.constant 0 : i32
    %dma_start3A_1175 = arith.constant 0 : i32
    %dma_start3A_1176 = arith.constant 0 : i32
    %dma_start3A_1177 = tpu.memref_slice %arg6[%dma_start3A_1174, %dma_start3A_1175, %dma_start3A_1176] : memref<2x128x64xf32, #tpu.memory_space<vmem>> -> memref<1x128x64xf32, #tpu.memory_space<vmem>>
    %dma_start3A_1178 = tpu.memref_squeeze %dma_start3A_1177 : memref<1x128x64xf32, #tpu.memory_space<vmem>> -> memref<128x64xf32, #tpu.memory_space<vmem>>
    %dma_start3A_1179 = arith.constant 0 : i32
    %dma_start3A_1180 = tpu.memref_slice %arg5[%dma_start3A_1173, %dma_start3A_1179] : memref<50x128xi32, #tpu.memory_space<vmem>> -> memref<1x128xi32, #tpu.memory_space<vmem>>
    %dma_start3A_1181 = tpu.memref_squeeze %dma_start3A_1180 : memref<1x128xi32, #tpu.memory_space<vmem>> -> memref<128xi32, #tpu.memory_space<vmem>>
    %dma_start3A_1182 = arith.constant 0 : i32
    %dma_start3A_1183 = arith.constant 0 : i32
    %dma_start3A_1184 = tpu.memref_slice %arg3[%dma_start3A_1182, %dma_start3A_1183] : memref<1000000x64xf32, #tpu.memory_space<hbm>> -> memref<1000000x64xf32, #tpu.memory_space<hbm>>
    tpu.enqueue_indirect_dma source(%dma_start3A_1184 : memref<1000000x64xf32, #tpu.memory_space<hbm>>) target(%dma_start3A_1178 : memref<128x64xf32, #tpu.memory_space<vmem>>) offsets(%dma_start3A_1181 : memref<128xi32, #tpu.memory_space<vmem>>) semaphore(%arg7 : memref<!tpu.dma_semaphore, #tpu.memory_space<semaphore_mem>>)
    %dma_wait3A_1185 = arith.constant 43 : i32
    %dma_wait3A_1186 = arith.constant 1 : i32
    %dma_wait3A_1187 = arith.constant 0 : i32
    %dma_wait3A_1188 = arith.constant 0 : i32
    %dma_wait3A_1189 = tpu.memref_slice %arg6[%dma_wait3A_1186, %dma_wait3A_1187, %dma_wait3A_1188] : memref<2x128x64xf32, #tpu.memory_space<vmem>> -> memref<1x128x64xf32, #tpu.memory_space<vmem>>
    %dma_wait3A_1190 = tpu.memref_squeeze %dma_wait3A_1189 : memref<1x128x64xf32, #tpu.memory_space<vmem>> -> memref<128x64xf32, #tpu.memory_space<vmem>>
    %dma_wait3A_1191 = arith.constant 0 : i32
    %dma_wait3A_1192 = tpu.memref_slice %arg5[%dma_wait3A_1185, %dma_wait3A_1191] : memref<50x128xi32, #tpu.memory_space<vmem>> -> memref<1x128xi32, #tpu.memory_space<vmem>>
    %dma_wait3A_1193 = tpu.memref_squeeze %dma_wait3A_1192 : memref<1x128xi32, #tpu.memory_space<vmem>> -> memref<128xi32, #tpu.memory_space<vmem>>
    %dma_wait3A_1194 = arith.constant 0 : i32
    %dma_wait3A_1195 = arith.constant 0 : i32
    %dma_wait3A_1196 = tpu.memref_slice %arg3[%dma_wait3A_1194, %dma_wait3A_1195] : memref<1000000x64xf32, #tpu.memory_space<hbm>> -> memref<1000000x64xf32, #tpu.memory_space<hbm>>
    tpu.wait_indirect_dma semaphore(%arg8 : memref<!tpu.dma_semaphore, #tpu.memory_space<semaphore_mem>>) src(%dma_wait3A_1196 : memref<1000000x64xf32, #tpu.memory_space<hbm>>) dst(%dma_wait3A_1190 : memref<128x64xf32, #tpu.memory_space<vmem>>)
    %add3A_1197 = arith.constant 5504 : i32
    %add3A_1198 = arith.addi %mul3A_2, %add3A_1197 : i32
    %run_scoped3A_1199 = arith.constant 1 : i32
    "tpu.region"() ({
      %run_scoped3A_1350 = tpu.sem_alloc : memref<!tpu.dma_semaphore, #tpu.memory_space<semaphore_mem>>
      %dma_start3A_1351 = arith.constant 0 : i32
      %dma_start3A_1352 = arith.constant 0 : i32
      %dma_start3A_1353 = tpu.memref_slice %arg6[%run_scoped3A_1199, %dma_start3A_1351, %dma_start3A_1352] : memref<2x128x64xf32, #tpu.memory_space<vmem>> -> memref<1x128x64xf32, #tpu.memory_space<vmem>>
      %dma_start3A_1354 = tpu.memref_squeeze %dma_start3A_1353 : memref<1x128x64xf32, #tpu.memory_space<vmem>> -> memref<128x64xf32, #tpu.memory_space<vmem>>
      %dma_start3A_1355 = arith.constant 0 : i32
      %dma_start3A_1356 = tpu.memref_slice %arg4[%add3A_1198, %dma_start3A_1355] : memref<204800x64xf32, #tpu.memory_space<hbm>> -> memref<128x64xf32, #tpu.memory_space<hbm>>
      %dma_start3A_1357 = arith.constant 0 : i32
      %dma_start3A_1358 = tpu.memref_slice %arg4[%add3A_1198, %dma_start3A_1357] : memref<204800x64xf32, #tpu.memory_space<hbm>> -> memref<128x64xf32, #tpu.memory_space<hbm>>
      %dma_start3A_1359 = arith.constant 0 : i32
      %dma_start3A_1360 = arith.constant 0 : i32
      %dma_start3A_1361 = tpu.memref_slice %arg6[%run_scoped3A_1199, %dma_start3A_1359, %dma_start3A_1360] : memref<2x128x64xf32, #tpu.memory_space<vmem>> -> memref<1x128x64xf32, #tpu.memory_space<vmem>>
      %dma_start3A_1362 = tpu.memref_squeeze %dma_start3A_1361 : memref<1x128x64xf32, #tpu.memory_space<vmem>> -> memref<128x64xf32, #tpu.memory_space<vmem>>
      tpu.enqueue_dma source(%dma_start3A_1362 : memref<128x64xf32, #tpu.memory_space<vmem>>) target(%dma_start3A_1358 : memref<128x64xf32, #tpu.memory_space<hbm>>) target_semaphore(%run_scoped3A_1350 : memref<!tpu.dma_semaphore, #tpu.memory_space<semaphore_mem>>)
      %dma_wait3A_1363 = arith.constant 0 : i32
      %dma_wait3A_1364 = arith.constant 0 : i32
      %dma_wait3A_1365 = tpu.memref_slice %arg6[%run_scoped3A_1199, %dma_wait3A_1363, %dma_wait3A_1364] : memref<2x128x64xf32, #tpu.memory_space<vmem>> -> memref<1x128x64xf32, #tpu.memory_space<vmem>>
      %dma_wait3A_1366 = tpu.memref_squeeze %dma_wait3A_1365 : memref<1x128x64xf32, #tpu.memory_space<vmem>> -> memref<128x64xf32, #tpu.memory_space<vmem>>
      %dma_wait3A_1367 = arith.constant 0 : i32
      %dma_wait3A_1368 = tpu.memref_slice %arg4[%add3A_1198, %dma_wait3A_1367] : memref<204800x64xf32, #tpu.memory_space<hbm>> -> memref<128x64xf32, #tpu.memory_space<hbm>>
      %dma_wait3A_1369 = arith.constant 0 : i32
      %dma_wait3A_1370 = tpu.memref_slice %arg4[%add3A_1198, %dma_wait3A_1369] : memref<204800x64xf32, #tpu.memory_space<hbm>> -> memref<128x64xf32, #tpu.memory_space<hbm>>
      %dma_wait3A_1371 = arith.constant 0 : i32
      %dma_wait3A_1372 = arith.constant 0 : i32
      %dma_wait3A_1373 = tpu.memref_slice %arg6[%run_scoped3A_1199, %dma_wait3A_1371, %dma_wait3A_1372] : memref<2x128x64xf32, #tpu.memory_space<vmem>> -> memref<1x128x64xf32, #tpu.memory_space<vmem>>
      %dma_wait3A_1374 = tpu.memref_squeeze %dma_wait3A_1373 : memref<1x128x64xf32, #tpu.memory_space<vmem>> -> memref<128x64xf32, #tpu.memory_space<vmem>>
      tpu.wait_dma2 semaphore(%run_scoped3A_1350 : memref<!tpu.dma_semaphore, #tpu.memory_space<semaphore_mem>>) src(%dma_wait3A_1374 : memref<128x64xf32, #tpu.memory_space<vmem>>) dst(%dma_wait3A_1370 : memref<128x64xf32, #tpu.memory_space<hbm>>)
      tpu.yield
    }) : () -> ()
    %dma_start3A_1200 = arith.constant 45 : i32
    %dma_start3A_1201 = arith.constant 1 : i32
    %dma_start3A_1202 = arith.constant 0 : i32
    %dma_start3A_1203 = arith.constant 0 : i32
    %dma_start3A_1204 = tpu.memref_slice %arg6[%dma_start3A_1201, %dma_start3A_1202, %dma_start3A_1203] : memref<2x128x64xf32, #tpu.memory_space<vmem>> -> memref<1x128x64xf32, #tpu.memory_space<vmem>>
    %dma_start3A_1205 = tpu.memref_squeeze %dma_start3A_1204 : memref<1x128x64xf32, #tpu.memory_space<vmem>> -> memref<128x64xf32, #tpu.memory_space<vmem>>
    %dma_start3A_1206 = arith.constant 0 : i32
    %dma_start3A_1207 = tpu.memref_slice %arg5[%dma_start3A_1200, %dma_start3A_1206] : memref<50x128xi32, #tpu.memory_space<vmem>> -> memref<1x128xi32, #tpu.memory_space<vmem>>
    %dma_start3A_1208 = tpu.memref_squeeze %dma_start3A_1207 : memref<1x128xi32, #tpu.memory_space<vmem>> -> memref<128xi32, #tpu.memory_space<vmem>>
    %dma_start3A_1209 = arith.constant 0 : i32
    %dma_start3A_1210 = arith.constant 0 : i32
    %dma_start3A_1211 = tpu.memref_slice %arg3[%dma_start3A_1209, %dma_start3A_1210] : memref<1000000x64xf32, #tpu.memory_space<hbm>> -> memref<1000000x64xf32, #tpu.memory_space<hbm>>
    tpu.enqueue_indirect_dma source(%dma_start3A_1211 : memref<1000000x64xf32, #tpu.memory_space<hbm>>) target(%dma_start3A_1205 : memref<128x64xf32, #tpu.memory_space<vmem>>) offsets(%dma_start3A_1208 : memref<128xi32, #tpu.memory_space<vmem>>) semaphore(%arg8 : memref<!tpu.dma_semaphore, #tpu.memory_space<semaphore_mem>>)
    %dma_wait3A_1212 = arith.constant 44 : i32
    %dma_wait3A_1213 = arith.constant 0 : i32
    %dma_wait3A_1214 = arith.constant 0 : i32
    %dma_wait3A_1215 = arith.constant 0 : i32
    %dma_wait3A_1216 = tpu.memref_slice %arg6[%dma_wait3A_1213, %dma_wait3A_1214, %dma_wait3A_1215] : memref<2x128x64xf32, #tpu.memory_space<vmem>> -> memref<1x128x64xf32, #tpu.memory_space<vmem>>
    %dma_wait3A_1217 = tpu.memref_squeeze %dma_wait3A_1216 : memref<1x128x64xf32, #tpu.memory_space<vmem>> -> memref<128x64xf32, #tpu.memory_space<vmem>>
    %dma_wait3A_1218 = arith.constant 0 : i32
    %dma_wait3A_1219 = tpu.memref_slice %arg5[%dma_wait3A_1212, %dma_wait3A_1218] : memref<50x128xi32, #tpu.memory_space<vmem>> -> memref<1x128xi32, #tpu.memory_space<vmem>>
    %dma_wait3A_1220 = tpu.memref_squeeze %dma_wait3A_1219 : memref<1x128xi32, #tpu.memory_space<vmem>> -> memref<128xi32, #tpu.memory_space<vmem>>
    %dma_wait3A_1221 = arith.constant 0 : i32
    %dma_wait3A_1222 = arith.constant 0 : i32
    %dma_wait3A_1223 = tpu.memref_slice %arg3[%dma_wait3A_1221, %dma_wait3A_1222] : memref<1000000x64xf32, #tpu.memory_space<hbm>> -> memref<1000000x64xf32, #tpu.memory_space<hbm>>
    tpu.wait_indirect_dma semaphore(%arg7 : memref<!tpu.dma_semaphore, #tpu.memory_space<semaphore_mem>>) src(%dma_wait3A_1223 : memref<1000000x64xf32, #tpu.memory_space<hbm>>) dst(%dma_wait3A_1217 : memref<128x64xf32, #tpu.memory_space<vmem>>)
    %add3A_1224 = arith.constant 5632 : i32
    %add3A_1225 = arith.addi %mul3A_2, %add3A_1224 : i32
    %run_scoped3A_1226 = arith.constant 0 : i32
    "tpu.region"() ({
      %run_scoped3A_1350 = tpu.sem_alloc : memref<!tpu.dma_semaphore, #tpu.memory_space<semaphore_mem>>
      %dma_start3A_1351 = arith.constant 0 : i32
      %dma_start3A_1352 = arith.constant 0 : i32
      %dma_start3A_1353 = tpu.memref_slice %arg6[%run_scoped3A_1226, %dma_start3A_1351, %dma_start3A_1352] : memref<2x128x64xf32, #tpu.memory_space<vmem>> -> memref<1x128x64xf32, #tpu.memory_space<vmem>>
      %dma_start3A_1354 = tpu.memref_squeeze %dma_start3A_1353 : memref<1x128x64xf32, #tpu.memory_space<vmem>> -> memref<128x64xf32, #tpu.memory_space<vmem>>
      %dma_start3A_1355 = arith.constant 0 : i32
      %dma_start3A_1356 = tpu.memref_slice %arg4[%add3A_1225, %dma_start3A_1355] : memref<204800x64xf32, #tpu.memory_space<hbm>> -> memref<128x64xf32, #tpu.memory_space<hbm>>
      %dma_start3A_1357 = arith.constant 0 : i32
      %dma_start3A_1358 = tpu.memref_slice %arg4[%add3A_1225, %dma_start3A_1357] : memref<204800x64xf32, #tpu.memory_space<hbm>> -> memref<128x64xf32, #tpu.memory_space<hbm>>
      %dma_start3A_1359 = arith.constant 0 : i32
      %dma_start3A_1360 = arith.constant 0 : i32
      %dma_start3A_1361 = tpu.memref_slice %arg6[%run_scoped3A_1226, %dma_start3A_1359, %dma_start3A_1360] : memref<2x128x64xf32, #tpu.memory_space<vmem>> -> memref<1x128x64xf32, #tpu.memory_space<vmem>>
      %dma_start3A_1362 = tpu.memref_squeeze %dma_start3A_1361 : memref<1x128x64xf32, #tpu.memory_space<vmem>> -> memref<128x64xf32, #tpu.memory_space<vmem>>
      tpu.enqueue_dma source(%dma_start3A_1362 : memref<128x64xf32, #tpu.memory_space<vmem>>) target(%dma_start3A_1358 : memref<128x64xf32, #tpu.memory_space<hbm>>) target_semaphore(%run_scoped3A_1350 : memref<!tpu.dma_semaphore, #tpu.memory_space<semaphore_mem>>)
      %dma_wait3A_1363 = arith.constant 0 : i32
      %dma_wait3A_1364 = arith.constant 0 : i32
      %dma_wait3A_1365 = tpu.memref_slice %arg6[%run_scoped3A_1226, %dma_wait3A_1363, %dma_wait3A_1364] : memref<2x128x64xf32, #tpu.memory_space<vmem>> -> memref<1x128x64xf32, #tpu.memory_space<vmem>>
      %dma_wait3A_1366 = tpu.memref_squeeze %dma_wait3A_1365 : memref<1x128x64xf32, #tpu.memory_space<vmem>> -> memref<128x64xf32, #tpu.memory_space<vmem>>
      %dma_wait3A_1367 = arith.constant 0 : i32
      %dma_wait3A_1368 = tpu.memref_slice %arg4[%add3A_1225, %dma_wait3A_1367] : memref<204800x64xf32, #tpu.memory_space<hbm>> -> memref<128x64xf32, #tpu.memory_space<hbm>>
      %dma_wait3A_1369 = arith.constant 0 : i32
      %dma_wait3A_1370 = tpu.memref_slice %arg4[%add3A_1225, %dma_wait3A_1369] : memref<204800x64xf32, #tpu.memory_space<hbm>> -> memref<128x64xf32, #tpu.memory_space<hbm>>
      %dma_wait3A_1371 = arith.constant 0 : i32
      %dma_wait3A_1372 = arith.constant 0 : i32
      %dma_wait3A_1373 = tpu.memref_slice %arg6[%run_scoped3A_1226, %dma_wait3A_1371, %dma_wait3A_1372] : memref<2x128x64xf32, #tpu.memory_space<vmem>> -> memref<1x128x64xf32, #tpu.memory_space<vmem>>
      %dma_wait3A_1374 = tpu.memref_squeeze %dma_wait3A_1373 : memref<1x128x64xf32, #tpu.memory_space<vmem>> -> memref<128x64xf32, #tpu.memory_space<vmem>>
      tpu.wait_dma2 semaphore(%run_scoped3A_1350 : memref<!tpu.dma_semaphore, #tpu.memory_space<semaphore_mem>>) src(%dma_wait3A_1374 : memref<128x64xf32, #tpu.memory_space<vmem>>) dst(%dma_wait3A_1370 : memref<128x64xf32, #tpu.memory_space<hbm>>)
      tpu.yield
    }) : () -> ()
    %dma_start3A_1227 = arith.constant 46 : i32
    %dma_start3A_1228 = arith.constant 0 : i32
    %dma_start3A_1229 = arith.constant 0 : i32
    %dma_start3A_1230 = arith.constant 0 : i32
    %dma_start3A_1231 = tpu.memref_slice %arg6[%dma_start3A_1228, %dma_start3A_1229, %dma_start3A_1230] : memref<2x128x64xf32, #tpu.memory_space<vmem>> -> memref<1x128x64xf32, #tpu.memory_space<vmem>>
    %dma_start3A_1232 = tpu.memref_squeeze %dma_start3A_1231 : memref<1x128x64xf32, #tpu.memory_space<vmem>> -> memref<128x64xf32, #tpu.memory_space<vmem>>
    %dma_start3A_1233 = arith.constant 0 : i32
    %dma_start3A_1234 = tpu.memref_slice %arg5[%dma_start3A_1227, %dma_start3A_1233] : memref<50x128xi32, #tpu.memory_space<vmem>> -> memref<1x128xi32, #tpu.memory_space<vmem>>
    %dma_start3A_1235 = tpu.memref_squeeze %dma_start3A_1234 : memref<1x128xi32, #tpu.memory_space<vmem>> -> memref<128xi32, #tpu.memory_space<vmem>>
    %dma_start3A_1236 = arith.constant 0 : i32
    %dma_start3A_1237 = arith.constant 0 : i32
    %dma_start3A_1238 = tpu.memref_slice %arg3[%dma_start3A_1236, %dma_start3A_1237] : memref<1000000x64xf32, #tpu.memory_space<hbm>> -> memref<1000000x64xf32, #tpu.memory_space<hbm>>
    tpu.enqueue_indirect_dma source(%dma_start3A_1238 : memref<1000000x64xf32, #tpu.memory_space<hbm>>) target(%dma_start3A_1232 : memref<128x64xf32, #tpu.memory_space<vmem>>) offsets(%dma_start3A_1235 : memref<128xi32, #tpu.memory_space<vmem>>) semaphore(%arg7 : memref<!tpu.dma_semaphore, #tpu.memory_space<semaphore_mem>>)
    %dma_wait3A_1239 = arith.constant 45 : i32
    %dma_wait3A_1240 = arith.constant 1 : i32
    %dma_wait3A_1241 = arith.constant 0 : i32
    %dma_wait3A_1242 = arith.constant 0 : i32
    %dma_wait3A_1243 = tpu.memref_slice %arg6[%dma_wait3A_1240, %dma_wait3A_1241, %dma_wait3A_1242] : memref<2x128x64xf32, #tpu.memory_space<vmem>> -> memref<1x128x64xf32, #tpu.memory_space<vmem>>
    %dma_wait3A_1244 = tpu.memref_squeeze %dma_wait3A_1243 : memref<1x128x64xf32, #tpu.memory_space<vmem>> -> memref<128x64xf32, #tpu.memory_space<vmem>>
    %dma_wait3A_1245 = arith.constant 0 : i32
    %dma_wait3A_1246 = tpu.memref_slice %arg5[%dma_wait3A_1239, %dma_wait3A_1245] : memref<50x128xi32, #tpu.memory_space<vmem>> -> memref<1x128xi32, #tpu.memory_space<vmem>>
    %dma_wait3A_1247 = tpu.memref_squeeze %dma_wait3A_1246 : memref<1x128xi32, #tpu.memory_space<vmem>> -> memref<128xi32, #tpu.memory_space<vmem>>
    %dma_wait3A_1248 = arith.constant 0 : i32
    %dma_wait3A_1249 = arith.constant 0 : i32
    %dma_wait3A_1250 = tpu.memref_slice %arg3[%dma_wait3A_1248, %dma_wait3A_1249] : memref<1000000x64xf32, #tpu.memory_space<hbm>> -> memref<1000000x64xf32, #tpu.memory_space<hbm>>
    tpu.wait_indirect_dma semaphore(%arg8 : memref<!tpu.dma_semaphore, #tpu.memory_space<semaphore_mem>>) src(%dma_wait3A_1250 : memref<1000000x64xf32, #tpu.memory_space<hbm>>) dst(%dma_wait3A_1244 : memref<128x64xf32, #tpu.memory_space<vmem>>)
    %add3A_1251 = arith.constant 5760 : i32
    %add3A_1252 = arith.addi %mul3A_2, %add3A_1251 : i32
    %run_scoped3A_1253 = arith.constant 1 : i32
    "tpu.region"() ({
      %run_scoped3A_1350 = tpu.sem_alloc : memref<!tpu.dma_semaphore, #tpu.memory_space<semaphore_mem>>
      %dma_start3A_1351 = arith.constant 0 : i32
      %dma_start3A_1352 = arith.constant 0 : i32
      %dma_start3A_1353 = tpu.memref_slice %arg6[%run_scoped3A_1253, %dma_start3A_1351, %dma_start3A_1352] : memref<2x128x64xf32, #tpu.memory_space<vmem>> -> memref<1x128x64xf32, #tpu.memory_space<vmem>>
      %dma_start3A_1354 = tpu.memref_squeeze %dma_start3A_1353 : memref<1x128x64xf32, #tpu.memory_space<vmem>> -> memref<128x64xf32, #tpu.memory_space<vmem>>
      %dma_start3A_1355 = arith.constant 0 : i32
      %dma_start3A_1356 = tpu.memref_slice %arg4[%add3A_1252, %dma_start3A_1355] : memref<204800x64xf32, #tpu.memory_space<hbm>> -> memref<128x64xf32, #tpu.memory_space<hbm>>
      %dma_start3A_1357 = arith.constant 0 : i32
      %dma_start3A_1358 = tpu.memref_slice %arg4[%add3A_1252, %dma_start3A_1357] : memref<204800x64xf32, #tpu.memory_space<hbm>> -> memref<128x64xf32, #tpu.memory_space<hbm>>
      %dma_start3A_1359 = arith.constant 0 : i32
      %dma_start3A_1360 = arith.constant 0 : i32
      %dma_start3A_1361 = tpu.memref_slice %arg6[%run_scoped3A_1253, %dma_start3A_1359, %dma_start3A_1360] : memref<2x128x64xf32, #tpu.memory_space<vmem>> -> memref<1x128x64xf32, #tpu.memory_space<vmem>>
      %dma_start3A_1362 = tpu.memref_squeeze %dma_start3A_1361 : memref<1x128x64xf32, #tpu.memory_space<vmem>> -> memref<128x64xf32, #tpu.memory_space<vmem>>
      tpu.enqueue_dma source(%dma_start3A_1362 : memref<128x64xf32, #tpu.memory_space<vmem>>) target(%dma_start3A_1358 : memref<128x64xf32, #tpu.memory_space<hbm>>) target_semaphore(%run_scoped3A_1350 : memref<!tpu.dma_semaphore, #tpu.memory_space<semaphore_mem>>)
      %dma_wait3A_1363 = arith.constant 0 : i32
      %dma_wait3A_1364 = arith.constant 0 : i32
      %dma_wait3A_1365 = tpu.memref_slice %arg6[%run_scoped3A_1253, %dma_wait3A_1363, %dma_wait3A_1364] : memref<2x128x64xf32, #tpu.memory_space<vmem>> -> memref<1x128x64xf32, #tpu.memory_space<vmem>>
      %dma_wait3A_1366 = tpu.memref_squeeze %dma_wait3A_1365 : memref<1x128x64xf32, #tpu.memory_space<vmem>> -> memref<128x64xf32, #tpu.memory_space<vmem>>
      %dma_wait3A_1367 = arith.constant 0 : i32
      %dma_wait3A_1368 = tpu.memref_slice %arg4[%add3A_1252, %dma_wait3A_1367] : memref<204800x64xf32, #tpu.memory_space<hbm>> -> memref<128x64xf32, #tpu.memory_space<hbm>>
      %dma_wait3A_1369 = arith.constant 0 : i32
      %dma_wait3A_1370 = tpu.memref_slice %arg4[%add3A_1252, %dma_wait3A_1369] : memref<204800x64xf32, #tpu.memory_space<hbm>> -> memref<128x64xf32, #tpu.memory_space<hbm>>
      %dma_wait3A_1371 = arith.constant 0 : i32
      %dma_wait3A_1372 = arith.constant 0 : i32
      %dma_wait3A_1373 = tpu.memref_slice %arg6[%run_scoped3A_1253, %dma_wait3A_1371, %dma_wait3A_1372] : memref<2x128x64xf32, #tpu.memory_space<vmem>> -> memref<1x128x64xf32, #tpu.memory_space<vmem>>
      %dma_wait3A_1374 = tpu.memref_squeeze %dma_wait3A_1373 : memref<1x128x64xf32, #tpu.memory_space<vmem>> -> memref<128x64xf32, #tpu.memory_space<vmem>>
      tpu.wait_dma2 semaphore(%run_scoped3A_1350 : memref<!tpu.dma_semaphore, #tpu.memory_space<semaphore_mem>>) src(%dma_wait3A_1374 : memref<128x64xf32, #tpu.memory_space<vmem>>) dst(%dma_wait3A_1370 : memref<128x64xf32, #tpu.memory_space<hbm>>)
      tpu.yield
    }) : () -> ()
    %dma_start3A_1254 = arith.constant 47 : i32
    %dma_start3A_1255 = arith.constant 1 : i32
    %dma_start3A_1256 = arith.constant 0 : i32
    %dma_start3A_1257 = arith.constant 0 : i32
    %dma_start3A_1258 = tpu.memref_slice %arg6[%dma_start3A_1255, %dma_start3A_1256, %dma_start3A_1257] : memref<2x128x64xf32, #tpu.memory_space<vmem>> -> memref<1x128x64xf32, #tpu.memory_space<vmem>>
    %dma_start3A_1259 = tpu.memref_squeeze %dma_start3A_1258 : memref<1x128x64xf32, #tpu.memory_space<vmem>> -> memref<128x64xf32, #tpu.memory_space<vmem>>
    %dma_start3A_1260 = arith.constant 0 : i32
    %dma_start3A_1261 = tpu.memref_slice %arg5[%dma_start3A_1254, %dma_start3A_1260] : memref<50x128xi32, #tpu.memory_space<vmem>> -> memref<1x128xi32, #tpu.memory_space<vmem>>
    %dma_start3A_1262 = tpu.memref_squeeze %dma_start3A_1261 : memref<1x128xi32, #tpu.memory_space<vmem>> -> memref<128xi32, #tpu.memory_space<vmem>>
    %dma_start3A_1263 = arith.constant 0 : i32
    %dma_start3A_1264 = arith.constant 0 : i32
    %dma_start3A_1265 = tpu.memref_slice %arg3[%dma_start3A_1263, %dma_start3A_1264] : memref<1000000x64xf32, #tpu.memory_space<hbm>> -> memref<1000000x64xf32, #tpu.memory_space<hbm>>
    tpu.enqueue_indirect_dma source(%dma_start3A_1265 : memref<1000000x64xf32, #tpu.memory_space<hbm>>) target(%dma_start3A_1259 : memref<128x64xf32, #tpu.memory_space<vmem>>) offsets(%dma_start3A_1262 : memref<128xi32, #tpu.memory_space<vmem>>) semaphore(%arg8 : memref<!tpu.dma_semaphore, #tpu.memory_space<semaphore_mem>>)
    %dma_wait3A_1266 = arith.constant 46 : i32
    %dma_wait3A_1267 = arith.constant 0 : i32
    %dma_wait3A_1268 = arith.constant 0 : i32
    %dma_wait3A_1269 = arith.constant 0 : i32
    %dma_wait3A_1270 = tpu.memref_slice %arg6[%dma_wait3A_1267, %dma_wait3A_1268, %dma_wait3A_1269] : memref<2x128x64xf32, #tpu.memory_space<vmem>> -> memref<1x128x64xf32, #tpu.memory_space<vmem>>
    %dma_wait3A_1271 = tpu.memref_squeeze %dma_wait3A_1270 : memref<1x128x64xf32, #tpu.memory_space<vmem>> -> memref<128x64xf32, #tpu.memory_space<vmem>>
    %dma_wait3A_1272 = arith.constant 0 : i32
    %dma_wait3A_1273 = tpu.memref_slice %arg5[%dma_wait3A_1266, %dma_wait3A_1272] : memref<50x128xi32, #tpu.memory_space<vmem>> -> memref<1x128xi32, #tpu.memory_space<vmem>>
    %dma_wait3A_1274 = tpu.memref_squeeze %dma_wait3A_1273 : memref<1x128xi32, #tpu.memory_space<vmem>> -> memref<128xi32, #tpu.memory_space<vmem>>
    %dma_wait3A_1275 = arith.constant 0 : i32
    %dma_wait3A_1276 = arith.constant 0 : i32
    %dma_wait3A_1277 = tpu.memref_slice %arg3[%dma_wait3A_1275, %dma_wait3A_1276] : memref<1000000x64xf32, #tpu.memory_space<hbm>> -> memref<1000000x64xf32, #tpu.memory_space<hbm>>
    tpu.wait_indirect_dma semaphore(%arg7 : memref<!tpu.dma_semaphore, #tpu.memory_space<semaphore_mem>>) src(%dma_wait3A_1277 : memref<1000000x64xf32, #tpu.memory_space<hbm>>) dst(%dma_wait3A_1271 : memref<128x64xf32, #tpu.memory_space<vmem>>)
    %add3A_1278 = arith.constant 5888 : i32
    %add3A_1279 = arith.addi %mul3A_2, %add3A_1278 : i32
    %run_scoped3A_1280 = arith.constant 0 : i32
    "tpu.region"() ({
      %run_scoped3A_1350 = tpu.sem_alloc : memref<!tpu.dma_semaphore, #tpu.memory_space<semaphore_mem>>
      %dma_start3A_1351 = arith.constant 0 : i32
      %dma_start3A_1352 = arith.constant 0 : i32
      %dma_start3A_1353 = tpu.memref_slice %arg6[%run_scoped3A_1280, %dma_start3A_1351, %dma_start3A_1352] : memref<2x128x64xf32, #tpu.memory_space<vmem>> -> memref<1x128x64xf32, #tpu.memory_space<vmem>>
      %dma_start3A_1354 = tpu.memref_squeeze %dma_start3A_1353 : memref<1x128x64xf32, #tpu.memory_space<vmem>> -> memref<128x64xf32, #tpu.memory_space<vmem>>
      %dma_start3A_1355 = arith.constant 0 : i32
      %dma_start3A_1356 = tpu.memref_slice %arg4[%add3A_1279, %dma_start3A_1355] : memref<204800x64xf32, #tpu.memory_space<hbm>> -> memref<128x64xf32, #tpu.memory_space<hbm>>
      %dma_start3A_1357 = arith.constant 0 : i32
      %dma_start3A_1358 = tpu.memref_slice %arg4[%add3A_1279, %dma_start3A_1357] : memref<204800x64xf32, #tpu.memory_space<hbm>> -> memref<128x64xf32, #tpu.memory_space<hbm>>
      %dma_start3A_1359 = arith.constant 0 : i32
      %dma_start3A_1360 = arith.constant 0 : i32
      %dma_start3A_1361 = tpu.memref_slice %arg6[%run_scoped3A_1280, %dma_start3A_1359, %dma_start3A_1360] : memref<2x128x64xf32, #tpu.memory_space<vmem>> -> memref<1x128x64xf32, #tpu.memory_space<vmem>>
      %dma_start3A_1362 = tpu.memref_squeeze %dma_start3A_1361 : memref<1x128x64xf32, #tpu.memory_space<vmem>> -> memref<128x64xf32, #tpu.memory_space<vmem>>
      tpu.enqueue_dma source(%dma_start3A_1362 : memref<128x64xf32, #tpu.memory_space<vmem>>) target(%dma_start3A_1358 : memref<128x64xf32, #tpu.memory_space<hbm>>) target_semaphore(%run_scoped3A_1350 : memref<!tpu.dma_semaphore, #tpu.memory_space<semaphore_mem>>)
      %dma_wait3A_1363 = arith.constant 0 : i32
      %dma_wait3A_1364 = arith.constant 0 : i32
      %dma_wait3A_1365 = tpu.memref_slice %arg6[%run_scoped3A_1280, %dma_wait3A_1363, %dma_wait3A_1364] : memref<2x128x64xf32, #tpu.memory_space<vmem>> -> memref<1x128x64xf32, #tpu.memory_space<vmem>>
      %dma_wait3A_1366 = tpu.memref_squeeze %dma_wait3A_1365 : memref<1x128x64xf32, #tpu.memory_space<vmem>> -> memref<128x64xf32, #tpu.memory_space<vmem>>
      %dma_wait3A_1367 = arith.constant 0 : i32
      %dma_wait3A_1368 = tpu.memref_slice %arg4[%add3A_1279, %dma_wait3A_1367] : memref<204800x64xf32, #tpu.memory_space<hbm>> -> memref<128x64xf32, #tpu.memory_space<hbm>>
      %dma_wait3A_1369 = arith.constant 0 : i32
      %dma_wait3A_1370 = tpu.memref_slice %arg4[%add3A_1279, %dma_wait3A_1369] : memref<204800x64xf32, #tpu.memory_space<hbm>> -> memref<128x64xf32, #tpu.memory_space<hbm>>
      %dma_wait3A_1371 = arith.constant 0 : i32
      %dma_wait3A_1372 = arith.constant 0 : i32
      %dma_wait3A_1373 = tpu.memref_slice %arg6[%run_scoped3A_1280, %dma_wait3A_1371, %dma_wait3A_1372] : memref<2x128x64xf32, #tpu.memory_space<vmem>> -> memref<1x128x64xf32, #tpu.memory_space<vmem>>
      %dma_wait3A_1374 = tpu.memref_squeeze %dma_wait3A_1373 : memref<1x128x64xf32, #tpu.memory_space<vmem>> -> memref<128x64xf32, #tpu.memory_space<vmem>>
      tpu.wait_dma2 semaphore(%run_scoped3A_1350 : memref<!tpu.dma_semaphore, #tpu.memory_space<semaphore_mem>>) src(%dma_wait3A_1374 : memref<128x64xf32, #tpu.memory_space<vmem>>) dst(%dma_wait3A_1370 : memref<128x64xf32, #tpu.memory_space<hbm>>)
      tpu.yield
    }) : () -> ()
    %dma_start3A_1281 = arith.constant 48 : i32
    %dma_start3A_1282 = arith.constant 0 : i32
    %dma_start3A_1283 = arith.constant 0 : i32
    %dma_start3A_1284 = arith.constant 0 : i32
    %dma_start3A_1285 = tpu.memref_slice %arg6[%dma_start3A_1282, %dma_start3A_1283, %dma_start3A_1284] : memref<2x128x64xf32, #tpu.memory_space<vmem>> -> memref<1x128x64xf32, #tpu.memory_space<vmem>>
    %dma_start3A_1286 = tpu.memref_squeeze %dma_start3A_1285 : memref<1x128x64xf32, #tpu.memory_space<vmem>> -> memref<128x64xf32, #tpu.memory_space<vmem>>
    %dma_start3A_1287 = arith.constant 0 : i32
    %dma_start3A_1288 = tpu.memref_slice %arg5[%dma_start3A_1281, %dma_start3A_1287] : memref<50x128xi32, #tpu.memory_space<vmem>> -> memref<1x128xi32, #tpu.memory_space<vmem>>
    %dma_start3A_1289 = tpu.memref_squeeze %dma_start3A_1288 : memref<1x128xi32, #tpu.memory_space<vmem>> -> memref<128xi32, #tpu.memory_space<vmem>>
    %dma_start3A_1290 = arith.constant 0 : i32
    %dma_start3A_1291 = arith.constant 0 : i32
    %dma_start3A_1292 = tpu.memref_slice %arg3[%dma_start3A_1290, %dma_start3A_1291] : memref<1000000x64xf32, #tpu.memory_space<hbm>> -> memref<1000000x64xf32, #tpu.memory_space<hbm>>
    tpu.enqueue_indirect_dma source(%dma_start3A_1292 : memref<1000000x64xf32, #tpu.memory_space<hbm>>) target(%dma_start3A_1286 : memref<128x64xf32, #tpu.memory_space<vmem>>) offsets(%dma_start3A_1289 : memref<128xi32, #tpu.memory_space<vmem>>) semaphore(%arg7 : memref<!tpu.dma_semaphore, #tpu.memory_space<semaphore_mem>>)
    %dma_wait3A_1293 = arith.constant 47 : i32
    %dma_wait3A_1294 = arith.constant 1 : i32
    %dma_wait3A_1295 = arith.constant 0 : i32
    %dma_wait3A_1296 = arith.constant 0 : i32
    %dma_wait3A_1297 = tpu.memref_slice %arg6[%dma_wait3A_1294, %dma_wait3A_1295, %dma_wait3A_1296] : memref<2x128x64xf32, #tpu.memory_space<vmem>> -> memref<1x128x64xf32, #tpu.memory_space<vmem>>
    %dma_wait3A_1298 = tpu.memref_squeeze %dma_wait3A_1297 : memref<1x128x64xf32, #tpu.memory_space<vmem>> -> memref<128x64xf32, #tpu.memory_space<vmem>>
    %dma_wait3A_1299 = arith.constant 0 : i32
    %dma_wait3A_1300 = tpu.memref_slice %arg5[%dma_wait3A_1293, %dma_wait3A_1299] : memref<50x128xi32, #tpu.memory_space<vmem>> -> memref<1x128xi32, #tpu.memory_space<vmem>>
    %dma_wait3A_1301 = tpu.memref_squeeze %dma_wait3A_1300 : memref<1x128xi32, #tpu.memory_space<vmem>> -> memref<128xi32, #tpu.memory_space<vmem>>
    %dma_wait3A_1302 = arith.constant 0 : i32
    %dma_wait3A_1303 = arith.constant 0 : i32
    %dma_wait3A_1304 = tpu.memref_slice %arg3[%dma_wait3A_1302, %dma_wait3A_1303] : memref<1000000x64xf32, #tpu.memory_space<hbm>> -> memref<1000000x64xf32, #tpu.memory_space<hbm>>
    tpu.wait_indirect_dma semaphore(%arg8 : memref<!tpu.dma_semaphore, #tpu.memory_space<semaphore_mem>>) src(%dma_wait3A_1304 : memref<1000000x64xf32, #tpu.memory_space<hbm>>) dst(%dma_wait3A_1298 : memref<128x64xf32, #tpu.memory_space<vmem>>)
    %add3A_1305 = arith.constant 6016 : i32
    %add3A_1306 = arith.addi %mul3A_2, %add3A_1305 : i32
    %run_scoped3A_1307 = arith.constant 1 : i32
    "tpu.region"() ({
      %run_scoped3A_1350 = tpu.sem_alloc : memref<!tpu.dma_semaphore, #tpu.memory_space<semaphore_mem>>
      %dma_start3A_1351 = arith.constant 0 : i32
      %dma_start3A_1352 = arith.constant 0 : i32
      %dma_start3A_1353 = tpu.memref_slice %arg6[%run_scoped3A_1307, %dma_start3A_1351, %dma_start3A_1352] : memref<2x128x64xf32, #tpu.memory_space<vmem>> -> memref<1x128x64xf32, #tpu.memory_space<vmem>>
      %dma_start3A_1354 = tpu.memref_squeeze %dma_start3A_1353 : memref<1x128x64xf32, #tpu.memory_space<vmem>> -> memref<128x64xf32, #tpu.memory_space<vmem>>
      %dma_start3A_1355 = arith.constant 0 : i32
      %dma_start3A_1356 = tpu.memref_slice %arg4[%add3A_1306, %dma_start3A_1355] : memref<204800x64xf32, #tpu.memory_space<hbm>> -> memref<128x64xf32, #tpu.memory_space<hbm>>
      %dma_start3A_1357 = arith.constant 0 : i32
      %dma_start3A_1358 = tpu.memref_slice %arg4[%add3A_1306, %dma_start3A_1357] : memref<204800x64xf32, #tpu.memory_space<hbm>> -> memref<128x64xf32, #tpu.memory_space<hbm>>
      %dma_start3A_1359 = arith.constant 0 : i32
      %dma_start3A_1360 = arith.constant 0 : i32
      %dma_start3A_1361 = tpu.memref_slice %arg6[%run_scoped3A_1307, %dma_start3A_1359, %dma_start3A_1360] : memref<2x128x64xf32, #tpu.memory_space<vmem>> -> memref<1x128x64xf32, #tpu.memory_space<vmem>>
      %dma_start3A_1362 = tpu.memref_squeeze %dma_start3A_1361 : memref<1x128x64xf32, #tpu.memory_space<vmem>> -> memref<128x64xf32, #tpu.memory_space<vmem>>
      tpu.enqueue_dma source(%dma_start3A_1362 : memref<128x64xf32, #tpu.memory_space<vmem>>) target(%dma_start3A_1358 : memref<128x64xf32, #tpu.memory_space<hbm>>) target_semaphore(%run_scoped3A_1350 : memref<!tpu.dma_semaphore, #tpu.memory_space<semaphore_mem>>)
      %dma_wait3A_1363 = arith.constant 0 : i32
      %dma_wait3A_1364 = arith.constant 0 : i32
      %dma_wait3A_1365 = tpu.memref_slice %arg6[%run_scoped3A_1307, %dma_wait3A_1363, %dma_wait3A_1364] : memref<2x128x64xf32, #tpu.memory_space<vmem>> -> memref<1x128x64xf32, #tpu.memory_space<vmem>>
      %dma_wait3A_1366 = tpu.memref_squeeze %dma_wait3A_1365 : memref<1x128x64xf32, #tpu.memory_space<vmem>> -> memref<128x64xf32, #tpu.memory_space<vmem>>
      %dma_wait3A_1367 = arith.constant 0 : i32
      %dma_wait3A_1368 = tpu.memref_slice %arg4[%add3A_1306, %dma_wait3A_1367] : memref<204800x64xf32, #tpu.memory_space<hbm>> -> memref<128x64xf32, #tpu.memory_space<hbm>>
      %dma_wait3A_1369 = arith.constant 0 : i32
      %dma_wait3A_1370 = tpu.memref_slice %arg4[%add3A_1306, %dma_wait3A_1369] : memref<204800x64xf32, #tpu.memory_space<hbm>> -> memref<128x64xf32, #tpu.memory_space<hbm>>
      %dma_wait3A_1371 = arith.constant 0 : i32
      %dma_wait3A_1372 = arith.constant 0 : i32
      %dma_wait3A_1373 = tpu.memref_slice %arg6[%run_scoped3A_1307, %dma_wait3A_1371, %dma_wait3A_1372] : memref<2x128x64xf32, #tpu.memory_space<vmem>> -> memref<1x128x64xf32, #tpu.memory_space<vmem>>
      %dma_wait3A_1374 = tpu.memref_squeeze %dma_wait3A_1373 : memref<1x128x64xf32, #tpu.memory_space<vmem>> -> memref<128x64xf32, #tpu.memory_space<vmem>>
      tpu.wait_dma2 semaphore(%run_scoped3A_1350 : memref<!tpu.dma_semaphore, #tpu.memory_space<semaphore_mem>>) src(%dma_wait3A_1374 : memref<128x64xf32, #tpu.memory_space<vmem>>) dst(%dma_wait3A_1370 : memref<128x64xf32, #tpu.memory_space<hbm>>)
      tpu.yield
    }) : () -> ()
    %dma_start3A_1308 = arith.constant 49 : i32
    %dma_start3A_1309 = arith.constant 1 : i32
    %dma_start3A_1310 = arith.constant 0 : i32
    %dma_start3A_1311 = arith.constant 0 : i32
    %dma_start3A_1312 = tpu.memref_slice %arg6[%dma_start3A_1309, %dma_start3A_1310, %dma_start3A_1311] : memref<2x128x64xf32, #tpu.memory_space<vmem>> -> memref<1x128x64xf32, #tpu.memory_space<vmem>>
    %dma_start3A_1313 = tpu.memref_squeeze %dma_start3A_1312 : memref<1x128x64xf32, #tpu.memory_space<vmem>> -> memref<128x64xf32, #tpu.memory_space<vmem>>
    %dma_start3A_1314 = arith.constant 0 : i32
    %dma_start3A_1315 = tpu.memref_slice %arg5[%dma_start3A_1308, %dma_start3A_1314] : memref<50x128xi32, #tpu.memory_space<vmem>> -> memref<1x128xi32, #tpu.memory_space<vmem>>
    %dma_start3A_1316 = tpu.memref_squeeze %dma_start3A_1315 : memref<1x128xi32, #tpu.memory_space<vmem>> -> memref<128xi32, #tpu.memory_space<vmem>>
    %dma_start3A_1317 = arith.constant 0 : i32
    %dma_start3A_1318 = arith.constant 0 : i32
    %dma_start3A_1319 = tpu.memref_slice %arg3[%dma_start3A_1317, %dma_start3A_1318] : memref<1000000x64xf32, #tpu.memory_space<hbm>> -> memref<1000000x64xf32, #tpu.memory_space<hbm>>
    tpu.enqueue_indirect_dma source(%dma_start3A_1319 : memref<1000000x64xf32, #tpu.memory_space<hbm>>) target(%dma_start3A_1313 : memref<128x64xf32, #tpu.memory_space<vmem>>) offsets(%dma_start3A_1316 : memref<128xi32, #tpu.memory_space<vmem>>) semaphore(%arg8 : memref<!tpu.dma_semaphore, #tpu.memory_space<semaphore_mem>>)
    %dma_wait3A_1320 = arith.constant 48 : i32
    %dma_wait3A_1321 = arith.constant 0 : i32
    %dma_wait3A_1322 = arith.constant 0 : i32
    %dma_wait3A_1323 = arith.constant 0 : i32
    %dma_wait3A_1324 = tpu.memref_slice %arg6[%dma_wait3A_1321, %dma_wait3A_1322, %dma_wait3A_1323] : memref<2x128x64xf32, #tpu.memory_space<vmem>> -> memref<1x128x64xf32, #tpu.memory_space<vmem>>
    %dma_wait3A_1325 = tpu.memref_squeeze %dma_wait3A_1324 : memref<1x128x64xf32, #tpu.memory_space<vmem>> -> memref<128x64xf32, #tpu.memory_space<vmem>>
    %dma_wait3A_1326 = arith.constant 0 : i32
    %dma_wait3A_1327 = tpu.memref_slice %arg5[%dma_wait3A_1320, %dma_wait3A_1326] : memref<50x128xi32, #tpu.memory_space<vmem>> -> memref<1x128xi32, #tpu.memory_space<vmem>>
    %dma_wait3A_1328 = tpu.memref_squeeze %dma_wait3A_1327 : memref<1x128xi32, #tpu.memory_space<vmem>> -> memref<128xi32, #tpu.memory_space<vmem>>
    %dma_wait3A_1329 = arith.constant 0 : i32
    %dma_wait3A_1330 = arith.constant 0 : i32
    %dma_wait3A_1331 = tpu.memref_slice %arg3[%dma_wait3A_1329, %dma_wait3A_1330] : memref<1000000x64xf32, #tpu.memory_space<hbm>> -> memref<1000000x64xf32, #tpu.memory_space<hbm>>
    tpu.wait_indirect_dma semaphore(%arg7 : memref<!tpu.dma_semaphore, #tpu.memory_space<semaphore_mem>>) src(%dma_wait3A_1331 : memref<1000000x64xf32, #tpu.memory_space<hbm>>) dst(%dma_wait3A_1325 : memref<128x64xf32, #tpu.memory_space<vmem>>)
    %add3A_1332 = arith.constant 6144 : i32
    %add3A_1333 = arith.addi %mul3A_2, %add3A_1332 : i32
    %run_scoped3A_1334 = arith.constant 0 : i32
    "tpu.region"() ({
      %run_scoped3A_1350 = tpu.sem_alloc : memref<!tpu.dma_semaphore, #tpu.memory_space<semaphore_mem>>
      %dma_start3A_1351 = arith.constant 0 : i32
      %dma_start3A_1352 = arith.constant 0 : i32
      %dma_start3A_1353 = tpu.memref_slice %arg6[%run_scoped3A_1334, %dma_start3A_1351, %dma_start3A_1352] : memref<2x128x64xf32, #tpu.memory_space<vmem>> -> memref<1x128x64xf32, #tpu.memory_space<vmem>>
      %dma_start3A_1354 = tpu.memref_squeeze %dma_start3A_1353 : memref<1x128x64xf32, #tpu.memory_space<vmem>> -> memref<128x64xf32, #tpu.memory_space<vmem>>
      %dma_start3A_1355 = arith.constant 0 : i32
      %dma_start3A_1356 = tpu.memref_slice %arg4[%add3A_1333, %dma_start3A_1355] : memref<204800x64xf32, #tpu.memory_space<hbm>> -> memref<128x64xf32, #tpu.memory_space<hbm>>
      %dma_start3A_1357 = arith.constant 0 : i32
      %dma_start3A_1358 = tpu.memref_slice %arg4[%add3A_1333, %dma_start3A_1357] : memref<204800x64xf32, #tpu.memory_space<hbm>> -> memref<128x64xf32, #tpu.memory_space<hbm>>
      %dma_start3A_1359 = arith.constant 0 : i32
      %dma_start3A_1360 = arith.constant 0 : i32
      %dma_start3A_1361 = tpu.memref_slice %arg6[%run_scoped3A_1334, %dma_start3A_1359, %dma_start3A_1360] : memref<2x128x64xf32, #tpu.memory_space<vmem>> -> memref<1x128x64xf32, #tpu.memory_space<vmem>>
      %dma_start3A_1362 = tpu.memref_squeeze %dma_start3A_1361 : memref<1x128x64xf32, #tpu.memory_space<vmem>> -> memref<128x64xf32, #tpu.memory_space<vmem>>
      tpu.enqueue_dma source(%dma_start3A_1362 : memref<128x64xf32, #tpu.memory_space<vmem>>) target(%dma_start3A_1358 : memref<128x64xf32, #tpu.memory_space<hbm>>) target_semaphore(%run_scoped3A_1350 : memref<!tpu.dma_semaphore, #tpu.memory_space<semaphore_mem>>)
      %dma_wait3A_1363 = arith.constant 0 : i32
      %dma_wait3A_1364 = arith.constant 0 : i32
      %dma_wait3A_1365 = tpu.memref_slice %arg6[%run_scoped3A_1334, %dma_wait3A_1363, %dma_wait3A_1364] : memref<2x128x64xf32, #tpu.memory_space<vmem>> -> memref<1x128x64xf32, #tpu.memory_space<vmem>>
      %dma_wait3A_1366 = tpu.memref_squeeze %dma_wait3A_1365 : memref<1x128x64xf32, #tpu.memory_space<vmem>> -> memref<128x64xf32, #tpu.memory_space<vmem>>
      %dma_wait3A_1367 = arith.constant 0 : i32
      %dma_wait3A_1368 = tpu.memref_slice %arg4[%add3A_1333, %dma_wait3A_1367] : memref<204800x64xf32, #tpu.memory_space<hbm>> -> memref<128x64xf32, #tpu.memory_space<hbm>>
      %dma_wait3A_1369 = arith.constant 0 : i32
      %dma_wait3A_1370 = tpu.memref_slice %arg4[%add3A_1333, %dma_wait3A_1369] : memref<204800x64xf32, #tpu.memory_space<hbm>> -> memref<128x64xf32, #tpu.memory_space<hbm>>
      %dma_wait3A_1371 = arith.constant 0 : i32
      %dma_wait3A_1372 = arith.constant 0 : i32
      %dma_wait3A_1373 = tpu.memref_slice %arg6[%run_scoped3A_1334, %dma_wait3A_1371, %dma_wait3A_1372] : memref<2x128x64xf32, #tpu.memory_space<vmem>> -> memref<1x128x64xf32, #tpu.memory_space<vmem>>
      %dma_wait3A_1374 = tpu.memref_squeeze %dma_wait3A_1373 : memref<1x128x64xf32, #tpu.memory_space<vmem>> -> memref<128x64xf32, #tpu.memory_space<vmem>>
      tpu.wait_dma2 semaphore(%run_scoped3A_1350 : memref<!tpu.dma_semaphore, #tpu.memory_space<semaphore_mem>>) src(%dma_wait3A_1374 : memref<128x64xf32, #tpu.memory_space<vmem>>) dst(%dma_wait3A_1370 : memref<128x64xf32, #tpu.memory_space<hbm>>)
      tpu.yield
    }) : () -> ()
    %dma_wait3A_1335 = arith.constant 49 : i32
    %dma_wait3A_1336 = arith.constant 1 : i32
    %dma_wait3A_1337 = arith.constant 0 : i32
    %dma_wait3A_1338 = arith.constant 0 : i32
    %dma_wait3A_1339 = tpu.memref_slice %arg6[%dma_wait3A_1336, %dma_wait3A_1337, %dma_wait3A_1338] : memref<2x128x64xf32, #tpu.memory_space<vmem>> -> memref<1x128x64xf32, #tpu.memory_space<vmem>>
    %dma_wait3A_1340 = tpu.memref_squeeze %dma_wait3A_1339 : memref<1x128x64xf32, #tpu.memory_space<vmem>> -> memref<128x64xf32, #tpu.memory_space<vmem>>
    %dma_wait3A_1341 = arith.constant 0 : i32
    %dma_wait3A_1342 = tpu.memref_slice %arg5[%dma_wait3A_1335, %dma_wait3A_1341] : memref<50x128xi32, #tpu.memory_space<vmem>> -> memref<1x128xi32, #tpu.memory_space<vmem>>
    %dma_wait3A_1343 = tpu.memref_squeeze %dma_wait3A_1342 : memref<1x128xi32, #tpu.memory_space<vmem>> -> memref<128xi32, #tpu.memory_space<vmem>>
    %dma_wait3A_1344 = arith.constant 0 : i32
    %dma_wait3A_1345 = arith.constant 0 : i32
    %dma_wait3A_1346 = tpu.memref_slice %arg3[%dma_wait3A_1344, %dma_wait3A_1345] : memref<1000000x64xf32, #tpu.memory_space<hbm>> -> memref<1000000x64xf32, #tpu.memory_space<hbm>>
    tpu.wait_indirect_dma semaphore(%arg8 : memref<!tpu.dma_semaphore, #tpu.memory_space<semaphore_mem>>) src(%dma_wait3A_1346 : memref<1000000x64xf32, #tpu.memory_space<hbm>>) dst(%dma_wait3A_1340 : memref<128x64xf32, #tpu.memory_space<vmem>>)
    %add3A_1347 = arith.constant 6272 : i32
    %add3A_1348 = arith.addi %mul3A_2, %add3A_1347 : i32
    %run_scoped3A_1349 = arith.constant 1 : i32
    "tpu.region"() ({
      %run_scoped3A_1350 = tpu.sem_alloc : memref<!tpu.dma_semaphore, #tpu.memory_space<semaphore_mem>>
      %dma_start3A_1351 = arith.constant 0 : i32
      %dma_start3A_1352 = arith.constant 0 : i32
      %dma_start3A_1353 = tpu.memref_slice %arg6[%run_scoped3A_1349, %dma_start3A_1351, %dma_start3A_1352] : memref<2x128x64xf32, #tpu.memory_space<vmem>> -> memref<1x128x64xf32, #tpu.memory_space<vmem>>
      %dma_start3A_1354 = tpu.memref_squeeze %dma_start3A_1353 : memref<1x128x64xf32, #tpu.memory_space<vmem>> -> memref<128x64xf32, #tpu.memory_space<vmem>>
      %dma_start3A_1355 = arith.constant 0 : i32
      %dma_start3A_1356 = tpu.memref_slice %arg4[%add3A_1348, %dma_start3A_1355] : memref<204800x64xf32, #tpu.memory_space<hbm>> -> memref<128x64xf32, #tpu.memory_space<hbm>>
      %dma_start3A_1357 = arith.constant 0 : i32
      %dma_start3A_1358 = tpu.memref_slice %arg4[%add3A_1348, %dma_start3A_1357] : memref<204800x64xf32, #tpu.memory_space<hbm>> -> memref<128x64xf32, #tpu.memory_space<hbm>>
      %dma_start3A_1359 = arith.constant 0 : i32
      %dma_start3A_1360 = arith.constant 0 : i32
      %dma_start3A_1361 = tpu.memref_slice %arg6[%run_scoped3A_1349, %dma_start3A_1359, %dma_start3A_1360] : memref<2x128x64xf32, #tpu.memory_space<vmem>> -> memref<1x128x64xf32, #tpu.memory_space<vmem>>
      %dma_start3A_1362 = tpu.memref_squeeze %dma_start3A_1361 : memref<1x128x64xf32, #tpu.memory_space<vmem>> -> memref<128x64xf32, #tpu.memory_space<vmem>>
      tpu.enqueue_dma source(%dma_start3A_1362 : memref<128x64xf32, #tpu.memory_space<vmem>>) target(%dma_start3A_1358 : memref<128x64xf32, #tpu.memory_space<hbm>>) target_semaphore(%run_scoped3A_1350 : memref<!tpu.dma_semaphore, #tpu.memory_space<semaphore_mem>>)
      %dma_wait3A_1363 = arith.constant 0 : i32
      %dma_wait3A_1364 = arith.constant 0 : i32
      %dma_wait3A_1365 = tpu.memref_slice %arg6[%run_scoped3A_1349, %dma_wait3A_1363, %dma_wait3A_1364] : memref<2x128x64xf32, #tpu.memory_space<vmem>> -> memref<1x128x64xf32, #tpu.memory_space<vmem>>
      %dma_wait3A_1366 = tpu.memref_squeeze %dma_wait3A_1365 : memref<1x128x64xf32, #tpu.memory_space<vmem>> -> memref<128x64xf32, #tpu.memory_space<vmem>>
      %dma_wait3A_1367 = arith.constant 0 : i32
      %dma_wait3A_1368 = tpu.memref_slice %arg4[%add3A_1348, %dma_wait3A_1367] : memref<204800x64xf32, #tpu.memory_space<hbm>> -> memref<128x64xf32, #tpu.memory_space<hbm>>
      %dma_wait3A_1369 = arith.constant 0 : i32
      %dma_wait3A_1370 = tpu.memref_slice %arg4[%add3A_1348, %dma_wait3A_1369] : memref<204800x64xf32, #tpu.memory_space<hbm>> -> memref<128x64xf32, #tpu.memory_space<hbm>>
      %dma_wait3A_1371 = arith.constant 0 : i32
      %dma_wait3A_1372 = arith.constant 0 : i32
      %dma_wait3A_1373 = tpu.memref_slice %arg6[%run_scoped3A_1349, %dma_wait3A_1371, %dma_wait3A_1372] : memref<2x128x64xf32, #tpu.memory_space<vmem>> -> memref<1x128x64xf32, #tpu.memory_space<vmem>>
      %dma_wait3A_1374 = tpu.memref_squeeze %dma_wait3A_1373 : memref<1x128x64xf32, #tpu.memory_space<vmem>> -> memref<128x64xf32, #tpu.memory_space<vmem>>
      tpu.wait_dma2 semaphore(%run_scoped3A_1350 : memref<!tpu.dma_semaphore, #tpu.memory_space<semaphore_mem>>) src(%dma_wait3A_1374 : memref<128x64xf32, #tpu.memory_space<vmem>>) dst(%dma_wait3A_1370 : memref<128x64xf32, #tpu.memory_space<hbm>>)
      tpu.yield
    }) : () -> ()
    return
  }
}

</mosaic_0001>

<sc_bundles>
// kernel: _embed.3.cloned.1.call-start
scs
__scs_entry_jumppad:
0x0: {  	(pc) =	sbr.rel $0x88, $3  }
0x1: {  	(tag) =	ssettag $0x0;
	lr =	simm.s32 $0x1  }
0x2: {  	[smem:$0x3F9F] =	sst lr;
	_ =	strace $0xD0000000  }
0x3: {  	_ = 	snop  }
0x4: {  	_ = 	snop  }
0x5: {  	_ = 	snop  }
0x6: {  	_ = 	snop  }
0x7: {  	_ = 	snop  }
__scs_overlays_trampoline_lowered:
0x8: {  	[smem:$0x3FAE] =	sst s0  }
0x9: {  	[smem:$0x3FAF] =	sst s1  }
0xa: {  	[smem:$0x3FB0] =	sst s2  }
0xb: {  	[smem:$0x3FB1] =	sst s3  }
0xc: {  	[smem:$0x3FB2] =	sst s4  }
0xd: {  	[smem:$0x3FB3] =	sst s5  }
0xe: {  	[smem:$0x3FB4] =	sst s6  }
0xf: {  	[smem:$0x3FB5] =	sst s7  }
0x10: {  	[smem:$0x3FB6] =	sst s8  }
0x11: {  	[smem:$0x3FB7] =	sst s9;
	s0 =	simm.s32 @!p0 $0x0  }
0x12: {  	s1 =	sld [smem:$0x3F9D];
	s0 =	simm.s32 @p0 $0x1  }
0x13: {  	[smem:$0x3FB8] =	sst s0;
	s0 =	simm.s32 @!p1 $0x0  }
0x14: {  	s2 =	sld [smem:$0x3F9C];
	s0 =	simm.s32 @p1 $0x1  }
0x15: {  	[smem:$0x3FB9] =	sst s0;
	s0 =	simm.s32 @!p2 $0x0  }
0x16: {  	s3 =	sld [smem:$0x3FDB];
	s0 =	simm.s32 @p2 $0x1  }
0x17: {  	s4 =	simm.s32 $0x1BF5;
	[smem:$0x3FBB] =	sst s0  }
0x18: {  	s0 =	sld [smem:$0x3F9E];
	_ =	swait.ge [sflag:s4], $0x0  }
0x19: {  	s7 =	sld [smem:$0x3F9F]  }
0x1a: {  	s8 =	sadd.s32 $0xFFFFE003, lr  }
0x1b: {  	s9 =	sadd.s32 $0xFFFFFEF7, lr;
	s5 =	simm.s32 $0xFFFFFFFF;
	p2 =	slt.u32 s8, $0xFFFFF086  }
0x1c: {  	p1 =	slt.u32 s9, $0xF7A;
	s5 =	simm.s32 @!p2 $0x0  }
0x1d: {  	s5 =	simm.s32 @p1 $0x1;
	p0 =	seq.s32 s7, s2  }
0x1e: {  	s7 =	smul.u32 @!p0 $0xF7A, s2;
	p2 =	seq.s32 @!p0 s5, $0x0  }
0x1f: {  	s9 =	smul.u32 $0xF7A, s1;
	s8 =	simm.s32 @!p0 $0x1BF5;
	p2 =	por !p2, p0  }
0x20: {  	[sflag:s8] =	ssyncset.s32 @!p0 $0xFFFFF086;
	s6 =	sadd.s32 @!p0 s3, s7;
	s7 =	simm.s32 @!p0 $0x108  }
0x21: {  	s3 =	sadd.s32 s3, s9;
	s6 =	sadd.s32 @!p0 $0x88, s6;
	s7 =	simm.s32 @p2 $0x1082  }
0x22: {  	[simem:s7], [sflag:s8] =	dma.local @!p0 [hbm:s6], $0xF7A  }
0x23: {  	s9 =	sor.u32 $0xD0000000, s2;
	s6 =	simm.s32 $0x108;
	_ =	swait.ge @!p0 [sflag:s8], $0x0  }
0x24: {  	s3 =	sadd.s32 $0x88, s3;
	s6 =	simm.s32 @!p1 $0x1082;
	[sflag:s4] =	ssyncset.s32 $0xFFFFF086  }
0x25: {  	[simem:s6], [sflag:s4] =	dma.local [hbm:s3], $0xF7A  }
0x26: {  	[smem:$0x3F9F] =	sst s1;
	(tag) =	ssettag s2;
	_ =	strace s9  }
0x27: {  	s1 =	sld [smem:$0x3FAF]  }
0x28: {  	s2 =	sld [smem:$0x3FB0]  }
0x29: {  	s4 =	sld [smem:$0x3FB2]  }
0x2a: {  	p0 =	seq.s32 s5, $0x0;
	s5 =	sld [smem:$0x3FB3]  }
0x2b: {  	s6 =	sld [smem:$0x3FB4]  }
0x2c: {  	s7 =	sld [smem:$0x3FB5]  }
0x2d: {  	s3 =	simm.s32 $0x108;
	s8 =	sld [smem:$0x3FB6]  }
0x2e: {  	s3 =	simm.s32 @!p0 $0x1082;
	s9 =	sld [smem:$0x3FB7]  }
0x2f: {  	lr =	sadd.s32 s0, s3;
	s0 =	sld [smem:$0x3FAE]  }
0x30: {  	s3 =	sld [smem:$0x3FB1]  }
0x31: {  	[smem:$0x3FBA] =	sst s10  }
0x32: {  	s10 =	sld [smem:$0x3FB8];
	_ =	sdelay $0x3  }
0x33: {  	p0 =	seq.s32 s10, $0x1;
	s10 =	sld [smem:$0x3FBA];
	_ =	sdelay $0x3  }
0x34: {  	[smem:$0x3FBA] =	sst s10  }
0x35: {  	s10 =	sld [smem:$0x3FB9];
	_ =	sdelay $0x3  }
0x36: {  	p1 =	seq.s32 s10, $0x1;
	s10 =	sld [smem:$0x3FBA];
	_ =	sdelay $0x3  }
0x37: {  	[smem:$0x3FBA] =	sst s10  }
0x38: {  	s10 =	sld [smem:$0x3FBB]  }
0x39: {  	_ = 	snop;
	(pc) =	sbr.ind lr, $3  }
0x3a: {  	_ = 	snop  }
0x3b: {  	_ = 	snop  }
0x3c: {  	p2 =	seq.s32 s10, $0x1;
	s10 =	sld [smem:$0x3FBA]  }
0x3d: {  	_ =	shalt  }
0x3e: {  	_ =	shalt  }
0x3f: {  	_ =	shalt  }
0x40: {  	_ =	shalt  }
0x41: {  	_ =	shalt  }
0x42: {  	_ =	shalt  }
0x43: {  	_ =	shalt  }
0x44: {  	_ =	shalt  }
0x45: {  	_ =	shalt  }
0x46: {  	_ =	shalt  }
0x47: {  	_ =	shalt  }
0x48: {  	_ =	shalt  }
0x49: {  	_ =	shalt  }
0x4a: {  	_ =	shalt  }
0x4b: {  	_ =	shalt  }
0x4c: {  	_ =	shalt  }
0x4d: {  	_ =	shalt  }
0x4e: {  	_ =	shalt  }
0x4f: {  	_ =	shalt  }
0x50: {  	_ =	shalt  }
0x51: {  	_ =	shalt  }
0x52: {  	_ =	shalt  }
0x53: {  	_ =	shalt  }
0x54: {  	_ =	shalt  }
0x55: {  	_ =	shalt  }
0x56: {  	_ =	shalt  }
0x57: {  	_ =	shalt  }
0x58: {  	_ =	shalt  }
0x59: {  	_ =	shalt  }
0x5a: {  	_ =	shalt  }
0x5b: {  	_ =	shalt  }
0x5c: {  	_ =	shalt  }
0x5d: {  	_ =	shalt  }
0x5e: {  	_ =	shalt  }
0x5f: {  	_ =	shalt  }
0x60: {  	_ =	shalt  }
0x61: {  	_ =	shalt  }
0x62: {  	_ =	shalt  }
0x63: {  	_ =	shalt  }
0x64: {  	_ =	shalt  }
0x65: {  	_ =	shalt  }
0x66: {  	_ =	shalt  }
0x67: {  	_ =	shalt  }
0x68: {  	_ =	shalt  }
0x69: {  	_ =	shalt  }
0x6a: {  	_ =	shalt  }
0x6b: {  	_ =	shalt  }
0x6c: {  	_ =	shalt  }
0x6d: {  	_ =	shalt  }
0x6e: {  	_ =	shalt  }
0x6f: {  	_ =	shalt  }
0x70: {  	_ =	shalt  }
0x71: {  	_ =	shalt  }
0x72: {  	_ =	shalt  }
0x73: {  	_ =	shalt  }
0x74: {  	_ =	shalt  }
0x75: {  	_ =	shalt  }
0x76: {  	_ =	shalt  }
0x77: {  	_ =	shalt  }
0x78: {  	_ =	shalt  }
0x79: {  	_ =	shalt  }
0x7a: {  	_ =	shalt  }
0x7b: {  	_ =	shalt  }
0x7c: {  	_ =	shalt  }
0x7d: {  	_ =	shalt  }
0x7e: {  	_ =	shalt  }
0x7f: {  	_ =	shalt  }
0x80: {  	_ =	shalt  }
0x81: {  	_ =	shalt  }
0x82: {  	_ =	shalt  }
0x83: {  	_ =	shalt  }
0x84: {  	_ =	shalt  }
0x85: {  	_ =	shalt  }
0x86: {  	_ =	shalt  }
0x87: {  	_ =	shalt  }
.Lfunc_end0:
.L_simem_size_0:
called_computation.1_lowered:
.L_overlay_start_0:
0x88: {  	s2 =	sld [smem:$0x3FD9]  }
0x89: {  	s3 =	sld [smem:$0x3FFE];
	_ =	sdelay $0x1  }
0x8a: {  	s1 =	srdreg.scid  }
0x8b: {  	s0 =	sand.u32 $0x1, s1  }
0x8c: {  	s17 =	sshll.u32 s0, $0xA;
	s2 =	sadd.s32 s3, s2  }
0x8d: {  	s2 =	sadd.s32 s2, s17  }
0x8e: {  	[smem:$0x3FC6] =	sst s2  }
0x8f: {  	_ = 	snop  }
0x90: {  	s2 =	sld [smem:$0x3FD0];
	(tm) =	ssettm $0x1  }
0x91: {  	s18 =	sld [smem:$0x3FFB];
	_ =	sdelay $0x3  }
0x92: {  	_ =	strace s18  }
0x93: {  	s3 =	sld [smem:$0x3FFC];
	_ =	sdelay $0x3  }
0x94: {  	_ =	strace s3  }
0x95: {  	s3 =	sld [smem:$0x3FFD];
	_ =	sdelay $0x3  }
0x96: {  	_ =	strace s3  }
0x97: {  	_ =	strace $0x8FFFFFFF  }
0x98: {  	s19 =	sld [smem:$0x3FDB];
	_ =	sdelay $0x1  }
0x99: {  	s4 =	simm.s32 $_scs_section_size  }
0x9a: {  	s5 =	simm.s32 $_size__tile_overlayer_lowered;
	s6 =	simm.s32 $_tile_overlayer_lowered  }
0x9b: {  	s22 =	simm.s32 $0x1BFF;
	s21 =	sshll.u32 s6, $0x1;
	s3 =	sadd.s32 s4, s19  }
0x9c: {  	s7 =	simm.s32 $0x0;
	s20 =	sshll.u32 s5, $0x1;
	s5 =	sadd.s32 s21, s3  }
0x9d: {  	[timem:s7], [sflag:s22] =	dma.local [hbm:s5], s20  }
0x9e: {  	_ =	swait.ge [sflag:s22], s20  }
0x9f: {  	s4 =	ssub.s32 $0x0, s20;
	[sflag:s22] =	ssyncset.done $0x0  }
0xa0: {  	[sflag:s22] =	ssyncadd.s32 s4;
	_ =	sdelay $0x1  }
0xa1: {  	s23 =	simm.s32 $0x1B8B  }
0xa2: {  	_ =	swait.ge [sflag:s23], $0x1  }
0xa3: {  	[sflag:s23] =	ssyncset.done $0x0  }
0xa4: {  	s25 =	simm.s32 $0x1B8E;
	s24 =	sld [smem:$0x3FFE];
	[sflag:s23] =	ssyncadd.s32 $0xFFFFFFFF  }
0xa5: {  	s26 =	simm.s32 $execute0_lowered;
	[smem:$0x3FD2] =	sst s25  }
0xa6: {  	s5 =	sshll.u32 s26, $0x1;
	_ =	strace $0x80000046;
	[dreg:$0x1] =	wrdreg $0xFFFFFFFF  }
0xa7: {  	s28 =	simm.s32 $_size_execute0_lowered;
	s3 =	sadd.s32 s3, s5;
	[dreg:$0x0] =	wrdreg $0x0  }
0xa8: {  	s5 =	sshll.u32 s28, $0x1;
	[dreg:$0x2] =	wrdreg s3  }
0xa9: {  	[dreg:$0x3] =	wrdreg s5  }
0xaa: {  	[dreg:$0x4] =	wrdreg $0xC0  }
0xab: {  	_ =	task [dreg:s7], $0x5FFFF  }
0xac: {  	[dreg:$0x1] =	wrdreg $0xFFFFFFFF  }
0xad: {  	[dreg:$0x0] =	wrdreg $0x60  }
0xae: {  	[dreg:$0x2] =	wrdreg s24  }
0xaf: {  	[dreg:$0x3] =	wrdreg s2  }
0xb0: {  	[dreg:$0x4] =	wrdreg $0x9  }
0xb1: {  	_ =	task.clear_ibuf [dreg:s7], $0x5FFFF;
	_ =	strace $0x90000046  }
0xb2: {  	s29 =	simm.s32 $0x9;
	_ =	strace $0x80000048  }
0xb3: {  	_ =	swait.ge [sflag:s29], $0x1  }
0xb4: {  	[sflag:s29] =	ssyncadd.s32 $0xFFFFFFFF  }
0xb5: {  	_ =	strace $0x90000048  }
0xb6: {  	_ =	sfence  }
0xb7: {  	s30 =	sld [smem:$0x0];
	_ =	sdelay $0x2  }
0xb8: {  	s31 =	sshll.u32 s1, $0xD;
	s1 =	sshrl.u32 s1, $0x2  }
0xb9: {  	s3 =	sand.u32 $0x4000, s31;
	s1 =	sadd.s32 s1, s30  }
0xba: {  	s0 =	sor.u32 s3, s0;
	s1 =	sshll.u32 s1, $0x11  }
0xbb: {  	s0 =	sor.u32 s1, s0  }
0xbc: {  	s0 =	sadd.s32 $0x8F2B, s0  }
0xbd: {  	[sflag:s0] =	ssyncadd.remote.s32 $0x1  }
0xbe: {  	_ =	sfence.sel $0xFFFF  }
0xbf: {  	[dreg:$0x0] =	wrdreg $0xFFFFFFFF;
	(pc) =	sbr.abs _section_cstart, $3  }
0xc0: {  	[dreg:$0x1] =	wrdreg $0xFFFFFFFF  }
0xc1: {  	_ =	task.clear_ibuf [dreg:s7], $0x2FFFF;
	_ =	strace $0x9FFFFFFF  }
0xc2: {  	(tm) =	ssettm $0x7FFFFFFF  }
0xc3: {  	_ =	shalt  }
tec
execute0_lowered:
.L_overlay_start_1:
0x0: {  	(tag) =	ssettag $0x1  }
0x1: {  	s0 =	srdreg.scid  }
0x2: {  	s1 =	sand.u32 $0x1, s0  }
0x3: {  	s2 =	stileid.u32;
	s0 =	sshll.u32 s1, $0x4  }
0x4: {  	s0 =	sor.u32 s2, s0  }
0x5: {  	s5 =	smul.u32 $0x320, s0  }
0x6: {  	s3 =	rddreg [dreg:$0x0];
	s2 =	simm.s32 $0x0;
	s6 =	smul.u32 $0xC800, s0  }
0x7: {  	[smem:$0x7FF] =	sst s2;
	s0 =	smul.u32 $0x64000, s0  }
0x8: {  	s4 =	rddreg [dreg:$0x1];
	_ =	strace $0x80000047;
	s5 =	sadd.s32 s5, s3  }
0x9: {  	s31 =	sadd.s32 s4, s6;
	s0 =	sshrl.u32 s0, $0x3;
	s5 =	sadd.s32 $0xA00, s5  }
0xa: {  	s17 =	sadd.s32 $0x400, s31;
	s4 =	sadd.s32 s4, s0;
	[dreg:$0x3] =	wrdreg s5  }
0xb: {  	[dreg:$0x4] =	wrdreg s17;
	s0 =	sadd.s32 $0x800, s4  }
0xc: {  	s18 =	sadd.s32 $0xC00, s4;
	[dreg:$0x5] =	wrdreg s0  }
0xd: {  	s19 =	sadd.s32 $0x1000, s4;
	[dreg:$0x6] =	wrdreg s18  }
0xe: {  	s20 =	sadd.s32 $0x1400, s4;
	[dreg:$0x7] =	wrdreg s19  }
0xf: {  	s21 =	sadd.s32 $0x1800, s4;
	[dreg:$0x8] =	wrdreg s20  }
0x10: {  	s22 =	sadd.s32 $0x1C00, s4;
	[dreg:$0x9] =	wrdreg s21  }
0x11: {  	s23 =	sadd.s32 $0x2000, s4;
	[dreg:$0xa] =	wrdreg s22  }
0x12: {  	s24 =	sadd.s32 $0x2400, s4;
	[dreg:$0xb] =	wrdreg s23  }
0x13: {  	s25 =	sadd.s32 $0x2800, s4;
	[dreg:$0xc] =	wrdreg s24  }
0x14: {  	s26 =	sadd.s32 $0x2C00, s4;
	[dreg:$0xd] =	wrdreg s25  }
0x15: {  	s5 =	sadd.s32 $0x3000, s4;
	[dreg:$0xe] =	wrdreg s26  }
0x16: {  	s6 =	sadd.s32 $0x3400, s4;
	[dreg:$0xf] =	wrdreg s5  }
0x17: {  	s7 =	sadd.s32 $0x3800, s4;
	[dreg:$0x10] =	wrdreg s6  }
0x18: {  	s8 =	sadd.s32 $0x3C00, s4;
	[dreg:$0x11] =	wrdreg s7  }
0x19: {  	s9 =	sadd.s32 $0x4000, s4;
	[dreg:$0x12] =	wrdreg s8  }
0x1a: {  	s10 =	sadd.s32 $0x4400, s4;
	[dreg:$0x13] =	wrdreg s9  }
0x1b: {  	s11 =	sadd.s32 $0x4800, s4;
	[dreg:$0x14] =	wrdreg s10  }
0x1c: {  	s12 =	sadd.s32 $0x4C00, s4;
	[dreg:$0x15] =	wrdreg s11  }
0x1d: {  	s13 =	sadd.s32 $0x5000, s4;
	[dreg:$0x16] =	wrdreg s12  }
0x1e: {  	s14 =	sadd.s32 $0x5400, s4;
	[dreg:$0x17] =	wrdreg s13  }
0x1f: {  	s15 =	sadd.s32 $0x5800, s4;
	[dreg:$0x18] =	wrdreg s14  }
0x20: {  	s16 =	sadd.s32 $0x5C00, s4;
	[dreg:$0x19] =	wrdreg s15  }
0x21: {  	s17 =	sadd.s32 $0x6000, s4;
	[dreg:$0x1a] =	wrdreg s16  }
0x22: {  	[dreg:$0x1b] =	wrdreg s17  }
0x23: {  	s18 =	sadd.s32 $0x6400, s4;
	s0 =	rddreg [dreg:$0x3]  }
0x24: {  	s19 =	sadd.s32 $0x6800, s4;
	[dreg:$0x1c] =	wrdreg s18  }
0x25: {  	s20 =	sadd.s32 $0x6C00, s4;
	[dreg:$0x1d] =	wrdreg s19  }
0x26: {  	s21 =	sadd.s32 $0x7000, s4;
	[dreg:$0x1e] =	wrdreg s20  }
0x27: {  	s22 =	sadd.s32 $0x7400, s4;
	[dreg:$0x1f] =	wrdreg s21  }
0x28: {  	s23 =	sadd.s32 $0x7800, s4;
	[smem:$0x7CD] =	sst s22  }
0x29: {  	s24 =	sadd.s32 $0x7C00, s4;
	[smem:$0x7CE] =	sst s23  }
0x2a: {  	s25 =	sadd.s32 $0x8000, s4;
	[smem:$0x7CF] =	sst s24  }
0x2b: {  	s26 =	sadd.s32 $0x8400, s4;
	[smem:$0x7D0] =	sst s25  }
0x2c: {  	s5 =	sadd.s32 $0x8800, s4;
	[smem:$0x7D1] =	sst s26  }
0x2d: {  	s6 =	sadd.s32 $0x8C00, s4;
	[smem:$0x7D2] =	sst s5  }
0x2e: {  	s7 =	sadd.s32 $0x9000, s4;
	[smem:$0x7D3] =	sst s6  }
0x2f: {  	s8 =	sadd.s32 $0x9400, s4;
	[smem:$0x7D4] =	sst s7  }
0x30: {  	s9 =	sadd.s32 $0x9800, s4;
	[smem:$0x7D5] =	sst s8  }
0x31: {  	s10 =	sadd.s32 $0x9C00, s4;
	[smem:$0x7D6] =	sst s9  }
0x32: {  	s11 =	sadd.s32 $0xA000, s4;
	[smem:$0x7D7] =	sst s10  }
0x33: {  	s12 =	sadd.s32 $0xA400, s4;
	[smem:$0x7D8] =	sst s11  }
0x34: {  	s13 =	sadd.s32 $0xA800, s4;
	[smem:$0x7D9] =	sst s12  }
0x35: {  	s14 =	sadd.s32 $0xAC00, s4;
	[smem:$0x7DA] =	sst s13  }
0x36: {  	s15 =	sadd.s32 $0xB000, s4;
	[smem:$0x7DB] =	sst s14  }
0x37: {  	s16 =	sadd.s32 $0xB400, s4;
	[smem:$0x7DC] =	sst s15  }
0x38: {  	s17 =	sadd.s32 $0xB800, s4;
	[smem:$0x7DD] =	sst s16  }
0x39: {  	[smem:$0x7DE] =	sst s17;
	s18 =	sadd.s32 $0xBC00, s4  }
0x3a: {  	s19 =	sadd.s32 $0xC000, s4;
	[smem:$0x7DF] =	sst s18  }
0x3b: {  	s20 =	sadd.s32 $0xC400, s4;
	[smem:$0x7E0] =	sst s19  }
0x3c: {  	s21 =	simm.s32 $0x100;
	[smem:$0x7E1] =	sst s20  }
0x3d: {  	s22 =	simm.s32 $0x180;
	[smem:$0x7E2] =	sst s21  }
0x3e: {  	s23 =	simm.s32 $0x200;
	[smem:$0x7E3] =	sst s22  }
0x3f: {  	s24 =	simm.s32 $0x280;
	[smem:$0x7E4] =	sst s23  }
0x40: {  	s25 =	simm.s32 $0x300;
	[smem:$0x7E5] =	sst s24  }
0x41: {  	s26 =	simm.s32 $0x380;
	[smem:$0x7E6] =	sst s25  }
0x42: {  	s4 =	simm.s32 $0x400;
	[smem:$0x7E7] =	sst s26  }
0x43: {  	s5 =	simm.s32 $0x480;
	[smem:$0x7E8] =	sst s4  }
0x44: {  	s6 =	simm.s32 $0x500;
	[smem:$0x7E9] =	sst s5  }
0x45: {  	s7 =	simm.s32 $0x580;
	[smem:$0x7EA] =	sst s6  }
0x46: {  	s8 =	simm.s32 $0x600;
	[smem:$0x7EB] =	sst s7  }
0x47: {  	s9 =	simm.s32 $0x680;
	[smem:$0x7EC] =	sst s8  }
0x48: {  	s10 =	simm.s32 $0x700;
	[smem:$0x7ED] =	sst s9  }
0x49: {  	s11 =	simm.s32 $0x780;
	[smem:$0x7EE] =	sst s10  }
0x4a: {  	s12 =	simm.s32 $0x800;
	[smem:$0x7EF] =	sst s11  }
0x4b: {  	s13 =	simm.s32 $0x880;
	[smem:$0x7F0] =	sst s12  }
0x4c: {  	s30 =	simm.s32 $0xF00;
	s14 =	simm.s32 $0x900;
	[smem:$0x7F1] =	sst s13  }
0x4d: {  	s29 =	simm.s32 $0xF80;
	s15 =	simm.s32 $0x980;
	[smem:$0x7F2] =	sst s14  }
0x4e: {  	s28 =	simm.s32 $0x1000;
	s16 =	simm.s32 $0xA00;
	[smem:$0x7F3] =	sst s15  }
0x4f: {  	p0 =	por $0x0, $0x0;
	s17 =	simm.s32 $0xA80;
	[smem:$0x7F4] =	sst s16  }
0x50: {  	s1 =	ssub.s32 $0x2, s1;
	s4 =	sadd.s32 $0xF42E00, s3;
	[smem:$0x7F5] =	sst s17  }
0x51: {  	s18 =	simm.s32 $0xB00;
	s19 =	sshrl.u32 s1, $0x1;
	s20 =	simm.s32 $0xB80  }
0x52: {  	s21 =	simm.s32 $0xC00;
	s22 =	simm.s32 $0xC80;
	s3 =	simm.s32 $0x3  }
0x53: {  	s23 =	simm.s32 $0xD00;
	s8 =	simm.s32 $0x80;
	s24 =	simm.s32 $0xD80  }
0x54: {  	s6 =	simm.s32 $0x1900;
	s25 =	simm.s32 $0xE00;
	s5 =	simm.s32 $0x3900  }
0x55: {  	s26 =	simm.s32 $0xE80;
	s9 =	simm.s32 $0x1;
	[smem:$0x7F6] =	sst s18  }
0x56: {  	s7 =	simm.s32 $0x2;
	s17 =	simm.s32 $0x1500;
	[smem:$0x7F7] =	sst s20  }
0x57: {  	s16 =	simm.s32 $0x1580;
	s15 =	simm.s32 $0x1600;
	[smem:$0x7F8] =	sst s21  }
0x58: {  	s14 =	simm.s32 $0x1680;
	s1 =	ssub.s32 s1, s19;
	[smem:$0x7F9] =	sst s22  }
0x59: {  	s13 =	simm.s32 $0x1700;
	[smem:$0x7FA] =	sst s23;
	s1 =	smax.u32 s1, $0x1  }
0x5a: {  	s12 =	simm.s32 $0x1780;
	[smem:$0x7FB] =	sst s24;
	p1 =	sne.s32 s1, $0x1  }
.Ltmp0:
0x5b: {  	s11 =	simm.s32 $0x1800;
	[smem:$0x7FC] =	sst s25;
	(pc) =	sbr.rel @!p1 .LBB2_3-.Ltmp0, $4  }
0x5c: {  	s10 =	simm.s32 $0x1880;
	[smem:$0x7FD] =	sst s26;
	s26 =	simm.s32 $0x1080  }
0x5d: {  	s25 =	simm.s32 $0x1100;
	s24 =	simm.s32 $0x1180;
	s23 =	simm.s32 $0x1200  }
0x5e: {  	s22 =	simm.s32 $0x1280;
	s21 =	simm.s32 $0x1300;
	s20 =	simm.s32 $0x1380  }
0x5f: {  	s19 =	simm.s32 $0x1400;
	s18 =	simm.s32 $0x1480;
	s1 =	sadd.s32 $0xFFFFFFFF, s1  }
0x60: {  	[tilespmem:s2], [sflag:$0x3] =	stream.linear.gather [hbm4b:s0+s2], $0x1900, $0x38;
	[tilespmem:$0x5900] =	vst v63  }
0x61: {  	_ =	swait.ge [sflag:s3], $0x1900  }
0x62: {  	[sflag:s3] =	ssyncset.done $0x0  }
0x63: {  	[sflag:s3] =	ssyncadd.s32 $0xFFFFE700  }
0x64: {  	[tilespmem:s6], [sflag:$0x1] =	stream.indirect.gather [hbm4b:s4+s8], $0x40, s2, s8, $0xb8;
	[tilespmem:$0x5900] =	vst v63  }
0x65: {  	_ = 	snop  }
0x66: {  	[tilespmem:s5], [sflag:$0x2] =	stream.indirect.gather [hbm4b:s4+s8], $0x40, s8, s8, $0xb8;
	[tilespmem:$0x5900] =	vst v63  }
0x67: {  	_ =	swait.ge [sflag:s9], $0x2000  }
0x68: {  	[sflag:s9] =	ssyncset.done $0x0  }
0x69: {  	[sflag:s9] =	ssyncadd.s32 $0xFFFFE000  }
0x6a: {  	[hbm4b:s31+s2] =	stream.linear.scatter [tilespmem:s6], [sflag:$0x3], $0x2000, $0x38;
	[tilespmem:$0x5900] =	vst v63  }
0x6b: {  	_ =	swait.ge [sflag:s3], $0x2000  }
0x6c: {  	s0 =	sld [smem:$0x7E2]  }
0x6d: {  	[sflag:s3] =	ssyncset.done $0x0  }
0x6e: {  	[sflag:s3] =	ssyncadd.s32 $0xFFFFE000  }
0x6f: {  	[tilespmem:s6], [sflag:$0x1] =	stream.indirect.gather [hbm4b:s4+s8], $0x40, s0, s8, $0xb8;
	[tilespmem:$0x5900] =	vst v63  }
0x70: {  	_ =	swait.ge [sflag:s7], $0x2000  }
0x71: {  	[sflag:s7] =	ssyncset.done $0x0  }
0x72: {  	s0 =	rddreg [dreg:$0x4];
	[sflag:s7] =	ssyncadd.s32 $0xFFFFE000  }
0x73: {  	[hbm4b:s0+s2] =	stream.linear.scatter [tilespmem:s5], [sflag:$0x3], $0x2000, $0x38;
	[tilespmem:$0x5900] =	vst v63  }
0x74: {  	_ =	swait.ge [sflag:s3], $0x2000  }
0x75: {  	s0 =	sld [smem:$0x7E3]  }
0x76: {  	[sflag:s3] =	ssyncset.done $0x0  }
0x77: {  	[sflag:s3] =	ssyncadd.s32 $0xFFFFE000  }
0x78: {  	[tilespmem:s5], [sflag:$0x2] =	stream.indirect.gather [hbm4b:s4+s8], $0x40, s0, s8, $0xb8;
	[tilespmem:$0x5900] =	vst v63  }
0x79: {  	_ =	swait.ge [sflag:s9], $0x2000  }
0x7a: {  	[sflag:s9] =	ssyncset.done $0x0  }
0x7b: {  	s0 =	rddreg [dreg:$0x5];
	[sflag:s9] =	ssyncadd.s32 $0xFFFFE000  }
0x7c: {  	[hbm4b:s0+s2] =	stream.linear.scatter [tilespmem:s6], [sflag:$0x3], $0x2000, $0x38;
	[tilespmem:$0x5900] =	vst v63  }
0x7d: {  	_ =	swait.ge [sflag:s3], $0x2000  }
0x7e: {  	s0 =	sld [smem:$0x7E4]  }
0x7f: {  	[sflag:s3] =	ssyncset.done $0x0  }
0x80: {  	[sflag:s3] =	ssyncadd.s32 $0xFFFFE000  }
0x81: {  	[tilespmem:s6], [sflag:$0x1] =	stream.indirect.gather [hbm4b:s4+s8], $0x40, s0, s8, $0xb8;
	[tilespmem:$0x5900] =	vst v63  }
0x82: {  	_ =	swait.ge [sflag:s7], $0x2000  }
0x83: {  	[sflag:s7] =	ssyncset.done $0x0  }
0x84: {  	s0 =	rddreg [dreg:$0x6];
	[sflag:s7] =	ssyncadd.s32 $0xFFFFE000  }
0x85: {  	[hbm4b:s0+s2] =	stream.linear.scatter [tilespmem:s5], [sflag:$0x3], $0x2000, $0x38;
	[tilespmem:$0x5900] =	vst v63  }
0x86: {  	_ =	swait.ge [sflag:s3], $0x2000  }
0x87: {  	s0 =	sld [smem:$0x7E5]  }
0x88: {  	[sflag:s3] =	ssyncset.done $0x0  }
0x89: {  	[sflag:s3] =	ssyncadd.s32 $0xFFFFE000  }
0x8a: {  	[tilespmem:s5], [sflag:$0x2] =	stream.indirect.gather [hbm4b:s4+s8], $0x40, s0, s8, $0xb8;
	[tilespmem:$0x5900] =	vst v63  }
0x8b: {  	_ =	swait.ge [sflag:s9], $0x2000  }
0x8c: {  	[sflag:s9] =	ssyncset.done $0x0  }
0x8d: {  	s0 =	rddreg [dreg:$0x7];
	[sflag:s9] =	ssyncadd.s32 $0xFFFFE000  }
0x8e: {  	[hbm4b:s0+s2] =	stream.linear.scatter [tilespmem:s6], [sflag:$0x3], $0x2000, $0x38;
	[tilespmem:$0x5900] =	vst v63  }
0x8f: {  	_ =	swait.ge [sflag:s3], $0x2000  }
0x90: {  	s0 =	sld [smem:$0x7E6]  }
0x91: {  	[sflag:s3] =	ssyncset.done $0x0  }
0x92: {  	[sflag:s3] =	ssyncadd.s32 $0xFFFFE000  }
0x93: {  	[tilespmem:s6], [sflag:$0x1] =	stream.indirect.gather [hbm4b:s4+s8], $0x40, s0, s8, $0xb8;
	[tilespmem:$0x5900] =	vst v63  }
0x94: {  	_ =	swait.ge [sflag:s7], $0x2000  }
0x95: {  	[sflag:s7] =	ssyncset.done $0x0  }
0x96: {  	s0 =	rddreg [dreg:$0x8];
	[sflag:s7] =	ssyncadd.s32 $0xFFFFE000  }
0x97: {  	[hbm4b:s0+s2] =	stream.linear.scatter [tilespmem:s5], [sflag:$0x3], $0x2000, $0x38;
	[tilespmem:$0x5900] =	vst v63  }
0x98: {  	_ =	swait.ge [sflag:s3], $0x2000  }
0x99: {  	s0 =	sld [smem:$0x7E7]  }
0x9a: {  	[sflag:s3] =	ssyncset.done $0x0  }
0x9b: {  	[sflag:s3] =	ssyncadd.s32 $0xFFFFE000  }
0x9c: {  	[tilespmem:s5], [sflag:$0x2] =	stream.indirect.gather [hbm4b:s4+s8], $0x40, s0, s8, $0xb8;
	[tilespmem:$0x5900] =	vst v63  }
0x9d: {  	_ =	swait.ge [sflag:s9], $0x2000  }
0x9e: {  	[sflag:s9] =	ssyncset.done $0x0  }
0x9f: {  	s0 =	rddreg [dreg:$0x9];
	[sflag:s9] =	ssyncadd.s32 $0xFFFFE000  }
0xa0: {  	[hbm4b:s0+s2] =	stream.linear.scatter [tilespmem:s6], [sflag:$0x3], $0x2000, $0x38;
	[tilespmem:$0x5900] =	vst v63  }
0xa1: {  	_ =	swait.ge [sflag:s3], $0x2000  }
0xa2: {  	s0 =	sld [smem:$0x7E8]  }
0xa3: {  	[sflag:s3] =	ssyncset.done $0x0  }
0xa4: {  	[sflag:s3] =	ssyncadd.s32 $0xFFFFE000  }
0xa5: {  	[tilespmem:s6], [sflag:$0x1] =	stream.indirect.gather [hbm4b:s4+s8], $0x40, s0, s8, $0xb8;
	[tilespmem:$0x5900] =	vst v63  }
0xa6: {  	_ =	swait.ge [sflag:s7], $0x2000  }
0xa7: {  	[sflag:s7] =	ssyncset.done $0x0  }
0xa8: {  	s0 =	rddreg [dreg:$0xa];
	[sflag:s7] =	ssyncadd.s32 $0xFFFFE000  }
0xa9: {  	[hbm4b:s0+s2] =	stream.linear.scatter [tilespmem:s5], [sflag:$0x3], $0x2000, $0x38;
	[tilespmem:$0x5900] =	vst v63  }
0xaa: {  	_ =	swait.ge [sflag:s3], $0x2000  }
0xab: {  	s0 =	sld [smem:$0x7E9]  }
0xac: {  	[sflag:s3] =	ssyncset.done $0x0  }
0xad: {  	[sflag:s3] =	ssyncadd.s32 $0xFFFFE000  }
0xae: {  	[tilespmem:s5], [sflag:$0x2] =	stream.indirect.gather [hbm4b:s4+s8], $0x40, s0, s8, $0xb8;
	[tilespmem:$0x5900] =	vst v63  }
0xaf: {  	_ =	swait.ge [sflag:s9], $0x2000  }
0xb0: {  	[sflag:s9] =	ssyncset.done $0x0  }
0xb1: {  	s0 =	rddreg [dreg:$0xb];
	[sflag:s9] =	ssyncadd.s32 $0xFFFFE000  }
0xb2: {  	[hbm4b:s0+s2] =	stream.linear.scatter [tilespmem:s6], [sflag:$0x3], $0x2000, $0x38;
	[tilespmem:$0x5900] =	vst v63  }
0xb3: {  	_ =	swait.ge [sflag:s3], $0x2000  }
0xb4: {  	s0 =	sld [smem:$0x7EA]  }
0xb5: {  	[sflag:s3] =	ssyncset.done $0x0  }
0xb6: {  	[sflag:s3] =	ssyncadd.s32 $0xFFFFE000  }
0xb7: {  	[tilespmem:s6], [sflag:$0x1] =	stream.indirect.gather [hbm4b:s4+s8], $0x40, s0, s8, $0xb8;
	[tilespmem:$0x5900] =	vst v63  }
0xb8: {  	_ =	swait.ge [sflag:s7], $0x2000  }
0xb9: {  	[sflag:s7] =	ssyncset.done $0x0  }
0xba: {  	s0 =	rddreg [dreg:$0xc];
	[sflag:s7] =	ssyncadd.s32 $0xFFFFE000  }
0xbb: {  	[hbm4b:s0+s2] =	stream.linear.scatter [tilespmem:s5], [sflag:$0x3], $0x2000, $0x38;
	[tilespmem:$0x5900] =	vst v63  }
0xbc: {  	_ =	swait.ge [sflag:s3], $0x2000  }
0xbd: {  	s0 =	sld [smem:$0x7EB]  }
0xbe: {  	[sflag:s3] =	ssyncset.done $0x0  }
0xbf: {  	[sflag:s3] =	ssyncadd.s32 $0xFFFFE000  }
0xc0: {  	[tilespmem:s5], [sflag:$0x2] =	stream.indirect.gather [hbm4b:s4+s8], $0x40, s0, s8, $0xb8;
	[tilespmem:$0x5900] =	vst v63  }
0xc1: {  	_ =	swait.ge [sflag:s9], $0x2000  }
0xc2: {  	[sflag:s9] =	ssyncset.done $0x0  }
0xc3: {  	s0 =	rddreg [dreg:$0xd];
	[sflag:s9] =	ssyncadd.s32 $0xFFFFE000  }
0xc4: {  	[hbm4b:s0+s2] =	stream.linear.scatter [tilespmem:s6], [sflag:$0x3], $0x2000, $0x38;
	[tilespmem:$0x5900] =	vst v63  }
0xc5: {  	_ =	swait.ge [sflag:s3], $0x2000  }
0xc6: {  	s0 =	sld [smem:$0x7EC]  }
0xc7: {  	[sflag:s3] =	ssyncset.done $0x0  }
0xc8: {  	[sflag:s3] =	ssyncadd.s32 $0xFFFFE000  }
0xc9: {  	[tilespmem:s6], [sflag:$0x1] =	stream.indirect.gather [hbm4b:s4+s8], $0x40, s0, s8, $0xb8;
	[tilespmem:$0x5900] =	vst v63  }
0xca: {  	_ =	swait.ge [sflag:s7], $0x2000  }
0xcb: {  	[sflag:s7] =	ssyncset.done $0x0  }
0xcc: {  	s0 =	rddreg [dreg:$0xe];
	[sflag:s7] =	ssyncadd.s32 $0xFFFFE000  }
0xcd: {  	[hbm4b:s0+s2] =	stream.linear.scatter [tilespmem:s5], [sflag:$0x3], $0x2000, $0x38;
	[tilespmem:$0x5900] =	vst v63  }
0xce: {  	_ =	swait.ge [sflag:s3], $0x2000  }
0xcf: {  	s0 =	sld [smem:$0x7ED]  }
0xd0: {  	[sflag:s3] =	ssyncset.done $0x0  }
0xd1: {  	[sflag:s3] =	ssyncadd.s32 $0xFFFFE000  }
0xd2: {  	[tilespmem:s5], [sflag:$0x2] =	stream.indirect.gather [hbm4b:s4+s8], $0x40, s0, s8, $0xb8;
	[tilespmem:$0x5900] =	vst v63  }
0xd3: {  	_ =	swait.ge [sflag:s9], $0x2000  }
0xd4: {  	[sflag:s9] =	ssyncset.done $0x0  }
0xd5: {  	s0 =	rddreg [dreg:$0xf];
	[sflag:s9] =	ssyncadd.s32 $0xFFFFE000  }
0xd6: {  	[hbm4b:s0+s2] =	stream.linear.scatter [tilespmem:s6], [sflag:$0x3], $0x2000, $0x38;
	[tilespmem:$0x5900] =	vst v63  }
0xd7: {  	_ =	swait.ge [sflag:s3], $0x2000  }
0xd8: {  	s0 =	sld [smem:$0x7EE]  }
0xd9: {  	[sflag:s3] =	ssyncset.done $0x0  }
0xda: {  	[sflag:s3] =	ssyncadd.s32 $0xFFFFE000  }
0xdb: {  	[tilespmem:s6], [sflag:$0x1] =	stream.indirect.gather [hbm4b:s4+s8], $0x40, s0, s8, $0xb8;
	[tilespmem:$0x5900] =	vst v63  }
0xdc: {  	_ =	swait.ge [sflag:s7], $0x2000  }
0xdd: {  	[sflag:s7] =	ssyncset.done $0x0  }
0xde: {  	s0 =	rddreg [dreg:$0x10];
	[sflag:s7] =	ssyncadd.s32 $0xFFFFE000  }
0xdf: {  	[hbm4b:s0+s2] =	stream.linear.scatter [tilespmem:s5], [sflag:$0x3], $0x2000, $0x38;
	[tilespmem:$0x5900] =	vst v63  }
0xe0: {  	_ =	swait.ge [sflag:s3], $0x2000  }
0xe1: {  	s0 =	sld [smem:$0x7EF]  }
0xe2: {  	[sflag:s3] =	ssyncset.done $0x0  }
0xe3: {  	[sflag:s3] =	ssyncadd.s32 $0xFFFFE000  }
0xe4: {  	[tilespmem:s5], [sflag:$0x2] =	stream.indirect.gather [hbm4b:s4+s8], $0x40, s0, s8, $0xb8;
	[tilespmem:$0x5900] =	vst v63  }
0xe5: {  	_ =	swait.ge [sflag:s9], $0x2000  }
0xe6: {  	[sflag:s9] =	ssyncset.done $0x0  }
0xe7: {  	s0 =	rddreg [dreg:$0x11];
	[sflag:s9] =	ssyncadd.s32 $0xFFFFE000  }
0xe8: {  	[hbm4b:s0+s2] =	stream.linear.scatter [tilespmem:s6], [sflag:$0x3], $0x2000, $0x38;
	[tilespmem:$0x5900] =	vst v63  }
0xe9: {  	_ =	swait.ge [sflag:s3], $0x2000  }
0xea: {  	s0 =	sld [smem:$0x7F0]  }
0xeb: {  	[sflag:s3] =	ssyncset.done $0x0  }
0xec: {  	[sflag:s3] =	ssyncadd.s32 $0xFFFFE000  }
0xed: {  	[tilespmem:s6], [sflag:$0x1] =	stream.indirect.gather [hbm4b:s4+s8], $0x40, s0, s8, $0xb8;
	[tilespmem:$0x5900] =	vst v63  }
0xee: {  	_ =	swait.ge [sflag:s7], $0x2000  }
0xef: {  	[sflag:s7] =	ssyncset.done $0x0  }
0xf0: {  	s0 =	rddreg [dreg:$0x12];
	[sflag:s7] =	ssyncadd.s32 $0xFFFFE000  }
0xf1: {  	[hbm4b:s0+s2] =	stream.linear.scatter [tilespmem:s5], [sflag:$0x3], $0x2000, $0x38;
	[tilespmem:$0x5900] =	vst v63  }
0xf2: {  	_ =	swait.ge [sflag:s3], $0x2000  }
0xf3: {  	s0 =	sld [smem:$0x7F1]  }
0xf4: {  	[sflag:s3] =	ssyncset.done $0x0  }
0xf5: {  	[sflag:s3] =	ssyncadd.s32 $0xFFFFE000  }
0xf6: {  	[tilespmem:s5], [sflag:$0x2] =	stream.indirect.gather [hbm4b:s4+s8], $0x40, s0, s8, $0xb8;
	[tilespmem:$0x5900] =	vst v63  }
0xf7: {  	_ =	swait.ge [sflag:s9], $0x2000  }
0xf8: {  	[sflag:s9] =	ssyncset.done $0x0  }
0xf9: {  	s0 =	rddreg [dreg:$0x13];
	[sflag:s9] =	ssyncadd.s32 $0xFFFFE000  }
0xfa: {  	[hbm4b:s0+s2] =	stream.linear.scatter [tilespmem:s6], [sflag:$0x3], $0x2000, $0x38;
	[tilespmem:$0x5900] =	vst v63  }
0xfb: {  	_ =	swait.ge [sflag:s3], $0x2000  }
0xfc: {  	s0 =	sld [smem:$0x7F2]  }
0xfd: {  	[sflag:s3] =	ssyncset.done $0x0  }
0xfe: {  	[sflag:s3] =	ssyncadd.s32 $0xFFFFE000  }
0xff: {  	[tilespmem:s6], [sflag:$0x1] =	stream.indirect.gather [hbm4b:s4+s8], $0x40, s0, s8, $0xb8;
	[tilespmem:$0x5900] =	vst v63  }
0x100: {  	_ =	swait.ge [sflag:s7], $0x2000  }
0x101: {  	[sflag:s7] =	ssyncset.done $0x0  }
0x102: {  	s0 =	rddreg [dreg:$0x14];
	[sflag:s7] =	ssyncadd.s32 $0xFFFFE000  }
0x103: {  	[hbm4b:s0+s2] =	stream.linear.scatter [tilespmem:s5], [sflag:$0x3], $0x2000, $0x38;
	[tilespmem:$0x5900] =	vst v63  }
0x104: {  	_ =	swait.ge [sflag:s3], $0x2000  }
0x105: {  	s0 =	sld [smem:$0x7F3]  }
0x106: {  	[sflag:s3] =	ssyncset.done $0x0  }
0x107: {  	[sflag:s3] =	ssyncadd.s32 $0xFFFFE000  }
0x108: {  	[tilespmem:s5], [sflag:$0x2] =	stream.indirect.gather [hbm4b:s4+s8], $0x40, s0, s8, $0xb8;
	[tilespmem:$0x5900] =	vst v63  }
0x109: {  	_ =	swait.ge [sflag:s9], $0x2000  }
0x10a: {  	[sflag:s9] =	ssyncset.done $0x0  }
0x10b: {  	s0 =	rddreg [dreg:$0x15];
	[sflag:s9] =	ssyncadd.s32 $0xFFFFE000  }
0x10c: {  	[hbm4b:s0+s2] =	stream.linear.scatter [tilespmem:s6], [sflag:$0x3], $0x2000, $0x38;
	[tilespmem:$0x5900] =	vst v63  }
0x10d: {  	_ =	swait.ge [sflag:s3], $0x2000  }
0x10e: {  	s0 =	sld [smem:$0x7F4]  }
0x10f: {  	[sflag:s3] =	ssyncset.done $0x0  }
0x110: {  	[sflag:s3] =	ssyncadd.s32 $0xFFFFE000  }
0x111: {  	[tilespmem:s6], [sflag:$0x1] =	stream.indirect.gather [hbm4b:s4+s8], $0x40, s0, s8, $0xb8;
	[tilespmem:$0x5900] =	vst v63  }
0x112: {  	_ =	swait.ge [sflag:s7], $0x2000  }
0x113: {  	[sflag:s7] =	ssyncset.done $0x0  }
0x114: {  	s0 =	rddreg [dreg:$0x16];
	[sflag:s7] =	ssyncadd.s32 $0xFFFFE000  }
0x115: {  	[hbm4b:s0+s2] =	stream.linear.scatter [tilespmem:s5], [sflag:$0x3], $0x2000, $0x38;
	[tilespmem:$0x5900] =	vst v63  }
0x116: {  	_ =	swait.ge [sflag:s3], $0x2000  }
0x117: {  	s0 =	sld [smem:$0x7F5]  }
0x118: {  	[sflag:s3] =	ssyncset.done $0x0  }
0x119: {  	[sflag:s3] =	ssyncadd.s32 $0xFFFFE000  }
0x11a: {  	[tilespmem:s5], [sflag:$0x2] =	stream.indirect.gather [hbm4b:s4+s8], $0x40, s0, s8, $0xb8;
	[tilespmem:$0x5900] =	vst v63  }
0x11b: {  	_ =	swait.ge [sflag:s9], $0x2000  }
0x11c: {  	[sflag:s9] =	ssyncset.done $0x0  }
0x11d: {  	s0 =	rddreg [dreg:$0x17];
	[sflag:s9] =	ssyncadd.s32 $0xFFFFE000  }
0x11e: {  	[hbm4b:s0+s2] =	stream.linear.scatter [tilespmem:s6], [sflag:$0x3], $0x2000, $0x38;
	[tilespmem:$0x5900] =	vst v63  }
0x11f: {  	_ =	swait.ge [sflag:s3], $0x2000  }
0x120: {  	s0 =	sld [smem:$0x7F6]  }
0x121: {  	[sflag:s3] =	ssyncset.done $0x0  }
0x122: {  	[sflag:s3] =	ssyncadd.s32 $0xFFFFE000  }
0x123: {  	[tilespmem:s6], [sflag:$0x1] =	stream.indirect.gather [hbm4b:s4+s8], $0x40, s0, s8, $0xb8;
	[tilespmem:$0x5900] =	vst v63  }
0x124: {  	_ =	swait.ge [sflag:s7], $0x2000  }
0x125: {  	[sflag:s7] =	ssyncset.done $0x0  }
0x126: {  	s0 =	rddreg [dreg:$0x18];
	[sflag:s7] =	ssyncadd.s32 $0xFFFFE000  }
0x127: {  	[hbm4b:s0+s2] =	stream.linear.scatter [tilespmem:s5], [sflag:$0x3], $0x2000, $0x38;
	[tilespmem:$0x5900] =	vst v63  }
0x128: {  	_ =	swait.ge [sflag:s3], $0x2000  }
0x129: {  	s0 =	sld [smem:$0x7F7]  }
0x12a: {  	[sflag:s3] =	ssyncset.done $0x0  }
0x12b: {  	[sflag:s3] =	ssyncadd.s32 $0xFFFFE000  }
0x12c: {  	[tilespmem:s5], [sflag:$0x2] =	stream.indirect.gather [hbm4b:s4+s8], $0x40, s0, s8, $0xb8;
	[tilespmem:$0x5900] =	vst v63  }
0x12d: {  	_ =	swait.ge [sflag:s9], $0x2000  }
0x12e: {  	[sflag:s9] =	ssyncset.done $0x0  }
0x12f: {  	s0 =	rddreg [dreg:$0x19];
	[sflag:s9] =	ssyncadd.s32 $0xFFFFE000  }
0x130: {  	[hbm4b:s0+s2] =	stream.linear.scatter [tilespmem:s6], [sflag:$0x3], $0x2000, $0x38;
	[tilespmem:$0x5900] =	vst v63  }
0x131: {  	_ =	swait.ge [sflag:s3], $0x2000  }
0x132: {  	s0 =	sld [smem:$0x7F8]  }
0x133: {  	[sflag:s3] =	ssyncset.done $0x0  }
0x134: {  	[sflag:s3] =	ssyncadd.s32 $0xFFFFE000  }
0x135: {  	[tilespmem:s6], [sflag:$0x1] =	stream.indirect.gather [hbm4b:s4+s8], $0x40, s0, s8, $0xb8;
	[tilespmem:$0x5900] =	vst v63  }
0x136: {  	_ =	swait.ge [sflag:s7], $0x2000  }
0x137: {  	[sflag:s7] =	ssyncset.done $0x0  }
0x138: {  	s0 =	rddreg [dreg:$0x1a];
	[sflag:s7] =	ssyncadd.s32 $0xFFFFE000  }
0x139: {  	[hbm4b:s0+s2] =	stream.linear.scatter [tilespmem:s5], [sflag:$0x3], $0x2000, $0x38;
	[tilespmem:$0x5900] =	vst v63  }
0x13a: {  	_ =	swait.ge [sflag:s3], $0x2000  }
0x13b: {  	s0 =	sld [smem:$0x7F9]  }
0x13c: {  	[sflag:s3] =	ssyncset.done $0x0  }
0x13d: {  	[sflag:s3] =	ssyncadd.s32 $0xFFFFE000  }
0x13e: {  	[tilespmem:s5], [sflag:$0x2] =	stream.indirect.gather [hbm4b:s4+s8], $0x40, s0, s8, $0xb8;
	[tilespmem:$0x5900] =	vst v63  }
0x13f: {  	_ =	swait.ge [sflag:s9], $0x2000  }
0x140: {  	[sflag:s9] =	ssyncset.done $0x0  }
0x141: {  	s0 =	rddreg [dreg:$0x1b];
	[sflag:s9] =	ssyncadd.s32 $0xFFFFE000  }
0x142: {  	[hbm4b:s0+s2] =	stream.linear.scatter [tilespmem:s6], [sflag:$0x3], $0x2000, $0x38;
	[tilespmem:$0x5900] =	vst v63  }
0x143: {  	_ =	swait.ge [sflag:s3], $0x2000  }
0x144: {  	s0 =	sld [smem:$0x7FA]  }
0x145: {  	[sflag:s3] =	ssyncset.done $0x0  }
0x146: {  	[sflag:s3] =	ssyncadd.s32 $0xFFFFE000  }
0x147: {  	[tilespmem:s6], [sflag:$0x1] =	stream.indirect.gather [hbm4b:s4+s8], $0x40, s0, s8, $0xb8;
	[tilespmem:$0x5900] =	vst v63  }
0x148: {  	_ =	swait.ge [sflag:s7], $0x2000  }
0x149: {  	[sflag:s7] =	ssyncset.done $0x0  }
0x14a: {  	s0 =	rddreg [dreg:$0x1c];
	[sflag:s7] =	ssyncadd.s32 $0xFFFFE000  }
0x14b: {  	[hbm4b:s0+s2] =	stream.linear.scatter [tilespmem:s5], [sflag:$0x3], $0x2000, $0x38;
	[tilespmem:$0x5900] =	vst v63  }
0x14c: {  	_ =	swait.ge [sflag:s3], $0x2000  }
0x14d: {  	s0 =	sld [smem:$0x7FB]  }
0x14e: {  	[sflag:s3] =	ssyncset.done $0x0  }
0x14f: {  	[sflag:s3] =	ssyncadd.s32 $0xFFFFE000  }
0x150: {  	[tilespmem:s5], [sflag:$0x2] =	stream.indirect.gather [hbm4b:s4+s8], $0x40, s0, s8, $0xb8;
	[tilespmem:$0x5900] =	vst v63  }
0x151: {  	_ =	swait.ge [sflag:s9], $0x2000  }
0x152: {  	[sflag:s9] =	ssyncset.done $0x0  }
0x153: {  	s0 =	rddreg [dreg:$0x1d];
	[sflag:s9] =	ssyncadd.s32 $0xFFFFE000  }
0x154: {  	[hbm4b:s0+s2] =	stream.linear.scatter [tilespmem:s6], [sflag:$0x3], $0x2000, $0x38;
	[tilespmem:$0x5900] =	vst v63  }
0x155: {  	_ =	swait.ge [sflag:s3], $0x2000  }
0x156: {  	s0 =	sld [smem:$0x7FC]  }
0x157: {  	[sflag:s3] =	ssyncset.done $0x0  }
0x158: {  	[sflag:s3] =	ssyncadd.s32 $0xFFFFE000  }
0x159: {  	[tilespmem:s6], [sflag:$0x1] =	stream.indirect.gather [hbm4b:s4+s8], $0x40, s0, s8, $0xb8;
	[tilespmem:$0x5900] =	vst v63  }
0x15a: {  	_ =	swait.ge [sflag:s7], $0x2000  }
0x15b: {  	[sflag:s7] =	ssyncset.done $0x0  }
0x15c: {  	s0 =	rddreg [dreg:$0x1e];
	[sflag:s7] =	ssyncadd.s32 $0xFFFFE000  }
0x15d: {  	[hbm4b:s0+s2] =	stream.linear.scatter [tilespmem:s5], [sflag:$0x3], $0x2000, $0x38;
	[tilespmem:$0x5900] =	vst v63  }
0x15e: {  	_ =	swait.ge [sflag:s3], $0x2000  }
0x15f: {  	s0 =	sld [smem:$0x7FD]  }
0x160: {  	[sflag:s3] =	ssyncset.done $0x0  }
0x161: {  	[sflag:s3] =	ssyncadd.s32 $0xFFFFE000  }
0x162: {  	[tilespmem:s5], [sflag:$0x2] =	stream.indirect.gather [hbm4b:s4+s8], $0x40, s0, s8, $0xb8;
	[tilespmem:$0x5900] =	vst v63  }
0x163: {  	_ =	swait.ge [sflag:s9], $0x2000  }
0x164: {  	[sflag:s9] =	ssyncset.done $0x0  }
0x165: {  	s0 =	rddreg [dreg:$0x1f];
	[sflag:s9] =	ssyncadd.s32 $0xFFFFE000  }
0x166: {  	[hbm4b:s0+s2] =	stream.linear.scatter [tilespmem:s6], [sflag:$0x3], $0x2000, $0x38;
	[tilespmem:$0x5900] =	vst v63  }
0x167: {  	_ =	swait.ge [sflag:s3], $0x2000  }
0x168: {  	[sflag:s3] =	ssyncset.done $0x0  }
0x169: {  	[sflag:s3] =	ssyncadd.s32 $0xFFFFE000  }
0x16a: {  	[tilespmem:s6], [sflag:$0x1] =	stream.indirect.gather [hbm4b:s4+s8], $0x40, s30, s8, $0xb8;
	[tilespmem:$0x5900] =	vst v63  }
0x16b: {  	_ =	swait.ge [sflag:s7], $0x2000  }
0x16c: {  	s0 =	sld [smem:$0x7CD]  }
0x16d: {  	[sflag:s7] =	ssyncset.done $0x0  }
0x16e: {  	[sflag:s7] =	ssyncadd.s32 $0xFFFFE000  }
0x16f: {  	[hbm4b:s0+s2] =	stream.linear.scatter [tilespmem:s5], [sflag:$0x3], $0x2000, $0x38;
	[tilespmem:$0x5900] =	vst v63  }
0x170: {  	_ =	swait.ge [sflag:s3], $0x2000  }
0x171: {  	[sflag:s3] =	ssyncset.done $0x0  }
0x172: {  	[sflag:s3] =	ssyncadd.s32 $0xFFFFE000  }
0x173: {  	[tilespmem:s5], [sflag:$0x2] =	stream.indirect.gather [hbm4b:s4+s8], $0x40, s29, s8, $0xb8;
	[tilespmem:$0x5900] =	vst v63  }
0x174: {  	_ =	swait.ge [sflag:s9], $0x2000  }
0x175: {  	s0 =	sld [smem:$0x7CE]  }
0x176: {  	[sflag:s9] =	ssyncset.done $0x0  }
0x177: {  	[sflag:s9] =	ssyncadd.s32 $0xFFFFE000  }
0x178: {  	[hbm4b:s0+s2] =	stream.linear.scatter [tilespmem:s6], [sflag:$0x3], $0x2000, $0x38;
	[tilespmem:$0x5900] =	vst v63  }
0x179: {  	_ =	swait.ge [sflag:s3], $0x2000  }
0x17a: {  	[sflag:s3] =	ssyncset.done $0x0  }
0x17b: {  	[sflag:s3] =	ssyncadd.s32 $0xFFFFE000  }
0x17c: {  	[tilespmem:s6], [sflag:$0x1] =	stream.indirect.gather [hbm4b:s4+s8], $0x40, s28, s8, $0xb8;
	[tilespmem:$0x5900] =	vst v63  }
0x17d: {  	_ =	swait.ge [sflag:s7], $0x2000  }
0x17e: {  	s0 =	sld [smem:$0x7CF]  }
0x17f: {  	[sflag:s7] =	ssyncset.done $0x0  }
0x180: {  	[sflag:s7] =	ssyncadd.s32 $0xFFFFE000  }
0x181: {  	[hbm4b:s0+s2] =	stream.linear.scatter [tilespmem:s5], [sflag:$0x3], $0x2000, $0x38;
	[tilespmem:$0x5900] =	vst v63  }
0x182: {  	_ =	swait.ge [sflag:s3], $0x2000  }
0x183: {  	[sflag:s3] =	ssyncset.done $0x0  }
0x184: {  	[sflag:s3] =	ssyncadd.s32 $0xFFFFE000  }
0x185: {  	[tilespmem:s5], [sflag:$0x2] =	stream.indirect.gather [hbm4b:s4+s8], $0x40, s26, s8, $0xb8;
	[tilespmem:$0x5900] =	vst v63  }
0x186: {  	_ =	swait.ge [sflag:s9], $0x2000  }
0x187: {  	s0 =	sld [smem:$0x7D0]  }
0x188: {  	[sflag:s9] =	ssyncset.done $0x0  }
0x189: {  	[sflag:s9] =	ssyncadd.s32 $0xFFFFE000  }
0x18a: {  	[hbm4b:s0+s2] =	stream.linear.scatter [tilespmem:s6], [sflag:$0x3], $0x2000, $0x38;
	[tilespmem:$0x5900] =	vst v63  }
0x18b: {  	_ =	swait.ge [sflag:s3], $0x2000  }
0x18c: {  	[sflag:s3] =	ssyncset.done $0x0  }
0x18d: {  	[sflag:s3] =	ssyncadd.s32 $0xFFFFE000  }
0x18e: {  	[tilespmem:s6], [sflag:$0x1] =	stream.indirect.gather [hbm4b:s4+s8], $0x40, s25, s8, $0xb8;
	[tilespmem:$0x5900] =	vst v63  }
0x18f: {  	_ =	swait.ge [sflag:s7], $0x2000  }
0x190: {  	s0 =	sld [smem:$0x7D1]  }
0x191: {  	[sflag:s7] =	ssyncset.done $0x0  }
0x192: {  	[sflag:s7] =	ssyncadd.s32 $0xFFFFE000  }
0x193: {  	[hbm4b:s0+s2] =	stream.linear.scatter [tilespmem:s5], [sflag:$0x3], $0x2000, $0x38;
	[tilespmem:$0x5900] =	vst v63  }
0x194: {  	_ =	swait.ge [sflag:s3], $0x2000  }
0x195: {  	[sflag:s3] =	ssyncset.done $0x0  }
0x196: {  	[sflag:s3] =	ssyncadd.s32 $0xFFFFE000  }
0x197: {  	[tilespmem:s5], [sflag:$0x2] =	stream.indirect.gather [hbm4b:s4+s8], $0x40, s24, s8, $0xb8;
	[tilespmem:$0x5900] =	vst v63  }
0x198: {  	_ =	swait.ge [sflag:s9], $0x2000  }
0x199: {  	s0 =	sld [smem:$0x7D2]  }
0x19a: {  	[sflag:s9] =	ssyncset.done $0x0  }
0x19b: {  	[sflag:s9] =	ssyncadd.s32 $0xFFFFE000  }
0x19c: {  	[hbm4b:s0+s2] =	stream.linear.scatter [tilespmem:s6], [sflag:$0x3], $0x2000, $0x38;
	[tilespmem:$0x5900] =	vst v63  }
0x19d: {  	_ =	swait.ge [sflag:s3], $0x2000  }
0x19e: {  	[sflag:s3] =	ssyncset.done $0x0  }
0x19f: {  	[sflag:s3] =	ssyncadd.s32 $0xFFFFE000  }
0x1a0: {  	[tilespmem:s6], [sflag:$0x1] =	stream.indirect.gather [hbm4b:s4+s8], $0x40, s23, s8, $0xb8;
	[tilespmem:$0x5900] =	vst v63  }
0x1a1: {  	_ =	swait.ge [sflag:s7], $0x2000  }
0x1a2: {  	s0 =	sld [smem:$0x7D3]  }
0x1a3: {  	[sflag:s7] =	ssyncset.done $0x0  }
0x1a4: {  	[sflag:s7] =	ssyncadd.s32 $0xFFFFE000  }
0x1a5: {  	[hbm4b:s0+s2] =	stream.linear.scatter [tilespmem:s5], [sflag:$0x3], $0x2000, $0x38;
	[tilespmem:$0x5900] =	vst v63  }
0x1a6: {  	_ =	swait.ge [sflag:s3], $0x2000  }
0x1a7: {  	[sflag:s3] =	ssyncset.done $0x0  }
0x1a8: {  	[sflag:s3] =	ssyncadd.s32 $0xFFFFE000  }
0x1a9: {  	[tilespmem:s5], [sflag:$0x2] =	stream.indirect.gather [hbm4b:s4+s8], $0x40, s22, s8, $0xb8;
	[tilespmem:$0x5900] =	vst v63  }
0x1aa: {  	_ =	swait.ge [sflag:s9], $0x2000  }
0x1ab: {  	s0 =	sld [smem:$0x7D4]  }
0x1ac: {  	[sflag:s9] =	ssyncset.done $0x0  }
0x1ad: {  	[sflag:s9] =	ssyncadd.s32 $0xFFFFE000  }
0x1ae: {  	[hbm4b:s0+s2] =	stream.linear.scatter [tilespmem:s6], [sflag:$0x3], $0x2000, $0x38;
	[tilespmem:$0x5900] =	vst v63  }
0x1af: {  	_ =	swait.ge [sflag:s3], $0x2000  }
0x1b0: {  	[sflag:s3] =	ssyncset.done $0x0  }
0x1b1: {  	[sflag:s3] =	ssyncadd.s32 $0xFFFFE000  }
0x1b2: {  	[tilespmem:s6], [sflag:$0x1] =	stream.indirect.gather [hbm4b:s4+s8], $0x40, s21, s8, $0xb8;
	[tilespmem:$0x5900] =	vst v63  }
0x1b3: {  	_ =	swait.ge [sflag:s7], $0x2000  }
0x1b4: {  	s0 =	sld [smem:$0x7D5]  }
0x1b5: {  	[sflag:s7] =	ssyncset.done $0x0  }
0x1b6: {  	[sflag:s7] =	ssyncadd.s32 $0xFFFFE000  }
0x1b7: {  	[hbm4b:s0+s2] =	stream.linear.scatter [tilespmem:s5], [sflag:$0x3], $0x2000, $0x38;
	[tilespmem:$0x5900] =	vst v63  }
0x1b8: {  	_ =	swait.ge [sflag:s3], $0x2000  }
0x1b9: {  	[sflag:s3] =	ssyncset.done $0x0  }
0x1ba: {  	[sflag:s3] =	ssyncadd.s32 $0xFFFFE000  }
0x1bb: {  	[tilespmem:s5], [sflag:$0x2] =	stream.indirect.gather [hbm4b:s4+s8], $0x40, s20, s8, $0xb8;
	[tilespmem:$0x5900] =	vst v63  }
0x1bc: {  	_ =	swait.ge [sflag:s9], $0x2000  }
0x1bd: {  	s0 =	sld [smem:$0x7D6]  }
0x1be: {  	[sflag:s9] =	ssyncset.done $0x0  }
0x1bf: {  	[sflag:s9] =	ssyncadd.s32 $0xFFFFE000  }
0x1c0: {  	[hbm4b:s0+s2] =	stream.linear.scatter [tilespmem:s6], [sflag:$0x3], $0x2000, $0x38;
	[tilespmem:$0x5900] =	vst v63  }
0x1c1: {  	_ =	swait.ge [sflag:s3], $0x2000  }
0x1c2: {  	[sflag:s3] =	ssyncset.done $0x0  }
0x1c3: {  	[sflag:s3] =	ssyncadd.s32 $0xFFFFE000  }
0x1c4: {  	[tilespmem:s6], [sflag:$0x1] =	stream.indirect.gather [hbm4b:s4+s8], $0x40, s19, s8, $0xb8;
	[tilespmem:$0x5900] =	vst v63  }
0x1c5: {  	_ =	swait.ge [sflag:s7], $0x2000  }
0x1c6: {  	s0 =	sld [smem:$0x7D7]  }
0x1c7: {  	[sflag:s7] =	ssyncset.done $0x0  }
0x1c8: {  	[sflag:s7] =	ssyncadd.s32 $0xFFFFE000  }
0x1c9: {  	[hbm4b:s0+s2] =	stream.linear.scatter [tilespmem:s5], [sflag:$0x3], $0x2000, $0x38;
	[tilespmem:$0x5900] =	vst v63  }
0x1ca: {  	_ =	swait.ge [sflag:s3], $0x2000  }
0x1cb: {  	[sflag:s3] =	ssyncset.done $0x0  }
0x1cc: {  	[sflag:s3] =	ssyncadd.s32 $0xFFFFE000  }
0x1cd: {  	[tilespmem:s5], [sflag:$0x2] =	stream.indirect.gather [hbm4b:s4+s8], $0x40, s18, s8, $0xb8;
	[tilespmem:$0x5900] =	vst v63  }
0x1ce: {  	_ =	swait.ge [sflag:s9], $0x2000  }
0x1cf: {  	s0 =	sld [smem:$0x7D8]  }
0x1d0: {  	[sflag:s9] =	ssyncset.done $0x0  }
0x1d1: {  	[sflag:s9] =	ssyncadd.s32 $0xFFFFE000  }
0x1d2: {  	[hbm4b:s0+s2] =	stream.linear.scatter [tilespmem:s6], [sflag:$0x3], $0x2000, $0x38;
	[tilespmem:$0x5900] =	vst v63  }
0x1d3: {  	_ =	swait.ge [sflag:s3], $0x2000  }
0x1d4: {  	[sflag:s3] =	ssyncset.done $0x0  }
0x1d5: {  	[sflag:s3] =	ssyncadd.s32 $0xFFFFE000  }
0x1d6: {  	[tilespmem:s6], [sflag:$0x1] =	stream.indirect.gather [hbm4b:s4+s8], $0x40, s17, s8, $0xb8;
	[tilespmem:$0x5900] =	vst v63  }
0x1d7: {  	_ =	swait.ge [sflag:s7], $0x2000  }
0x1d8: {  	s0 =	sld [smem:$0x7D9]  }
0x1d9: {  	[sflag:s7] =	ssyncset.done $0x0  }
0x1da: {  	[sflag:s7] =	ssyncadd.s32 $0xFFFFE000  }
0x1db: {  	[hbm4b:s0+s2] =	stream.linear.scatter [tilespmem:s5], [sflag:$0x3], $0x2000, $0x38;
	[tilespmem:$0x5900] =	vst v63  }
0x1dc: {  	_ =	swait.ge [sflag:s3], $0x2000  }
0x1dd: {  	[sflag:s3] =	ssyncset.done $0x0  }
0x1de: {  	[sflag:s3] =	ssyncadd.s32 $0xFFFFE000  }
0x1df: {  	[tilespmem:s5], [sflag:$0x2] =	stream.indirect.gather [hbm4b:s4+s8], $0x40, s16, s8, $0xb8;
	[tilespmem:$0x5900] =	vst v63  }
0x1e0: {  	_ =	swait.ge [sflag:s9], $0x2000  }
0x1e1: {  	s0 =	sld [smem:$0x7DA]  }
0x1e2: {  	[sflag:s9] =	ssyncset.done $0x0  }
0x1e3: {  	[sflag:s9] =	ssyncadd.s32 $0xFFFFE000  }
0x1e4: {  	[hbm4b:s0+s2] =	stream.linear.scatter [tilespmem:s6], [sflag:$0x3], $0x2000, $0x38;
	[tilespmem:$0x5900] =	vst v63  }
0x1e5: {  	_ =	swait.ge [sflag:s3], $0x2000  }
0x1e6: {  	[sflag:s3] =	ssyncset.done $0x0  }
0x1e7: {  	[sflag:s3] =	ssyncadd.s32 $0xFFFFE000  }
0x1e8: {  	[tilespmem:s6], [sflag:$0x1] =	stream.indirect.gather [hbm4b:s4+s8], $0x40, s15, s8, $0xb8;
	[tilespmem:$0x5900] =	vst v63  }
0x1e9: {  	_ =	swait.ge [sflag:s7], $0x2000  }
0x1ea: {  	s0 =	sld [smem:$0x7DB]  }
0x1eb: {  	[sflag:s7] =	ssyncset.done $0x0  }
0x1ec: {  	[sflag:s7] =	ssyncadd.s32 $0xFFFFE000  }
0x1ed: {  	[hbm4b:s0+s2] =	stream.linear.scatter [tilespmem:s5], [sflag:$0x3], $0x2000, $0x38;
	[tilespmem:$0x5900] =	vst v63  }
0x1ee: {  	_ =	swait.ge [sflag:s3], $0x2000  }
0x1ef: {  	[sflag:s3] =	ssyncset.done $0x0  }
0x1f0: {  	[sflag:s3] =	ssyncadd.s32 $0xFFFFE000  }
0x1f1: {  	[tilespmem:s5], [sflag:$0x2] =	stream.indirect.gather [hbm4b:s4+s8], $0x40, s14, s8, $0xb8;
	[tilespmem:$0x5900] =	vst v63  }
0x1f2: {  	_ =	swait.ge [sflag:s9], $0x2000  }
0x1f3: {  	s0 =	sld [smem:$0x7DC]  }
0x1f4: {  	[sflag:s9] =	ssyncset.done $0x0  }
0x1f5: {  	[sflag:s9] =	ssyncadd.s32 $0xFFFFE000  }
0x1f6: {  	[hbm4b:s0+s2] =	stream.linear.scatter [tilespmem:s6], [sflag:$0x3], $0x2000, $0x38;
	[tilespmem:$0x5900] =	vst v63  }
0x1f7: {  	_ =	swait.ge [sflag:s3], $0x2000  }
0x1f8: {  	[sflag:s3] =	ssyncset.done $0x0  }
0x1f9: {  	[sflag:s3] =	ssyncadd.s32 $0xFFFFE000  }
0x1fa: {  	[tilespmem:s6], [sflag:$0x1] =	stream.indirect.gather [hbm4b:s4+s8], $0x40, s13, s8, $0xb8;
	[tilespmem:$0x5900] =	vst v63  }
0x1fb: {  	_ =	swait.ge [sflag:s7], $0x2000  }
0x1fc: {  	s0 =	sld [smem:$0x7DD]  }
0x1fd: {  	[sflag:s7] =	ssyncset.done $0x0  }
0x1fe: {  	[sflag:s7] =	ssyncadd.s32 $0xFFFFE000  }
0x1ff: {  	[hbm4b:s0+s2] =	stream.linear.scatter [tilespmem:s5], [sflag:$0x3], $0x2000, $0x38;
	[tilespmem:$0x5900] =	vst v63  }
0x200: {  	_ =	swait.ge [sflag:s3], $0x2000  }
0x201: {  	[sflag:s3] =	ssyncset.done $0x0  }
0x202: {  	[sflag:s3] =	ssyncadd.s32 $0xFFFFE000  }
0x203: {  	[tilespmem:s5], [sflag:$0x2] =	stream.indirect.gather [hbm4b:s4+s8], $0x40, s12, s8, $0xb8;
	[tilespmem:$0x5900] =	vst v63  }
0x204: {  	_ =	swait.ge [sflag:s9], $0x2000  }
0x205: {  	s0 =	sld [smem:$0x7DE]  }
0x206: {  	[sflag:s9] =	ssyncset.done $0x0  }
0x207: {  	[sflag:s9] =	ssyncadd.s32 $0xFFFFE000  }
0x208: {  	[hbm4b:s0+s2] =	stream.linear.scatter [tilespmem:s6], [sflag:$0x3], $0x2000, $0x38;
	[tilespmem:$0x5900] =	vst v63  }
0x209: {  	_ =	swait.ge [sflag:s3], $0x2000  }
0x20a: {  	[sflag:s3] =	ssyncset.done $0x0  }
0x20b: {  	[sflag:s3] =	ssyncadd.s32 $0xFFFFE000  }
0x20c: {  	[tilespmem:s6], [sflag:$0x1] =	stream.indirect.gather [hbm4b:s4+s8], $0x40, s11, s8, $0xb8;
	[tilespmem:$0x5900] =	vst v63  }
0x20d: {  	_ =	swait.ge [sflag:s7], $0x2000  }
0x20e: {  	s0 =	sld [smem:$0x7DF]  }
0x20f: {  	[sflag:s7] =	ssyncset.done $0x0  }
0x210: {  	[sflag:s7] =	ssyncadd.s32 $0xFFFFE000  }
0x211: {  	[hbm4b:s0+s2] =	stream.linear.scatter [tilespmem:s5], [sflag:$0x3], $0x2000, $0x38;
	[tilespmem:$0x5900] =	vst v63  }
0x212: {  	_ =	swait.ge [sflag:s3], $0x2000  }
0x213: {  	[sflag:s3] =	ssyncset.done $0x0  }
0x214: {  	[sflag:s3] =	ssyncadd.s32 $0xFFFFE000  }
0x215: {  	[tilespmem:s5], [sflag:$0x2] =	stream.indirect.gather [hbm4b:s4+s8], $0x40, s10, s8, $0xb8;
	[tilespmem:$0x5900] =	vst v63  }
0x216: {  	_ =	swait.ge [sflag:s9], $0x2000  }
0x217: {  	s0 =	sld [smem:$0x7E0]  }
0x218: {  	[sflag:s9] =	ssyncset.done $0x0  }
0x219: {  	[sflag:s9] =	ssyncadd.s32 $0xFFFFE000  }
0x21a: {  	[hbm4b:s0+s2] =	stream.linear.scatter [tilespmem:s6], [sflag:$0x3], $0x2000, $0x38;
	[tilespmem:$0x5900] =	vst v63  }
0x21b: {  	_ =	swait.ge [sflag:s3], $0x2000  }
0x21c: {  	[sflag:s3] =	ssyncset.done $0x0  }
0x21d: {  	[sflag:s3] =	ssyncadd.s32 $0xFFFFE000  }
0x21e: {  	_ =	swait.ge [sflag:s7], $0x2000  }
0x21f: {  	p1 =	sne.s32 s1, $0x1;
	s0 =	sld [smem:$0x7E1]  }
.Ltmp1:
0x220: {  	[sflag:s7] =	ssyncset.done $0x0;
	(pc) =	sbr.rel @!p1 .LBB2_3-.Ltmp1, $4  }
0x221: {  	[sflag:s7] =	ssyncadd.s32 $0xFFFFE000  }
0x222: {  	[hbm4b:s0+s2] =	stream.linear.scatter [tilespmem:s5], [sflag:$0x3], $0x2000, $0x38;
	[tilespmem:$0x5900] =	vst v63  }
0x223: {  	s1 =	sadd.s32 $0xFFFFFFFF, s1;
	_ =	swait.ge [sflag:s3], $0x2000  }
0x224: {  	p0 =	por $0x1, $0x1;
	s0 =	rddreg [dreg:$0x3];
	[sflag:s3] =	ssyncset.done $0x0  }
.LBB2_2:
0x225: {  	[sflag:s3] =	ssyncadd.s32 $0xFFFFE000  }
0x226: {  	[tilespmem:s2], [sflag:$0x3] =	stream.linear.gather [hbm4b:s0+s2], $0x1900, $0x38;
	[tilespmem:$0x5900] =	vst v63  }
0x227: {  	_ =	swait.ge [sflag:s3], $0x1900  }
0x228: {  	[sflag:s3] =	ssyncset.done $0x0  }
0x229: {  	[sflag:s3] =	ssyncadd.s32 $0xFFFFE700  }
0x22a: {  	[tilespmem:s6], [sflag:$0x1] =	stream.indirect.gather [hbm4b:s4+s8], $0x40, s2, s8, $0xb8;
	[tilespmem:$0x5900] =	vst v63  }
0x22b: {  	_ = 	snop  }
0x22c: {  	[tilespmem:s5], [sflag:$0x2] =	stream.indirect.gather [hbm4b:s4+s8], $0x40, s8, s8, $0xb8;
	[tilespmem:$0x5900] =	vst v63  }
0x22d: {  	_ =	swait.ge [sflag:s9], $0x2000  }
0x22e: {  	[sflag:s9] =	ssyncset.done $0x0  }
0x22f: {  	[sflag:s9] =	ssyncadd.s32 $0xFFFFE000  }
0x230: {  	[hbm4b:s31+s2] =	stream.linear.scatter [tilespmem:s6], [sflag:$0x3], $0x2000, $0x38;
	[tilespmem:$0x5900] =	vst v63  }
0x231: {  	_ =	swait.ge [sflag:s3], $0x2000  }
0x232: {  	s0 =	sld [smem:$0x7E2]  }
0x233: {  	[sflag:s3] =	ssyncset.done $0x0  }
0x234: {  	[sflag:s3] =	ssyncadd.s32 $0xFFFFE000  }
0x235: {  	[tilespmem:s6], [sflag:$0x1] =	stream.indirect.gather [hbm4b:s4+s8], $0x40, s0, s8, $0xb8;
	[tilespmem:$0x5900] =	vst v63  }
0x236: {  	_ =	swait.ge [sflag:s7], $0x2000  }
0x237: {  	[sflag:s7] =	ssyncset.done $0x0  }
0x238: {  	s0 =	rddreg [dreg:$0x4];
	[sflag:s7] =	ssyncadd.s32 $0xFFFFE000  }
0x239: {  	[hbm4b:s0+s2] =	stream.linear.scatter [tilespmem:s5], [sflag:$0x3], $0x2000, $0x38;
	[tilespmem:$0x5900] =	vst v63  }
0x23a: {  	_ =	swait.ge [sflag:s3], $0x2000  }
0x23b: {  	s0 =	sld [smem:$0x7E3]  }
0x23c: {  	[sflag:s3] =	ssyncset.done $0x0  }
0x23d: {  	[sflag:s3] =	ssyncadd.s32 $0xFFFFE000  }
0x23e: {  	[tilespmem:s5], [sflag:$0x2] =	stream.indirect.gather [hbm4b:s4+s8], $0x40, s0, s8, $0xb8;
	[tilespmem:$0x5900] =	vst v63  }
0x23f: {  	_ =	swait.ge [sflag:s9], $0x2000  }
0x240: {  	[sflag:s9] =	ssyncset.done $0x0  }
0x241: {  	s0 =	rddreg [dreg:$0x5];
	[sflag:s9] =	ssyncadd.s32 $0xFFFFE000  }
0x242: {  	[hbm4b:s0+s2] =	stream.linear.scatter [tilespmem:s6], [sflag:$0x3], $0x2000, $0x38;
	[tilespmem:$0x5900] =	vst v63  }
0x243: {  	_ =	swait.ge [sflag:s3], $0x2000  }
0x244: {  	s0 =	sld [smem:$0x7E4]  }
0x245: {  	[sflag:s3] =	ssyncset.done $0x0  }
0x246: {  	[sflag:s3] =	ssyncadd.s32 $0xFFFFE000  }
0x247: {  	[tilespmem:s6], [sflag:$0x1] =	stream.indirect.gather [hbm4b:s4+s8], $0x40, s0, s8, $0xb8;
	[tilespmem:$0x5900] =	vst v63  }
0x248: {  	_ =	swait.ge [sflag:s7], $0x2000  }
0x249: {  	[sflag:s7] =	ssyncset.done $0x0  }
0x24a: {  	s0 =	rddreg [dreg:$0x6];
	[sflag:s7] =	ssyncadd.s32 $0xFFFFE000  }
0x24b: {  	[hbm4b:s0+s2] =	stream.linear.scatter [tilespmem:s5], [sflag:$0x3], $0x2000, $0x38;
	[tilespmem:$0x5900] =	vst v63  }
0x24c: {  	_ =	swait.ge [sflag:s3], $0x2000  }
0x24d: {  	s0 =	sld [smem:$0x7E5]  }
0x24e: {  	[sflag:s3] =	ssyncset.done $0x0  }
0x24f: {  	[sflag:s3] =	ssyncadd.s32 $0xFFFFE000  }
0x250: {  	[tilespmem:s5], [sflag:$0x2] =	stream.indirect.gather [hbm4b:s4+s8], $0x40, s0, s8, $0xb8;
	[tilespmem:$0x5900] =	vst v63  }
0x251: {  	_ =	swait.ge [sflag:s9], $0x2000  }
0x252: {  	[sflag:s9] =	ssyncset.done $0x0  }
0x253: {  	s0 =	rddreg [dreg:$0x7];
	[sflag:s9] =	ssyncadd.s32 $0xFFFFE000  }
0x254: {  	[hbm4b:s0+s2] =	stream.linear.scatter [tilespmem:s6], [sflag:$0x3], $0x2000, $0x38;
	[tilespmem:$0x5900] =	vst v63  }
0x255: {  	_ =	swait.ge [sflag:s3], $0x2000  }
0x256: {  	s0 =	sld [smem:$0x7E6]  }
0x257: {  	[sflag:s3] =	ssyncset.done $0x0  }
0x258: {  	[sflag:s3] =	ssyncadd.s32 $0xFFFFE000  }
0x259: {  	[tilespmem:s6], [sflag:$0x1] =	stream.indirect.gather [hbm4b:s4+s8], $0x40, s0, s8, $0xb8;
	[tilespmem:$0x5900] =	vst v63  }
0x25a: {  	_ =	swait.ge [sflag:s7], $0x2000  }
0x25b: {  	[sflag:s7] =	ssyncset.done $0x0  }
0x25c: {  	s0 =	rddreg [dreg:$0x8];
	[sflag:s7] =	ssyncadd.s32 $0xFFFFE000  }
0x25d: {  	[hbm4b:s0+s2] =	stream.linear.scatter [tilespmem:s5], [sflag:$0x3], $0x2000, $0x38;
	[tilespmem:$0x5900] =	vst v63  }
0x25e: {  	_ =	swait.ge [sflag:s3], $0x2000  }
0x25f: {  	s0 =	sld [smem:$0x7E7]  }
0x260: {  	[sflag:s3] =	ssyncset.done $0x0  }
0x261: {  	[sflag:s3] =	ssyncadd.s32 $0xFFFFE000  }
0x262: {  	[tilespmem:s5], [sflag:$0x2] =	stream.indirect.gather [hbm4b:s4+s8], $0x40, s0, s8, $0xb8;
	[tilespmem:$0x5900] =	vst v63  }
0x263: {  	_ =	swait.ge [sflag:s9], $0x2000  }
0x264: {  	[sflag:s9] =	ssyncset.done $0x0  }
0x265: {  	s0 =	rddreg [dreg:$0x9];
	[sflag:s9] =	ssyncadd.s32 $0xFFFFE000  }
0x266: {  	[hbm4b:s0+s2] =	stream.linear.scatter [tilespmem:s6], [sflag:$0x3], $0x2000, $0x38;
	[tilespmem:$0x5900] =	vst v63  }
0x267: {  	_ =	swait.ge [sflag:s3], $0x2000  }
0x268: {  	s0 =	sld [smem:$0x7E8]  }
0x269: {  	[sflag:s3] =	ssyncset.done $0x0  }
0x26a: {  	[sflag:s3] =	ssyncadd.s32 $0xFFFFE000  }
0x26b: {  	[tilespmem:s6], [sflag:$0x1] =	stream.indirect.gather [hbm4b:s4+s8], $0x40, s0, s8, $0xb8;
	[tilespmem:$0x5900] =	vst v63  }
0x26c: {  	_ =	swait.ge [sflag:s7], $0x2000  }
0x26d: {  	[sflag:s7] =	ssyncset.done $0x0  }
0x26e: {  	s0 =	rddreg [dreg:$0xa];
	[sflag:s7] =	ssyncadd.s32 $0xFFFFE000  }
0x26f: {  	[hbm4b:s0+s2] =	stream.linear.scatter [tilespmem:s5], [sflag:$0x3], $0x2000, $0x38;
	[tilespmem:$0x5900] =	vst v63  }
0x270: {  	_ =	swait.ge [sflag:s3], $0x2000  }
0x271: {  	s0 =	sld [smem:$0x7E9]  }
0x272: {  	[sflag:s3] =	ssyncset.done $0x0  }
0x273: {  	[sflag:s3] =	ssyncadd.s32 $0xFFFFE000  }
0x274: {  	[tilespmem:s5], [sflag:$0x2] =	stream.indirect.gather [hbm4b:s4+s8], $0x40, s0, s8, $0xb8;
	[tilespmem:$0x5900] =	vst v63  }
0x275: {  	_ =	swait.ge [sflag:s9], $0x2000  }
0x276: {  	[sflag:s9] =	ssyncset.done $0x0  }
0x277: {  	s0 =	rddreg [dreg:$0xb];
	[sflag:s9] =	ssyncadd.s32 $0xFFFFE000  }
0x278: {  	[hbm4b:s0+s2] =	stream.linear.scatter [tilespmem:s6], [sflag:$0x3], $0x2000, $0x38;
	[tilespmem:$0x5900] =	vst v63  }
0x279: {  	_ =	swait.ge [sflag:s3], $0x2000  }
0x27a: {  	s0 =	sld [smem:$0x7EA]  }
0x27b: {  	[sflag:s3] =	ssyncset.done $0x0  }
0x27c: {  	[sflag:s3] =	ssyncadd.s32 $0xFFFFE000  }
0x27d: {  	[tilespmem:s6], [sflag:$0x1] =	stream.indirect.gather [hbm4b:s4+s8], $0x40, s0, s8, $0xb8;
	[tilespmem:$0x5900] =	vst v63  }
0x27e: {  	_ =	swait.ge [sflag:s7], $0x2000  }
0x27f: {  	[sflag:s7] =	ssyncset.done $0x0  }
0x280: {  	s0 =	rddreg [dreg:$0xc];
	[sflag:s7] =	ssyncadd.s32 $0xFFFFE000  }
0x281: {  	[hbm4b:s0+s2] =	stream.linear.scatter [tilespmem:s5], [sflag:$0x3], $0x2000, $0x38;
	[tilespmem:$0x5900] =	vst v63  }
0x282: {  	_ =	swait.ge [sflag:s3], $0x2000  }
0x283: {  	s0 =	sld [smem:$0x7EB]  }
0x284: {  	[sflag:s3] =	ssyncset.done $0x0  }
0x285: {  	[sflag:s3] =	ssyncadd.s32 $0xFFFFE000  }
0x286: {  	[tilespmem:s5], [sflag:$0x2] =	stream.indirect.gather [hbm4b:s4+s8], $0x40, s0, s8, $0xb8;
	[tilespmem:$0x5900] =	vst v63  }
0x287: {  	_ =	swait.ge [sflag:s9], $0x2000  }
0x288: {  	[sflag:s9] =	ssyncset.done $0x0  }
0x289: {  	s0 =	rddreg [dreg:$0xd];
	[sflag:s9] =	ssyncadd.s32 $0xFFFFE000  }
0x28a: {  	[hbm4b:s0+s2] =	stream.linear.scatter [tilespmem:s6], [sflag:$0x3], $0x2000, $0x38;
	[tilespmem:$0x5900] =	vst v63  }
0x28b: {  	_ =	swait.ge [sflag:s3], $0x2000  }
0x28c: {  	s0 =	sld [smem:$0x7EC]  }
0x28d: {  	[sflag:s3] =	ssyncset.done $0x0  }
0x28e: {  	[sflag:s3] =	ssyncadd.s32 $0xFFFFE000  }
0x28f: {  	[tilespmem:s6], [sflag:$0x1] =	stream.indirect.gather [hbm4b:s4+s8], $0x40, s0, s8, $0xb8;
	[tilespmem:$0x5900] =	vst v63  }
0x290: {  	_ =	swait.ge [sflag:s7], $0x2000  }
0x291: {  	[sflag:s7] =	ssyncset.done $0x0  }
0x292: {  	s0 =	rddreg [dreg:$0xe];
	[sflag:s7] =	ssyncadd.s32 $0xFFFFE000  }
0x293: {  	[hbm4b:s0+s2] =	stream.linear.scatter [tilespmem:s5], [sflag:$0x3], $0x2000, $0x38;
	[tilespmem:$0x5900] =	vst v63  }
0x294: {  	_ =	swait.ge [sflag:s3], $0x2000  }
0x295: {  	s0 =	sld [smem:$0x7ED]  }
0x296: {  	[sflag:s3] =	ssyncset.done $0x0  }
0x297: {  	[sflag:s3] =	ssyncadd.s32 $0xFFFFE000  }
0x298: {  	[tilespmem:s5], [sflag:$0x2] =	stream.indirect.gather [hbm4b:s4+s8], $0x40, s0, s8, $0xb8;
	[tilespmem:$0x5900] =	vst v63  }
0x299: {  	_ =	swait.ge [sflag:s9], $0x2000  }
0x29a: {  	[sflag:s9] =	ssyncset.done $0x0  }
0x29b: {  	s0 =	rddreg [dreg:$0xf];
	[sflag:s9] =	ssyncadd.s32 $0xFFFFE000  }
0x29c: {  	[hbm4b:s0+s2] =	stream.linear.scatter [tilespmem:s6], [sflag:$0x3], $0x2000, $0x38;
	[tilespmem:$0x5900] =	vst v63  }
0x29d: {  	_ =	swait.ge [sflag:s3], $0x2000  }
0x29e: {  	s0 =	sld [smem:$0x7EE]  }
0x29f: {  	[sflag:s3] =	ssyncset.done $0x0  }
0x2a0: {  	[sflag:s3] =	ssyncadd.s32 $0xFFFFE000  }
0x2a1: {  	[tilespmem:s6], [sflag:$0x1] =	stream.indirect.gather [hbm4b:s4+s8], $0x40, s0, s8, $0xb8;
	[tilespmem:$0x5900] =	vst v63  }
0x2a2: {  	_ =	swait.ge [sflag:s7], $0x2000  }
0x2a3: {  	[sflag:s7] =	ssyncset.done $0x0  }
0x2a4: {  	s0 =	rddreg [dreg:$0x10];
	[sflag:s7] =	ssyncadd.s32 $0xFFFFE000  }
0x2a5: {  	[hbm4b:s0+s2] =	stream.linear.scatter [tilespmem:s5], [sflag:$0x3], $0x2000, $0x38;
	[tilespmem:$0x5900] =	vst v63  }
0x2a6: {  	_ =	swait.ge [sflag:s3], $0x2000  }
0x2a7: {  	s0 =	sld [smem:$0x7EF]  }
0x2a8: {  	[sflag:s3] =	ssyncset.done $0x0  }
0x2a9: {  	[sflag:s3] =	ssyncadd.s32 $0xFFFFE000  }
0x2aa: {  	[tilespmem:s5], [sflag:$0x2] =	stream.indirect.gather [hbm4b:s4+s8], $0x40, s0, s8, $0xb8;
	[tilespmem:$0x5900] =	vst v63  }
0x2ab: {  	_ =	swait.ge [sflag:s9], $0x2000  }
0x2ac: {  	[sflag:s9] =	ssyncset.done $0x0  }
0x2ad: {  	s0 =	rddreg [dreg:$0x11];
	[sflag:s9] =	ssyncadd.s32 $0xFFFFE000  }
0x2ae: {  	[hbm4b:s0+s2] =	stream.linear.scatter [tilespmem:s6], [sflag:$0x3], $0x2000, $0x38;
	[tilespmem:$0x5900] =	vst v63  }
0x2af: {  	_ =	swait.ge [sflag:s3], $0x2000  }
0x2b0: {  	s0 =	sld [smem:$0x7F0]  }
0x2b1: {  	[sflag:s3] =	ssyncset.done $0x0  }
0x2b2: {  	[sflag:s3] =	ssyncadd.s32 $0xFFFFE000  }
0x2b3: {  	[tilespmem:s6], [sflag:$0x1] =	stream.indirect.gather [hbm4b:s4+s8], $0x40, s0, s8, $0xb8;
	[tilespmem:$0x5900] =	vst v63  }
0x2b4: {  	_ =	swait.ge [sflag:s7], $0x2000  }
0x2b5: {  	[sflag:s7] =	ssyncset.done $0x0  }
0x2b6: {  	s0 =	rddreg [dreg:$0x12];
	[sflag:s7] =	ssyncadd.s32 $0xFFFFE000  }
0x2b7: {  	[hbm4b:s0+s2] =	stream.linear.scatter [tilespmem:s5], [sflag:$0x3], $0x2000, $0x38;
	[tilespmem:$0x5900] =	vst v63  }
0x2b8: {  	_ =	swait.ge [sflag:s3], $0x2000  }
0x2b9: {  	s0 =	sld [smem:$0x7F1]  }
0x2ba: {  	[sflag:s3] =	ssyncset.done $0x0  }
0x2bb: {  	[sflag:s3] =	ssyncadd.s32 $0xFFFFE000  }
0x2bc: {  	[tilespmem:s5], [sflag:$0x2] =	stream.indirect.gather [hbm4b:s4+s8], $0x40, s0, s8, $0xb8;
	[tilespmem:$0x5900] =	vst v63  }
0x2bd: {  	_ =	swait.ge [sflag:s9], $0x2000  }
0x2be: {  	[sflag:s9] =	ssyncset.done $0x0  }
0x2bf: {  	s0 =	rddreg [dreg:$0x13];
	[sflag:s9] =	ssyncadd.s32 $0xFFFFE000  }
0x2c0: {  	[hbm4b:s0+s2] =	stream.linear.scatter [tilespmem:s6], [sflag:$0x3], $0x2000, $0x38;
	[tilespmem:$0x5900] =	vst v63  }
0x2c1: {  	_ =	swait.ge [sflag:s3], $0x2000  }
0x2c2: {  	s0 =	sld [smem:$0x7F2]  }
0x2c3: {  	[sflag:s3] =	ssyncset.done $0x0  }
0x2c4: {  	[sflag:s3] =	ssyncadd.s32 $0xFFFFE000  }
0x2c5: {  	[tilespmem:s6], [sflag:$0x1] =	stream.indirect.gather [hbm4b:s4+s8], $0x40, s0, s8, $0xb8;
	[tilespmem:$0x5900] =	vst v63  }
0x2c6: {  	_ =	swait.ge [sflag:s7], $0x2000  }
0x2c7: {  	[sflag:s7] =	ssyncset.done $0x0  }
0x2c8: {  	s0 =	rddreg [dreg:$0x14];
	[sflag:s7] =	ssyncadd.s32 $0xFFFFE000  }
0x2c9: {  	[hbm4b:s0+s2] =	stream.linear.scatter [tilespmem:s5], [sflag:$0x3], $0x2000, $0x38;
	[tilespmem:$0x5900] =	vst v63  }
0x2ca: {  	_ =	swait.ge [sflag:s3], $0x2000  }
0x2cb: {  	s0 =	sld [smem:$0x7F3]  }
0x2cc: {  	[sflag:s3] =	ssyncset.done $0x0  }
0x2cd: {  	[sflag:s3] =	ssyncadd.s32 $0xFFFFE000  }
0x2ce: {  	[tilespmem:s5], [sflag:$0x2] =	stream.indirect.gather [hbm4b:s4+s8], $0x40, s0, s8, $0xb8;
	[tilespmem:$0x5900] =	vst v63  }
0x2cf: {  	_ =	swait.ge [sflag:s9], $0x2000  }
0x2d0: {  	[sflag:s9] =	ssyncset.done $0x0  }
0x2d1: {  	s0 =	rddreg [dreg:$0x15];
	[sflag:s9] =	ssyncadd.s32 $0xFFFFE000  }
0x2d2: {  	[hbm4b:s0+s2] =	stream.linear.scatter [tilespmem:s6], [sflag:$0x3], $0x2000, $0x38;
	[tilespmem:$0x5900] =	vst v63  }
0x2d3: {  	_ =	swait.ge [sflag:s3], $0x2000  }
0x2d4: {  	s0 =	sld [smem:$0x7F4]  }
0x2d5: {  	[sflag:s3] =	ssyncset.done $0x0  }
0x2d6: {  	[sflag:s3] =	ssyncadd.s32 $0xFFFFE000  }
0x2d7: {  	[tilespmem:s6], [sflag:$0x1] =	stream.indirect.gather [hbm4b:s4+s8], $0x40, s0, s8, $0xb8;
	[tilespmem:$0x5900] =	vst v63  }
0x2d8: {  	_ =	swait.ge [sflag:s7], $0x2000  }
0x2d9: {  	[sflag:s7] =	ssyncset.done $0x0  }
0x2da: {  	s0 =	rddreg [dreg:$0x16];
	[sflag:s7] =	ssyncadd.s32 $0xFFFFE000  }
0x2db: {  	[hbm4b:s0+s2] =	stream.linear.scatter [tilespmem:s5], [sflag:$0x3], $0x2000, $0x38;
	[tilespmem:$0x5900] =	vst v63  }
0x2dc: {  	_ =	swait.ge [sflag:s3], $0x2000  }
0x2dd: {  	s0 =	sld [smem:$0x7F5]  }
0x2de: {  	[sflag:s3] =	ssyncset.done $0x0  }
0x2df: {  	[sflag:s3] =	ssyncadd.s32 $0xFFFFE000  }
0x2e0: {  	[tilespmem:s5], [sflag:$0x2] =	stream.indirect.gather [hbm4b:s4+s8], $0x40, s0, s8, $0xb8;
	[tilespmem:$0x5900] =	vst v63  }
0x2e1: {  	_ =	swait.ge [sflag:s9], $0x2000  }
0x2e2: {  	[sflag:s9] =	ssyncset.done $0x0  }
0x2e3: {  	s0 =	rddreg [dreg:$0x17];
	[sflag:s9] =	ssyncadd.s32 $0xFFFFE000  }
0x2e4: {  	[hbm4b:s0+s2] =	stream.linear.scatter [tilespmem:s6], [sflag:$0x3], $0x2000, $0x38;
	[tilespmem:$0x5900] =	vst v63  }
0x2e5: {  	_ =	swait.ge [sflag:s3], $0x2000  }
0x2e6: {  	s0 =	sld [smem:$0x7F6]  }
0x2e7: {  	[sflag:s3] =	ssyncset.done $0x0  }
0x2e8: {  	[sflag:s3] =	ssyncadd.s32 $0xFFFFE000  }
0x2e9: {  	[tilespmem:s6], [sflag:$0x1] =	stream.indirect.gather [hbm4b:s4+s8], $0x40, s0, s8, $0xb8;
	[tilespmem:$0x5900] =	vst v63  }
0x2ea: {  	_ =	swait.ge [sflag:s7], $0x2000  }
0x2eb: {  	[sflag:s7] =	ssyncset.done $0x0  }
0x2ec: {  	s0 =	rddreg [dreg:$0x18];
	[sflag:s7] =	ssyncadd.s32 $0xFFFFE000  }
0x2ed: {  	[hbm4b:s0+s2] =	stream.linear.scatter [tilespmem:s5], [sflag:$0x3], $0x2000, $0x38;
	[tilespmem:$0x5900] =	vst v63  }
0x2ee: {  	_ =	swait.ge [sflag:s3], $0x2000  }
0x2ef: {  	s0 =	sld [smem:$0x7F7]  }
0x2f0: {  	[sflag:s3] =	ssyncset.done $0x0  }
0x2f1: {  	[sflag:s3] =	ssyncadd.s32 $0xFFFFE000  }
0x2f2: {  	[tilespmem:s5], [sflag:$0x2] =	stream.indirect.gather [hbm4b:s4+s8], $0x40, s0, s8, $0xb8;
	[tilespmem:$0x5900] =	vst v63  }
0x2f3: {  	_ =	swait.ge [sflag:s9], $0x2000  }
0x2f4: {  	[sflag:s9] =	ssyncset.done $0x0  }
0x2f5: {  	s0 =	rddreg [dreg:$0x19];
	[sflag:s9] =	ssyncadd.s32 $0xFFFFE000  }
0x2f6: {  	[hbm4b:s0+s2] =	stream.linear.scatter [tilespmem:s6], [sflag:$0x3], $0x2000, $0x38;
	[tilespmem:$0x5900] =	vst v63  }
0x2f7: {  	_ =	swait.ge [sflag:s3], $0x2000  }
0x2f8: {  	s0 =	sld [smem:$0x7F8]  }
0x2f9: {  	[sflag:s3] =	ssyncset.done $0x0  }
0x2fa: {  	[sflag:s3] =	ssyncadd.s32 $0xFFFFE000  }
0x2fb: {  	[tilespmem:s6], [sflag:$0x1] =	stream.indirect.gather [hbm4b:s4+s8], $0x40, s0, s8, $0xb8;
	[tilespmem:$0x5900] =	vst v63  }
0x2fc: {  	_ =	swait.ge [sflag:s7], $0x2000  }
0x2fd: {  	[sflag:s7] =	ssyncset.done $0x0  }
0x2fe: {  	s0 =	rddreg [dreg:$0x1a];
	[sflag:s7] =	ssyncadd.s32 $0xFFFFE000  }
0x2ff: {  	[hbm4b:s0+s2] =	stream.linear.scatter [tilespmem:s5], [sflag:$0x3], $0x2000, $0x38;
	[tilespmem:$0x5900] =	vst v63  }
0x300: {  	_ =	swait.ge [sflag:s3], $0x2000  }
0x301: {  	s0 =	sld [smem:$0x7F9]  }
0x302: {  	[sflag:s3] =	ssyncset.done $0x0  }
0x303: {  	[sflag:s3] =	ssyncadd.s32 $0xFFFFE000  }
0x304: {  	[tilespmem:s5], [sflag:$0x2] =	stream.indirect.gather [hbm4b:s4+s8], $0x40, s0, s8, $0xb8;
	[tilespmem:$0x5900] =	vst v63  }
0x305: {  	_ =	swait.ge [sflag:s9], $0x2000  }
0x306: {  	[sflag:s9] =	ssyncset.done $0x0  }
0x307: {  	s0 =	rddreg [dreg:$0x1b];
	[sflag:s9] =	ssyncadd.s32 $0xFFFFE000  }
0x308: {  	[hbm4b:s0+s2] =	stream.linear.scatter [tilespmem:s6], [sflag:$0x3], $0x2000, $0x38;
	[tilespmem:$0x5900] =	vst v63  }
0x309: {  	_ =	swait.ge [sflag:s3], $0x2000  }
0x30a: {  	s0 =	sld [smem:$0x7FA]  }
0x30b: {  	[sflag:s3] =	ssyncset.done $0x0  }
0x30c: {  	[sflag:s3] =	ssyncadd.s32 $0xFFFFE000  }
0x30d: {  	[tilespmem:s6], [sflag:$0x1] =	stream.indirect.gather [hbm4b:s4+s8], $0x40, s0, s8, $0xb8;
	[tilespmem:$0x5900] =	vst v63  }
0x30e: {  	_ =	swait.ge [sflag:s7], $0x2000  }
0x30f: {  	[sflag:s7] =	ssyncset.done $0x0  }
0x310: {  	s0 =	rddreg [dreg:$0x1c];
	[sflag:s7] =	ssyncadd.s32 $0xFFFFE000  }
0x311: {  	[hbm4b:s0+s2] =	stream.linear.scatter [tilespmem:s5], [sflag:$0x3], $0x2000, $0x38;
	[tilespmem:$0x5900] =	vst v63  }
0x312: {  	_ =	swait.ge [sflag:s3], $0x2000  }
0x313: {  	s0 =	sld [smem:$0x7FB]  }
0x314: {  	[sflag:s3] =	ssyncset.done $0x0  }
0x315: {  	[sflag:s3] =	ssyncadd.s32 $0xFFFFE000  }
0x316: {  	[tilespmem:s5], [sflag:$0x2] =	stream.indirect.gather [hbm4b:s4+s8], $0x40, s0, s8, $0xb8;
	[tilespmem:$0x5900] =	vst v63  }
0x317: {  	_ =	swait.ge [sflag:s9], $0x2000  }
0x318: {  	[sflag:s9] =	ssyncset.done $0x0  }
0x319: {  	s0 =	rddreg [dreg:$0x1d];
	[sflag:s9] =	ssyncadd.s32 $0xFFFFE000  }
0x31a: {  	[hbm4b:s0+s2] =	stream.linear.scatter [tilespmem:s6], [sflag:$0x3], $0x2000, $0x38;
	[tilespmem:$0x5900] =	vst v63  }
0x31b: {  	_ =	swait.ge [sflag:s3], $0x2000  }
0x31c: {  	s0 =	sld [smem:$0x7FC]  }
0x31d: {  	[sflag:s3] =	ssyncset.done $0x0  }
0x31e: {  	[sflag:s3] =	ssyncadd.s32 $0xFFFFE000  }
0x31f: {  	[tilespmem:s6], [sflag:$0x1] =	stream.indirect.gather [hbm4b:s4+s8], $0x40, s0, s8, $0xb8;
	[tilespmem:$0x5900] =	vst v63  }
0x320: {  	_ =	swait.ge [sflag:s7], $0x2000  }
0x321: {  	[sflag:s7] =	ssyncset.done $0x0  }
0x322: {  	s0 =	rddreg [dreg:$0x1e];
	[sflag:s7] =	ssyncadd.s32 $0xFFFFE000  }
0x323: {  	[hbm4b:s0+s2] =	stream.linear.scatter [tilespmem:s5], [sflag:$0x3], $0x2000, $0x38;
	[tilespmem:$0x5900] =	vst v63  }
0x324: {  	_ =	swait.ge [sflag:s3], $0x2000  }
0x325: {  	s0 =	sld [smem:$0x7FD]  }
0x326: {  	[sflag:s3] =	ssyncset.done $0x0  }
0x327: {  	[sflag:s3] =	ssyncadd.s32 $0xFFFFE000  }
0x328: {  	[tilespmem:s5], [sflag:$0x2] =	stream.indirect.gather [hbm4b:s4+s8], $0x40, s0, s8, $0xb8;
	[tilespmem:$0x5900] =	vst v63  }
0x329: {  	_ =	swait.ge [sflag:s9], $0x2000  }
0x32a: {  	[sflag:s9] =	ssyncset.done $0x0  }
0x32b: {  	s0 =	rddreg [dreg:$0x1f];
	[sflag:s9] =	ssyncadd.s32 $0xFFFFE000  }
0x32c: {  	[hbm4b:s0+s2] =	stream.linear.scatter [tilespmem:s6], [sflag:$0x3], $0x2000, $0x38;
	[tilespmem:$0x5900] =	vst v63  }
0x32d: {  	_ =	swait.ge [sflag:s3], $0x2000  }
0x32e: {  	[sflag:s3] =	ssyncset.done $0x0  }
0x32f: {  	[sflag:s3] =	ssyncadd.s32 $0xFFFFE000  }
0x330: {  	[tilespmem:s6], [sflag:$0x1] =	stream.indirect.gather [hbm4b:s4+s8], $0x40, s30, s8, $0xb8;
	[tilespmem:$0x5900] =	vst v63  }
0x331: {  	_ =	swait.ge [sflag:s7], $0x2000  }
0x332: {  	s0 =	sld [smem:$0x7CD]  }
0x333: {  	[sflag:s7] =	ssyncset.done $0x0  }
0x334: {  	[sflag:s7] =	ssyncadd.s32 $0xFFFFE000  }
0x335: {  	[hbm4b:s0+s2] =	stream.linear.scatter [tilespmem:s5], [sflag:$0x3], $0x2000, $0x38;
	[tilespmem:$0x5900] =	vst v63  }
0x336: {  	_ =	swait.ge [sflag:s3], $0x2000  }
0x337: {  	[sflag:s3] =	ssyncset.done $0x0  }
0x338: {  	[sflag:s3] =	ssyncadd.s32 $0xFFFFE000  }
0x339: {  	[tilespmem:s5], [sflag:$0x2] =	stream.indirect.gather [hbm4b:s4+s8], $0x40, s29, s8, $0xb8;
	[tilespmem:$0x5900] =	vst v63  }
0x33a: {  	_ =	swait.ge [sflag:s9], $0x2000  }
0x33b: {  	s0 =	sld [smem:$0x7CE]  }
0x33c: {  	[sflag:s9] =	ssyncset.done $0x0  }
0x33d: {  	[sflag:s9] =	ssyncadd.s32 $0xFFFFE000  }
0x33e: {  	[hbm4b:s0+s2] =	stream.linear.scatter [tilespmem:s6], [sflag:$0x3], $0x2000, $0x38;
	[tilespmem:$0x5900] =	vst v63  }
0x33f: {  	_ =	swait.ge [sflag:s3], $0x2000  }
0x340: {  	[sflag:s3] =	ssyncset.done $0x0  }
0x341: {  	[sflag:s3] =	ssyncadd.s32 $0xFFFFE000  }
0x342: {  	[tilespmem:s6], [sflag:$0x1] =	stream.indirect.gather [hbm4b:s4+s8], $0x40, s28, s8, $0xb8;
	[tilespmem:$0x5900] =	vst v63  }
0x343: {  	_ =	swait.ge [sflag:s7], $0x2000  }
0x344: {  	s0 =	sld [smem:$0x7CF]  }
0x345: {  	[sflag:s7] =	ssyncset.done $0x0  }
0x346: {  	[sflag:s7] =	ssyncadd.s32 $0xFFFFE000  }
0x347: {  	[hbm4b:s0+s2] =	stream.linear.scatter [tilespmem:s5], [sflag:$0x3], $0x2000, $0x38;
	[tilespmem:$0x5900] =	vst v63  }
0x348: {  	_ =	swait.ge [sflag:s3], $0x2000  }
0x349: {  	[sflag:s3] =	ssyncset.done $0x0  }
0x34a: {  	[sflag:s3] =	ssyncadd.s32 $0xFFFFE000  }
0x34b: {  	[tilespmem:s5], [sflag:$0x2] =	stream.indirect.gather [hbm4b:s4+s8], $0x40, s26, s8, $0xb8;
	[tilespmem:$0x5900] =	vst v63  }
0x34c: {  	_ =	swait.ge [sflag:s9], $0x2000  }
0x34d: {  	s0 =	sld [smem:$0x7D0]  }
0x34e: {  	[sflag:s9] =	ssyncset.done $0x0  }
0x34f: {  	[sflag:s9] =	ssyncadd.s32 $0xFFFFE000  }
0x350: {  	[hbm4b:s0+s2] =	stream.linear.scatter [tilespmem:s6], [sflag:$0x3], $0x2000, $0x38;
	[tilespmem:$0x5900] =	vst v63  }
0x351: {  	_ =	swait.ge [sflag:s3], $0x2000  }
0x352: {  	[sflag:s3] =	ssyncset.done $0x0  }
0x353: {  	[sflag:s3] =	ssyncadd.s32 $0xFFFFE000  }
0x354: {  	[tilespmem:s6], [sflag:$0x1] =	stream.indirect.gather [hbm4b:s4+s8], $0x40, s25, s8, $0xb8;
	[tilespmem:$0x5900] =	vst v63  }
0x355: {  	_ =	swait.ge [sflag:s7], $0x2000  }
0x356: {  	s0 =	sld [smem:$0x7D1]  }
0x357: {  	[sflag:s7] =	ssyncset.done $0x0  }
0x358: {  	[sflag:s7] =	ssyncadd.s32 $0xFFFFE000  }
0x359: {  	[hbm4b:s0+s2] =	stream.linear.scatter [tilespmem:s5], [sflag:$0x3], $0x2000, $0x38;
	[tilespmem:$0x5900] =	vst v63  }
0x35a: {  	_ =	swait.ge [sflag:s3], $0x2000  }
0x35b: {  	[sflag:s3] =	ssyncset.done $0x0  }
0x35c: {  	[sflag:s3] =	ssyncadd.s32 $0xFFFFE000  }
0x35d: {  	[tilespmem:s5], [sflag:$0x2] =	stream.indirect.gather [hbm4b:s4+s8], $0x40, s24, s8, $0xb8;
	[tilespmem:$0x5900] =	vst v63  }
0x35e: {  	_ =	swait.ge [sflag:s9], $0x2000  }
0x35f: {  	s0 =	sld [smem:$0x7D2]  }
0x360: {  	[sflag:s9] =	ssyncset.done $0x0  }
0x361: {  	[sflag:s9] =	ssyncadd.s32 $0xFFFFE000  }
0x362: {  	[hbm4b:s0+s2] =	stream.linear.scatter [tilespmem:s6], [sflag:$0x3], $0x2000, $0x38;
	[tilespmem:$0x5900] =	vst v63  }
0x363: {  	_ =	swait.ge [sflag:s3], $0x2000  }
0x364: {  	[sflag:s3] =	ssyncset.done $0x0  }
0x365: {  	[sflag:s3] =	ssyncadd.s32 $0xFFFFE000  }
0x366: {  	[tilespmem:s6], [sflag:$0x1] =	stream.indirect.gather [hbm4b:s4+s8], $0x40, s23, s8, $0xb8;
	[tilespmem:$0x5900] =	vst v63  }
0x367: {  	_ =	swait.ge [sflag:s7], $0x2000  }
0x368: {  	s0 =	sld [smem:$0x7D3]  }
0x369: {  	[sflag:s7] =	ssyncset.done $0x0  }
0x36a: {  	[sflag:s7] =	ssyncadd.s32 $0xFFFFE000  }
0x36b: {  	[hbm4b:s0+s2] =	stream.linear.scatter [tilespmem:s5], [sflag:$0x3], $0x2000, $0x38;
	[tilespmem:$0x5900] =	vst v63  }
0x36c: {  	_ =	swait.ge [sflag:s3], $0x2000  }
0x36d: {  	[sflag:s3] =	ssyncset.done $0x0  }
0x36e: {  	[sflag:s3] =	ssyncadd.s32 $0xFFFFE000  }
0x36f: {  	[tilespmem:s5], [sflag:$0x2] =	stream.indirect.gather [hbm4b:s4+s8], $0x40, s22, s8, $0xb8;
	[tilespmem:$0x5900] =	vst v63  }
0x370: {  	_ =	swait.ge [sflag:s9], $0x2000  }
0x371: {  	s0 =	sld [smem:$0x7D4]  }
0x372: {  	[sflag:s9] =	ssyncset.done $0x0  }
0x373: {  	[sflag:s9] =	ssyncadd.s32 $0xFFFFE000  }
0x374: {  	[hbm4b:s0+s2] =	stream.linear.scatter [tilespmem:s6], [sflag:$0x3], $0x2000, $0x38;
	[tilespmem:$0x5900] =	vst v63  }
0x375: {  	_ =	swait.ge [sflag:s3], $0x2000  }
0x376: {  	[sflag:s3] =	ssyncset.done $0x0  }
0x377: {  	[sflag:s3] =	ssyncadd.s32 $0xFFFFE000  }
0x378: {  	[tilespmem:s6], [sflag:$0x1] =	stream.indirect.gather [hbm4b:s4+s8], $0x40, s21, s8, $0xb8;
	[tilespmem:$0x5900] =	vst v63  }
0x379: {  	_ =	swait.ge [sflag:s7], $0x2000  }
0x37a: {  	s0 =	sld [smem:$0x7D5]  }
0x37b: {  	[sflag:s7] =	ssyncset.done $0x0  }
0x37c: {  	[sflag:s7] =	ssyncadd.s32 $0xFFFFE000  }
0x37d: {  	[hbm4b:s0+s2] =	stream.linear.scatter [tilespmem:s5], [sflag:$0x3], $0x2000, $0x38;
	[tilespmem:$0x5900] =	vst v63  }
0x37e: {  	_ =	swait.ge [sflag:s3], $0x2000  }
0x37f: {  	[sflag:s3] =	ssyncset.done $0x0  }
0x380: {  	[sflag:s3] =	ssyncadd.s32 $0xFFFFE000  }
0x381: {  	[tilespmem:s5], [sflag:$0x2] =	stream.indirect.gather [hbm4b:s4+s8], $0x40, s20, s8, $0xb8;
	[tilespmem:$0x5900] =	vst v63  }
0x382: {  	_ =	swait.ge [sflag:s9], $0x2000  }
0x383: {  	s0 =	sld [smem:$0x7D6]  }
0x384: {  	[sflag:s9] =	ssyncset.done $0x0  }
0x385: {  	[sflag:s9] =	ssyncadd.s32 $0xFFFFE000  }
0x386: {  	[hbm4b:s0+s2] =	stream.linear.scatter [tilespmem:s6], [sflag:$0x3], $0x2000, $0x38;
	[tilespmem:$0x5900] =	vst v63  }
0x387: {  	_ =	swait.ge [sflag:s3], $0x2000  }
0x388: {  	[sflag:s3] =	ssyncset.done $0x0  }
0x389: {  	[sflag:s3] =	ssyncadd.s32 $0xFFFFE000  }
0x38a: {  	[tilespmem:s6], [sflag:$0x1] =	stream.indirect.gather [hbm4b:s4+s8], $0x40, s19, s8, $0xb8;
	[tilespmem:$0x5900] =	vst v63  }
0x38b: {  	_ =	swait.ge [sflag:s7], $0x2000  }
0x38c: {  	s0 =	sld [smem:$0x7D7]  }
0x38d: {  	[sflag:s7] =	ssyncset.done $0x0  }
0x38e: {  	[sflag:s7] =	ssyncadd.s32 $0xFFFFE000  }
0x38f: {  	[hbm4b:s0+s2] =	stream.linear.scatter [tilespmem:s5], [sflag:$0x3], $0x2000, $0x38;
	[tilespmem:$0x5900] =	vst v63  }
0x390: {  	_ =	swait.ge [sflag:s3], $0x2000  }
0x391: {  	[sflag:s3] =	ssyncset.done $0x0  }
0x392: {  	[sflag:s3] =	ssyncadd.s32 $0xFFFFE000  }
0x393: {  	[tilespmem:s5], [sflag:$0x2] =	stream.indirect.gather [hbm4b:s4+s8], $0x40, s18, s8, $0xb8;
	[tilespmem:$0x5900] =	vst v63  }
0x394: {  	_ =	swait.ge [sflag:s9], $0x2000  }
0x395: {  	s0 =	sld [smem:$0x7D8]  }
0x396: {  	[sflag:s9] =	ssyncset.done $0x0  }
0x397: {  	[sflag:s9] =	ssyncadd.s32 $0xFFFFE000  }
0x398: {  	[hbm4b:s0+s2] =	stream.linear.scatter [tilespmem:s6], [sflag:$0x3], $0x2000, $0x38;
	[tilespmem:$0x5900] =	vst v63  }
0x399: {  	_ =	swait.ge [sflag:s3], $0x2000  }
0x39a: {  	[sflag:s3] =	ssyncset.done $0x0  }
0x39b: {  	[sflag:s3] =	ssyncadd.s32 $0xFFFFE000  }
0x39c: {  	[tilespmem:s6], [sflag:$0x1] =	stream.indirect.gather [hbm4b:s4+s8], $0x40, s17, s8, $0xb8;
	[tilespmem:$0x5900] =	vst v63  }
0x39d: {  	_ =	swait.ge [sflag:s7], $0x2000  }
0x39e: {  	s0 =	sld [smem:$0x7D9]  }
0x39f: {  	[sflag:s7] =	ssyncset.done $0x0  }
0x3a0: {  	[sflag:s7] =	ssyncadd.s32 $0xFFFFE000  }
0x3a1: {  	[hbm4b:s0+s2] =	stream.linear.scatter [tilespmem:s5], [sflag:$0x3], $0x2000, $0x38;
	[tilespmem:$0x5900] =	vst v63  }
0x3a2: {  	_ =	swait.ge [sflag:s3], $0x2000  }
0x3a3: {  	[sflag:s3] =	ssyncset.done $0x0  }
0x3a4: {  	[sflag:s3] =	ssyncadd.s32 $0xFFFFE000  }
0x3a5: {  	[tilespmem:s5], [sflag:$0x2] =	stream.indirect.gather [hbm4b:s4+s8], $0x40, s16, s8, $0xb8;
	[tilespmem:$0x5900] =	vst v63  }
0x3a6: {  	_ =	swait.ge [sflag:s9], $0x2000  }
0x3a7: {  	s0 =	sld [smem:$0x7DA]  }
0x3a8: {  	[sflag:s9] =	ssyncset.done $0x0  }
0x3a9: {  	[sflag:s9] =	ssyncadd.s32 $0xFFFFE000  }
0x3aa: {  	[hbm4b:s0+s2] =	stream.linear.scatter [tilespmem:s6], [sflag:$0x3], $0x2000, $0x38;
	[tilespmem:$0x5900] =	vst v63  }
0x3ab: {  	_ =	swait.ge [sflag:s3], $0x2000  }
0x3ac: {  	[sflag:s3] =	ssyncset.done $0x0  }
0x3ad: {  	[sflag:s3] =	ssyncadd.s32 $0xFFFFE000  }
0x3ae: {  	[tilespmem:s6], [sflag:$0x1] =	stream.indirect.gather [hbm4b:s4+s8], $0x40, s15, s8, $0xb8;
	[tilespmem:$0x5900] =	vst v63  }
0x3af: {  	_ =	swait.ge [sflag:s7], $0x2000  }
0x3b0: {  	s0 =	sld [smem:$0x7DB]  }
0x3b1: {  	[sflag:s7] =	ssyncset.done $0x0  }
0x3b2: {  	[sflag:s7] =	ssyncadd.s32 $0xFFFFE000  }
0x3b3: {  	[hbm4b:s0+s2] =	stream.linear.scatter [tilespmem:s5], [sflag:$0x3], $0x2000, $0x38;
	[tilespmem:$0x5900] =	vst v63  }
0x3b4: {  	_ =	swait.ge [sflag:s3], $0x2000  }
0x3b5: {  	[sflag:s3] =	ssyncset.done $0x0  }
0x3b6: {  	[sflag:s3] =	ssyncadd.s32 $0xFFFFE000  }
0x3b7: {  	[tilespmem:s5], [sflag:$0x2] =	stream.indirect.gather [hbm4b:s4+s8], $0x40, s14, s8, $0xb8;
	[tilespmem:$0x5900] =	vst v63  }
0x3b8: {  	_ =	swait.ge [sflag:s9], $0x2000  }
0x3b9: {  	s0 =	sld [smem:$0x7DC]  }
0x3ba: {  	[sflag:s9] =	ssyncset.done $0x0  }
0x3bb: {  	[sflag:s9] =	ssyncadd.s32 $0xFFFFE000  }
0x3bc: {  	[hbm4b:s0+s2] =	stream.linear.scatter [tilespmem:s6], [sflag:$0x3], $0x2000, $0x38;
	[tilespmem:$0x5900] =	vst v63  }
0x3bd: {  	_ =	swait.ge [sflag:s3], $0x2000  }
0x3be: {  	[sflag:s3] =	ssyncset.done $0x0  }
0x3bf: {  	[sflag:s3] =	ssyncadd.s32 $0xFFFFE000  }
0x3c0: {  	[tilespmem:s6], [sflag:$0x1] =	stream.indirect.gather [hbm4b:s4+s8], $0x40, s13, s8, $0xb8;
	[tilespmem:$0x5900] =	vst v63  }
0x3c1: {  	_ =	swait.ge [sflag:s7], $0x2000  }
0x3c2: {  	s0 =	sld [smem:$0x7DD]  }
0x3c3: {  	[sflag:s7] =	ssyncset.done $0x0  }
0x3c4: {  	[sflag:s7] =	ssyncadd.s32 $0xFFFFE000  }
0x3c5: {  	[hbm4b:s0+s2] =	stream.linear.scatter [tilespmem:s5], [sflag:$0x3], $0x2000, $0x38;
	[tilespmem:$0x5900] =	vst v63  }
0x3c6: {  	_ =	swait.ge [sflag:s3], $0x2000  }
0x3c7: {  	[sflag:s3] =	ssyncset.done $0x0  }
0x3c8: {  	[sflag:s3] =	ssyncadd.s32 $0xFFFFE000  }
0x3c9: {  	[tilespmem:s5], [sflag:$0x2] =	stream.indirect.gather [hbm4b:s4+s8], $0x40, s12, s8, $0xb8;
	[tilespmem:$0x5900] =	vst v63  }
0x3ca: {  	_ =	swait.ge [sflag:s9], $0x2000  }
0x3cb: {  	s0 =	sld [smem:$0x7DE]  }
0x3cc: {  	[sflag:s9] =	ssyncset.done $0x0  }
0x3cd: {  	[sflag:s9] =	ssyncadd.s32 $0xFFFFE000  }
0x3ce: {  	[hbm4b:s0+s2] =	stream.linear.scatter [tilespmem:s6], [sflag:$0x3], $0x2000, $0x38;
	[tilespmem:$0x5900] =	vst v63  }
0x3cf: {  	_ =	swait.ge [sflag:s3], $0x2000  }
0x3d0: {  	[sflag:s3] =	ssyncset.done $0x0  }
0x3d1: {  	[sflag:s3] =	ssyncadd.s32 $0xFFFFE000  }
0x3d2: {  	[tilespmem:s6], [sflag:$0x1] =	stream.indirect.gather [hbm4b:s4+s8], $0x40, s11, s8, $0xb8;
	[tilespmem:$0x5900] =	vst v63  }
0x3d3: {  	_ =	swait.ge [sflag:s7], $0x2000  }
0x3d4: {  	s0 =	sld [smem:$0x7DF]  }
0x3d5: {  	[sflag:s7] =	ssyncset.done $0x0  }
0x3d6: {  	[sflag:s7] =	ssyncadd.s32 $0xFFFFE000  }
0x3d7: {  	[hbm4b:s0+s2] =	stream.linear.scatter [tilespmem:s5], [sflag:$0x3], $0x2000, $0x38;
	[tilespmem:$0x5900] =	vst v63  }
0x3d8: {  	_ =	swait.ge [sflag:s3], $0x2000  }
0x3d9: {  	[sflag:s3] =	ssyncset.done $0x0  }
0x3da: {  	[sflag:s3] =	ssyncadd.s32 $0xFFFFE000  }
0x3db: {  	[tilespmem:s5], [sflag:$0x2] =	stream.indirect.gather [hbm4b:s4+s8], $0x40, s10, s8, $0xb8;
	[tilespmem:$0x5900] =	vst v63  }
0x3dc: {  	_ =	swait.ge [sflag:s9], $0x2000  }
0x3dd: {  	s0 =	sld [smem:$0x7E0]  }
0x3de: {  	[sflag:s9] =	ssyncset.done $0x0  }
0x3df: {  	[sflag:s9] =	ssyncadd.s32 $0xFFFFE000  }
0x3e0: {  	[hbm4b:s0+s2] =	stream.linear.scatter [tilespmem:s6], [sflag:$0x3], $0x2000, $0x38;
	[tilespmem:$0x5900] =	vst v63  }
0x3e1: {  	_ =	swait.ge [sflag:s3], $0x2000  }
0x3e2: {  	[sflag:s3] =	ssyncset.done $0x0  }
0x3e3: {  	[sflag:s3] =	ssyncadd.s32 $0xFFFFE000  }
0x3e4: {  	_ =	swait.ge [sflag:s7], $0x2000  }
0x3e5: {  	p1 =	sne.s32 s1, $0x1;
	s0 =	sld [smem:$0x7E1]  }
.Ltmp2:
0x3e6: {  	[sflag:s7] =	ssyncset.done $0x0;
	(pc) =	sbr.rel @p1 .LBB2_2-.Ltmp2, $4  }
0x3e7: {  	[sflag:s7] =	ssyncadd.s32 $0xFFFFE000  }
0x3e8: {  	[hbm4b:s0+s2] =	stream.linear.scatter [tilespmem:s5], [sflag:$0x3], $0x2000, $0x38;
	[tilespmem:$0x5900] =	vst v63  }
0x3e9: {  	_ =	swait.ge [sflag:s3], $0x2000  }
0x3ea: {  	s1 =	sadd.s32 $0xFFFFFFFF, s1;
	s0 =	rddreg [dreg:$0x3];
	[sflag:s3] =	ssyncset.done $0x0  }
.LBB2_3:
0x3eb: {  	[sflag:s3] =	ssyncadd.s32 @p0 $0xFFFFE000  }
0x3ec: {  	[tilespmem:s2], [sflag:$0x3] =	stream.linear.gather [hbm4b:s0+s2], $0x1900, $0x38;
	[tilespmem:$0x5900] =	vst v63  }
0x3ed: {  	_ =	swait.ge [sflag:s3], $0x1900  }
0x3ee: {  	[sflag:s3] =	ssyncset.done $0x0  }
0x3ef: {  	[sflag:s3] =	ssyncadd.s32 $0xFFFFE700  }
0x3f0: {  	[tilespmem:s6], [sflag:$0x1] =	stream.indirect.gather [hbm4b:s4+s8], $0x40, s2, s8, $0xb8;
	[tilespmem:$0x5900] =	vst v63  }
0x3f1: {  	_ = 	snop  }
0x3f2: {  	[tilespmem:s5], [sflag:$0x2] =	stream.indirect.gather [hbm4b:s4+s8], $0x40, s8, s8, $0xb8;
	[tilespmem:$0x5900] =	vst v63  }
0x3f3: {  	_ =	swait.ge [sflag:s9], $0x2000  }
0x3f4: {  	[sflag:s9] =	ssyncset.done $0x0  }
0x3f5: {  	[sflag:s9] =	ssyncadd.s32 $0xFFFFE000  }
0x3f6: {  	[hbm4b:s31+s2] =	stream.linear.scatter [tilespmem:s6], [sflag:$0x3], $0x2000, $0x38;
	[tilespmem:$0x5900] =	vst v63  }
0x3f7: {  	_ =	swait.ge [sflag:s3], $0x2000  }
0x3f8: {  	s1 =	sld [smem:$0x7E2]  }
0x3f9: {  	[sflag:s3] =	ssyncset.done $0x0  }
0x3fa: {  	[sflag:s3] =	ssyncadd.s32 $0xFFFFE000  }
0x3fb: {  	[tilespmem:s6], [sflag:$0x1] =	stream.indirect.gather [hbm4b:s4+s8], $0x40, s1, s8, $0xb8;
	[tilespmem:$0x5900] =	vst v63  }
0x3fc: {  	_ =	swait.ge [sflag:s7], $0x2000  }
0x3fd: {  	[sflag:s7] =	ssyncset.done $0x0  }
0x3fe: {  	s31 =	rddreg [dreg:$0x4];
	[sflag:s7] =	ssyncadd.s32 $0xFFFFE000  }
0x3ff: {  	[hbm4b:s31+s2] =	stream.linear.scatter [tilespmem:s5], [sflag:$0x3], $0x2000, $0x38;
	[tilespmem:$0x5900] =	vst v63  }
0x400: {  	_ =	swait.ge [sflag:s3], $0x2000  }
0x401: {  	s1 =	sld [smem:$0x7E3]  }
0x402: {  	[sflag:s3] =	ssyncset.done $0x0  }
0x403: {  	[sflag:s3] =	ssyncadd.s32 $0xFFFFE000  }
0x404: {  	[tilespmem:s5], [sflag:$0x2] =	stream.indirect.gather [hbm4b:s4+s8], $0x40, s1, s8, $0xb8;
	[tilespmem:$0x5900] =	vst v63  }
0x405: {  	_ =	swait.ge [sflag:s9], $0x2000  }
0x406: {  	[sflag:s9] =	ssyncset.done $0x0  }
0x407: {  	s31 =	rddreg [dreg:$0x5];
	[sflag:s9] =	ssyncadd.s32 $0xFFFFE000  }
0x408: {  	[hbm4b:s31+s2] =	stream.linear.scatter [tilespmem:s6], [sflag:$0x3], $0x2000, $0x38;
	[tilespmem:$0x5900] =	vst v63  }
0x409: {  	_ =	swait.ge [sflag:s3], $0x2000  }
0x40a: {  	s1 =	sld [smem:$0x7E4]  }
0x40b: {  	[sflag:s3] =	ssyncset.done $0x0  }
0x40c: {  	[sflag:s3] =	ssyncadd.s32 $0xFFFFE000  }
0x40d: {  	[tilespmem:s6], [sflag:$0x1] =	stream.indirect.gather [hbm4b:s4+s8], $0x40, s1, s8, $0xb8;
	[tilespmem:$0x5900] =	vst v63  }
0x40e: {  	_ =	swait.ge [sflag:s7], $0x2000  }
0x40f: {  	[sflag:s7] =	ssyncset.done $0x0  }
0x410: {  	s31 =	rddreg [dreg:$0x6];
	[sflag:s7] =	ssyncadd.s32 $0xFFFFE000  }
0x411: {  	[hbm4b:s31+s2] =	stream.linear.scatter [tilespmem:s5], [sflag:$0x3], $0x2000, $0x38;
	[tilespmem:$0x5900] =	vst v63  }
0x412: {  	_ =	swait.ge [sflag:s3], $0x2000  }
0x413: {  	s1 =	sld [smem:$0x7E5]  }
0x414: {  	[sflag:s3] =	ssyncset.done $0x0  }
0x415: {  	[sflag:s3] =	ssyncadd.s32 $0xFFFFE000  }
0x416: {  	[tilespmem:s5], [sflag:$0x2] =	stream.indirect.gather [hbm4b:s4+s8], $0x40, s1, s8, $0xb8;
	[tilespmem:$0x5900] =	vst v63  }
0x417: {  	_ =	swait.ge [sflag:s9], $0x2000  }
0x418: {  	[sflag:s9] =	ssyncset.done $0x0  }
0x419: {  	s31 =	rddreg [dreg:$0x7];
	[sflag:s9] =	ssyncadd.s32 $0xFFFFE000  }
0x41a: {  	[hbm4b:s31+s2] =	stream.linear.scatter [tilespmem:s6], [sflag:$0x3], $0x2000, $0x38;
	[tilespmem:$0x5900] =	vst v63  }
0x41b: {  	_ =	swait.ge [sflag:s3], $0x2000  }
0x41c: {  	s1 =	sld [smem:$0x7E6]  }
0x41d: {  	[sflag:s3] =	ssyncset.done $0x0  }
0x41e: {  	[sflag:s3] =	ssyncadd.s32 $0xFFFFE000  }
0x41f: {  	[tilespmem:s6], [sflag:$0x1] =	stream.indirect.gather [hbm4b:s4+s8], $0x40, s1, s8, $0xb8;
	[tilespmem:$0x5900] =	vst v63  }
0x420: {  	_ =	swait.ge [sflag:s7], $0x2000  }
0x421: {  	[sflag:s7] =	ssyncset.done $0x0  }
0x422: {  	s31 =	rddreg [dreg:$0x8];
	[sflag:s7] =	ssyncadd.s32 $0xFFFFE000  }
0x423: {  	[hbm4b:s31+s2] =	stream.linear.scatter [tilespmem:s5], [sflag:$0x3], $0x2000, $0x38;
	[tilespmem:$0x5900] =	vst v63  }
0x424: {  	_ =	swait.ge [sflag:s3], $0x2000  }
0x425: {  	s1 =	sld [smem:$0x7E7]  }
0x426: {  	[sflag:s3] =	ssyncset.done $0x0  }
0x427: {  	[sflag:s3] =	ssyncadd.s32 $0xFFFFE000  }
0x428: {  	[tilespmem:s5], [sflag:$0x2] =	stream.indirect.gather [hbm4b:s4+s8], $0x40, s1, s8, $0xb8;
	[tilespmem:$0x5900] =	vst v63  }
0x429: {  	_ =	swait.ge [sflag:s9], $0x2000  }
0x42a: {  	[sflag:s9] =	ssyncset.done $0x0  }
0x42b: {  	s31 =	rddreg [dreg:$0x9];
	[sflag:s9] =	ssyncadd.s32 $0xFFFFE000  }
0x42c: {  	[hbm4b:s31+s2] =	stream.linear.scatter [tilespmem:s6], [sflag:$0x3], $0x2000, $0x38;
	[tilespmem:$0x5900] =	vst v63  }
0x42d: {  	_ =	swait.ge [sflag:s3], $0x2000  }
0x42e: {  	s1 =	sld [smem:$0x7E8]  }
0x42f: {  	[sflag:s3] =	ssyncset.done $0x0  }
0x430: {  	[sflag:s3] =	ssyncadd.s32 $0xFFFFE000  }
0x431: {  	[tilespmem:s6], [sflag:$0x1] =	stream.indirect.gather [hbm4b:s4+s8], $0x40, s1, s8, $0xb8;
	[tilespmem:$0x5900] =	vst v63  }
0x432: {  	_ =	swait.ge [sflag:s7], $0x2000  }
0x433: {  	[sflag:s7] =	ssyncset.done $0x0  }
0x434: {  	s31 =	rddreg [dreg:$0xa];
	[sflag:s7] =	ssyncadd.s32 $0xFFFFE000  }
0x435: {  	[hbm4b:s31+s2] =	stream.linear.scatter [tilespmem:s5], [sflag:$0x3], $0x2000, $0x38;
	[tilespmem:$0x5900] =	vst v63  }
0x436: {  	_ =	swait.ge [sflag:s3], $0x2000  }
0x437: {  	s1 =	sld [smem:$0x7E9]  }
0x438: {  	[sflag:s3] =	ssyncset.done $0x0  }
0x439: {  	[sflag:s3] =	ssyncadd.s32 $0xFFFFE000  }
0x43a: {  	[tilespmem:s5], [sflag:$0x2] =	stream.indirect.gather [hbm4b:s4+s8], $0x40, s1, s8, $0xb8;
	[tilespmem:$0x5900] =	vst v63  }
0x43b: {  	_ =	swait.ge [sflag:s9], $0x2000  }
0x43c: {  	[sflag:s9] =	ssyncset.done $0x0  }
0x43d: {  	s31 =	rddreg [dreg:$0xb];
	[sflag:s9] =	ssyncadd.s32 $0xFFFFE000  }
0x43e: {  	[hbm4b:s31+s2] =	stream.linear.scatter [tilespmem:s6], [sflag:$0x3], $0x2000, $0x38;
	[tilespmem:$0x5900] =	vst v63  }
0x43f: {  	_ =	swait.ge [sflag:s3], $0x2000  }
0x440: {  	s1 =	sld [smem:$0x7EA]  }
0x441: {  	[sflag:s3] =	ssyncset.done $0x0  }
0x442: {  	[sflag:s3] =	ssyncadd.s32 $0xFFFFE000  }
0x443: {  	[tilespmem:s6], [sflag:$0x1] =	stream.indirect.gather [hbm4b:s4+s8], $0x40, s1, s8, $0xb8;
	[tilespmem:$0x5900] =	vst v63  }
0x444: {  	_ =	swait.ge [sflag:s7], $0x2000  }
0x445: {  	[sflag:s7] =	ssyncset.done $0x0  }
0x446: {  	s31 =	rddreg [dreg:$0xc];
	[sflag:s7] =	ssyncadd.s32 $0xFFFFE000  }
0x447: {  	[hbm4b:s31+s2] =	stream.linear.scatter [tilespmem:s5], [sflag:$0x3], $0x2000, $0x38;
	[tilespmem:$0x5900] =	vst v63  }
0x448: {  	_ =	swait.ge [sflag:s3], $0x2000  }
0x449: {  	s1 =	sld [smem:$0x7EB]  }
0x44a: {  	[sflag:s3] =	ssyncset.done $0x0  }
0x44b: {  	[sflag:s3] =	ssyncadd.s32 $0xFFFFE000  }
0x44c: {  	[tilespmem:s5], [sflag:$0x2] =	stream.indirect.gather [hbm4b:s4+s8], $0x40, s1, s8, $0xb8;
	[tilespmem:$0x5900] =	vst v63  }
0x44d: {  	_ =	swait.ge [sflag:s9], $0x2000  }
0x44e: {  	[sflag:s9] =	ssyncset.done $0x0  }
0x44f: {  	s31 =	rddreg [dreg:$0xd];
	[sflag:s9] =	ssyncadd.s32 $0xFFFFE000  }
0x450: {  	[hbm4b:s31+s2] =	stream.linear.scatter [tilespmem:s6], [sflag:$0x3], $0x2000, $0x38;
	[tilespmem:$0x5900] =	vst v63  }
0x451: {  	_ =	swait.ge [sflag:s3], $0x2000  }
0x452: {  	s1 =	sld [smem:$0x7EC]  }
0x453: {  	[sflag:s3] =	ssyncset.done $0x0  }
0x454: {  	[sflag:s3] =	ssyncadd.s32 $0xFFFFE000  }
0x455: {  	[tilespmem:s6], [sflag:$0x1] =	stream.indirect.gather [hbm4b:s4+s8], $0x40, s1, s8, $0xb8;
	[tilespmem:$0x5900] =	vst v63  }
0x456: {  	_ =	swait.ge [sflag:s7], $0x2000  }
0x457: {  	[sflag:s7] =	ssyncset.done $0x0  }
0x458: {  	s31 =	rddreg [dreg:$0xe];
	[sflag:s7] =	ssyncadd.s32 $0xFFFFE000  }
0x459: {  	[hbm4b:s31+s2] =	stream.linear.scatter [tilespmem:s5], [sflag:$0x3], $0x2000, $0x38;
	[tilespmem:$0x5900] =	vst v63  }
0x45a: {  	_ =	swait.ge [sflag:s3], $0x2000  }
0x45b: {  	s1 =	sld [smem:$0x7ED]  }
0x45c: {  	[sflag:s3] =	ssyncset.done $0x0  }
0x45d: {  	[sflag:s3] =	ssyncadd.s32 $0xFFFFE000  }
0x45e: {  	[tilespmem:s5], [sflag:$0x2] =	stream.indirect.gather [hbm4b:s4+s8], $0x40, s1, s8, $0xb8;
	[tilespmem:$0x5900] =	vst v63  }
0x45f: {  	_ =	swait.ge [sflag:s9], $0x2000  }
0x460: {  	[sflag:s9] =	ssyncset.done $0x0  }
0x461: {  	s31 =	rddreg [dreg:$0xf];
	[sflag:s9] =	ssyncadd.s32 $0xFFFFE000  }
0x462: {  	[hbm4b:s31+s2] =	stream.linear.scatter [tilespmem:s6], [sflag:$0x3], $0x2000, $0x38;
	[tilespmem:$0x5900] =	vst v63  }
0x463: {  	_ =	swait.ge [sflag:s3], $0x2000  }
0x464: {  	s1 =	sld [smem:$0x7EE]  }
0x465: {  	[sflag:s3] =	ssyncset.done $0x0  }
0x466: {  	[sflag:s3] =	ssyncadd.s32 $0xFFFFE000  }
0x467: {  	[tilespmem:s6], [sflag:$0x1] =	stream.indirect.gather [hbm4b:s4+s8], $0x40, s1, s8, $0xb8;
	[tilespmem:$0x5900] =	vst v63  }
0x468: {  	_ =	swait.ge [sflag:s7], $0x2000  }
0x469: {  	[sflag:s7] =	ssyncset.done $0x0  }
0x46a: {  	s31 =	rddreg [dreg:$0x10];
	[sflag:s7] =	ssyncadd.s32 $0xFFFFE000  }
0x46b: {  	[hbm4b:s31+s2] =	stream.linear.scatter [tilespmem:s5], [sflag:$0x3], $0x2000, $0x38;
	[tilespmem:$0x5900] =	vst v63  }
0x46c: {  	_ =	swait.ge [sflag:s3], $0x2000  }
0x46d: {  	s1 =	sld [smem:$0x7EF]  }
0x46e: {  	[sflag:s3] =	ssyncset.done $0x0  }
0x46f: {  	[sflag:s3] =	ssyncadd.s32 $0xFFFFE000  }
0x470: {  	[tilespmem:s5], [sflag:$0x2] =	stream.indirect.gather [hbm4b:s4+s8], $0x40, s1, s8, $0xb8;
	[tilespmem:$0x5900] =	vst v63  }
0x471: {  	_ =	swait.ge [sflag:s9], $0x2000  }
0x472: {  	[sflag:s9] =	ssyncset.done $0x0  }
0x473: {  	s31 =	rddreg [dreg:$0x11];
	[sflag:s9] =	ssyncadd.s32 $0xFFFFE000  }
0x474: {  	[hbm4b:s31+s2] =	stream.linear.scatter [tilespmem:s6], [sflag:$0x3], $0x2000, $0x38;
	[tilespmem:$0x5900] =	vst v63  }
0x475: {  	_ =	swait.ge [sflag:s3], $0x2000  }
0x476: {  	s1 =	sld [smem:$0x7F0]  }
0x477: {  	[sflag:s3] =	ssyncset.done $0x0  }
0x478: {  	[sflag:s3] =	ssyncadd.s32 $0xFFFFE000  }
0x479: {  	[tilespmem:s6], [sflag:$0x1] =	stream.indirect.gather [hbm4b:s4+s8], $0x40, s1, s8, $0xb8;
	[tilespmem:$0x5900] =	vst v63  }
0x47a: {  	_ =	swait.ge [sflag:s7], $0x2000  }
0x47b: {  	[sflag:s7] =	ssyncset.done $0x0  }
0x47c: {  	s31 =	rddreg [dreg:$0x12];
	[sflag:s7] =	ssyncadd.s32 $0xFFFFE000  }
0x47d: {  	[hbm4b:s31+s2] =	stream.linear.scatter [tilespmem:s5], [sflag:$0x3], $0x2000, $0x38;
	[tilespmem:$0x5900] =	vst v63  }
0x47e: {  	_ =	swait.ge [sflag:s3], $0x2000  }
0x47f: {  	s1 =	sld [smem:$0x7F1]  }
0x480: {  	[sflag:s3] =	ssyncset.done $0x0  }
0x481: {  	[sflag:s3] =	ssyncadd.s32 $0xFFFFE000  }
0x482: {  	[tilespmem:s5], [sflag:$0x2] =	stream.indirect.gather [hbm4b:s4+s8], $0x40, s1, s8, $0xb8;
	[tilespmem:$0x5900] =	vst v63  }
0x483: {  	_ =	swait.ge [sflag:s9], $0x2000  }
0x484: {  	[sflag:s9] =	ssyncset.done $0x0  }
0x485: {  	s31 =	rddreg [dreg:$0x13];
	[sflag:s9] =	ssyncadd.s32 $0xFFFFE000  }
0x486: {  	[hbm4b:s31+s2] =	stream.linear.scatter [tilespmem:s6], [sflag:$0x3], $0x2000, $0x38;
	[tilespmem:$0x5900] =	vst v63  }
0x487: {  	_ =	swait.ge [sflag:s3], $0x2000  }
0x488: {  	s1 =	sld [smem:$0x7F2]  }
0x489: {  	[sflag:s3] =	ssyncset.done $0x0  }
0x48a: {  	[sflag:s3] =	ssyncadd.s32 $0xFFFFE000  }
0x48b: {  	[tilespmem:s6], [sflag:$0x1] =	stream.indirect.gather [hbm4b:s4+s8], $0x40, s1, s8, $0xb8;
	[tilespmem:$0x5900] =	vst v63  }
0x48c: {  	_ =	swait.ge [sflag:s7], $0x2000  }
0x48d: {  	[sflag:s7] =	ssyncset.done $0x0  }
0x48e: {  	s31 =	rddreg [dreg:$0x14];
	[sflag:s7] =	ssyncadd.s32 $0xFFFFE000  }
0x48f: {  	[hbm4b:s31+s2] =	stream.linear.scatter [tilespmem:s5], [sflag:$0x3], $0x2000, $0x38;
	[tilespmem:$0x5900] =	vst v63  }
0x490: {  	_ =	swait.ge [sflag:s3], $0x2000  }
0x491: {  	s1 =	sld [smem:$0x7F3]  }
0x492: {  	[sflag:s3] =	ssyncset.done $0x0  }
0x493: {  	[sflag:s3] =	ssyncadd.s32 $0xFFFFE000  }
0x494: {  	[tilespmem:s5], [sflag:$0x2] =	stream.indirect.gather [hbm4b:s4+s8], $0x40, s1, s8, $0xb8;
	[tilespmem:$0x5900] =	vst v63  }
0x495: {  	_ =	swait.ge [sflag:s9], $0x2000  }
0x496: {  	[sflag:s9] =	ssyncset.done $0x0  }
0x497: {  	s31 =	rddreg [dreg:$0x15];
	[sflag:s9] =	ssyncadd.s32 $0xFFFFE000  }
0x498: {  	[hbm4b:s31+s2] =	stream.linear.scatter [tilespmem:s6], [sflag:$0x3], $0x2000, $0x38;
	[tilespmem:$0x5900] =	vst v63  }
0x499: {  	_ =	swait.ge [sflag:s3], $0x2000  }
0x49a: {  	s1 =	sld [smem:$0x7F4]  }
0x49b: {  	[sflag:s3] =	ssyncset.done $0x0  }
0x49c: {  	[sflag:s3] =	ssyncadd.s32 $0xFFFFE000  }
0x49d: {  	[tilespmem:s6], [sflag:$0x1] =	stream.indirect.gather [hbm4b:s4+s8], $0x40, s1, s8, $0xb8;
	[tilespmem:$0x5900] =	vst v63  }
0x49e: {  	_ =	swait.ge [sflag:s7], $0x2000  }
0x49f: {  	[sflag:s7] =	ssyncset.done $0x0  }
0x4a0: {  	s31 =	rddreg [dreg:$0x16];
	[sflag:s7] =	ssyncadd.s32 $0xFFFFE000  }
0x4a1: {  	[hbm4b:s31+s2] =	stream.linear.scatter [tilespmem:s5], [sflag:$0x3], $0x2000, $0x38;
	[tilespmem:$0x5900] =	vst v63  }
0x4a2: {  	_ =	swait.ge [sflag:s3], $0x2000  }
0x4a3: {  	s1 =	sld [smem:$0x7F5]  }
0x4a4: {  	[sflag:s3] =	ssyncset.done $0x0  }
0x4a5: {  	[sflag:s3] =	ssyncadd.s32 $0xFFFFE000  }
0x4a6: {  	[tilespmem:s5], [sflag:$0x2] =	stream.indirect.gather [hbm4b:s4+s8], $0x40, s1, s8, $0xb8;
	[tilespmem:$0x5900] =	vst v63  }
0x4a7: {  	_ =	swait.ge [sflag:s9], $0x2000  }
0x4a8: {  	[sflag:s9] =	ssyncset.done $0x0  }
0x4a9: {  	s31 =	rddreg [dreg:$0x17];
	[sflag:s9] =	ssyncadd.s32 $0xFFFFE000  }
0x4aa: {  	[hbm4b:s31+s2] =	stream.linear.scatter [tilespmem:s6], [sflag:$0x3], $0x2000, $0x38;
	[tilespmem:$0x5900] =	vst v63  }
0x4ab: {  	_ =	swait.ge [sflag:s3], $0x2000  }
0x4ac: {  	s1 =	sld [smem:$0x7F6]  }
0x4ad: {  	[sflag:s3] =	ssyncset.done $0x0  }
0x4ae: {  	[sflag:s3] =	ssyncadd.s32 $0xFFFFE000  }
0x4af: {  	[tilespmem:s6], [sflag:$0x1] =	stream.indirect.gather [hbm4b:s4+s8], $0x40, s1, s8, $0xb8;
	[tilespmem:$0x5900] =	vst v63  }
0x4b0: {  	_ =	swait.ge [sflag:s7], $0x2000  }
0x4b1: {  	[sflag:s7] =	ssyncset.done $0x0  }
0x4b2: {  	s31 =	rddreg [dreg:$0x18];
	[sflag:s7] =	ssyncadd.s32 $0xFFFFE000  }
0x4b3: {  	[hbm4b:s31+s2] =	stream.linear.scatter [tilespmem:s5], [sflag:$0x3], $0x2000, $0x38;
	[tilespmem:$0x5900] =	vst v63  }
0x4b4: {  	_ =	swait.ge [sflag:s3], $0x2000  }
0x4b5: {  	s1 =	sld [smem:$0x7F7]  }
0x4b6: {  	[sflag:s3] =	ssyncset.done $0x0  }
0x4b7: {  	[sflag:s3] =	ssyncadd.s32 $0xFFFFE000  }
0x4b8: {  	[tilespmem:s5], [sflag:$0x2] =	stream.indirect.gather [hbm4b:s4+s8], $0x40, s1, s8, $0xb8;
	[tilespmem:$0x5900] =	vst v63  }
0x4b9: {  	_ =	swait.ge [sflag:s9], $0x2000  }
0x4ba: {  	[sflag:s9] =	ssyncset.done $0x0  }
0x4bb: {  	s31 =	rddreg [dreg:$0x19];
	[sflag:s9] =	ssyncadd.s32 $0xFFFFE000  }
0x4bc: {  	[hbm4b:s31+s2] =	stream.linear.scatter [tilespmem:s6], [sflag:$0x3], $0x2000, $0x38;
	[tilespmem:$0x5900] =	vst v63  }
0x4bd: {  	_ =	swait.ge [sflag:s3], $0x2000  }
0x4be: {  	s1 =	sld [smem:$0x7F8]  }
0x4bf: {  	[sflag:s3] =	ssyncset.done $0x0  }
0x4c0: {  	[sflag:s3] =	ssyncadd.s32 $0xFFFFE000  }
0x4c1: {  	[tilespmem:s6], [sflag:$0x1] =	stream.indirect.gather [hbm4b:s4+s8], $0x40, s1, s8, $0xb8;
	[tilespmem:$0x5900] =	vst v63  }
0x4c2: {  	_ =	swait.ge [sflag:s7], $0x2000  }
0x4c3: {  	[sflag:s7] =	ssyncset.done $0x0  }
0x4c4: {  	s31 =	rddreg [dreg:$0x1a];
	[sflag:s7] =	ssyncadd.s32 $0xFFFFE000  }
0x4c5: {  	[hbm4b:s31+s2] =	stream.linear.scatter [tilespmem:s5], [sflag:$0x3], $0x2000, $0x38;
	[tilespmem:$0x5900] =	vst v63  }
0x4c6: {  	_ =	swait.ge [sflag:s3], $0x2000  }
0x4c7: {  	s1 =	sld [smem:$0x7F9]  }
0x4c8: {  	[sflag:s3] =	ssyncset.done $0x0  }
0x4c9: {  	[sflag:s3] =	ssyncadd.s32 $0xFFFFE000  }
0x4ca: {  	[tilespmem:s5], [sflag:$0x2] =	stream.indirect.gather [hbm4b:s4+s8], $0x40, s1, s8, $0xb8;
	[tilespmem:$0x5900] =	vst v63  }
0x4cb: {  	_ =	swait.ge [sflag:s9], $0x2000  }
0x4cc: {  	[sflag:s9] =	ssyncset.done $0x0  }
0x4cd: {  	s31 =	rddreg [dreg:$0x1b];
	[sflag:s9] =	ssyncadd.s32 $0xFFFFE000  }
0x4ce: {  	[hbm4b:s31+s2] =	stream.linear.scatter [tilespmem:s6], [sflag:$0x3], $0x2000, $0x38;
	[tilespmem:$0x5900] =	vst v63  }
0x4cf: {  	_ =	swait.ge [sflag:s3], $0x2000  }
0x4d0: {  	s1 =	sld [smem:$0x7FA]  }
0x4d1: {  	[sflag:s3] =	ssyncset.done $0x0  }
0x4d2: {  	[sflag:s3] =	ssyncadd.s32 $0xFFFFE000  }
0x4d3: {  	[tilespmem:s6], [sflag:$0x1] =	stream.indirect.gather [hbm4b:s4+s8], $0x40, s1, s8, $0xb8;
	[tilespmem:$0x5900] =	vst v63  }
0x4d4: {  	_ =	swait.ge [sflag:s7], $0x2000  }
0x4d5: {  	[sflag:s7] =	ssyncset.done $0x0  }
0x4d6: {  	s31 =	rddreg [dreg:$0x1c];
	[sflag:s7] =	ssyncadd.s32 $0xFFFFE000  }
0x4d7: {  	[hbm4b:s31+s2] =	stream.linear.scatter [tilespmem:s5], [sflag:$0x3], $0x2000, $0x38;
	[tilespmem:$0x5900] =	vst v63  }
0x4d8: {  	_ =	swait.ge [sflag:s3], $0x2000  }
0x4d9: {  	s1 =	sld [smem:$0x7FB]  }
0x4da: {  	[sflag:s3] =	ssyncset.done $0x0  }
0x4db: {  	[sflag:s3] =	ssyncadd.s32 $0xFFFFE000  }
0x4dc: {  	[tilespmem:s5], [sflag:$0x2] =	stream.indirect.gather [hbm4b:s4+s8], $0x40, s1, s8, $0xb8;
	[tilespmem:$0x5900] =	vst v63  }
0x4dd: {  	_ =	swait.ge [sflag:s9], $0x2000  }
0x4de: {  	[sflag:s9] =	ssyncset.done $0x0  }
0x4df: {  	s31 =	rddreg [dreg:$0x1d];
	[sflag:s9] =	ssyncadd.s32 $0xFFFFE000  }
0x4e0: {  	[hbm4b:s31+s2] =	stream.linear.scatter [tilespmem:s6], [sflag:$0x3], $0x2000, $0x38;
	[tilespmem:$0x5900] =	vst v63  }
0x4e1: {  	_ =	swait.ge [sflag:s3], $0x2000  }
0x4e2: {  	s1 =	sld [smem:$0x7FC]  }
0x4e3: {  	[sflag:s3] =	ssyncset.done $0x0  }
0x4e4: {  	[sflag:s3] =	ssyncadd.s32 $0xFFFFE000  }
0x4e5: {  	[tilespmem:s6], [sflag:$0x1] =	stream.indirect.gather [hbm4b:s4+s8], $0x40, s1, s8, $0xb8;
	[tilespmem:$0x5900] =	vst v63  }
0x4e6: {  	_ =	swait.ge [sflag:s7], $0x2000  }
0x4e7: {  	[sflag:s7] =	ssyncset.done $0x0  }
0x4e8: {  	s31 =	rddreg [dreg:$0x1e];
	[sflag:s7] =	ssyncadd.s32 $0xFFFFE000  }
0x4e9: {  	[hbm4b:s31+s2] =	stream.linear.scatter [tilespmem:s5], [sflag:$0x3], $0x2000, $0x38;
	[tilespmem:$0x5900] =	vst v63  }
0x4ea: {  	_ =	swait.ge [sflag:s3], $0x2000  }
0x4eb: {  	s1 =	sld [smem:$0x7FD]  }
0x4ec: {  	[sflag:s3] =	ssyncset.done $0x0  }
0x4ed: {  	[sflag:s3] =	ssyncadd.s32 $0xFFFFE000  }
0x4ee: {  	[tilespmem:s5], [sflag:$0x2] =	stream.indirect.gather [hbm4b:s4+s8], $0x40, s1, s8, $0xb8;
	[tilespmem:$0x5900] =	vst v63  }
0x4ef: {  	_ =	swait.ge [sflag:s9], $0x2000  }
0x4f0: {  	[sflag:s9] =	ssyncset.done $0x0  }
0x4f1: {  	s31 =	rddreg [dreg:$0x1f];
	[sflag:s9] =	ssyncadd.s32 $0xFFFFE000  }
0x4f2: {  	[hbm4b:s31+s2] =	stream.linear.scatter [tilespmem:s6], [sflag:$0x3], $0x2000, $0x38;
	[tilespmem:$0x5900] =	vst v63  }
0x4f3: {  	_ =	swait.ge [sflag:s3], $0x2000  }
0x4f4: {  	[sflag:s3] =	ssyncset.done $0x0  }
0x4f5: {  	[sflag:s3] =	ssyncadd.s32 $0xFFFFE000  }
0x4f6: {  	[tilespmem:s6], [sflag:$0x1] =	stream.indirect.gather [hbm4b:s4+s8], $0x40, s30, s8, $0xb8;
	[tilespmem:$0x5900] =	vst v63  }
0x4f7: {  	_ =	swait.ge [sflag:s7], $0x2000  }
0x4f8: {  	s1 =	sld [smem:$0x7CD]  }
0x4f9: {  	[sflag:s7] =	ssyncset.done $0x0  }
0x4fa: {  	[sflag:s7] =	ssyncadd.s32 $0xFFFFE000  }
0x4fb: {  	[hbm4b:s1+s2] =	stream.linear.scatter [tilespmem:s5], [sflag:$0x3], $0x2000, $0x38;
	[tilespmem:$0x5900] =	vst v63  }
0x4fc: {  	_ =	swait.ge [sflag:s3], $0x2000  }
0x4fd: {  	[sflag:s3] =	ssyncset.done $0x0  }
0x4fe: {  	[sflag:s3] =	ssyncadd.s32 $0xFFFFE000  }
0x4ff: {  	[tilespmem:s5], [sflag:$0x2] =	stream.indirect.gather [hbm4b:s4+s8], $0x40, s29, s8, $0xb8;
	[tilespmem:$0x5900] =	vst v63  }
0x500: {  	_ =	swait.ge [sflag:s9], $0x2000  }
0x501: {  	s30 =	sld [smem:$0x7CE]  }
0x502: {  	[sflag:s9] =	ssyncset.done $0x0  }
0x503: {  	[sflag:s9] =	ssyncadd.s32 $0xFFFFE000  }
0x504: {  	[hbm4b:s30+s2] =	stream.linear.scatter [tilespmem:s6], [sflag:$0x3], $0x2000, $0x38;
	[tilespmem:$0x5900] =	vst v63  }
0x505: {  	_ =	swait.ge [sflag:s3], $0x2000  }
0x506: {  	[sflag:s3] =	ssyncset.done $0x0  }
0x507: {  	[sflag:s3] =	ssyncadd.s32 $0xFFFFE000  }
0x508: {  	[tilespmem:s6], [sflag:$0x1] =	stream.indirect.gather [hbm4b:s4+s8], $0x40, s28, s8, $0xb8;
	[tilespmem:$0x5900] =	vst v63  }
0x509: {  	_ =	swait.ge [sflag:s7], $0x2000  }
0x50a: {  	s31 =	sld [smem:$0x7CF]  }
0x50b: {  	[sflag:s7] =	ssyncset.done $0x0  }
0x50c: {  	[sflag:s7] =	ssyncadd.s32 $0xFFFFE000  }
0x50d: {  	[hbm4b:s31+s2] =	stream.linear.scatter [tilespmem:s5], [sflag:$0x3], $0x2000, $0x38;
	[tilespmem:$0x5900] =	vst v63  }
0x50e: {  	_ =	swait.ge [sflag:s3], $0x2000  }
0x50f: {  	[sflag:s3] =	ssyncset.done $0x0  }
0x510: {  	[sflag:s3] =	ssyncadd.s32 $0xFFFFE000  }
0x511: {  	[tilespmem:s5], [sflag:$0x2] =	stream.indirect.gather [hbm4b:s4+s8], $0x40, s26, s8, $0xb8;
	[tilespmem:$0x5900] =	vst v63  }
0x512: {  	_ =	swait.ge [sflag:s9], $0x2000  }
0x513: {  	s1 =	sld [smem:$0x7D0]  }
0x514: {  	[sflag:s9] =	ssyncset.done $0x0  }
0x515: {  	[sflag:s9] =	ssyncadd.s32 $0xFFFFE000  }
0x516: {  	[hbm4b:s1+s2] =	stream.linear.scatter [tilespmem:s6], [sflag:$0x3], $0x2000, $0x38;
	[tilespmem:$0x5900] =	vst v63  }
0x517: {  	_ =	swait.ge [sflag:s3], $0x2000  }
0x518: {  	[sflag:s3] =	ssyncset.done $0x0  }
0x519: {  	[sflag:s3] =	ssyncadd.s32 $0xFFFFE000  }
0x51a: {  	[tilespmem:s6], [sflag:$0x1] =	stream.indirect.gather [hbm4b:s4+s8], $0x40, s25, s8, $0xb8;
	[tilespmem:$0x5900] =	vst v63  }
0x51b: {  	_ =	swait.ge [sflag:s7], $0x2000  }
0x51c: {  	s26 =	sld [smem:$0x7D1]  }
0x51d: {  	[sflag:s7] =	ssyncset.done $0x0  }
0x51e: {  	[sflag:s7] =	ssyncadd.s32 $0xFFFFE000  }
0x51f: {  	[hbm4b:s26+s2] =	stream.linear.scatter [tilespmem:s5], [sflag:$0x3], $0x2000, $0x38;
	[tilespmem:$0x5900] =	vst v63  }
0x520: {  	_ =	swait.ge [sflag:s3], $0x2000  }
0x521: {  	[sflag:s3] =	ssyncset.done $0x0  }
0x522: {  	[sflag:s3] =	ssyncadd.s32 $0xFFFFE000  }
0x523: {  	[tilespmem:s5], [sflag:$0x2] =	stream.indirect.gather [hbm4b:s4+s8], $0x40, s24, s8, $0xb8;
	[tilespmem:$0x5900] =	vst v63  }
0x524: {  	_ =	swait.ge [sflag:s9], $0x2000  }
0x525: {  	s28 =	sld [smem:$0x7D2]  }
0x526: {  	[sflag:s9] =	ssyncset.done $0x0  }
0x527: {  	[sflag:s9] =	ssyncadd.s32 $0xFFFFE000  }
0x528: {  	[hbm4b:s28+s2] =	stream.linear.scatter [tilespmem:s6], [sflag:$0x3], $0x2000, $0x38;
	[tilespmem:$0x5900] =	vst v63  }
0x529: {  	_ =	swait.ge [sflag:s3], $0x2000  }
0x52a: {  	[sflag:s3] =	ssyncset.done $0x0  }
0x52b: {  	[sflag:s3] =	ssyncadd.s32 $0xFFFFE000  }
0x52c: {  	[tilespmem:s6], [sflag:$0x1] =	stream.indirect.gather [hbm4b:s4+s8], $0x40, s23, s8, $0xb8;
	[tilespmem:$0x5900] =	vst v63  }
0x52d: {  	_ =	swait.ge [sflag:s7], $0x2000  }
0x52e: {  	s29 =	sld [smem:$0x7D3]  }
0x52f: {  	[sflag:s7] =	ssyncset.done $0x0  }
0x530: {  	[sflag:s7] =	ssyncadd.s32 $0xFFFFE000  }
0x531: {  	[hbm4b:s29+s2] =	stream.linear.scatter [tilespmem:s5], [sflag:$0x3], $0x2000, $0x38;
	[tilespmem:$0x5900] =	vst v63  }
0x532: {  	_ =	swait.ge [sflag:s3], $0x2000  }
0x533: {  	[sflag:s3] =	ssyncset.done $0x0  }
0x534: {  	[sflag:s3] =	ssyncadd.s32 $0xFFFFE000  }
0x535: {  	[tilespmem:s5], [sflag:$0x2] =	stream.indirect.gather [hbm4b:s4+s8], $0x40, s22, s8, $0xb8;
	[tilespmem:$0x5900] =	vst v63  }
0x536: {  	_ =	swait.ge [sflag:s9], $0x2000  }
0x537: {  	s30 =	sld [smem:$0x7D4]  }
0x538: {  	[sflag:s9] =	ssyncset.done $0x0  }
0x539: {  	[sflag:s9] =	ssyncadd.s32 $0xFFFFE000  }
0x53a: {  	[hbm4b:s30+s2] =	stream.linear.scatter [tilespmem:s6], [sflag:$0x3], $0x2000, $0x38;
	[tilespmem:$0x5900] =	vst v63  }
0x53b: {  	_ =	swait.ge [sflag:s3], $0x2000  }
0x53c: {  	[sflag:s3] =	ssyncset.done $0x0  }
0x53d: {  	[sflag:s3] =	ssyncadd.s32 $0xFFFFE000  }
0x53e: {  	[tilespmem:s6], [sflag:$0x1] =	stream.indirect.gather [hbm4b:s4+s8], $0x40, s21, s8, $0xb8;
	[tilespmem:$0x5900] =	vst v63  }
0x53f: {  	_ =	swait.ge [sflag:s7], $0x2000  }
0x540: {  	s31 =	sld [smem:$0x7D5]  }
0x541: {  	[sflag:s7] =	ssyncset.done $0x0  }
0x542: {  	[sflag:s7] =	ssyncadd.s32 $0xFFFFE000  }
0x543: {  	[hbm4b:s31+s2] =	stream.linear.scatter [tilespmem:s5], [sflag:$0x3], $0x2000, $0x38;
	[tilespmem:$0x5900] =	vst v63  }
0x544: {  	_ =	swait.ge [sflag:s3], $0x2000  }
0x545: {  	[sflag:s3] =	ssyncset.done $0x0  }
0x546: {  	[sflag:s3] =	ssyncadd.s32 $0xFFFFE000  }
0x547: {  	[tilespmem:s5], [sflag:$0x2] =	stream.indirect.gather [hbm4b:s4+s8], $0x40, s20, s8, $0xb8;
	[tilespmem:$0x5900] =	vst v63  }
0x548: {  	_ =	swait.ge [sflag:s9], $0x2000  }
0x549: {  	s1 =	sld [smem:$0x7D6]  }
0x54a: {  	[sflag:s9] =	ssyncset.done $0x0  }
0x54b: {  	[sflag:s9] =	ssyncadd.s32 $0xFFFFE000  }
0x54c: {  	[hbm4b:s1+s2] =	stream.linear.scatter [tilespmem:s6], [sflag:$0x3], $0x2000, $0x38;
	[tilespmem:$0x5900] =	vst v63  }
0x54d: {  	_ =	swait.ge [sflag:s3], $0x2000  }
0x54e: {  	[sflag:s3] =	ssyncset.done $0x0  }
0x54f: {  	[sflag:s3] =	ssyncadd.s32 $0xFFFFE000  }
0x550: {  	[tilespmem:s6], [sflag:$0x1] =	stream.indirect.gather [hbm4b:s4+s8], $0x40, s19, s8, $0xb8;
	[tilespmem:$0x5900] =	vst v63  }
0x551: {  	_ =	swait.ge [sflag:s7], $0x2000  }
0x552: {  	s19 =	sld [smem:$0x7D7]  }
0x553: {  	[sflag:s7] =	ssyncset.done $0x0  }
0x554: {  	[sflag:s7] =	ssyncadd.s32 $0xFFFFE000  }
0x555: {  	[hbm4b:s19+s2] =	stream.linear.scatter [tilespmem:s5], [sflag:$0x3], $0x2000, $0x38;
	[tilespmem:$0x5900] =	vst v63  }
0x556: {  	_ =	swait.ge [sflag:s3], $0x2000  }
0x557: {  	[sflag:s3] =	ssyncset.done $0x0  }
0x558: {  	[sflag:s3] =	ssyncadd.s32 $0xFFFFE000  }
0x559: {  	[tilespmem:s5], [sflag:$0x2] =	stream.indirect.gather [hbm4b:s4+s8], $0x40, s18, s8, $0xb8;
	[tilespmem:$0x5900] =	vst v63  }
0x55a: {  	_ =	swait.ge [sflag:s9], $0x2000  }
0x55b: {  	s20 =	sld [smem:$0x7D8]  }
0x55c: {  	[sflag:s9] =	ssyncset.done $0x0  }
0x55d: {  	[sflag:s9] =	ssyncadd.s32 $0xFFFFE000  }
0x55e: {  	[hbm4b:s20+s2] =	stream.linear.scatter [tilespmem:s6], [sflag:$0x3], $0x2000, $0x38;
	[tilespmem:$0x5900] =	vst v63  }
0x55f: {  	_ =	swait.ge [sflag:s3], $0x2000  }
0x560: {  	[sflag:s3] =	ssyncset.done $0x0  }
0x561: {  	[sflag:s3] =	ssyncadd.s32 $0xFFFFE000  }
0x562: {  	[tilespmem:s6], [sflag:$0x1] =	stream.indirect.gather [hbm4b:s4+s8], $0x40, s17, s8, $0xb8;
	[tilespmem:$0x5900] =	vst v63  }
0x563: {  	_ =	swait.ge [sflag:s7], $0x2000  }
0x564: {  	s21 =	sld [smem:$0x7D9]  }
0x565: {  	[sflag:s7] =	ssyncset.done $0x0  }
0x566: {  	[sflag:s7] =	ssyncadd.s32 $0xFFFFE000  }
0x567: {  	[hbm4b:s21+s2] =	stream.linear.scatter [tilespmem:s5], [sflag:$0x3], $0x2000, $0x38;
	[tilespmem:$0x5900] =	vst v63  }
0x568: {  	_ =	swait.ge [sflag:s3], $0x2000  }
0x569: {  	[sflag:s3] =	ssyncset.done $0x0  }
0x56a: {  	[sflag:s3] =	ssyncadd.s32 $0xFFFFE000  }
0x56b: {  	[tilespmem:s5], [sflag:$0x2] =	stream.indirect.gather [hbm4b:s4+s8], $0x40, s16, s8, $0xb8;
	[tilespmem:$0x5900] =	vst v63  }
0x56c: {  	_ =	swait.ge [sflag:s9], $0x2000  }
0x56d: {  	s22 =	sld [smem:$0x7DA]  }
0x56e: {  	[sflag:s9] =	ssyncset.done $0x0  }
0x56f: {  	[sflag:s9] =	ssyncadd.s32 $0xFFFFE000  }
0x570: {  	[hbm4b:s22+s2] =	stream.linear.scatter [tilespmem:s6], [sflag:$0x3], $0x2000, $0x38;
	[tilespmem:$0x5900] =	vst v63  }
0x571: {  	_ =	swait.ge [sflag:s3], $0x2000  }
0x572: {  	[sflag:s3] =	ssyncset.done $0x0  }
0x573: {  	[sflag:s3] =	ssyncadd.s32 $0xFFFFE000  }
0x574: {  	[tilespmem:s6], [sflag:$0x1] =	stream.indirect.gather [hbm4b:s4+s8], $0x40, s15, s8, $0xb8;
	[tilespmem:$0x5900] =	vst v63  }
0x575: {  	_ =	swait.ge [sflag:s7], $0x2000  }
0x576: {  	s23 =	sld [smem:$0x7DB]  }
0x577: {  	[sflag:s7] =	ssyncset.done $0x0  }
0x578: {  	[sflag:s7] =	ssyncadd.s32 $0xFFFFE000  }
0x579: {  	[hbm4b:s23+s2] =	stream.linear.scatter [tilespmem:s5], [sflag:$0x3], $0x2000, $0x38;
	[tilespmem:$0x5900] =	vst v63  }
0x57a: {  	_ =	swait.ge [sflag:s3], $0x2000  }
0x57b: {  	[sflag:s3] =	ssyncset.done $0x0  }
0x57c: {  	[sflag:s3] =	ssyncadd.s32 $0xFFFFE000  }
0x57d: {  	[tilespmem:s5], [sflag:$0x2] =	stream.indirect.gather [hbm4b:s4+s8], $0x40, s14, s8, $0xb8;
	[tilespmem:$0x5900] =	vst v63  }
0x57e: {  	_ =	swait.ge [sflag:s9], $0x2000  }
0x57f: {  	s24 =	sld [smem:$0x7DC]  }
0x580: {  	[sflag:s9] =	ssyncset.done $0x0  }
0x581: {  	[sflag:s9] =	ssyncadd.s32 $0xFFFFE000  }
0x582: {  	[hbm4b:s24+s2] =	stream.linear.scatter [tilespmem:s6], [sflag:$0x3], $0x2000, $0x38;
	[tilespmem:$0x5900] =	vst v63  }
0x583: {  	_ =	swait.ge [sflag:s3], $0x2000  }
0x584: {  	[sflag:s3] =	ssyncset.done $0x0  }
0x585: {  	[sflag:s3] =	ssyncadd.s32 $0xFFFFE000  }
0x586: {  	[tilespmem:s6], [sflag:$0x1] =	stream.indirect.gather [hbm4b:s4+s8], $0x40, s13, s8, $0xb8;
	[tilespmem:$0x5900] =	vst v63  }
0x587: {  	_ =	swait.ge [sflag:s7], $0x2000  }
0x588: {  	s25 =	sld [smem:$0x7DD]  }
0x589: {  	[sflag:s7] =	ssyncset.done $0x0  }
0x58a: {  	[sflag:s7] =	ssyncadd.s32 $0xFFFFE000  }
0x58b: {  	[hbm4b:s25+s2] =	stream.linear.scatter [tilespmem:s5], [sflag:$0x3], $0x2000, $0x38;
	[tilespmem:$0x5900] =	vst v63  }
0x58c: {  	_ =	swait.ge [sflag:s3], $0x2000  }
0x58d: {  	[sflag:s3] =	ssyncset.done $0x0  }
0x58e: {  	[sflag:s3] =	ssyncadd.s32 $0xFFFFE000  }
0x58f: {  	[tilespmem:s5], [sflag:$0x2] =	stream.indirect.gather [hbm4b:s4+s8], $0x40, s12, s8, $0xb8;
	[tilespmem:$0x5900] =	vst v63  }
0x590: {  	_ =	swait.ge [sflag:s9], $0x2000  }
0x591: {  	s26 =	sld [smem:$0x7DE]  }
0x592: {  	[sflag:s9] =	ssyncset.done $0x0  }
0x593: {  	[sflag:s9] =	ssyncadd.s32 $0xFFFFE000  }
0x594: {  	[hbm4b:s26+s2] =	stream.linear.scatter [tilespmem:s6], [sflag:$0x3], $0x2000, $0x38;
	[tilespmem:$0x5900] =	vst v63  }
0x595: {  	_ =	swait.ge [sflag:s3], $0x2000  }
0x596: {  	[sflag:s3] =	ssyncset.done $0x0  }
0x597: {  	[sflag:s3] =	ssyncadd.s32 $0xFFFFE000  }
0x598: {  	[tilespmem:s6], [sflag:$0x1] =	stream.indirect.gather [hbm4b:s4+s8], $0x40, s11, s8, $0xb8;
	[tilespmem:$0x5900] =	vst v63  }
0x599: {  	_ =	swait.ge [sflag:s7], $0x2000  }
0x59a: {  	s28 =	sld [smem:$0x7DF]  }
0x59b: {  	[sflag:s7] =	ssyncset.done $0x0  }
0x59c: {  	[sflag:s7] =	ssyncadd.s32 $0xFFFFE000  }
0x59d: {  	[hbm4b:s28+s2] =	stream.linear.scatter [tilespmem:s5], [sflag:$0x3], $0x2000, $0x38;
	[tilespmem:$0x5900] =	vst v63  }
0x59e: {  	_ =	swait.ge [sflag:s3], $0x2000  }
0x59f: {  	[sflag:s3] =	ssyncset.done $0x0  }
0x5a0: {  	[sflag:s3] =	ssyncadd.s32 $0xFFFFE000  }
0x5a1: {  	[tilespmem:s5], [sflag:$0x2] =	stream.indirect.gather [hbm4b:s4+s8], $0x40, s10, s8, $0xb8;
	[tilespmem:$0x5900] =	vst v63  }
0x5a2: {  	_ =	swait.ge [sflag:s9], $0x2000  }
0x5a3: {  	s29 =	sld [smem:$0x7E0]  }
0x5a4: {  	[sflag:s9] =	ssyncset.done $0x0  }
0x5a5: {  	[sflag:s9] =	ssyncadd.s32 $0xFFFFE000  }
0x5a6: {  	[hbm4b:s29+s2] =	stream.linear.scatter [tilespmem:s6], [sflag:$0x3], $0x2000, $0x38;
	[tilespmem:$0x5900] =	vst v63  }
0x5a7: {  	_ =	swait.ge [sflag:s3], $0x2000  }
0x5a8: {  	[sflag:s3] =	ssyncset.done $0x0  }
0x5a9: {  	[sflag:s3] =	ssyncadd.s32 $0xFFFFE000  }
0x5aa: {  	_ =	swait.ge [sflag:s7], $0x2000  }
0x5ab: {  	s30 =	sld [smem:$0x7E1]  }
0x5ac: {  	[sflag:s7] =	ssyncset.done $0x0  }
0x5ad: {  	[sflag:s7] =	ssyncadd.s32 $0xFFFFE000  }
0x5ae: {  	[hbm4b:s30+s2] =	stream.linear.scatter [tilespmem:s5], [sflag:$0x3], $0x2000, $0x38;
	[tilespmem:$0x5900] =	vst v63  }
0x5af: {  	_ =	swait.ge [sflag:s3], $0x2000  }
0x5b0: {  	[sflag:s3] =	ssyncset.done $0x0  }
0x5b1: {  	[sflag:s3] =	ssyncadd.s32 $0xFFFFE000  }
0x5b2: {  	_ =	sfence.sel $0x180000  }
0x5b3: {  	[bflag:$0x0] =	sbarrier.arrive $0xFFFF  }
0x5b4: {  	_ =	strace $0x90000047  }
0x5b5: {  	s31 =	stileid.u32;
	[bflag:$0x2] =	sbarrier.arrive $0xFFFF  }
0x5b6: {  	p0 =	sne.s32 s31, $0x0;
	s0 =	rddreg [dreg:$0x2]  }
0x5b7: {  	s0 =	sadd.s32 @!p0 $0x100000, s0  }
0x5b8: {  	[sflag:s0] =	ssyncadd.tile.s32 @!p0 $0x1;
	_ =	shalt  }
.Lfunc_end2:
_tile_overlayer_lowered:
.L_overlay_start_2:
0x5b9: {  	(tag) =	ssettag $0x2  }
0x5ba: {  	s0 =	rddreg [dreg:$0x0];
	s2 =	stileid.u32  }
0x5bb: {  	s1 =	rddreg [dreg:$0x1];
	p0 =	sne.s32 s2, $0x0  }
0x5bc: {  	s3 =	rddreg [dreg:$0x2];
	[bflag:$0x3] =	sbarrier.arrive $0xFFFF;
	s2 =	simm.s32 @!p0 $0x1C03  }
0x5bd: {  	[timem:s3], [sflag:s2] =	dma.local @!p0 [hbm:s0], s1  }
0x5be: {  	s0 =	simm.s32 @!p0 $0x3  }
0x5bf: {  	_ =	swait.ge @!p0 [sflag:s0], s1  }
0x5c0: {  	s1 =	ssub.s32 @!p0 $0x0, s1;
	[sflag:s0] =	ssyncset.done @!p0 $0x0  }
0x5c1: {  	[sflag:s0] =	ssyncadd.s32 @!p0 s1  }
0x5c2: {  	[bflag:$0x3] =	sbarrier.arrive $0xFFFF  }
0x5c3: {  	_ =	shalt  }

// kernel: sparse-core-data-format-call.cloned.1.call-start
scs
called_computation_lowered:
.L_overlay_start_0:
0x0: {  	s2 =	sld [smem:$0x3FD9]  }
0x1: {  	s3 =	sld [smem:$0x3FFE];
	_ =	sdelay $0x1  }
0x2: {  	s1 =	srdreg.scid  }
0x3: {  	s0 =	sand.u32 $0x1, s1  }
0x4: {  	s18 =	sshll.u32 s0, $0xA;
	s2 =	sadd.s32 s3, s2  }
0x5: {  	s2 =	sadd.s32 s2, s18  }
0x6: {  	[smem:$0x3FC6] =	sst s2  }
0x7: {  	_ = 	snop  }
0x8: {  	s2 =	sld [smem:$0x3FD0];
	(tm) =	ssettm $0x1  }
0x9: {  	s19 =	sld [smem:$0x3FFB];
	_ =	sdelay $0x3  }
0xa: {  	_ =	strace s19  }
0xb: {  	s3 =	sld [smem:$0x3FFC];
	_ =	sdelay $0x3  }
0xc: {  	_ =	strace s3  }
0xd: {  	s3 =	sld [smem:$0x3FFD];
	_ =	sdelay $0x3  }
0xe: {  	_ =	strace s3  }
0xf: {  	_ =	strace $0x8FFFFFFF  }
0x10: {  	s20 =	sld [smem:$0x3FDB];
	_ =	sdelay $0x1  }
0x11: {  	s4 =	simm.s32 $_scs_section_size  }
0x12: {  	s5 =	simm.s32 $_size__tile_overlayer_lowered;
	s6 =	simm.s32 $_tile_overlayer_lowered  }
0x13: {  	s23 =	simm.s32 $0x1BFF;
	s22 =	sshll.u32 s6, $0x1;
	s3 =	sadd.s32 s4, s20  }
0x14: {  	s7 =	simm.s32 $0x0;
	s21 =	sshll.u32 s5, $0x1;
	s5 =	sadd.s32 s22, s3  }
0x15: {  	[timem:s7], [sflag:s23] =	dma.local [hbm:s5], s21  }
0x16: {  	_ =	swait.ge [sflag:s23], s21  }
0x17: {  	s4 =	ssub.s32 $0x0, s21;
	[sflag:s23] =	ssyncset.done $0x0  }
0x18: {  	[sflag:s23] =	ssyncadd.s32 s4;
	_ =	sdelay $0x1  }
0x19: {  	s24 =	simm.s32 $0x1B8B  }
0x1a: {  	_ =	swait.ge [sflag:s24], $0x1  }
0x1b: {  	[sflag:s24] =	ssyncset.done $0x0  }
0x1c: {  	s26 =	simm.s32 $0x1B8E;
	s25 =	sld [smem:$0x3FFE];
	[sflag:s24] =	ssyncadd.s32 $0xFFFFFFFF  }
0x1d: {  	s27 =	simm.s32 $execute0_lowered;
	[smem:$0x3FD2] =	sst s26  }
0x1e: {  	s5 =	sshll.u32 s27, $0x1;
	_ =	strace $0x80000049;
	[dreg:$0x1] =	wrdreg $0xFFFFFFFF  }
0x1f: {  	s28 =	simm.s32 $_size_execute0_lowered;
	s3 =	sadd.s32 s3, s5;
	[dreg:$0x0] =	wrdreg $0x0  }
0x20: {  	s5 =	sshll.u32 s28, $0x1;
	[dreg:$0x2] =	wrdreg s3  }
0x21: {  	[dreg:$0x3] =	wrdreg s5  }
0x22: {  	[dreg:$0x4] =	wrdreg $0xC0  }
0x23: {  	_ =	task [dreg:s7], $0x5FFFF  }
0x24: {  	[dreg:$0x1] =	wrdreg $0xFFFFFFFF  }
0x25: {  	[dreg:$0x0] =	wrdreg $0x60  }
0x26: {  	[dreg:$0x2] =	wrdreg s25  }
0x27: {  	[dreg:$0x3] =	wrdreg s2  }
0x28: {  	[dreg:$0x4] =	wrdreg $0x9  }
0x29: {  	_ =	task.clear_ibuf [dreg:s7], $0x5FFFF;
	_ =	strace $0x90000049  }
0x2a: {  	s29 =	simm.s32 $0x9;
	_ =	strace $0x8000004B  }
0x2b: {  	_ =	swait.ge [sflag:s29], $0x1  }
0x2c: {  	[sflag:s29] =	ssyncadd.s32 $0xFFFFFFFF  }
0x2d: {  	_ =	strace $0x9000004B  }
0x2e: {  	_ =	sfence  }
0x2f: {  	s30 =	sld [smem:$0x0];
	_ =	sdelay $0x2  }
0x30: {  	s31 =	sshll.u32 s1, $0xD;
	s1 =	sshrl.u32 s1, $0x2  }
0x31: {  	s3 =	sand.u32 $0x4000, s31;
	s1 =	sadd.s32 s1, s30  }
0x32: {  	s0 =	sor.u32 s3, s0;
	s1 =	sshll.u32 s1, $0x11  }
0x33: {  	s0 =	sor.u32 s1, s0  }
0x34: {  	s0 =	sadd.s32 $0x8F2B, s0  }
0x35: {  	[sflag:s0] =	ssyncadd.remote.s32 $0x1  }
0x36: {  	_ =	sfence.sel $0xFFFF  }
0x37: {  	[dreg:$0x0] =	wrdreg $0xFFFFFFFF;
	(pc) =	sbr.abs _section_cstart, $3  }
0x38: {  	[dreg:$0x1] =	wrdreg $0xFFFFFFFF  }
0x39: {  	_ =	task.clear_ibuf [dreg:s7], $0x2FFFF;
	_ =	strace $0x9FFFFFFF  }
0x3a: {  	(tm) =	ssettm $0x7FFFFFFF  }
0x3b: {  	_ =	shalt  }
tec
execute0_lowered:
.L_overlay_start_1:
0x0: {  	(tag) =	ssettag $0x1  }
0x1: {  	s0 =	srdreg.scid  }
0x2: {  	s1 =	sshll.u32 s0, $0x4  }
0x3: {  	s4 =	rddreg [dreg:$0x0];
	s0 =	stileid.u32;
	s1 =	sand.u32 $0x10, s1  }
0x4: {  	s2 =	rddreg [dreg:$0x1];
	s7 =	simm.s32 $0x1;
	s1 =	sor.u32 s0, s1  }
0x5: {  	s8 =	simm.s32 $0x2;
	s11 =	simm.s32 $0x0;
	s3 =	sshll.u32 s1, $0x7  }
0x6: {  	s10 =	simm.s32 $0x0;
	s4 =	sadd.s32 $0xA00, s4;
	s6 =	ssub.s32 $0x32000, s3  }
.Ltmp0:
0x7: {  	s1 =	rddreg [dreg:$0x2];
	s5 =	sand.u32 $0xF80, s6;
	(pc) =	sbr.rel .LBB1_1-.Ltmp0, $4  }
0x8: {  	_ =	strace $0x8000004A;
	s9 =	smov.u32 s3;
	p0 =	sne.s32 s5, $0x0  }
0x9: {  	s6 =	sshrl.u32 s6, $0xC;
	s5 =	simm.s32 $0x1;
	s7 =	simm.s32 @!p0 $0x0  }
0xa: {  	[sflag:s5] =	ssyncpa.u1 $0x0;
	p0 =	por $0x0, $0x0;
	s6 =	sadd.s32 s7, s6  }
0xb: {  	[sflag:s8] =	ssyncpa.u1 $0x0;
	s8 =	simm.s32 $0x190000;
	s7 =	sadd.s32 $0x1, s6  }
.LBB1_4:
0xc: {  	s14 =	sshll.u32 s11, $0x3  }
0xd: {  	s30 =	sand.u32 $0x7F, s11;
	s15 =	sand.u32 $0xFFFFFC00, s14  }
0xe: {  	s11 =	sor.u32 s30, s15  }
0xf: {  	s15 =	smulhi.u32 $0x51EB851F, s11  }
0x10: {  	s14 =	smulhi.u32 $0x51EB851F, s14  }
0x11: {  	s15 =	sshrl.u32 s15, $0x10  }
0x12: {  	s14 =	sshrl.u32 s14, $0x10;
	s15 =	smul.u32 $0x32000, s15  }
0x13: {  	s14 =	sand.u32 $0x3F, s14  }
0x14: {  	s14 =	smul.u32 $0x6400, s14;
	s11 =	ssub.s32 s11, s15  }
0x15: {  	[tilespmem:s13+$0x810 ss:$0x81] =	vst.msk $0xffff, v2;
	s15 =	sand.u32 $0x7, s11  }
0x16: {  	[tilespmem:s13+$0x1020 ss:$0x81] =	vst.msk $0xffff, v0;
	s14 =	sadd.s32 s2, s14;
	s11 =	sshrl.u32 s11, $0x3;
	s15 =	sshll.u32 s15, $0x12  }
0x17: {  	[tilespmem:s13+$0x0 ss:$0x81] =	vst.msk $0xffff, v1;
	s11 =	sadd.s32 s11, s14;
	s31 =	sor.u32 $0x400, s15  }
0x18: {  	[hbm4b:s11+s31] =	stream.strided.scatter [tilespmem:s12], [sflag:$0x2], $0x2000, s8, s31, $0x20;
	[tilespmem:$0x8080] =	vst v63  }
.LBB1_5:
0x19: {  	s13 =	sadd.s32 $0x1000, s9  }
0x1a: {  	p2 =	sgt.s32 s13, $0x31FFF  }
0x1b: {  	s13 =	smov.u32 @p2 s3;
	p2 =	sne.s32 s10, s7  }
.Ltmp1:
0x1c: {  	p1 =	slt.u32 s10, $0x2;
	(pc) =	sbr.rel @!p2 .LBB1_6-.Ltmp1, $4  }
0x1d: {  	s12 =	simm.s32 @!p1 $0x2  }
0x1e: {  	s14 =	sadd.s32 $0x1, s10;
	_ =	swait.ge @!p1 [sflag:s12], $0x2000  }
0x1f: {  	s11 =	smov.u32 s9;
	p0 =	por !p0, !p0;
	[sflag:s12] =	ssyncset.done @!p1 $0x0  }
0x20: {  	s10 =	smov.u32 s14;
	s9 =	smov.u32 s13;
	[sflag:s12] =	ssyncadd.s32 @!p1 $0xFFFFE000  }
.LBB1_1:
0x21: {  	p1 =	sge.u32 s10, s6  }
0x22: {  	s12 =	sand.u32 @!p1 $0x1FFFFFF, s9  }
0x23: {  	s13 =	smulhi.u32 @!p1 $0x147AE15, s12;
	_ =	sdelay $0x1  }
0x24: {  	s13 =	sshrl.u32 @!p1 s13, $0xA  }
0x25: {  	s13 =	smul.u32 @!p1 $0x32000, s13;
	_ =	sdelay $0x1  }
0x26: {  	s31 =	sadd.s32 $0xFFFFFFFF, s10;
	s14 =	sxor.u32 @!p1 $0xFFFFFFFF, s10;
	s12 =	ssub.s32 @!p1 s12, s13  }
0x27: {  	s15 =	simm.s32 @!p1 $0x80;
	s14 =	sshll.u32 @!p1 s14, $0xD;
	s12 =	sshll.u32 @!p1 s12, $0x4  }
0x28: {  	s13 =	sand.u32 @!p1 $0x2000, s14;
	s14 =	simm.s32 @!p1 $0x40;
	s12 =	sadd.s32 @!p1 s4, s12  }
0x29: {  	[tilespmem:s13], [sflag:$0x1] =	stream.strided.gather @!p1 [hbm4b:s12+s14], $0x2000, s15, s14, $0x38;
	[tilespmem:$0x8080] =	vst v63  }
0x2a: {  	p1 =	sge.u32 s31, s6  }
.Ltmp2:
0x2b: {  	_ = 	snop;
	(pc) =	sbr.rel @p1 .LBB1_5-.Ltmp2, $1  }
0x2c: {  	_ =	sdelay $0x3  }
0x2d: {  	s12 =	simm.s32 $0x1  }
0x2e: {  	_ =	swait.ge [sflag:s5], $0x2000;
	s12 =	simm.s32 @!p0 $0x0  }
0x2f: {  	[sflag:s5] =	ssyncset.done $0x0;
	s13 =	sshll.u32 s12, $0xD  }
0x30: {  	[sflag:s5] =	ssyncadd.s32 $0xFFFFE000;
	s16 =	sor.u32 $0x20, s13  }
0x31: {  	s12 =	smul.u32 $0x8100, s12;
	v3 =	vld [tilespmem:s16+$0x10]  }
0x32: {  	s30 =	sand.u32 $0x1, s10;
	v2 =	vld [tilespmem:s16+$0xFFFFFFF0]  }
0x33: {  	s13 =	smul.u32 $0x8100, s30;
	s12 =	sshrl.u32 s12, $0x2;
	v0 =	vld [tilespmem:s16+$0x0]  }
0x34: {  	v1 =	vld [tilespmem:s16+$0xFFFFFFE0];
	s14 =	sor.u32 $0x4000, s12  }
0x35: {  	s31 =	sshrl.u32 s13, $0x2;
	s13 =	sadd.s32 $0x0, s14  }
0x36: {  	s15 =	simm.s32 $0x4;
	s16 =	sadd.s32 $0x40, s16;
	s12 =	sor.u32 $0x4000, s31;
	[tilespmem:s13+$0x1830 ss:$0x81] =	vst.msk $0xffff, v3  }
.LBB1_3:
0x37: {  	v3 =	vld [tilespmem:s16+$0x10];
	p1 =	sne.s32 s15, $0x1FC;
	[tilespmem:s13+$0x810 ss:$0x81] =	vst.msk $0xffff, v2;
	s17 =	smov.u32 s15;
	s15 =	sadd.s32 $0x4, s15  }
.Ltmp3:
0x38: {  	v2 =	vld [tilespmem:s16+$0xFFFFFFF0];
	[tilespmem:s13+$0x1020 ss:$0x81] =	vst.msk $0xffff, v0;
	(pc) =	sbr.rel @p1 .LBB1_3-.Ltmp3, $4  }
0x39: {  	v0 =	vld [tilespmem:s16+$0x0];
	[tilespmem:s13+$0x0 ss:$0x81] =	vst.msk $0xffff, v1  }
0x3a: {  	s13 =	sshra.s32 s17, $0x2;
	v1 =	vld [tilespmem:s16+$0xFFFFFFE0]  }
0x3b: {  	s13 =	sadd.s32 s13, s14  }
0x3c: {  	s16 =	sadd.s32 $0x40, s16;
	[tilespmem:s13+$0x1830 ss:$0x81] =	vst.msk $0xffff, v3  }
.Ltmp4:
0x3d: {  	_ = 	snop;
	(pc) =	sbr.rel .LBB1_4-.Ltmp4, $1  }
0x3e: {  	_ =	sdelay $0x3  }
.LBB1_6:
0x3f: {  	_ =	sfence.sel $0x180000  }
0x40: {  	s2 =	simm.s32 $0x1;
	[bflag:$0x0] =	sbarrier.arrive $0xFFFF  }
0x41: {  	s31 =	simm.s32 $0x2;
	[sflag:s2] =	ssyncpa.u1 $0x1  }
0x42: {  	[sflag:s31] =	ssyncpa.u1 $0x1  }
0x43: {  	p0 =	sne.s32 s0, $0x0;
	_ =	strace $0x9000004A  }
0x44: {  	s0 =	sadd.s32 @!p0 $0x100000, s1;
	[bflag:$0x2] =	sbarrier.arrive $0xFFFF  }
0x45: {  	[sflag:s0] =	ssyncadd.tile.s32 @!p0 $0x1;
	_ =	shalt  }
.Lfunc_end1:
_tile_overlayer_lowered:
.L_overlay_start_2:
0x46: {  	(tag) =	ssettag $0x2  }
0x47: {  	s0 =	rddreg [dreg:$0x0];
	s2 =	stileid.u32  }
0x48: {  	s1 =	rddreg [dreg:$0x1];
	p0 =	sne.s32 s2, $0x0  }
0x49: {  	s3 =	rddreg [dreg:$0x2];
	[bflag:$0x3] =	sbarrier.arrive $0xFFFF;
	s2 =	simm.s32 @!p0 $0x1C01  }
0x4a: {  	[timem:s3], [sflag:s2] =	dma.local @!p0 [hbm:s0], s1  }
0x4b: {  	s0 =	simm.s32 @!p0 $0x1  }
0x4c: {  	_ =	swait.ge @!p0 [sflag:s0], s1  }
0x4d: {  	s1 =	ssub.s32 @!p0 $0x0, s1;
	[sflag:s0] =	ssyncset.done @!p0 $0x0  }
0x4e: {  	[sflag:s0] =	ssyncadd.s32 @!p0 s1  }
0x4f: {  	[bflag:$0x3] =	sbarrier.arrive $0xFFFF  }
0x50: {  	_ =	shalt  }

</sc_bundles>
